<compile_context>
chip_gen: v7x
topology: tpu7x:2x2x1
jax: 0.10.2.dev20260603
libtpu: 0.0.44.dev20260713+nightly
codegen_flags: <defaults>
</compile_context>

<pallas_src>
import functools
import jax
import jax.numpy as jnp
from jax import lax
from jax.experimental import pallas as pl
from jax.experimental.pallas import tpu as pltpu
from jax.experimental.pallas import tpu_sc as plsc

NPTS = 4194304
RGRID = 513
NPATCH = RGRID * RGRID
CROWS = 2104
NW = 32
PPW = NPTS // NW
CHUNK = 2048
NCH = PPW // CHUNK
NG = CHUNK // 16
SLEN = 128
NSTR = CHUNK // SLEN
XROWS = NPTS * 2 // 128
OROWS = NPTS // 128
RSUB = 11
CBROWS = 58


def _spline_body(x3, cf2, out, p16, xv, f0b, f1b, idxb, patches, outb,
                 cbuf, pbuf, gsem0, gsem1, osem0, osem1, xsem0, xsem1):
    cid = lax.axis_index("c")
    sid = lax.axis_index("s")
    wid = sid * 2 + cid
    roff = cid * NPATCH
    lane = lax.iota(jnp.int32, 16)
    patc = (lane >> 2) * 516 + (lane & 3)

    for s in range(3):
        rb = sid * 33 + s * RSUB

        @pl.when(rb < RGRID)
        def _():
            fstart = rb * 516
            sr = fstart >> 7
            rel0 = fstart - sr * 128
            pltpu.sync_copy(cf2.at[pl.ds(sr, CBROWS), :], cbuf)

            def per_r(t, _):
                r = rb + t

                @pl.when(r < RGRID)
                def _():
                    relr = rel0 + t * 516

                    @plsc.parallel_loop(0, RGRID, unroll=4)
                    def per_c(c):
                        rel = relr + c + patc
                        pbuf[c, :] = plsc.load_gather(
                            cbuf, [rel >> 7, rel & 127])

                    pltpu.sync_copy(
                        pbuf, p16.at[pl.ds(roff + r * RGRID, RGRID), :])

                return 0

            lax.fori_loop(0, RSUB, per_r, 0)

    plsc.subcore_barrier()

    def phase_a(g1, bs, gsem, xsem):
        pltpu.make_async_copy(
            x3.at[pl.ds(0, CHUNK // 64), :],
            xv.at[pl.ds(bs * (CHUNK // 64), CHUNK // 64), :],
            xsem,
        ).wait()

        @plsc.parallel_loop(0, NSTR)
        def stream_body(j):
            xrow = bs * (CHUNK // 64) + 2 * j

            def idx_body(k, _):
                i = j * 8 + k
                x0 = xv[xrow, pl.ds(k * 16, 16)]
                x1 = xv[xrow + 1, pl.ds(k * 16, 16)]
                t0 = x0 * 512.0 + 0.5
                t1 = x1 * 512.0 + 0.5
                r0 = t0.astype(jnp.int32)
                r1 = t1.astype(jnp.int32)
                f0 = t0 - r0.astype(jnp.float32)
                f1 = t1 - r1.astype(jnp.float32)
                f0b[pl.ds(bs * CHUNK + i * 16, 16)] = f0
                f1b[pl.ds(bs * CHUNK + i * 16, 16)] = f1
                idxb[pl.ds(bs * CHUNK + i * 16, 16)] = r0 * RGRID + r1 + roff
                return 0

            lax.fori_loop(0, 8, idx_body, 0, unroll=True)
            pltpu.async_copy(
                p16.at[idxb.at[pl.ds(bs * CHUNK + j * SLEN, SLEN)]],
                patches.at[pl.ds(bs * CHUNK + j * SLEN, SLEN), :],
                gsem,
            )
        @pl.when(g1 + 2 < NCH)
        def _():
            base2 = wid * PPW + (g1 + 2) * CHUNK
            pltpu.async_copy(
                x3.at[pl.ds(base2 // 64, CHUNK // 64), :],
                xv.at[pl.ds(bs * (CHUNK // 64), CHUNK // 64), :],
                xsem,
            )

    def gather_drain(gsem):
        pltpu.make_async_copy(
            p16.at[pl.ds(0, CHUNK), :],
            patches.at[pl.ds(0, CHUNK), :],
            gsem,
        ).wait()

    def out_drain(osem):
        pltpu.make_async_copy(
            outb.at[pl.ds(0, CHUNK // 128), :],
            out.at[pl.ds(0, CHUNK // 128), :],
            osem,
        ).wait()

    base0 = wid * PPW

    pltpu.async_copy(
        x3.at[pl.ds(base0 // 64, CHUNK // 64), :],
        xv.at[pl.ds(0, CHUNK // 64), :], xsem0)
    pltpu.async_copy(
        x3.at[pl.ds(base0 // 64 + CHUNK // 64, CHUNK // 64), :],
        xv.at[pl.ds(CHUNK // 64, CHUNK // 64), :], xsem1)
    phase_a(0, 0, gsem0, xsem0)

    def body(g, _):
        nxt = g + 1
        odd_n = (nxt & 1) == 1
        odd_g = (g & 1) == 1

        @pl.when(jnp.logical_and(nxt < NCH, jnp.logical_not(odd_n)))
        def _():
            phase_a(nxt, 0, gsem0, xsem0)

        @pl.when(jnp.logical_and(nxt < NCH, odd_n))
        def _():
            phase_a(nxt, 1, gsem1, xsem1)

        @pl.when(jnp.logical_not(odd_g))
        def _():
            gather_drain(gsem0)

        @pl.when(odd_g)
        def _():
            gather_drain(gsem1)

        @pl.when(jnp.logical_and(g >= 2, jnp.logical_not(odd_g)))
        def _():
            out_drain(osem0)

        @pl.when(jnp.logical_and(g >= 2, odd_g))
        def _():
            out_drain(osem1)

        bofs = (g & 1) * CHUNK

        @plsc.parallel_loop(0, NG, unroll=2)
        def out_body(i):
            f0 = f0b[pl.ds(bofs + i * 16, 16)]
            f1 = f1b[pl.ds(bofs + i * 16, 16)]
            u0 = 1.0 - f0
            u1 = 1.0 - f1
            f0sq = f0 * f0
            f1sq = f1 * f1
            u0sq = u0 * u0
            u1sq = u1 * u1
            b1 = (u0sq * u0, (3.0 * f0 - 6.0) * f0sq + 4.0,
                  (3.0 * u0 - 6.0) * u0sq + 4.0, f0sq * f0)
            b2 = (u1sq * u1, (3.0 * f1 - 6.0) * f1sq + 4.0,
                  (3.0 * u1 - 6.0) * u1sq + 4.0, f1sq * f1)
            row = bofs + i * 16 + lane
            acc = jnp.zeros((16,), jnp.float32)
            for j1 in range(4):
                col = jnp.full((16,), j1 * 4, jnp.int32)
                racc = plsc.load_gather(patches, [row, col]) * b2[0]
                for j2 in range(1, 4):
                    col = jnp.full((16,), j1 * 4 + j2, jnp.int32)
                    racc = racc + plsc.load_gather(patches, [row, col]) * b2[j2]
                acc = acc + racc * b1[j1]
            outb[(g & 1) * 16 + (i >> 3), pl.ds((i & 7) * 16, 16)] = acc
        base = wid * PPW + g * CHUNK

        @pl.when(jnp.logical_not(odd_g))
        def _():
            pltpu.async_copy(
                outb.at[pl.ds(0, CHUNK // 128), :],
                out.at[pl.ds(base // 128, CHUNK // 128), :],
                osem0,
            )

        @pl.when(odd_g)
        def _():
            pltpu.async_copy(
                outb.at[pl.ds(16, CHUNK // 128), :],
                out.at[pl.ds(base // 128, CHUNK // 128), :],
                osem1,
            )

        return 0

    lax.fori_loop(0, NCH, body, 0)
    out_drain(osem0)
    out_drain(osem1)


@jax.jit
def _run(x3, cf2):
    mesh = plsc.VectorSubcoreMesh(core_axis_name="c", subcore_axis_name="s")
    f = pl.kernel(
        _spline_body,
        out_type=jax.ShapeDtypeStruct((OROWS, 128), jnp.float32),
        mesh=mesh,
        scratch_types=[
            pltpu.HBM((2 * NPATCH, 16), jnp.float32),
            pltpu.VMEM((2 * CHUNK // 64, 128), jnp.float32),
            pltpu.VMEM((2 * CHUNK,), jnp.float32),
            pltpu.VMEM((2 * CHUNK,), jnp.float32),
            pltpu.VMEM((2 * CHUNK,), jnp.int32),
            pltpu.VMEM((2 * CHUNK, 16), jnp.float32),
            pltpu.VMEM((2 * CHUNK // 128, 128), jnp.float32),
            pltpu.VMEM((CBROWS, 128), jnp.float32),
            pltpu.VMEM((RGRID, 16), jnp.float32),
            pltpu.SemaphoreType.DMA,
            pltpu.SemaphoreType.DMA,
            pltpu.SemaphoreType.DMA,
            pltpu.SemaphoreType.DMA,
            pltpu.SemaphoreType.DMA,
            pltpu.SemaphoreType.DMA,
        ],
        compiler_params=pltpu.CompilerParams(
            needs_layout_passes=False, use_tc_tiling_on_sc=False),
    )
    return f(x3, cf2)


def kernel(x, coeffs):
    x3 = x.reshape(32768, 128, 2).transpose(0, 2, 1).reshape(XROWS, 128)
    cf2 = jnp.pad(coeffs.reshape(-1), (0, CROWS * 128 - 516 * 516))
    cf2 = cf2.reshape(CROWS, 128)
    out = _run(x3, cf2)
    return out.reshape(NPTS, 1)

# --- scband reference (transcript-rebuilt; emitter-appended) ---
"""Pipeline reference for scband-spline-inter-91233695302105 (READ-ONLY COPY).

The authoritative reference and input builder live on the scoring server;
editing this copy changes nothing except your own understanding.
"""

import jax, jax.numpy as jnp
import numpy as np

M0 = 512
M1 = 512
PAD = 2
OMEGA0 = (0.0, 0.0)
H = (1.0 / 512.0, 1.0 / 512.0)
N_PTS = 4194304


def _b0(j, xi):
    if j == 1:
        return (2 + xi) * (2 + xi) * (2 + xi)
    elif j == 2:
        return -(3 * xi + 6) * (xi * xi) + 4
    elif j == 3:
        return (3 * xi - 6) * (xi * xi) + 4
    else:
        return (2 - xi) * (2 - xi) * (2 - xi)


def _get_coefficients(T):
    def getB(m):
        B = 4.0 * jnp.eye(m, dtype=T.dtype) + jnp.eye(m, k=1, dtype=T.dtype) + jnp.eye(m, k=-1, dtype=T.dtype)
        M = B.T @ B
        return B, M
    B, M = getB(M0)
    W = jnp.linalg.solve(M, B.T @ T)
    B, M = getB(M1)
    W = jnp.linalg.solve(M, B.T @ W.T).T
    return W


def setup_inputs(seed: int = 0):
    key = jax.random.key(seed)
    k1, k2 = jax.random.split(key)
    image = jax.random.normal(k1, (M0, M1), dtype=jnp.float32)
    coeffs = _get_coefficients(image)
    coeffs = jnp.pad(coeffs, PAD, mode='constant', constant_values=0.0)
    x = jax.random.uniform(k2, (N_PTS, 2), dtype=jnp.float32)
    return {"x": x, "coeffs": coeffs}


def reference(x, coeffs):
    xs = x.reshape(-1, 2)
    omega0 = jnp.array(OMEGA0, dtype=xs.dtype).reshape(1, -1)
    h = jnp.array(H, dtype=xs.dtype).reshape(1, -1)
    t = (xs - omega0) / h - 0.5
    valid = (t[:, 0] > -2) & (t[:, 0] < M0) & (t[:, 1] > -2) & (t[:, 1] < M1)
    P = jnp.floor(t)
    frac = t - P
    Pi = P.astype(jnp.int32)
    i1 = M1 + 2 * PAD
    i2 = 1
    p = i1 * (PAD + Pi[:, 0]) + i2 * (PAD + Pi[:, 1])
    cf = coeffs.reshape(-1)
    x1 = frac[:, 0]
    x2 = frac[:, 1]
    out = jnp.zeros((xs.shape[0],), dtype=xs.dtype)
    for j1 in range(-1, 3):
        b1 = _b0(3 - j1, x1 - j1)
        for j2 in range(-1, 3):
            b2 = _b0(3 - j2, x2 - j2)
            idx = jnp.clip(p + j1 * i1 + j2 * i2, 0, cf.shape[0] - 1)
            out = out + jnp.take(cf, idx) * b1 * b2
    out = jnp.where(valid, out, jnp.zeros_like(out))
    return out.reshape(-1, 1)

if __name__ == "__main__":
    import jax
    _d = setup_inputs()
    print(jax.jit(kernel)(*tuple(_d.values())))

</pallas_src>

<mosaic_0001>
#map = affine_map<(d0, d1) -> (0, 0)>
module attributes {stable_mosaic.version = 14 : i64} {
  func.func @_spline_body(%arg0: i32, %arg1: i32, %arg2: memref<65536x128xf32, #tpu.memory_space<hbm>>, %arg3: memref<2104x128xf32, #tpu.memory_space<hbm>>, %arg4: memref<32768x128xf32, #tpu.memory_space<hbm>>, %arg5: memref<526338x16xf32, #tpu.memory_space<hbm>>, %arg6: memref<64x128xf32, #tpu.memory_space<vmem>>, %arg7: memref<4096xf32, #tpu.memory_space<vmem>>, %arg8: memref<4096xf32, #tpu.memory_space<vmem>>, %arg9: memref<4096xi32, #tpu.memory_space<vmem>>, %arg10: memref<4096x16xf32, #tpu.memory_space<vmem>>, %arg11: memref<32x128xf32, #tpu.memory_space<vmem>>, %arg12: memref<58x128xf32, #tpu.memory_space<vmem>>, %arg13: memref<513x16xf32, #tpu.memory_space<vmem>>, %arg14: memref<!tpu.dma_semaphore, #tpu.memory_space<semaphore_mem>>, %arg15: memref<!tpu.dma_semaphore, #tpu.memory_space<semaphore_mem>>, %arg16: memref<!tpu.dma_semaphore, #tpu.memory_space<semaphore_mem>>, %arg17: memref<!tpu.dma_semaphore, #tpu.memory_space<semaphore_mem>>, %arg18: memref<!tpu.dma_semaphore, #tpu.memory_space<semaphore_mem>>, %arg19: memref<!tpu.dma_semaphore, #tpu.memory_space<semaphore_mem>>) attributes {dimension_semantics = [#tpu.dimension_semantics<core_parallel>, #tpu.dimension_semantics<subcore_parallel>], iteration_bounds = array<i64: 2, 16>, scalar_prefetch = 0 : i64, scratch_operands = 15 : i64, tpu.core_type = #tpu.core_type<sc_vector_subcore>, window_params = [{transform_indices = #map}, {transform_indices = #map}, {transform_indices = #map}]} {
    %mul3A = arith.constant 2 : i32
    %mul3A_0 = arith.muli %arg1, %mul3A : i32
    %add3A = arith.addi %mul3A_0, %arg0 : i32
    %mul3A_1 = arith.constant 263169 : i32
    %mul3A_2 = arith.muli %arg0, %mul3A_1 : i32
    %iota3A = tpu.iota {dimensions = array<i32: 0>} : vector<16xi32>
    %shift_right_arithmetic3A = arith.constant 2 : i32
    %shift_right_arithmetic3A_3 = vector.broadcast %shift_right_arithmetic3A : i32 to vector<16xi32>
    %shift_right_arithmetic3A_4 = arith.shrsi %iota3A, %shift_right_arithmetic3A_3 : vector<16xi32>
    %mul3A_5 = arith.constant 516 : i32
    %mul3A_6 = vector.broadcast %mul3A_5 : i32 to vector<16xi32>
    %mul3A_7 = arith.muli %shift_right_arithmetic3A_4, %mul3A_6 : vector<16xi32>
    %and3A = arith.constant 3 : i32
    %and3A_8 = vector.broadcast %and3A : i32 to vector<16xi32>
    %and3A_9 = arith.andi %iota3A, %and3A_8 : vector<16xi32>
    %add3A_10 = arith.addi %mul3A_7, %and3A_9 : vector<16xi32>
    %mul3A_11 = arith.constant 33 : i32
    %mul3A_12 = arith.muli %arg1, %mul3A_11 : i32
    %add3A_13 = arith.constant 0 : i32
    %add3A_14 = arith.addi %mul3A_12, %add3A_13 : i32
    %lt3A = arith.constant 513 : i32
    %lt3A_15 = arith.cmpi slt, %add3A_14, %lt3A : i32
    %convert_element_type3A = arith.extui %lt3A_15 : i1 to i32
    %cond3A = arith.constant 0 : i32
    %cond3A_16 = arith.cmpi ne, %convert_element_type3A, %cond3A : i32
    scf.if %cond3A_16 {
      %mul3A_180 = arith.constant 516 : i32
      %mul3A_181 = arith.muli %add3A_14, %mul3A_180 : i32
      %shift_right_arithmetic3A_182 = arith.constant 7 : i32
      %shift_right_arithmetic3A_183 = arith.shrsi %mul3A_181, %shift_right_arithmetic3A_182 : i32
      %mul3A_184 = arith.constant 128 : i32
      %mul3A_185 = arith.muli %shift_right_arithmetic3A_183, %mul3A_184 : i32
      %sub3A_186 = arith.subi %mul3A_181, %mul3A_185 : i32
      "tpu.region"() ({
        %run_scoped3A = tpu.sem_alloc : memref<!tpu.dma_semaphore, #tpu.memory_space<semaphore_mem>>
        %dma_start3A_194 = arith.constant 0 : i32
        %dma_start3A_195 = tpu.memref_slice %arg3[%shift_right_arithmetic3A_183, %dma_start3A_194] : memref<2104x128xf32, #tpu.memory_space<hbm>> -> memref<58x128xf32, #tpu.memory_space<hbm>>
        %dma_start3A_196 = arith.constant 0 : i32
        %dma_start3A_197 = tpu.memref_slice %arg3[%shift_right_arithmetic3A_183, %dma_start3A_196] : memref<2104x128xf32, #tpu.memory_space<hbm>> -> memref<58x128xf32, #tpu.memory_space<hbm>>
        tpu.enqueue_dma source(%dma_start3A_197 : memref<58x128xf32, #tpu.memory_space<hbm>>) target(%arg12 : memref<58x128xf32, #tpu.memory_space<vmem>>) target_semaphore(%run_scoped3A : memref<!tpu.dma_semaphore, #tpu.memory_space<semaphore_mem>>)
        %dma_wait3A_198 = arith.constant 0 : i32
        %dma_wait3A_199 = tpu.memref_slice %arg3[%shift_right_arithmetic3A_183, %dma_wait3A_198] : memref<2104x128xf32, #tpu.memory_space<hbm>> -> memref<58x128xf32, #tpu.memory_space<hbm>>
        %dma_wait3A_200 = arith.constant 0 : i32
        %dma_wait3A_201 = tpu.memref_slice %arg3[%shift_right_arithmetic3A_183, %dma_wait3A_200] : memref<2104x128xf32, #tpu.memory_space<hbm>> -> memref<58x128xf32, #tpu.memory_space<hbm>>
        tpu.wait_dma2 semaphore(%run_scoped3A : memref<!tpu.dma_semaphore, #tpu.memory_space<semaphore_mem>>) src(%dma_wait3A_201 : memref<58x128xf32, #tpu.memory_space<hbm>>) dst(%arg12 : memref<58x128xf32, #tpu.memory_space<vmem>>)
        tpu.yield
      }) : () -> ()
      %scan3A_187 = arith.constant 0 : i32
      %scan3A_188 = arith.constant 0 : i32
      %scan3A_189 = arith.constant 11 : i32
      %scan3A_190 = arith.addi %scan3A_188, %scan3A_189 : i32
      %scan3A_191 = arith.constant 1 : i32
      %scan3A_192 = scf.for %scan3A_194 = %scan3A_188 to %scan3A_190 step %scan3A_191 iter_args(%scan3A_195 = %scan3A_187) -> (i32)  : i32 {
        %add3A_196 = arith.addi %add3A_14, %scan3A_194 : i32
        %lt3A_197 = arith.constant 513 : i32
        %lt3A_198 = arith.cmpi slt, %add3A_196, %lt3A_197 : i32
        %convert_element_type3A_199 = arith.extui %lt3A_198 : i1 to i32
        %cond3A_200 = arith.constant 0 : i32
        %cond3A_201 = arith.cmpi ne, %convert_element_type3A_199, %cond3A_200 : i32
        scf.if %cond3A_201 {
          %mul3A_203 = arith.constant 516 : i32
          %mul3A_204 = arith.muli %scan3A_194, %mul3A_203 : i32
          %add3A_205 = arith.addi %sub3A_186, %mul3A_204 : i32
          %parallel_loop3A_206 = arith.constant 0 : i32
          %parallel_loop3A_207 = arith.constant 513 : i32
          %parallel_loop3A_208 = arith.constant 1 : i32
          scf.for %parallel_loop3A_212 = %parallel_loop3A_206 to %parallel_loop3A_207 step %parallel_loop3A_208  : i32 {
            %parallel_loop3A_213 = arith.addi %add3A_205, %parallel_loop3A_212 : i32
            %parallel_loop3A_214 = vector.broadcast %parallel_loop3A_213 : i32 to vector<16xi32>
            %parallel_loop3A_215 = arith.addi %parallel_loop3A_214, %add3A_10 : vector<16xi32>
            %parallel_loop3A_216 = arith.constant 7 : i32
            %parallel_loop3A_217 = vector.broadcast %parallel_loop3A_216 : i32 to vector<16xi32>
            %parallel_loop3A_218 = arith.shrsi %parallel_loop3A_215, %parallel_loop3A_217 : vector<16xi32>
            %parallel_loop3A_219 = arith.constant 127 : i32
            %parallel_loop3A_220 = vector.broadcast %parallel_loop3A_219 : i32 to vector<16xi32>
            %parallel_loop3A_221 = arith.andi %parallel_loop3A_215, %parallel_loop3A_220 : vector<16xi32>
            %parallel_loop3A_222 = tpu.vector_load_idx %arg12[%parallel_loop3A_218, %parallel_loop3A_221] : memref<58x128xf32, #tpu.memory_space<vmem>>[vector<16xi32>, vector<16xi32>], vector<16xf32>,
            %parallel_loop3A_223 = arith.index_cast %parallel_loop3A_212 : i32 to index
            %parallel_loop3A_224 = arith.constant 0 : index
            %parallel_loop3A_225 = tpu.vector_load %arg13[%parallel_loop3A_223, %parallel_loop3A_224] {strides = array<i32>} : memref<513x16xf32, #tpu.memory_space<vmem>>, vector<16xf32>,
            tpu.vector_store %arg13[%parallel_loop3A_223, %parallel_loop3A_224], %parallel_loop3A_222 {strides = array<i32>} : memref<513x16xf32, #tpu.memory_space<vmem>>, vector<16xf32>,
          } {sc.loop_unroll_factor = 4 : i64, sc.parallel_access}
          %mul3A_209 = arith.constant 513 : i32
          %mul3A_210 = arith.muli %add3A_196, %mul3A_209 : i32
          %add3A_211 = arith.addi %mul3A_2, %mul3A_210 : i32
          "tpu.region"() ({
            %run_scoped3A = tpu.sem_alloc : memref<!tpu.dma_semaphore, #tpu.memory_space<semaphore_mem>>
            %dma_start3A_212 = arith.constant 0 : i32
            %dma_start3A_213 = tpu.memref_slice %arg5[%add3A_211, %dma_start3A_212] : memref<526338x16xf32, #tpu.memory_space<hbm>> -> memref<513x16xf32, #tpu.memory_space<hbm>>
            %dma_start3A_214 = arith.constant 0 : i32
            %dma_start3A_215 = tpu.memref_slice %arg5[%add3A_211, %dma_start3A_214] : memref<526338x16xf32, #tpu.memory_space<hbm>> -> memref<513x16xf32, #tpu.memory_space<hbm>>
            tpu.enqueue_dma source(%arg13 : memref<513x16xf32, #tpu.memory_space<vmem>>) target(%dma_start3A_215 : memref<513x16xf32, #tpu.memory_space<hbm>>) target_semaphore(%run_scoped3A : memref<!tpu.dma_semaphore, #tpu.memory_space<semaphore_mem>>)
            %dma_wait3A_216 = arith.constant 0 : i32
            %dma_wait3A_217 = tpu.memref_slice %arg5[%add3A_211, %dma_wait3A_216] : memref<526338x16xf32, #tpu.memory_space<hbm>> -> memref<513x16xf32, #tpu.memory_space<hbm>>
            %dma_wait3A_218 = arith.constant 0 : i32
            %dma_wait3A_219 = tpu.memref_slice %arg5[%add3A_211, %dma_wait3A_218] : memref<526338x16xf32, #tpu.memory_space<hbm>> -> memref<513x16xf32, #tpu.memory_space<hbm>>
            tpu.wait_dma2 semaphore(%run_scoped3A : memref<!tpu.dma_semaphore, #tpu.memory_space<semaphore_mem>>) src(%arg13 : memref<513x16xf32, #tpu.memory_space<vmem>>) dst(%dma_wait3A_219 : memref<513x16xf32, #tpu.memory_space<hbm>>)
            tpu.yield
          }) : () -> ()
        } else {
        }
        %scan3A_202 = arith.constant 0 : i32
        scf.yield %scan3A_202 : i32
      }
      %scan3A_193 = arith.constant 11 : i32
    } else {
    }
    %mul3A_17 = arith.constant 33 : i32
    %mul3A_18 = arith.muli %arg1, %mul3A_17 : i32
    %add3A_19 = arith.constant 11 : i32
    %add3A_20 = arith.addi %mul3A_18, %add3A_19 : i32
    %lt3A_21 = arith.constant 513 : i32
    %lt3A_22 = arith.cmpi slt, %add3A_20, %lt3A_21 : i32
    %convert_element_type3A_23 = arith.extui %lt3A_22 : i1 to i32
    %cond3A_24 = arith.constant 0 : i32
    %cond3A_25 = arith.cmpi ne, %convert_element_type3A_23, %cond3A_24 : i32
    scf.if %cond3A_25 {
      %mul3A_180 = arith.constant 516 : i32
      %mul3A_181 = arith.muli %add3A_20, %mul3A_180 : i32
      %shift_right_arithmetic3A_182 = arith.constant 7 : i32
      %shift_right_arithmetic3A_183 = arith.shrsi %mul3A_181, %shift_right_arithmetic3A_182 : i32
      %mul3A_184 = arith.constant 128 : i32
      %mul3A_185 = arith.muli %shift_right_arithmetic3A_183, %mul3A_184 : i32
      %sub3A_186 = arith.subi %mul3A_181, %mul3A_185 : i32
      "tpu.region"() ({
        %run_scoped3A = tpu.sem_alloc : memref<!tpu.dma_semaphore, #tpu.memory_space<semaphore_mem>>
        %dma_start3A_194 = arith.constant 0 : i32
        %dma_start3A_195 = tpu.memref_slice %arg3[%shift_right_arithmetic3A_183, %dma_start3A_194] : memref<2104x128xf32, #tpu.memory_space<hbm>> -> memref<58x128xf32, #tpu.memory_space<hbm>>
        %dma_start3A_196 = arith.constant 0 : i32
        %dma_start3A_197 = tpu.memref_slice %arg3[%shift_right_arithmetic3A_183, %dma_start3A_196] : memref<2104x128xf32, #tpu.memory_space<hbm>> -> memref<58x128xf32, #tpu.memory_space<hbm>>
        tpu.enqueue_dma source(%dma_start3A_197 : memref<58x128xf32, #tpu.memory_space<hbm>>) target(%arg12 : memref<58x128xf32, #tpu.memory_space<vmem>>) target_semaphore(%run_scoped3A : memref<!tpu.dma_semaphore, #tpu.memory_space<semaphore_mem>>)
        %dma_wait3A_198 = arith.constant 0 : i32
        %dma_wait3A_199 = tpu.memref_slice %arg3[%shift_right_arithmetic3A_183, %dma_wait3A_198] : memref<2104x128xf32, #tpu.memory_space<hbm>> -> memref<58x128xf32, #tpu.memory_space<hbm>>
        %dma_wait3A_200 = arith.constant 0 : i32
        %dma_wait3A_201 = tpu.memref_slice %arg3[%shift_right_arithmetic3A_183, %dma_wait3A_200] : memref<2104x128xf32, #tpu.memory_space<hbm>> -> memref<58x128xf32, #tpu.memory_space<hbm>>
        tpu.wait_dma2 semaphore(%run_scoped3A : memref<!tpu.dma_semaphore, #tpu.memory_space<semaphore_mem>>) src(%dma_wait3A_201 : memref<58x128xf32, #tpu.memory_space<hbm>>) dst(%arg12 : memref<58x128xf32, #tpu.memory_space<vmem>>)
        tpu.yield
      }) : () -> ()
      %scan3A_187 = arith.constant 0 : i32
      %scan3A_188 = arith.constant 0 : i32
      %scan3A_189 = arith.constant 11 : i32
      %scan3A_190 = arith.addi %scan3A_188, %scan3A_189 : i32
      %scan3A_191 = arith.constant 1 : i32
      %scan3A_192 = scf.for %scan3A_194 = %scan3A_188 to %scan3A_190 step %scan3A_191 iter_args(%scan3A_195 = %scan3A_187) -> (i32)  : i32 {
        %add3A_196 = arith.addi %add3A_20, %scan3A_194 : i32
        %lt3A_197 = arith.constant 513 : i32
        %lt3A_198 = arith.cmpi slt, %add3A_196, %lt3A_197 : i32
        %convert_element_type3A_199 = arith.extui %lt3A_198 : i1 to i32
        %cond3A_200 = arith.constant 0 : i32
        %cond3A_201 = arith.cmpi ne, %convert_element_type3A_199, %cond3A_200 : i32
        scf.if %cond3A_201 {
          %mul3A_203 = arith.constant 516 : i32
          %mul3A_204 = arith.muli %scan3A_194, %mul3A_203 : i32
          %add3A_205 = arith.addi %sub3A_186, %mul3A_204 : i32
          %parallel_loop3A_206 = arith.constant 0 : i32
          %parallel_loop3A_207 = arith.constant 513 : i32
          %parallel_loop3A_208 = arith.constant 1 : i32
          scf.for %parallel_loop3A_212 = %parallel_loop3A_206 to %parallel_loop3A_207 step %parallel_loop3A_208  : i32 {
            %parallel_loop3A_213 = arith.addi %add3A_205, %parallel_loop3A_212 : i32
            %parallel_loop3A_214 = vector.broadcast %parallel_loop3A_213 : i32 to vector<16xi32>
            %parallel_loop3A_215 = arith.addi %parallel_loop3A_214, %add3A_10 : vector<16xi32>
            %parallel_loop3A_216 = arith.constant 7 : i32
            %parallel_loop3A_217 = vector.broadcast %parallel_loop3A_216 : i32 to vector<16xi32>
            %parallel_loop3A_218 = arith.shrsi %parallel_loop3A_215, %parallel_loop3A_217 : vector<16xi32>
            %parallel_loop3A_219 = arith.constant 127 : i32
            %parallel_loop3A_220 = vector.broadcast %parallel_loop3A_219 : i32 to vector<16xi32>
            %parallel_loop3A_221 = arith.andi %parallel_loop3A_215, %parallel_loop3A_220 : vector<16xi32>
            %parallel_loop3A_222 = tpu.vector_load_idx %arg12[%parallel_loop3A_218, %parallel_loop3A_221] : memref<58x128xf32, #tpu.memory_space<vmem>>[vector<16xi32>, vector<16xi32>], vector<16xf32>,
            %parallel_loop3A_223 = arith.index_cast %parallel_loop3A_212 : i32 to index
            %parallel_loop3A_224 = arith.constant 0 : index
            %parallel_loop3A_225 = tpu.vector_load %arg13[%parallel_loop3A_223, %parallel_loop3A_224] {strides = array<i32>} : memref<513x16xf32, #tpu.memory_space<vmem>>, vector<16xf32>,
            tpu.vector_store %arg13[%parallel_loop3A_223, %parallel_loop3A_224], %parallel_loop3A_222 {strides = array<i32>} : memref<513x16xf32, #tpu.memory_space<vmem>>, vector<16xf32>,
          } {sc.loop_unroll_factor = 4 : i64, sc.parallel_access}
          %mul3A_209 = arith.constant 513 : i32
          %mul3A_210 = arith.muli %add3A_196, %mul3A_209 : i32
          %add3A_211 = arith.addi %mul3A_2, %mul3A_210 : i32
          "tpu.region"() ({
            %run_scoped3A = tpu.sem_alloc : memref<!tpu.dma_semaphore, #tpu.memory_space<semaphore_mem>>
            %dma_start3A_212 = arith.constant 0 : i32
            %dma_start3A_213 = tpu.memref_slice %arg5[%add3A_211, %dma_start3A_212] : memref<526338x16xf32, #tpu.memory_space<hbm>> -> memref<513x16xf32, #tpu.memory_space<hbm>>
            %dma_start3A_214 = arith.constant 0 : i32
            %dma_start3A_215 = tpu.memref_slice %arg5[%add3A_211, %dma_start3A_214] : memref<526338x16xf32, #tpu.memory_space<hbm>> -> memref<513x16xf32, #tpu.memory_space<hbm>>
            tpu.enqueue_dma source(%arg13 : memref<513x16xf32, #tpu.memory_space<vmem>>) target(%dma_start3A_215 : memref<513x16xf32, #tpu.memory_space<hbm>>) target_semaphore(%run_scoped3A : memref<!tpu.dma_semaphore, #tpu.memory_space<semaphore_mem>>)
            %dma_wait3A_216 = arith.constant 0 : i32
            %dma_wait3A_217 = tpu.memref_slice %arg5[%add3A_211, %dma_wait3A_216] : memref<526338x16xf32, #tpu.memory_space<hbm>> -> memref<513x16xf32, #tpu.memory_space<hbm>>
            %dma_wait3A_218 = arith.constant 0 : i32
            %dma_wait3A_219 = tpu.memref_slice %arg5[%add3A_211, %dma_wait3A_218] : memref<526338x16xf32, #tpu.memory_space<hbm>> -> memref<513x16xf32, #tpu.memory_space<hbm>>
            tpu.wait_dma2 semaphore(%run_scoped3A : memref<!tpu.dma_semaphore, #tpu.memory_space<semaphore_mem>>) src(%arg13 : memref<513x16xf32, #tpu.memory_space<vmem>>) dst(%dma_wait3A_219 : memref<513x16xf32, #tpu.memory_space<hbm>>)
            tpu.yield
          }) : () -> ()
        } else {
        }
        %scan3A_202 = arith.constant 0 : i32
        scf.yield %scan3A_202 : i32
      }
      %scan3A_193 = arith.constant 11 : i32
    } else {
    }
    %mul3A_26 = arith.constant 33 : i32
    %mul3A_27 = arith.muli %arg1, %mul3A_26 : i32
    %add3A_28 = arith.constant 22 : i32
    %add3A_29 = arith.addi %mul3A_27, %add3A_28 : i32
    %lt3A_30 = arith.constant 513 : i32
    %lt3A_31 = arith.cmpi slt, %add3A_29, %lt3A_30 : i32
    %convert_element_type3A_32 = arith.extui %lt3A_31 : i1 to i32
    %cond3A_33 = arith.constant 0 : i32
    %cond3A_34 = arith.cmpi ne, %convert_element_type3A_32, %cond3A_33 : i32
    scf.if %cond3A_34 {
      %mul3A_180 = arith.constant 516 : i32
      %mul3A_181 = arith.muli %add3A_29, %mul3A_180 : i32
      %shift_right_arithmetic3A_182 = arith.constant 7 : i32
      %shift_right_arithmetic3A_183 = arith.shrsi %mul3A_181, %shift_right_arithmetic3A_182 : i32
      %mul3A_184 = arith.constant 128 : i32
      %mul3A_185 = arith.muli %shift_right_arithmetic3A_183, %mul3A_184 : i32
      %sub3A_186 = arith.subi %mul3A_181, %mul3A_185 : i32
      "tpu.region"() ({
        %run_scoped3A = tpu.sem_alloc : memref<!tpu.dma_semaphore, #tpu.memory_space<semaphore_mem>>
        %dma_start3A_194 = arith.constant 0 : i32
        %dma_start3A_195 = tpu.memref_slice %arg3[%shift_right_arithmetic3A_183, %dma_start3A_194] : memref<2104x128xf32, #tpu.memory_space<hbm>> -> memref<58x128xf32, #tpu.memory_space<hbm>>
        %dma_start3A_196 = arith.constant 0 : i32
        %dma_start3A_197 = tpu.memref_slice %arg3[%shift_right_arithmetic3A_183, %dma_start3A_196] : memref<2104x128xf32, #tpu.memory_space<hbm>> -> memref<58x128xf32, #tpu.memory_space<hbm>>
        tpu.enqueue_dma source(%dma_start3A_197 : memref<58x128xf32, #tpu.memory_space<hbm>>) target(%arg12 : memref<58x128xf32, #tpu.memory_space<vmem>>) target_semaphore(%run_scoped3A : memref<!tpu.dma_semaphore, #tpu.memory_space<semaphore_mem>>)
        %dma_wait3A_198 = arith.constant 0 : i32
        %dma_wait3A_199 = tpu.memref_slice %arg3[%shift_right_arithmetic3A_183, %dma_wait3A_198] : memref<2104x128xf32, #tpu.memory_space<hbm>> -> memref<58x128xf32, #tpu.memory_space<hbm>>
        %dma_wait3A_200 = arith.constant 0 : i32
        %dma_wait3A_201 = tpu.memref_slice %arg3[%shift_right_arithmetic3A_183, %dma_wait3A_200] : memref<2104x128xf32, #tpu.memory_space<hbm>> -> memref<58x128xf32, #tpu.memory_space<hbm>>
        tpu.wait_dma2 semaphore(%run_scoped3A : memref<!tpu.dma_semaphore, #tpu.memory_space<semaphore_mem>>) src(%dma_wait3A_201 : memref<58x128xf32, #tpu.memory_space<hbm>>) dst(%arg12 : memref<58x128xf32, #tpu.memory_space<vmem>>)
        tpu.yield
      }) : () -> ()
      %scan3A_187 = arith.constant 0 : i32
      %scan3A_188 = arith.constant 0 : i32
      %scan3A_189 = arith.constant 11 : i32
      %scan3A_190 = arith.addi %scan3A_188, %scan3A_189 : i32
      %scan3A_191 = arith.constant 1 : i32
      %scan3A_192 = scf.for %scan3A_194 = %scan3A_188 to %scan3A_190 step %scan3A_191 iter_args(%scan3A_195 = %scan3A_187) -> (i32)  : i32 {
        %add3A_196 = arith.addi %add3A_29, %scan3A_194 : i32
        %lt3A_197 = arith.constant 513 : i32
        %lt3A_198 = arith.cmpi slt, %add3A_196, %lt3A_197 : i32
        %convert_element_type3A_199 = arith.extui %lt3A_198 : i1 to i32
        %cond3A_200 = arith.constant 0 : i32
        %cond3A_201 = arith.cmpi ne, %convert_element_type3A_199, %cond3A_200 : i32
        scf.if %cond3A_201 {
          %mul3A_203 = arith.constant 516 : i32
          %mul3A_204 = arith.muli %scan3A_194, %mul3A_203 : i32
          %add3A_205 = arith.addi %sub3A_186, %mul3A_204 : i32
          %parallel_loop3A_206 = arith.constant 0 : i32
          %parallel_loop3A_207 = arith.constant 513 : i32
          %parallel_loop3A_208 = arith.constant 1 : i32
          scf.for %parallel_loop3A_212 = %parallel_loop3A_206 to %parallel_loop3A_207 step %parallel_loop3A_208  : i32 {
            %parallel_loop3A_213 = arith.addi %add3A_205, %parallel_loop3A_212 : i32
            %parallel_loop3A_214 = vector.broadcast %parallel_loop3A_213 : i32 to vector<16xi32>
            %parallel_loop3A_215 = arith.addi %parallel_loop3A_214, %add3A_10 : vector<16xi32>
            %parallel_loop3A_216 = arith.constant 7 : i32
            %parallel_loop3A_217 = vector.broadcast %parallel_loop3A_216 : i32 to vector<16xi32>
            %parallel_loop3A_218 = arith.shrsi %parallel_loop3A_215, %parallel_loop3A_217 : vector<16xi32>
            %parallel_loop3A_219 = arith.constant 127 : i32
            %parallel_loop3A_220 = vector.broadcast %parallel_loop3A_219 : i32 to vector<16xi32>
            %parallel_loop3A_221 = arith.andi %parallel_loop3A_215, %parallel_loop3A_220 : vector<16xi32>
            %parallel_loop3A_222 = tpu.vector_load_idx %arg12[%parallel_loop3A_218, %parallel_loop3A_221] : memref<58x128xf32, #tpu.memory_space<vmem>>[vector<16xi32>, vector<16xi32>], vector<16xf32>,
            %parallel_loop3A_223 = arith.index_cast %parallel_loop3A_212 : i32 to index
            %parallel_loop3A_224 = arith.constant 0 : index
            %parallel_loop3A_225 = tpu.vector_load %arg13[%parallel_loop3A_223, %parallel_loop3A_224] {strides = array<i32>} : memref<513x16xf32, #tpu.memory_space<vmem>>, vector<16xf32>,
            tpu.vector_store %arg13[%parallel_loop3A_223, %parallel_loop3A_224], %parallel_loop3A_222 {strides = array<i32>} : memref<513x16xf32, #tpu.memory_space<vmem>>, vector<16xf32>,
          } {sc.loop_unroll_factor = 4 : i64, sc.parallel_access}
          %mul3A_209 = arith.constant 513 : i32
          %mul3A_210 = arith.muli %add3A_196, %mul3A_209 : i32
          %add3A_211 = arith.addi %mul3A_2, %mul3A_210 : i32
          "tpu.region"() ({
            %run_scoped3A = tpu.sem_alloc : memref<!tpu.dma_semaphore, #tpu.memory_space<semaphore_mem>>
            %dma_start3A_212 = arith.constant 0 : i32
            %dma_start3A_213 = tpu.memref_slice %arg5[%add3A_211, %dma_start3A_212] : memref<526338x16xf32, #tpu.memory_space<hbm>> -> memref<513x16xf32, #tpu.memory_space<hbm>>
            %dma_start3A_214 = arith.constant 0 : i32
            %dma_start3A_215 = tpu.memref_slice %arg5[%add3A_211, %dma_start3A_214] : memref<526338x16xf32, #tpu.memory_space<hbm>> -> memref<513x16xf32, #tpu.memory_space<hbm>>
            tpu.enqueue_dma source(%arg13 : memref<513x16xf32, #tpu.memory_space<vmem>>) target(%dma_start3A_215 : memref<513x16xf32, #tpu.memory_space<hbm>>) target_semaphore(%run_scoped3A : memref<!tpu.dma_semaphore, #tpu.memory_space<semaphore_mem>>)
            %dma_wait3A_216 = arith.constant 0 : i32
            %dma_wait3A_217 = tpu.memref_slice %arg5[%add3A_211, %dma_wait3A_216] : memref<526338x16xf32, #tpu.memory_space<hbm>> -> memref<513x16xf32, #tpu.memory_space<hbm>>
            %dma_wait3A_218 = arith.constant 0 : i32
            %dma_wait3A_219 = tpu.memref_slice %arg5[%add3A_211, %dma_wait3A_218] : memref<526338x16xf32, #tpu.memory_space<hbm>> -> memref<513x16xf32, #tpu.memory_space<hbm>>
            tpu.wait_dma2 semaphore(%run_scoped3A : memref<!tpu.dma_semaphore, #tpu.memory_space<semaphore_mem>>) src(%arg13 : memref<513x16xf32, #tpu.memory_space<vmem>>) dst(%dma_wait3A_219 : memref<513x16xf32, #tpu.memory_space<hbm>>)
            tpu.yield
          }) : () -> ()
        } else {
        }
        %scan3A_202 = arith.constant 0 : i32
        scf.yield %scan3A_202 : i32
      }
      %scan3A_193 = arith.constant 11 : i32
    } else {
    }
    %barrier3A = arith.constant 0 : index
    tpu.barrier barrier_id(%barrier3A)
    %mul3A_35 = arith.constant 131072 : i32
    %mul3A_36 = arith.muli %add3A, %mul3A_35 : i32
    %jit3A = arith.constant 64 : i32
    %div3A = arith.divsi %mul3A_36, %jit3A : i32
    %sign3A = arith.constant 0 : i32
    %sign3A_37 = arith.cmpi sgt, %mul3A_36, %sign3A : i32
    %sign3A_38 = arith.extui %sign3A_37 : i1 to i32
    %sign3A_39 = arith.constant 0 : i32
    %sign3A_40 = arith.cmpi slt, %mul3A_36, %sign3A_39 : i32
    %sign3A_41 = arith.extui %sign3A_40 : i1 to i32
    %sign3A_42 = arith.subi %sign3A_38, %sign3A_41 : i32
    %sign3A_43 = arith.constant 0 : i32
    %sign3A_44 = arith.cmpi sgt, %jit3A, %sign3A_43 : i32
    %sign3A_45 = arith.extui %sign3A_44 : i1 to i32
    %sign3A_46 = arith.constant 0 : i32
    %sign3A_47 = arith.cmpi slt, %jit3A, %sign3A_46 : i32
    %sign3A_48 = arith.extui %sign3A_47 : i1 to i32
    %sign3A_49 = arith.subi %sign3A_45, %sign3A_48 : i32
    %ne3A = arith.cmpi ne, %sign3A_42, %sign3A_49 : i32
    %rem3A = arith.remsi %mul3A_36, %jit3A : i32
    %ne3A_50 = arith.constant 0 : i32
    %ne3A_51 = arith.cmpi ne, %rem3A, %ne3A_50 : i32
    %and3A_52 = arith.andi %ne3A, %ne3A_51 : i1
    %sub3A = arith.constant 1 : i32
    %sub3A_53 = arith.subi %div3A, %sub3A : i32
    %select_n3A = arith.select %and3A_52, %sub3A_53, %div3A : i32
    %dma_start3A = arith.constant 0 : i32
    %dma_start3A_54 = arith.constant 0 : i32
    %dma_start3A_55 = tpu.memref_slice %arg6[%dma_start3A, %dma_start3A_54] : memref<64x128xf32, #tpu.memory_space<vmem>> -> memref<32x128xf32, #tpu.memory_space<vmem>>
    %dma_start3A_56 = arith.constant 0 : i32
    %dma_start3A_57 = tpu.memref_slice %arg2[%select_n3A, %dma_start3A_56] : memref<65536x128xf32, #tpu.memory_space<hbm>> -> memref<32x128xf32, #tpu.memory_space<hbm>>
    %dma_start3A_58 = arith.constant 0 : i32
    %dma_start3A_59 = arith.constant 0 : i32
    %dma_start3A_60 = tpu.memref_slice %arg6[%dma_start3A_58, %dma_start3A_59] : memref<64x128xf32, #tpu.memory_space<vmem>> -> memref<32x128xf32, #tpu.memory_space<vmem>>
    %dma_start3A_61 = arith.constant 0 : i32
    %dma_start3A_62 = tpu.memref_slice %arg2[%select_n3A, %dma_start3A_61] : memref<65536x128xf32, #tpu.memory_space<hbm>> -> memref<32x128xf32, #tpu.memory_space<hbm>>
    tpu.enqueue_dma source(%dma_start3A_62 : memref<32x128xf32, #tpu.memory_space<hbm>>) target(%dma_start3A_60 : memref<32x128xf32, #tpu.memory_space<vmem>>) target_semaphore(%arg18 : memref<!tpu.dma_semaphore, #tpu.memory_space<semaphore_mem>>)
    %jit3A_63 = arith.constant 64 : i32
    %div3A_64 = arith.divsi %mul3A_36, %jit3A_63 : i32
    %sign3A_65 = arith.constant 0 : i32
    %sign3A_66 = arith.cmpi sgt, %mul3A_36, %sign3A_65 : i32
    %sign3A_67 = arith.extui %sign3A_66 : i1 to i32
    %sign3A_68 = arith.constant 0 : i32
    %sign3A_69 = arith.cmpi slt, %mul3A_36, %sign3A_68 : i32
    %sign3A_70 = arith.extui %sign3A_69 : i1 to i32
    %sign3A_71 = arith.subi %sign3A_67, %sign3A_70 : i32
    %sign3A_72 = arith.constant 0 : i32
    %sign3A_73 = arith.cmpi sgt, %jit3A_63, %sign3A_72 : i32
    %sign3A_74 = arith.extui %sign3A_73 : i1 to i32
    %sign3A_75 = arith.constant 0 : i32
    %sign3A_76 = arith.cmpi slt, %jit3A_63, %sign3A_75 : i32
    %sign3A_77 = arith.extui %sign3A_76 : i1 to i32
    %sign3A_78 = arith.subi %sign3A_74, %sign3A_77 : i32
    %ne3A_79 = arith.cmpi ne, %sign3A_71, %sign3A_78 : i32
    %rem3A_80 = arith.remsi %mul3A_36, %jit3A_63 : i32
    %ne3A_81 = arith.constant 0 : i32
    %ne3A_82 = arith.cmpi ne, %rem3A_80, %ne3A_81 : i32
    %and3A_83 = arith.andi %ne3A_79, %ne3A_82 : i1
    %sub3A_84 = arith.constant 1 : i32
    %sub3A_85 = arith.subi %div3A_64, %sub3A_84 : i32
    %select_n3A_86 = arith.select %and3A_83, %sub3A_85, %div3A_64 : i32
    %add3A_87 = arith.constant 32 : i32
    %add3A_88 = arith.addi %select_n3A_86, %add3A_87 : i32
    %dma_start3A_89 = arith.constant 32 : i32
    %dma_start3A_90 = arith.constant 0 : i32
    %dma_start3A_91 = tpu.memref_slice %arg6[%dma_start3A_89, %dma_start3A_90] : memref<64x128xf32, #tpu.memory_space<vmem>> -> memref<32x128xf32, #tpu.memory_space<vmem>>
    %dma_start3A_92 = arith.constant 0 : i32
    %dma_start3A_93 = tpu.memref_slice %arg2[%add3A_88, %dma_start3A_92] : memref<65536x128xf32, #tpu.memory_space<hbm>> -> memref<32x128xf32, #tpu.memory_space<hbm>>
    %dma_start3A_94 = arith.constant 32 : i32
    %dma_start3A_95 = arith.constant 0 : i32
    %dma_start3A_96 = tpu.memref_slice %arg6[%dma_start3A_94, %dma_start3A_95] : memref<64x128xf32, #tpu.memory_space<vmem>> -> memref<32x128xf32, #tpu.memory_space<vmem>>
    %dma_start3A_97 = arith.constant 0 : i32
    %dma_start3A_98 = tpu.memref_slice %arg2[%add3A_88, %dma_start3A_97] : memref<65536x128xf32, #tpu.memory_space<hbm>> -> memref<32x128xf32, #tpu.memory_space<hbm>>
    tpu.enqueue_dma source(%dma_start3A_98 : memref<32x128xf32, #tpu.memory_space<hbm>>) target(%dma_start3A_96 : memref<32x128xf32, #tpu.memory_space<vmem>>) target_semaphore(%arg19 : memref<!tpu.dma_semaphore, #tpu.memory_space<semaphore_mem>>)
    %dma_wait3A = arith.constant 0 : i32
    %dma_wait3A_99 = arith.constant 0 : i32
    %dma_wait3A_100 = tpu.memref_slice %arg6[%dma_wait3A, %dma_wait3A_99] : memref<64x128xf32, #tpu.memory_space<vmem>> -> memref<32x128xf32, #tpu.memory_space<vmem>>
    %dma_wait3A_101 = arith.constant 0 : i32
    %dma_wait3A_102 = arith.constant 0 : i32
    %dma_wait3A_103 = tpu.memref_slice %arg2[%dma_wait3A_101, %dma_wait3A_102] : memref<65536x128xf32, #tpu.memory_space<hbm>> -> memref<32x128xf32, #tpu.memory_space<hbm>>
    %dma_wait3A_104 = arith.constant 0 : i32
    %dma_wait3A_105 = arith.constant 0 : i32
    %dma_wait3A_106 = tpu.memref_slice %arg6[%dma_wait3A_104, %dma_wait3A_105] : memref<64x128xf32, #tpu.memory_space<vmem>> -> memref<32x128xf32, #tpu.memory_space<vmem>>
    %dma_wait3A_107 = arith.constant 0 : i32
    %dma_wait3A_108 = arith.constant 0 : i32
    %dma_wait3A_109 = tpu.memref_slice %arg2[%dma_wait3A_107, %dma_wait3A_108] : memref<65536x128xf32, #tpu.memory_space<hbm>> -> memref<32x128xf32, #tpu.memory_space<hbm>>
    tpu.wait_dma2 semaphore(%arg18 : memref<!tpu.dma_semaphore, #tpu.memory_space<semaphore_mem>>) src(%dma_wait3A_109 : memref<32x128xf32, #tpu.memory_space<hbm>>) dst(%dma_wait3A_106 : memref<32x128xf32, #tpu.memory_space<vmem>>)
    %parallel_loop3A = arith.constant 0 : i32
    %parallel_loop3A_110 = arith.constant 16 : i32
    %parallel_loop3A_111 = arith.constant 1 : i32
    scf.for %parallel_loop3A_180 = %parallel_loop3A to %parallel_loop3A_110 step %parallel_loop3A_111  : i32 {
      %parallel_loop3A_181 = arith.constant 2 : i32
      %parallel_loop3A_182 = arith.muli %parallel_loop3A_181, %parallel_loop3A_180 : i32
      %parallel_loop3A_183 = arith.constant 0 : i32
      %parallel_loop3A_184 = arith.addi %parallel_loop3A_183, %parallel_loop3A_182 : i32
      %parallel_loop3A_185 = arith.constant 0 : i32
      %parallel_loop3A_186 = arith.constant 0 : i32
      %parallel_loop3A_187 = arith.constant 8 : i32
      %parallel_loop3A_188 = arith.muli %parallel_loop3A_180, %parallel_loop3A_187 : i32
      %parallel_loop3A_189 = arith.addi %parallel_loop3A_188, %parallel_loop3A_186 : i32
      %parallel_loop3A_190 = arith.constant 16 : i32
      %parallel_loop3A_191 = arith.muli %parallel_loop3A_186, %parallel_loop3A_190 : i32
      %parallel_loop3A_192 = arith.index_cast %parallel_loop3A_184 : i32 to index
      %parallel_loop3A_193 = arith.index_cast %parallel_loop3A_191 : i32 to index
      %parallel_loop3A_194 = tpu.vector_load %arg6[%parallel_loop3A_192, %parallel_loop3A_193] {strides = array<i32>} : memref<64x128xf32, #tpu.memory_space<vmem>>, vector<16xf32>,
      %parallel_loop3A_195 = arith.constant 1 : i32
      %parallel_loop3A_196 = arith.addi %parallel_loop3A_184, %parallel_loop3A_195 : i32
      %parallel_loop3A_197 = arith.constant 16 : i32
      %parallel_loop3A_198 = arith.muli %parallel_loop3A_186, %parallel_loop3A_197 : i32
      %parallel_loop3A_199 = arith.index_cast %parallel_loop3A_196 : i32 to index
      %parallel_loop3A_200 = arith.index_cast %parallel_loop3A_198 : i32 to index
      %parallel_loop3A_201 = tpu.vector_load %arg6[%parallel_loop3A_199, %parallel_loop3A_200] {strides = array<i32>} : memref<64x128xf32, #tpu.memory_space<vmem>>, vector<16xf32>,
      %parallel_loop3A_202 = arith.constant 5.120000e+02 : f32
      %parallel_loop3A_203 = vector.broadcast %parallel_loop3A_202 : f32 to vector<16xf32>
      %parallel_loop3A_204 = arith.mulf %parallel_loop3A_194, %parallel_loop3A_203 : vector<16xf32>
      %parallel_loop3A_205 = arith.constant 5.000000e-01 : f32
      %parallel_loop3A_206 = vector.broadcast %parallel_loop3A_205 : f32 to vector<16xf32>
      %parallel_loop3A_207 = arith.addf %parallel_loop3A_204, %parallel_loop3A_206 : vector<16xf32>
      %parallel_loop3A_208 = arith.constant 5.120000e+02 : f32
      %parallel_loop3A_209 = vector.broadcast %parallel_loop3A_208 : f32 to vector<16xf32>
      %parallel_loop3A_210 = arith.mulf %parallel_loop3A_201, %parallel_loop3A_209 : vector<16xf32>
      %parallel_loop3A_211 = arith.constant 5.000000e-01 : f32
      %parallel_loop3A_212 = vector.broadcast %parallel_loop3A_211 : f32 to vector<16xf32>
      %parallel_loop3A_213 = arith.addf %parallel_loop3A_210, %parallel_loop3A_212 : vector<16xf32>
      %parallel_loop3A_214 = arith.fptosi %parallel_loop3A_207 : vector<16xf32> to vector<16xi32>
      %parallel_loop3A_215 = arith.fptosi %parallel_loop3A_213 : vector<16xf32> to vector<16xi32>
      %parallel_loop3A_216 = arith.sitofp %parallel_loop3A_214 : vector<16xi32> to vector<16xf32>
      %parallel_loop3A_217 = arith.subf %parallel_loop3A_207, %parallel_loop3A_216 : vector<16xf32>
      %parallel_loop3A_218 = arith.sitofp %parallel_loop3A_215 : vector<16xi32> to vector<16xf32>
      %parallel_loop3A_219 = arith.subf %parallel_loop3A_213, %parallel_loop3A_218 : vector<16xf32>
      %parallel_loop3A_220 = arith.constant 16 : i32
      %parallel_loop3A_221 = arith.muli %parallel_loop3A_189, %parallel_loop3A_220 : i32
      %parallel_loop3A_222 = arith.constant 0 : i32
      %parallel_loop3A_223 = arith.addi %parallel_loop3A_222, %parallel_loop3A_221 : i32
      %parallel_loop3A_224 = arith.index_cast %parallel_loop3A_223 : i32 to index
      %parallel_loop3A_225 = tpu.vector_load %arg7[%parallel_loop3A_224] {strides = array<i32>} : memref<4096xf32, #tpu.memory_space<vmem>>, vector<16xf32>,
      tpu.vector_store %arg7[%parallel_loop3A_224], %parallel_loop3A_217 {strides = array<i32>} : memref<4096xf32, #tpu.memory_space<vmem>>, vector<16xf32>,
      %parallel_loop3A_226 = arith.constant 16 : i32
      %parallel_loop3A_227 = arith.muli %parallel_loop3A_189, %parallel_loop3A_226 : i32
      %parallel_loop3A_228 = arith.constant 0 : i32
      %parallel_loop3A_229 = arith.addi %parallel_loop3A_228, %parallel_loop3A_227 : i32
      %parallel_loop3A_230 = arith.index_cast %parallel_loop3A_229 : i32 to index
      %parallel_loop3A_231 = tpu.vector_load %arg8[%parallel_loop3A_230] {strides = array<i32>} : memref<4096xf32, #tpu.memory_space<vmem>>, vector<16xf32>,
      tpu.vector_store %arg8[%parallel_loop3A_230], %parallel_loop3A_219 {strides = array<i32>} : memref<4096xf32, #tpu.memory_space<vmem>>, vector<16xf32>,
      %parallel_loop3A_232 = arith.constant 513 : i32
      %parallel_loop3A_233 = vector.broadcast %parallel_loop3A_232 : i32 to vector<16xi32>
      %parallel_loop3A_234 = arith.muli %parallel_loop3A_214, %parallel_loop3A_233 : vector<16xi32>
      %parallel_loop3A_235 = arith.addi %parallel_loop3A_234, %parallel_loop3A_215 : vector<16xi32>
      %parallel_loop3A_236 = vector.broadcast %mul3A_2 : i32 to vector<16xi32>
      %parallel_loop3A_237 = arith.addi %parallel_loop3A_235, %parallel_loop3A_236 : vector<16xi32>
      %parallel_loop3A_238 = arith.constant 16 : i32
      %parallel_loop3A_239 = arith.muli %parallel_loop3A_189, %parallel_loop3A_238 : i32
      %parallel_loop3A_240 = arith.constant 0 : i32
      %parallel_loop3A_241 = arith.addi %parallel_loop3A_240, %parallel_loop3A_239 : i32
      %parallel_loop3A_242 = arith.index_cast %parallel_loop3A_241 : i32 to index
      %parallel_loop3A_243 = tpu.vector_load %arg9[%parallel_loop3A_242] {strides = array<i32>} : memref<4096xi32, #tpu.memory_space<vmem>>, vector<16xi32>,
      tpu.vector_store %arg9[%parallel_loop3A_242], %parallel_loop3A_237 {strides = array<i32>} : memref<4096xi32, #tpu.memory_space<vmem>>, vector<16xi32>,
      %parallel_loop3A_244 = arith.constant 0 : i32
      %parallel_loop3A_245 = arith.constant 1 : i32
      %parallel_loop3A_246 = arith.constant 8 : i32
      %parallel_loop3A_247 = arith.muli %parallel_loop3A_180, %parallel_loop3A_246 : i32
      %parallel_loop3A_248 = arith.addi %parallel_loop3A_247, %parallel_loop3A_245 : i32
      %parallel_loop3A_249 = arith.constant 16 : i32
      %parallel_loop3A_250 = arith.muli %parallel_loop3A_245, %parallel_loop3A_249 : i32
      %parallel_loop3A_251 = arith.index_cast %parallel_loop3A_184 : i32 to index
      %parallel_loop3A_252 = arith.index_cast %parallel_loop3A_250 : i32 to index
      %parallel_loop3A_253 = tpu.vector_load %arg6[%parallel_loop3A_251, %parallel_loop3A_252] {strides = array<i32>} : memref<64x128xf32, #tpu.memory_space<vmem>>, vector<16xf32>,
      %parallel_loop3A_254 = arith.constant 1 : i32
      %parallel_loop3A_255 = arith.addi %parallel_loop3A_184, %parallel_loop3A_254 : i32
      %parallel_loop3A_256 = arith.constant 16 : i32
      %parallel_loop3A_257 = arith.muli %parallel_loop3A_245, %parallel_loop3A_256 : i32
      %parallel_loop3A_258 = arith.index_cast %parallel_loop3A_255 : i32 to index
      %parallel_loop3A_259 = arith.index_cast %parallel_loop3A_257 : i32 to index
      %parallel_loop3A_260 = tpu.vector_load %arg6[%parallel_loop3A_258, %parallel_loop3A_259] {strides = array<i32>} : memref<64x128xf32, #tpu.memory_space<vmem>>, vector<16xf32>,
      %parallel_loop3A_261 = arith.constant 5.120000e+02 : f32
      %parallel_loop3A_262 = vector.broadcast %parallel_loop3A_261 : f32 to vector<16xf32>
      %parallel_loop3A_263 = arith.mulf %parallel_loop3A_253, %parallel_loop3A_262 : vector<16xf32>
      %parallel_loop3A_264 = arith.constant 5.000000e-01 : f32
      %parallel_loop3A_265 = vector.broadcast %parallel_loop3A_264 : f32 to vector<16xf32>
      %parallel_loop3A_266 = arith.addf %parallel_loop3A_263, %parallel_loop3A_265 : vector<16xf32>
      %parallel_loop3A_267 = arith.constant 5.120000e+02 : f32
      %parallel_loop3A_268 = vector.broadcast %parallel_loop3A_267 : f32 to vector<16xf32>
      %parallel_loop3A_269 = arith.mulf %parallel_loop3A_260, %parallel_loop3A_268 : vector<16xf32>
      %parallel_loop3A_270 = arith.constant 5.000000e-01 : f32
      %parallel_loop3A_271 = vector.broadcast %parallel_loop3A_270 : f32 to vector<16xf32>
      %parallel_loop3A_272 = arith.addf %parallel_loop3A_269, %parallel_loop3A_271 : vector<16xf32>
      %parallel_loop3A_273 = arith.fptosi %parallel_loop3A_266 : vector<16xf32> to vector<16xi32>
      %parallel_loop3A_274 = arith.fptosi %parallel_loop3A_272 : vector<16xf32> to vector<16xi32>
      %parallel_loop3A_275 = arith.sitofp %parallel_loop3A_273 : vector<16xi32> to vector<16xf32>
      %parallel_loop3A_276 = arith.subf %parallel_loop3A_266, %parallel_loop3A_275 : vector<16xf32>
      %parallel_loop3A_277 = arith.sitofp %parallel_loop3A_274 : vector<16xi32> to vector<16xf32>
      %parallel_loop3A_278 = arith.subf %parallel_loop3A_272, %parallel_loop3A_277 : vector<16xf32>
      %parallel_loop3A_279 = arith.constant 16 : i32
      %parallel_loop3A_280 = arith.muli %parallel_loop3A_248, %parallel_loop3A_279 : i32
      %parallel_loop3A_281 = arith.constant 0 : i32
      %parallel_loop3A_282 = arith.addi %parallel_loop3A_281, %parallel_loop3A_280 : i32
      %parallel_loop3A_283 = arith.index_cast %parallel_loop3A_282 : i32 to index
      %parallel_loop3A_284 = tpu.vector_load %arg7[%parallel_loop3A_283] {strides = array<i32>} : memref<4096xf32, #tpu.memory_space<vmem>>, vector<16xf32>,
      tpu.vector_store %arg7[%parallel_loop3A_283], %parallel_loop3A_276 {strides = array<i32>} : memref<4096xf32, #tpu.memory_space<vmem>>, vector<16xf32>,
      %parallel_loop3A_285 = arith.constant 16 : i32
      %parallel_loop3A_286 = arith.muli %parallel_loop3A_248, %parallel_loop3A_285 : i32
      %parallel_loop3A_287 = arith.constant 0 : i32
      %parallel_loop3A_288 = arith.addi %parallel_loop3A_287, %parallel_loop3A_286 : i32
      %parallel_loop3A_289 = arith.index_cast %parallel_loop3A_288 : i32 to index
      %parallel_loop3A_290 = tpu.vector_load %arg8[%parallel_loop3A_289] {strides = array<i32>} : memref<4096xf32, #tpu.memory_space<vmem>>, vector<16xf32>,
      tpu.vector_store %arg8[%parallel_loop3A_289], %parallel_loop3A_278 {strides = array<i32>} : memref<4096xf32, #tpu.memory_space<vmem>>, vector<16xf32>,
      %parallel_loop3A_291 = arith.constant 513 : i32
      %parallel_loop3A_292 = vector.broadcast %parallel_loop3A_291 : i32 to vector<16xi32>
      %parallel_loop3A_293 = arith.muli %parallel_loop3A_273, %parallel_loop3A_292 : vector<16xi32>
      %parallel_loop3A_294 = arith.addi %parallel_loop3A_293, %parallel_loop3A_274 : vector<16xi32>
      %parallel_loop3A_295 = vector.broadcast %mul3A_2 : i32 to vector<16xi32>
      %parallel_loop3A_296 = arith.addi %parallel_loop3A_294, %parallel_loop3A_295 : vector<16xi32>
      %parallel_loop3A_297 = arith.constant 16 : i32
      %parallel_loop3A_298 = arith.muli %parallel_loop3A_248, %parallel_loop3A_297 : i32
      %parallel_loop3A_299 = arith.constant 0 : i32
      %parallel_loop3A_300 = arith.addi %parallel_loop3A_299, %parallel_loop3A_298 : i32
      %parallel_loop3A_301 = arith.index_cast %parallel_loop3A_300 : i32 to index
      %parallel_loop3A_302 = tpu.vector_load %arg9[%parallel_loop3A_301] {strides = array<i32>} : memref<4096xi32, #tpu.memory_space<vmem>>, vector<16xi32>,
      tpu.vector_store %arg9[%parallel_loop3A_301], %parallel_loop3A_296 {strides = array<i32>} : memref<4096xi32, #tpu.memory_space<vmem>>, vector<16xi32>,
      %parallel_loop3A_303 = arith.constant 0 : i32
      %parallel_loop3A_304 = arith.constant 2 : i32
      %parallel_loop3A_305 = arith.constant 8 : i32
      %parallel_loop3A_306 = arith.muli %parallel_loop3A_180, %parallel_loop3A_305 : i32
      %parallel_loop3A_307 = arith.addi %parallel_loop3A_306, %parallel_loop3A_304 : i32
      %parallel_loop3A_308 = arith.constant 16 : i32
      %parallel_loop3A_309 = arith.muli %parallel_loop3A_304, %parallel_loop3A_308 : i32
      %parallel_loop3A_310 = arith.index_cast %parallel_loop3A_184 : i32 to index
      %parallel_loop3A_311 = arith.index_cast %parallel_loop3A_309 : i32 to index
      %parallel_loop3A_312 = tpu.vector_load %arg6[%parallel_loop3A_310, %parallel_loop3A_311] {strides = array<i32>} : memref<64x128xf32, #tpu.memory_space<vmem>>, vector<16xf32>,
      %parallel_loop3A_313 = arith.constant 1 : i32
      %parallel_loop3A_314 = arith.addi %parallel_loop3A_184, %parallel_loop3A_313 : i32
      %parallel_loop3A_315 = arith.constant 16 : i32
      %parallel_loop3A_316 = arith.muli %parallel_loop3A_304, %parallel_loop3A_315 : i32
      %parallel_loop3A_317 = arith.index_cast %parallel_loop3A_314 : i32 to index
      %parallel_loop3A_318 = arith.index_cast %parallel_loop3A_316 : i32 to index
      %parallel_loop3A_319 = tpu.vector_load %arg6[%parallel_loop3A_317, %parallel_loop3A_318] {strides = array<i32>} : memref<64x128xf32, #tpu.memory_space<vmem>>, vector<16xf32>,
      %parallel_loop3A_320 = arith.constant 5.120000e+02 : f32
      %parallel_loop3A_321 = vector.broadcast %parallel_loop3A_320 : f32 to vector<16xf32>
      %parallel_loop3A_322 = arith.mulf %parallel_loop3A_312, %parallel_loop3A_321 : vector<16xf32>
      %parallel_loop3A_323 = arith.constant 5.000000e-01 : f32
      %parallel_loop3A_324 = vector.broadcast %parallel_loop3A_323 : f32 to vector<16xf32>
      %parallel_loop3A_325 = arith.addf %parallel_loop3A_322, %parallel_loop3A_324 : vector<16xf32>
      %parallel_loop3A_326 = arith.constant 5.120000e+02 : f32
      %parallel_loop3A_327 = vector.broadcast %parallel_loop3A_326 : f32 to vector<16xf32>
      %parallel_loop3A_328 = arith.mulf %parallel_loop3A_319, %parallel_loop3A_327 : vector<16xf32>
      %parallel_loop3A_329 = arith.constant 5.000000e-01 : f32
      %parallel_loop3A_330 = vector.broadcast %parallel_loop3A_329 : f32 to vector<16xf32>
      %parallel_loop3A_331 = arith.addf %parallel_loop3A_328, %parallel_loop3A_330 : vector<16xf32>
      %parallel_loop3A_332 = arith.fptosi %parallel_loop3A_325 : vector<16xf32> to vector<16xi32>
      %parallel_loop3A_333 = arith.fptosi %parallel_loop3A_331 : vector<16xf32> to vector<16xi32>
      %parallel_loop3A_334 = arith.sitofp %parallel_loop3A_332 : vector<16xi32> to vector<16xf32>
      %parallel_loop3A_335 = arith.subf %parallel_loop3A_325, %parallel_loop3A_334 : vector<16xf32>
      %parallel_loop3A_336 = arith.sitofp %parallel_loop3A_333 : vector<16xi32> to vector<16xf32>
      %parallel_loop3A_337 = arith.subf %parallel_loop3A_331, %parallel_loop3A_336 : vector<16xf32>
      %parallel_loop3A_338 = arith.constant 16 : i32
      %parallel_loop3A_339 = arith.muli %parallel_loop3A_307, %parallel_loop3A_338 : i32
      %parallel_loop3A_340 = arith.constant 0 : i32
      %parallel_loop3A_341 = arith.addi %parallel_loop3A_340, %parallel_loop3A_339 : i32
      %parallel_loop3A_342 = arith.index_cast %parallel_loop3A_341 : i32 to index
      %parallel_loop3A_343 = tpu.vector_load %arg7[%parallel_loop3A_342] {strides = array<i32>} : memref<4096xf32, #tpu.memory_space<vmem>>, vector<16xf32>,
      tpu.vector_store %arg7[%parallel_loop3A_342], %parallel_loop3A_335 {strides = array<i32>} : memref<4096xf32, #tpu.memory_space<vmem>>, vector<16xf32>,
      %parallel_loop3A_344 = arith.constant 16 : i32
      %parallel_loop3A_345 = arith.muli %parallel_loop3A_307, %parallel_loop3A_344 : i32
      %parallel_loop3A_346 = arith.constant 0 : i32
      %parallel_loop3A_347 = arith.addi %parallel_loop3A_346, %parallel_loop3A_345 : i32
      %parallel_loop3A_348 = arith.index_cast %parallel_loop3A_347 : i32 to index
      %parallel_loop3A_349 = tpu.vector_load %arg8[%parallel_loop3A_348] {strides = array<i32>} : memref<4096xf32, #tpu.memory_space<vmem>>, vector<16xf32>,
      tpu.vector_store %arg8[%parallel_loop3A_348], %parallel_loop3A_337 {strides = array<i32>} : memref<4096xf32, #tpu.memory_space<vmem>>, vector<16xf32>,
      %parallel_loop3A_350 = arith.constant 513 : i32
      %parallel_loop3A_351 = vector.broadcast %parallel_loop3A_350 : i32 to vector<16xi32>
      %parallel_loop3A_352 = arith.muli %parallel_loop3A_332, %parallel_loop3A_351 : vector<16xi32>
      %parallel_loop3A_353 = arith.addi %parallel_loop3A_352, %parallel_loop3A_333 : vector<16xi32>
      %parallel_loop3A_354 = vector.broadcast %mul3A_2 : i32 to vector<16xi32>
      %parallel_loop3A_355 = arith.addi %parallel_loop3A_353, %parallel_loop3A_354 : vector<16xi32>
      %parallel_loop3A_356 = arith.constant 16 : i32
      %parallel_loop3A_357 = arith.muli %parallel_loop3A_307, %parallel_loop3A_356 : i32
      %parallel_loop3A_358 = arith.constant 0 : i32
      %parallel_loop3A_359 = arith.addi %parallel_loop3A_358, %parallel_loop3A_357 : i32
      %parallel_loop3A_360 = arith.index_cast %parallel_loop3A_359 : i32 to index
      %parallel_loop3A_361 = tpu.vector_load %arg9[%parallel_loop3A_360] {strides = array<i32>} : memref<4096xi32, #tpu.memory_space<vmem>>, vector<16xi32>,
      tpu.vector_store %arg9[%parallel_loop3A_360], %parallel_loop3A_355 {strides = array<i32>} : memref<4096xi32, #tpu.memory_space<vmem>>, vector<16xi32>,
      %parallel_loop3A_362 = arith.constant 0 : i32
      %parallel_loop3A_363 = arith.constant 3 : i32
      %parallel_loop3A_364 = arith.constant 8 : i32
      %parallel_loop3A_365 = arith.muli %parallel_loop3A_180, %parallel_loop3A_364 : i32
      %parallel_loop3A_366 = arith.addi %parallel_loop3A_365, %parallel_loop3A_363 : i32
      %parallel_loop3A_367 = arith.constant 16 : i32
      %parallel_loop3A_368 = arith.muli %parallel_loop3A_363, %parallel_loop3A_367 : i32
      %parallel_loop3A_369 = arith.index_cast %parallel_loop3A_184 : i32 to index
      %parallel_loop3A_370 = arith.index_cast %parallel_loop3A_368 : i32 to index
      %parallel_loop3A_371 = tpu.vector_load %arg6[%parallel_loop3A_369, %parallel_loop3A_370] {strides = array<i32>} : memref<64x128xf32, #tpu.memory_space<vmem>>, vector<16xf32>,
      %parallel_loop3A_372 = arith.constant 1 : i32
      %parallel_loop3A_373 = arith.addi %parallel_loop3A_184, %parallel_loop3A_372 : i32
      %parallel_loop3A_374 = arith.constant 16 : i32
      %parallel_loop3A_375 = arith.muli %parallel_loop3A_363, %parallel_loop3A_374 : i32
      %parallel_loop3A_376 = arith.index_cast %parallel_loop3A_373 : i32 to index
      %parallel_loop3A_377 = arith.index_cast %parallel_loop3A_375 : i32 to index
      %parallel_loop3A_378 = tpu.vector_load %arg6[%parallel_loop3A_376, %parallel_loop3A_377] {strides = array<i32>} : memref<64x128xf32, #tpu.memory_space<vmem>>, vector<16xf32>,
      %parallel_loop3A_379 = arith.constant 5.120000e+02 : f32
      %parallel_loop3A_380 = vector.broadcast %parallel_loop3A_379 : f32 to vector<16xf32>
      %parallel_loop3A_381 = arith.mulf %parallel_loop3A_371, %parallel_loop3A_380 : vector<16xf32>
      %parallel_loop3A_382 = arith.constant 5.000000e-01 : f32
      %parallel_loop3A_383 = vector.broadcast %parallel_loop3A_382 : f32 to vector<16xf32>
      %parallel_loop3A_384 = arith.addf %parallel_loop3A_381, %parallel_loop3A_383 : vector<16xf32>
      %parallel_loop3A_385 = arith.constant 5.120000e+02 : f32
      %parallel_loop3A_386 = vector.broadcast %parallel_loop3A_385 : f32 to vector<16xf32>
      %parallel_loop3A_387 = arith.mulf %parallel_loop3A_378, %parallel_loop3A_386 : vector<16xf32>
      %parallel_loop3A_388 = arith.constant 5.000000e-01 : f32
      %parallel_loop3A_389 = vector.broadcast %parallel_loop3A_388 : f32 to vector<16xf32>
      %parallel_loop3A_390 = arith.addf %parallel_loop3A_387, %parallel_loop3A_389 : vector<16xf32>
      %parallel_loop3A_391 = arith.fptosi %parallel_loop3A_384 : vector<16xf32> to vector<16xi32>
      %parallel_loop3A_392 = arith.fptosi %parallel_loop3A_390 : vector<16xf32> to vector<16xi32>
      %parallel_loop3A_393 = arith.sitofp %parallel_loop3A_391 : vector<16xi32> to vector<16xf32>
      %parallel_loop3A_394 = arith.subf %parallel_loop3A_384, %parallel_loop3A_393 : vector<16xf32>
      %parallel_loop3A_395 = arith.sitofp %parallel_loop3A_392 : vector<16xi32> to vector<16xf32>
      %parallel_loop3A_396 = arith.subf %parallel_loop3A_390, %parallel_loop3A_395 : vector<16xf32>
      %parallel_loop3A_397 = arith.constant 16 : i32
      %parallel_loop3A_398 = arith.muli %parallel_loop3A_366, %parallel_loop3A_397 : i32
      %parallel_loop3A_399 = arith.constant 0 : i32
      %parallel_loop3A_400 = arith.addi %parallel_loop3A_399, %parallel_loop3A_398 : i32
      %parallel_loop3A_401 = arith.index_cast %parallel_loop3A_400 : i32 to index
      %parallel_loop3A_402 = tpu.vector_load %arg7[%parallel_loop3A_401] {strides = array<i32>} : memref<4096xf32, #tpu.memory_space<vmem>>, vector<16xf32>,
      tpu.vector_store %arg7[%parallel_loop3A_401], %parallel_loop3A_394 {strides = array<i32>} : memref<4096xf32, #tpu.memory_space<vmem>>, vector<16xf32>,
      %parallel_loop3A_403 = arith.constant 16 : i32
      %parallel_loop3A_404 = arith.muli %parallel_loop3A_366, %parallel_loop3A_403 : i32
      %parallel_loop3A_405 = arith.constant 0 : i32
      %parallel_loop3A_406 = arith.addi %parallel_loop3A_405, %parallel_loop3A_404 : i32
      %parallel_loop3A_407 = arith.index_cast %parallel_loop3A_406 : i32 to index
      %parallel_loop3A_408 = tpu.vector_load %arg8[%parallel_loop3A_407] {strides = array<i32>} : memref<4096xf32, #tpu.memory_space<vmem>>, vector<16xf32>,
      tpu.vector_store %arg8[%parallel_loop3A_407], %parallel_loop3A_396 {strides = array<i32>} : memref<4096xf32, #tpu.memory_space<vmem>>, vector<16xf32>,
      %parallel_loop3A_409 = arith.constant 513 : i32
      %parallel_loop3A_410 = vector.broadcast %parallel_loop3A_409 : i32 to vector<16xi32>
      %parallel_loop3A_411 = arith.muli %parallel_loop3A_391, %parallel_loop3A_410 : vector<16xi32>
      %parallel_loop3A_412 = arith.addi %parallel_loop3A_411, %parallel_loop3A_392 : vector<16xi32>
      %parallel_loop3A_413 = vector.broadcast %mul3A_2 : i32 to vector<16xi32>
      %parallel_loop3A_414 = arith.addi %parallel_loop3A_412, %parallel_loop3A_413 : vector<16xi32>
      %parallel_loop3A_415 = arith.constant 16 : i32
      %parallel_loop3A_416 = arith.muli %parallel_loop3A_366, %parallel_loop3A_415 : i32
      %parallel_loop3A_417 = arith.constant 0 : i32
      %parallel_loop3A_418 = arith.addi %parallel_loop3A_417, %parallel_loop3A_416 : i32
      %parallel_loop3A_419 = arith.index_cast %parallel_loop3A_418 : i32 to index
      %parallel_loop3A_420 = tpu.vector_load %arg9[%parallel_loop3A_419] {strides = array<i32>} : memref<4096xi32, #tpu.memory_space<vmem>>, vector<16xi32>,
      tpu.vector_store %arg9[%parallel_loop3A_419], %parallel_loop3A_414 {strides = array<i32>} : memref<4096xi32, #tpu.memory_space<vmem>>, vector<16xi32>,
      %parallel_loop3A_421 = arith.constant 0 : i32
      %parallel_loop3A_422 = arith.constant 4 : i32
      %parallel_loop3A_423 = arith.constant 8 : i32
      %parallel_loop3A_424 = arith.muli %parallel_loop3A_180, %parallel_loop3A_423 : i32
      %parallel_loop3A_425 = arith.addi %parallel_loop3A_424, %parallel_loop3A_422 : i32
      %parallel_loop3A_426 = arith.constant 16 : i32
      %parallel_loop3A_427 = arith.muli %parallel_loop3A_422, %parallel_loop3A_426 : i32
      %parallel_loop3A_428 = arith.index_cast %parallel_loop3A_184 : i32 to index
      %parallel_loop3A_429 = arith.index_cast %parallel_loop3A_427 : i32 to index
      %parallel_loop3A_430 = tpu.vector_load %arg6[%parallel_loop3A_428, %parallel_loop3A_429] {strides = array<i32>} : memref<64x128xf32, #tpu.memory_space<vmem>>, vector<16xf32>,
      %parallel_loop3A_431 = arith.constant 1 : i32
      %parallel_loop3A_432 = arith.addi %parallel_loop3A_184, %parallel_loop3A_431 : i32
      %parallel_loop3A_433 = arith.constant 16 : i32
      %parallel_loop3A_434 = arith.muli %parallel_loop3A_422, %parallel_loop3A_433 : i32
      %parallel_loop3A_435 = arith.index_cast %parallel_loop3A_432 : i32 to index
      %parallel_loop3A_436 = arith.index_cast %parallel_loop3A_434 : i32 to index
      %parallel_loop3A_437 = tpu.vector_load %arg6[%parallel_loop3A_435, %parallel_loop3A_436] {strides = array<i32>} : memref<64x128xf32, #tpu.memory_space<vmem>>, vector<16xf32>,
      %parallel_loop3A_438 = arith.constant 5.120000e+02 : f32
      %parallel_loop3A_439 = vector.broadcast %parallel_loop3A_438 : f32 to vector<16xf32>
      %parallel_loop3A_440 = arith.mulf %parallel_loop3A_430, %parallel_loop3A_439 : vector<16xf32>
      %parallel_loop3A_441 = arith.constant 5.000000e-01 : f32
      %parallel_loop3A_442 = vector.broadcast %parallel_loop3A_441 : f32 to vector<16xf32>
      %parallel_loop3A_443 = arith.addf %parallel_loop3A_440, %parallel_loop3A_442 : vector<16xf32>
      %parallel_loop3A_444 = arith.constant 5.120000e+02 : f32
      %parallel_loop3A_445 = vector.broadcast %parallel_loop3A_444 : f32 to vector<16xf32>
      %parallel_loop3A_446 = arith.mulf %parallel_loop3A_437, %parallel_loop3A_445 : vector<16xf32>
      %parallel_loop3A_447 = arith.constant 5.000000e-01 : f32
      %parallel_loop3A_448 = vector.broadcast %parallel_loop3A_447 : f32 to vector<16xf32>
      %parallel_loop3A_449 = arith.addf %parallel_loop3A_446, %parallel_loop3A_448 : vector<16xf32>
      %parallel_loop3A_450 = arith.fptosi %parallel_loop3A_443 : vector<16xf32> to vector<16xi32>
      %parallel_loop3A_451 = arith.fptosi %parallel_loop3A_449 : vector<16xf32> to vector<16xi32>
      %parallel_loop3A_452 = arith.sitofp %parallel_loop3A_450 : vector<16xi32> to vector<16xf32>
      %parallel_loop3A_453 = arith.subf %parallel_loop3A_443, %parallel_loop3A_452 : vector<16xf32>
      %parallel_loop3A_454 = arith.sitofp %parallel_loop3A_451 : vector<16xi32> to vector<16xf32>
      %parallel_loop3A_455 = arith.subf %parallel_loop3A_449, %parallel_loop3A_454 : vector<16xf32>
      %parallel_loop3A_456 = arith.constant 16 : i32
      %parallel_loop3A_457 = arith.muli %parallel_loop3A_425, %parallel_loop3A_456 : i32
      %parallel_loop3A_458 = arith.constant 0 : i32
      %parallel_loop3A_459 = arith.addi %parallel_loop3A_458, %parallel_loop3A_457 : i32
      %parallel_loop3A_460 = arith.index_cast %parallel_loop3A_459 : i32 to index
      %parallel_loop3A_461 = tpu.vector_load %arg7[%parallel_loop3A_460] {strides = array<i32>} : memref<4096xf32, #tpu.memory_space<vmem>>, vector<16xf32>,
      tpu.vector_store %arg7[%parallel_loop3A_460], %parallel_loop3A_453 {strides = array<i32>} : memref<4096xf32, #tpu.memory_space<vmem>>, vector<16xf32>,
      %parallel_loop3A_462 = arith.constant 16 : i32
      %parallel_loop3A_463 = arith.muli %parallel_loop3A_425, %parallel_loop3A_462 : i32
      %parallel_loop3A_464 = arith.constant 0 : i32
      %parallel_loop3A_465 = arith.addi %parallel_loop3A_464, %parallel_loop3A_463 : i32
      %parallel_loop3A_466 = arith.index_cast %parallel_loop3A_465 : i32 to index
      %parallel_loop3A_467 = tpu.vector_load %arg8[%parallel_loop3A_466] {strides = array<i32>} : memref<4096xf32, #tpu.memory_space<vmem>>, vector<16xf32>,
      tpu.vector_store %arg8[%parallel_loop3A_466], %parallel_loop3A_455 {strides = array<i32>} : memref<4096xf32, #tpu.memory_space<vmem>>, vector<16xf32>,
      %parallel_loop3A_468 = arith.constant 513 : i32
      %parallel_loop3A_469 = vector.broadcast %parallel_loop3A_468 : i32 to vector<16xi32>
      %parallel_loop3A_470 = arith.muli %parallel_loop3A_450, %parallel_loop3A_469 : vector<16xi32>
      %parallel_loop3A_471 = arith.addi %parallel_loop3A_470, %parallel_loop3A_451 : vector<16xi32>
      %parallel_loop3A_472 = vector.broadcast %mul3A_2 : i32 to vector<16xi32>
      %parallel_loop3A_473 = arith.addi %parallel_loop3A_471, %parallel_loop3A_472 : vector<16xi32>
      %parallel_loop3A_474 = arith.constant 16 : i32
      %parallel_loop3A_475 = arith.muli %parallel_loop3A_425, %parallel_loop3A_474 : i32
      %parallel_loop3A_476 = arith.constant 0 : i32
      %parallel_loop3A_477 = arith.addi %parallel_loop3A_476, %parallel_loop3A_475 : i32
      %parallel_loop3A_478 = arith.index_cast %parallel_loop3A_477 : i32 to index
      %parallel_loop3A_479 = tpu.vector_load %arg9[%parallel_loop3A_478] {strides = array<i32>} : memref<4096xi32, #tpu.memory_space<vmem>>, vector<16xi32>,
      tpu.vector_store %arg9[%parallel_loop3A_478], %parallel_loop3A_473 {strides = array<i32>} : memref<4096xi32, #tpu.memory_space<vmem>>, vector<16xi32>,
      %parallel_loop3A_480 = arith.constant 0 : i32
      %parallel_loop3A_481 = arith.constant 5 : i32
      %parallel_loop3A_482 = arith.constant 8 : i32
      %parallel_loop3A_483 = arith.muli %parallel_loop3A_180, %parallel_loop3A_482 : i32
      %parallel_loop3A_484 = arith.addi %parallel_loop3A_483, %parallel_loop3A_481 : i32
      %parallel_loop3A_485 = arith.constant 16 : i32
      %parallel_loop3A_486 = arith.muli %parallel_loop3A_481, %parallel_loop3A_485 : i32
      %parallel_loop3A_487 = arith.index_cast %parallel_loop3A_184 : i32 to index
      %parallel_loop3A_488 = arith.index_cast %parallel_loop3A_486 : i32 to index
      %parallel_loop3A_489 = tpu.vector_load %arg6[%parallel_loop3A_487, %parallel_loop3A_488] {strides = array<i32>} : memref<64x128xf32, #tpu.memory_space<vmem>>, vector<16xf32>,
      %parallel_loop3A_490 = arith.constant 1 : i32
      %parallel_loop3A_491 = arith.addi %parallel_loop3A_184, %parallel_loop3A_490 : i32
      %parallel_loop3A_492 = arith.constant 16 : i32
      %parallel_loop3A_493 = arith.muli %parallel_loop3A_481, %parallel_loop3A_492 : i32
      %parallel_loop3A_494 = arith.index_cast %parallel_loop3A_491 : i32 to index
      %parallel_loop3A_495 = arith.index_cast %parallel_loop3A_493 : i32 to index
      %parallel_loop3A_496 = tpu.vector_load %arg6[%parallel_loop3A_494, %parallel_loop3A_495] {strides = array<i32>} : memref<64x128xf32, #tpu.memory_space<vmem>>, vector<16xf32>,
      %parallel_loop3A_497 = arith.constant 5.120000e+02 : f32
      %parallel_loop3A_498 = vector.broadcast %parallel_loop3A_497 : f32 to vector<16xf32>
      %parallel_loop3A_499 = arith.mulf %parallel_loop3A_489, %parallel_loop3A_498 : vector<16xf32>
      %parallel_loop3A_500 = arith.constant 5.000000e-01 : f32
      %parallel_loop3A_501 = vector.broadcast %parallel_loop3A_500 : f32 to vector<16xf32>
      %parallel_loop3A_502 = arith.addf %parallel_loop3A_499, %parallel_loop3A_501 : vector<16xf32>
      %parallel_loop3A_503 = arith.constant 5.120000e+02 : f32
      %parallel_loop3A_504 = vector.broadcast %parallel_loop3A_503 : f32 to vector<16xf32>
      %parallel_loop3A_505 = arith.mulf %parallel_loop3A_496, %parallel_loop3A_504 : vector<16xf32>
      %parallel_loop3A_506 = arith.constant 5.000000e-01 : f32
      %parallel_loop3A_507 = vector.broadcast %parallel_loop3A_506 : f32 to vector<16xf32>
      %parallel_loop3A_508 = arith.addf %parallel_loop3A_505, %parallel_loop3A_507 : vector<16xf32>
      %parallel_loop3A_509 = arith.fptosi %parallel_loop3A_502 : vector<16xf32> to vector<16xi32>
      %parallel_loop3A_510 = arith.fptosi %parallel_loop3A_508 : vector<16xf32> to vector<16xi32>
      %parallel_loop3A_511 = arith.sitofp %parallel_loop3A_509 : vector<16xi32> to vector<16xf32>
      %parallel_loop3A_512 = arith.subf %parallel_loop3A_502, %parallel_loop3A_511 : vector<16xf32>
      %parallel_loop3A_513 = arith.sitofp %parallel_loop3A_510 : vector<16xi32> to vector<16xf32>
      %parallel_loop3A_514 = arith.subf %parallel_loop3A_508, %parallel_loop3A_513 : vector<16xf32>
      %parallel_loop3A_515 = arith.constant 16 : i32
      %parallel_loop3A_516 = arith.muli %parallel_loop3A_484, %parallel_loop3A_515 : i32
      %parallel_loop3A_517 = arith.constant 0 : i32
      %parallel_loop3A_518 = arith.addi %parallel_loop3A_517, %parallel_loop3A_516 : i32
      %parallel_loop3A_519 = arith.index_cast %parallel_loop3A_518 : i32 to index
      %parallel_loop3A_520 = tpu.vector_load %arg7[%parallel_loop3A_519] {strides = array<i32>} : memref<4096xf32, #tpu.memory_space<vmem>>, vector<16xf32>,
      tpu.vector_store %arg7[%parallel_loop3A_519], %parallel_loop3A_512 {strides = array<i32>} : memref<4096xf32, #tpu.memory_space<vmem>>, vector<16xf32>,
      %parallel_loop3A_521 = arith.constant 16 : i32
      %parallel_loop3A_522 = arith.muli %parallel_loop3A_484, %parallel_loop3A_521 : i32
      %parallel_loop3A_523 = arith.constant 0 : i32
      %parallel_loop3A_524 = arith.addi %parallel_loop3A_523, %parallel_loop3A_522 : i32
      %parallel_loop3A_525 = arith.index_cast %parallel_loop3A_524 : i32 to index
      %parallel_loop3A_526 = tpu.vector_load %arg8[%parallel_loop3A_525] {strides = array<i32>} : memref<4096xf32, #tpu.memory_space<vmem>>, vector<16xf32>,
      tpu.vector_store %arg8[%parallel_loop3A_525], %parallel_loop3A_514 {strides = array<i32>} : memref<4096xf32, #tpu.memory_space<vmem>>, vector<16xf32>,
      %parallel_loop3A_527 = arith.constant 513 : i32
      %parallel_loop3A_528 = vector.broadcast %parallel_loop3A_527 : i32 to vector<16xi32>
      %parallel_loop3A_529 = arith.muli %parallel_loop3A_509, %parallel_loop3A_528 : vector<16xi32>
      %parallel_loop3A_530 = arith.addi %parallel_loop3A_529, %parallel_loop3A_510 : vector<16xi32>
      %parallel_loop3A_531 = vector.broadcast %mul3A_2 : i32 to vector<16xi32>
      %parallel_loop3A_532 = arith.addi %parallel_loop3A_530, %parallel_loop3A_531 : vector<16xi32>
      %parallel_loop3A_533 = arith.constant 16 : i32
      %parallel_loop3A_534 = arith.muli %parallel_loop3A_484, %parallel_loop3A_533 : i32
      %parallel_loop3A_535 = arith.constant 0 : i32
      %parallel_loop3A_536 = arith.addi %parallel_loop3A_535, %parallel_loop3A_534 : i32
      %parallel_loop3A_537 = arith.index_cast %parallel_loop3A_536 : i32 to index
      %parallel_loop3A_538 = tpu.vector_load %arg9[%parallel_loop3A_537] {strides = array<i32>} : memref<4096xi32, #tpu.memory_space<vmem>>, vector<16xi32>,
      tpu.vector_store %arg9[%parallel_loop3A_537], %parallel_loop3A_532 {strides = array<i32>} : memref<4096xi32, #tpu.memory_space<vmem>>, vector<16xi32>,
      %parallel_loop3A_539 = arith.constant 0 : i32
      %parallel_loop3A_540 = arith.constant 6 : i32
      %parallel_loop3A_541 = arith.constant 8 : i32
      %parallel_loop3A_542 = arith.muli %parallel_loop3A_180, %parallel_loop3A_541 : i32
      %parallel_loop3A_543 = arith.addi %parallel_loop3A_542, %parallel_loop3A_540 : i32
      %parallel_loop3A_544 = arith.constant 16 : i32
      %parallel_loop3A_545 = arith.muli %parallel_loop3A_540, %parallel_loop3A_544 : i32
      %parallel_loop3A_546 = arith.index_cast %parallel_loop3A_184 : i32 to index
      %parallel_loop3A_547 = arith.index_cast %parallel_loop3A_545 : i32 to index
      %parallel_loop3A_548 = tpu.vector_load %arg6[%parallel_loop3A_546, %parallel_loop3A_547] {strides = array<i32>} : memref<64x128xf32, #tpu.memory_space<vmem>>, vector<16xf32>,
      %parallel_loop3A_549 = arith.constant 1 : i32
      %parallel_loop3A_550 = arith.addi %parallel_loop3A_184, %parallel_loop3A_549 : i32
      %parallel_loop3A_551 = arith.constant 16 : i32
      %parallel_loop3A_552 = arith.muli %parallel_loop3A_540, %parallel_loop3A_551 : i32
      %parallel_loop3A_553 = arith.index_cast %parallel_loop3A_550 : i32 to index
      %parallel_loop3A_554 = arith.index_cast %parallel_loop3A_552 : i32 to index
      %parallel_loop3A_555 = tpu.vector_load %arg6[%parallel_loop3A_553, %parallel_loop3A_554] {strides = array<i32>} : memref<64x128xf32, #tpu.memory_space<vmem>>, vector<16xf32>,
      %parallel_loop3A_556 = arith.constant 5.120000e+02 : f32
      %parallel_loop3A_557 = vector.broadcast %parallel_loop3A_556 : f32 to vector<16xf32>
      %parallel_loop3A_558 = arith.mulf %parallel_loop3A_548, %parallel_loop3A_557 : vector<16xf32>
      %parallel_loop3A_559 = arith.constant 5.000000e-01 : f32
      %parallel_loop3A_560 = vector.broadcast %parallel_loop3A_559 : f32 to vector<16xf32>
      %parallel_loop3A_561 = arith.addf %parallel_loop3A_558, %parallel_loop3A_560 : vector<16xf32>
      %parallel_loop3A_562 = arith.constant 5.120000e+02 : f32
      %parallel_loop3A_563 = vector.broadcast %parallel_loop3A_562 : f32 to vector<16xf32>
      %parallel_loop3A_564 = arith.mulf %parallel_loop3A_555, %parallel_loop3A_563 : vector<16xf32>
      %parallel_loop3A_565 = arith.constant 5.000000e-01 : f32
      %parallel_loop3A_566 = vector.broadcast %parallel_loop3A_565 : f32 to vector<16xf32>
      %parallel_loop3A_567 = arith.addf %parallel_loop3A_564, %parallel_loop3A_566 : vector<16xf32>
      %parallel_loop3A_568 = arith.fptosi %parallel_loop3A_561 : vector<16xf32> to vector<16xi32>
      %parallel_loop3A_569 = arith.fptosi %parallel_loop3A_567 : vector<16xf32> to vector<16xi32>
      %parallel_loop3A_570 = arith.sitofp %parallel_loop3A_568 : vector<16xi32> to vector<16xf32>
      %parallel_loop3A_571 = arith.subf %parallel_loop3A_561, %parallel_loop3A_570 : vector<16xf32>
      %parallel_loop3A_572 = arith.sitofp %parallel_loop3A_569 : vector<16xi32> to vector<16xf32>
      %parallel_loop3A_573 = arith.subf %parallel_loop3A_567, %parallel_loop3A_572 : vector<16xf32>
      %parallel_loop3A_574 = arith.constant 16 : i32
      %parallel_loop3A_575 = arith.muli %parallel_loop3A_543, %parallel_loop3A_574 : i32
      %parallel_loop3A_576 = arith.constant 0 : i32
      %parallel_loop3A_577 = arith.addi %parallel_loop3A_576, %parallel_loop3A_575 : i32
      %parallel_loop3A_578 = arith.index_cast %parallel_loop3A_577 : i32 to index
      %parallel_loop3A_579 = tpu.vector_load %arg7[%parallel_loop3A_578] {strides = array<i32>} : memref<4096xf32, #tpu.memory_space<vmem>>, vector<16xf32>,
      tpu.vector_store %arg7[%parallel_loop3A_578], %parallel_loop3A_571 {strides = array<i32>} : memref<4096xf32, #tpu.memory_space<vmem>>, vector<16xf32>,
      %parallel_loop3A_580 = arith.constant 16 : i32
      %parallel_loop3A_581 = arith.muli %parallel_loop3A_543, %parallel_loop3A_580 : i32
      %parallel_loop3A_582 = arith.constant 0 : i32
      %parallel_loop3A_583 = arith.addi %parallel_loop3A_582, %parallel_loop3A_581 : i32
      %parallel_loop3A_584 = arith.index_cast %parallel_loop3A_583 : i32 to index
      %parallel_loop3A_585 = tpu.vector_load %arg8[%parallel_loop3A_584] {strides = array<i32>} : memref<4096xf32, #tpu.memory_space<vmem>>, vector<16xf32>,
      tpu.vector_store %arg8[%parallel_loop3A_584], %parallel_loop3A_573 {strides = array<i32>} : memref<4096xf32, #tpu.memory_space<vmem>>, vector<16xf32>,
      %parallel_loop3A_586 = arith.constant 513 : i32
      %parallel_loop3A_587 = vector.broadcast %parallel_loop3A_586 : i32 to vector<16xi32>
      %parallel_loop3A_588 = arith.muli %parallel_loop3A_568, %parallel_loop3A_587 : vector<16xi32>
      %parallel_loop3A_589 = arith.addi %parallel_loop3A_588, %parallel_loop3A_569 : vector<16xi32>
      %parallel_loop3A_590 = vector.broadcast %mul3A_2 : i32 to vector<16xi32>
      %parallel_loop3A_591 = arith.addi %parallel_loop3A_589, %parallel_loop3A_590 : vector<16xi32>
      %parallel_loop3A_592 = arith.constant 16 : i32
      %parallel_loop3A_593 = arith.muli %parallel_loop3A_543, %parallel_loop3A_592 : i32
      %parallel_loop3A_594 = arith.constant 0 : i32
      %parallel_loop3A_595 = arith.addi %parallel_loop3A_594, %parallel_loop3A_593 : i32
      %parallel_loop3A_596 = arith.index_cast %parallel_loop3A_595 : i32 to index
      %parallel_loop3A_597 = tpu.vector_load %arg9[%parallel_loop3A_596] {strides = array<i32>} : memref<4096xi32, #tpu.memory_space<vmem>>, vector<16xi32>,
      tpu.vector_store %arg9[%parallel_loop3A_596], %parallel_loop3A_591 {strides = array<i32>} : memref<4096xi32, #tpu.memory_space<vmem>>, vector<16xi32>,
      %parallel_loop3A_598 = arith.constant 0 : i32
      %parallel_loop3A_599 = arith.constant 7 : i32
      %parallel_loop3A_600 = arith.constant 8 : i32
      %parallel_loop3A_601 = arith.muli %parallel_loop3A_180, %parallel_loop3A_600 : i32
      %parallel_loop3A_602 = arith.addi %parallel_loop3A_601, %parallel_loop3A_599 : i32
      %parallel_loop3A_603 = arith.constant 16 : i32
      %parallel_loop3A_604 = arith.muli %parallel_loop3A_599, %parallel_loop3A_603 : i32
      %parallel_loop3A_605 = arith.index_cast %parallel_loop3A_184 : i32 to index
      %parallel_loop3A_606 = arith.index_cast %parallel_loop3A_604 : i32 to index
      %parallel_loop3A_607 = tpu.vector_load %arg6[%parallel_loop3A_605, %parallel_loop3A_606] {strides = array<i32>} : memref<64x128xf32, #tpu.memory_space<vmem>>, vector<16xf32>,
      %parallel_loop3A_608 = arith.constant 1 : i32
      %parallel_loop3A_609 = arith.addi %parallel_loop3A_184, %parallel_loop3A_608 : i32
      %parallel_loop3A_610 = arith.constant 16 : i32
      %parallel_loop3A_611 = arith.muli %parallel_loop3A_599, %parallel_loop3A_610 : i32
      %parallel_loop3A_612 = arith.index_cast %parallel_loop3A_609 : i32 to index
      %parallel_loop3A_613 = arith.index_cast %parallel_loop3A_611 : i32 to index
      %parallel_loop3A_614 = tpu.vector_load %arg6[%parallel_loop3A_612, %parallel_loop3A_613] {strides = array<i32>} : memref<64x128xf32, #tpu.memory_space<vmem>>, vector<16xf32>,
      %parallel_loop3A_615 = arith.constant 5.120000e+02 : f32
      %parallel_loop3A_616 = vector.broadcast %parallel_loop3A_615 : f32 to vector<16xf32>
      %parallel_loop3A_617 = arith.mulf %parallel_loop3A_607, %parallel_loop3A_616 : vector<16xf32>
      %parallel_loop3A_618 = arith.constant 5.000000e-01 : f32
      %parallel_loop3A_619 = vector.broadcast %parallel_loop3A_618 : f32 to vector<16xf32>
      %parallel_loop3A_620 = arith.addf %parallel_loop3A_617, %parallel_loop3A_619 : vector<16xf32>
      %parallel_loop3A_621 = arith.constant 5.120000e+02 : f32
      %parallel_loop3A_622 = vector.broadcast %parallel_loop3A_621 : f32 to vector<16xf32>
      %parallel_loop3A_623 = arith.mulf %parallel_loop3A_614, %parallel_loop3A_622 : vector<16xf32>
      %parallel_loop3A_624 = arith.constant 5.000000e-01 : f32
      %parallel_loop3A_625 = vector.broadcast %parallel_loop3A_624 : f32 to vector<16xf32>
      %parallel_loop3A_626 = arith.addf %parallel_loop3A_623, %parallel_loop3A_625 : vector<16xf32>
      %parallel_loop3A_627 = arith.fptosi %parallel_loop3A_620 : vector<16xf32> to vector<16xi32>
      %parallel_loop3A_628 = arith.fptosi %parallel_loop3A_626 : vector<16xf32> to vector<16xi32>
      %parallel_loop3A_629 = arith.sitofp %parallel_loop3A_627 : vector<16xi32> to vector<16xf32>
      %parallel_loop3A_630 = arith.subf %parallel_loop3A_620, %parallel_loop3A_629 : vector<16xf32>
      %parallel_loop3A_631 = arith.sitofp %parallel_loop3A_628 : vector<16xi32> to vector<16xf32>
      %parallel_loop3A_632 = arith.subf %parallel_loop3A_626, %parallel_loop3A_631 : vector<16xf32>
      %parallel_loop3A_633 = arith.constant 16 : i32
      %parallel_loop3A_634 = arith.muli %parallel_loop3A_602, %parallel_loop3A_633 : i32
      %parallel_loop3A_635 = arith.constant 0 : i32
      %parallel_loop3A_636 = arith.addi %parallel_loop3A_635, %parallel_loop3A_634 : i32
      %parallel_loop3A_637 = arith.index_cast %parallel_loop3A_636 : i32 to index
      %parallel_loop3A_638 = tpu.vector_load %arg7[%parallel_loop3A_637] {strides = array<i32>} : memref<4096xf32, #tpu.memory_space<vmem>>, vector<16xf32>,
      tpu.vector_store %arg7[%parallel_loop3A_637], %parallel_loop3A_630 {strides = array<i32>} : memref<4096xf32, #tpu.memory_space<vmem>>, vector<16xf32>,
      %parallel_loop3A_639 = arith.constant 16 : i32
      %parallel_loop3A_640 = arith.muli %parallel_loop3A_602, %parallel_loop3A_639 : i32
      %parallel_loop3A_641 = arith.constant 0 : i32
      %parallel_loop3A_642 = arith.addi %parallel_loop3A_641, %parallel_loop3A_640 : i32
      %parallel_loop3A_643 = arith.index_cast %parallel_loop3A_642 : i32 to index
      %parallel_loop3A_644 = tpu.vector_load %arg8[%parallel_loop3A_643] {strides = array<i32>} : memref<4096xf32, #tpu.memory_space<vmem>>, vector<16xf32>,
      tpu.vector_store %arg8[%parallel_loop3A_643], %parallel_loop3A_632 {strides = array<i32>} : memref<4096xf32, #tpu.memory_space<vmem>>, vector<16xf32>,
      %parallel_loop3A_645 = arith.constant 513 : i32
      %parallel_loop3A_646 = vector.broadcast %parallel_loop3A_645 : i32 to vector<16xi32>
      %parallel_loop3A_647 = arith.muli %parallel_loop3A_627, %parallel_loop3A_646 : vector<16xi32>
      %parallel_loop3A_648 = arith.addi %parallel_loop3A_647, %parallel_loop3A_628 : vector<16xi32>
      %parallel_loop3A_649 = vector.broadcast %mul3A_2 : i32 to vector<16xi32>
      %parallel_loop3A_650 = arith.addi %parallel_loop3A_648, %parallel_loop3A_649 : vector<16xi32>
      %parallel_loop3A_651 = arith.constant 16 : i32
      %parallel_loop3A_652 = arith.muli %parallel_loop3A_602, %parallel_loop3A_651 : i32
      %parallel_loop3A_653 = arith.constant 0 : i32
      %parallel_loop3A_654 = arith.addi %parallel_loop3A_653, %parallel_loop3A_652 : i32
      %parallel_loop3A_655 = arith.index_cast %parallel_loop3A_654 : i32 to index
      %parallel_loop3A_656 = tpu.vector_load %arg9[%parallel_loop3A_655] {strides = array<i32>} : memref<4096xi32, #tpu.memory_space<vmem>>, vector<16xi32>,
      tpu.vector_store %arg9[%parallel_loop3A_655], %parallel_loop3A_650 {strides = array<i32>} : memref<4096xi32, #tpu.memory_space<vmem>>, vector<16xi32>,
      %parallel_loop3A_657 = arith.constant 0 : i32
      %parallel_loop3A_658 = arith.constant 8 : i32
      %parallel_loop3A_659 = arith.constant 128 : i32
      %parallel_loop3A_660 = arith.muli %parallel_loop3A_180, %parallel_loop3A_659 : i32
      %parallel_loop3A_661 = arith.constant 0 : i32
      %parallel_loop3A_662 = arith.addi %parallel_loop3A_661, %parallel_loop3A_660 : i32
      %parallel_loop3A_663 = arith.constant 128 : i32
      %parallel_loop3A_664 = arith.muli %parallel_loop3A_180, %parallel_loop3A_663 : i32
      %parallel_loop3A_665 = arith.constant 0 : i32
      %parallel_loop3A_666 = arith.addi %parallel_loop3A_665, %parallel_loop3A_664 : i32
      %parallel_loop3A_667 = arith.constant 0 : i32
      %parallel_loop3A_668 = tpu.memref_slice %arg10[%parallel_loop3A_666, %parallel_loop3A_667] : memref<4096x16xf32, #tpu.memory_space<vmem>> -> memref<128x16xf32, #tpu.memory_space<vmem>>
      %parallel_loop3A_669 = tpu.memref_slice %arg9[%parallel_loop3A_662] : memref<4096xi32, #tpu.memory_space<vmem>> -> memref<128xi32, #tpu.memory_space<vmem>>
      %parallel_loop3A_670 = arith.constant 0 : i32
      %parallel_loop3A_671 = arith.constant 0 : i32
      %parallel_loop3A_672 = tpu.memref_slice %arg5[%parallel_loop3A_670, %parallel_loop3A_671] : memref<526338x16xf32, #tpu.memory_space<hbm>> -> memref<526338x16xf32, #tpu.memory_space<hbm>>
      tpu.enqueue_indirect_dma source(%parallel_loop3A_672 : memref<526338x16xf32, #tpu.memory_space<hbm>>) target(%parallel_loop3A_668 : memref<128x16xf32, #tpu.memory_space<vmem>>) offsets(%parallel_loop3A_669 : memref<128xi32, #tpu.memory_space<vmem>>) semaphore(%arg14 : memref<!tpu.dma_semaphore, #tpu.memory_space<semaphore_mem>>)
    } {sc.loop_unroll_factor = 1 : i64, sc.parallel_access}
    %mul3A_112 = arith.constant 131072 : i32
    %mul3A_113 = arith.muli %add3A, %mul3A_112 : i32
    %add3A_114 = arith.constant 4096 : i32
    %add3A_115 = arith.addi %mul3A_113, %add3A_114 : i32
    %jit3A_116 = arith.constant 64 : i32
    %div3A_117 = arith.divsi %add3A_115, %jit3A_116 : i32
    %sign3A_118 = arith.constant 0 : i32
    %sign3A_119 = arith.cmpi sgt, %add3A_115, %sign3A_118 : i32
    %sign3A_120 = arith.extui %sign3A_119 : i1 to i32
    %sign3A_121 = arith.constant 0 : i32
    %sign3A_122 = arith.cmpi slt, %add3A_115, %sign3A_121 : i32
    %sign3A_123 = arith.extui %sign3A_122 : i1 to i32
    %sign3A_124 = arith.subi %sign3A_120, %sign3A_123 : i32
    %sign3A_125 = arith.constant 0 : i32
    %sign3A_126 = arith.cmpi sgt, %jit3A_116, %sign3A_125 : i32
    %sign3A_127 = arith.extui %sign3A_126 : i1 to i32
    %sign3A_128 = arith.constant 0 : i32
    %sign3A_129 = arith.cmpi slt, %jit3A_116, %sign3A_128 : i32
    %sign3A_130 = arith.extui %sign3A_129 : i1 to i32
    %sign3A_131 = arith.subi %sign3A_127, %sign3A_130 : i32
    %ne3A_132 = arith.cmpi ne, %sign3A_124, %sign3A_131 : i32
    %rem3A_133 = arith.remsi %add3A_115, %jit3A_116 : i32
    %ne3A_134 = arith.constant 0 : i32
    %ne3A_135 = arith.cmpi ne, %rem3A_133, %ne3A_134 : i32
    %and3A_136 = arith.andi %ne3A_132, %ne3A_135 : i1
    %sub3A_137 = arith.constant 1 : i32
    %sub3A_138 = arith.subi %div3A_117, %sub3A_137 : i32
    %select_n3A_139 = arith.select %and3A_136, %sub3A_138, %div3A_117 : i32
    %dma_start3A_140 = arith.constant 0 : i32
    %dma_start3A_141 = arith.constant 0 : i32
    %dma_start3A_142 = tpu.memref_slice %arg6[%dma_start3A_140, %dma_start3A_141] : memref<64x128xf32, #tpu.memory_space<vmem>> -> memref<32x128xf32, #tpu.memory_space<vmem>>
    %dma_start3A_143 = arith.constant 0 : i32
    %dma_start3A_144 = tpu.memref_slice %arg2[%select_n3A_139, %dma_start3A_143] : memref<65536x128xf32, #tpu.memory_space<hbm>> -> memref<32x128xf32, #tpu.memory_space<hbm>>
    %dma_start3A_145 = arith.constant 0 : i32
    %dma_start3A_146 = arith.constant 0 : i32
    %dma_start3A_147 = tpu.memref_slice %arg6[%dma_start3A_145, %dma_start3A_146] : memref<64x128xf32, #tpu.memory_space<vmem>> -> memref<32x128xf32, #tpu.memory_space<vmem>>
    %dma_start3A_148 = arith.constant 0 : i32
    %dma_start3A_149 = tpu.memref_slice %arg2[%select_n3A_139, %dma_start3A_148] : memref<65536x128xf32, #tpu.memory_space<hbm>> -> memref<32x128xf32, #tpu.memory_space<hbm>>
    tpu.enqueue_dma source(%dma_start3A_149 : memref<32x128xf32, #tpu.memory_space<hbm>>) target(%dma_start3A_147 : memref<32x128xf32, #tpu.memory_space<vmem>>) target_semaphore(%arg18 : memref<!tpu.dma_semaphore, #tpu.memory_space<semaphore_mem>>)
    %scan3A = arith.constant 0 : i32
    %scan3A_150 = arith.constant 0 : i32
    %scan3A_151 = arith.constant 64 : i32
    %scan3A_152 = arith.addi %scan3A_150, %scan3A_151 : i32
    %scan3A_153 = arith.constant 1 : i32
    %scan3A_154 = scf.for %scan3A_180 = %scan3A_150 to %scan3A_152 step %scan3A_153 iter_args(%scan3A_181 = %scan3A) -> (i32)  : i32 {
      %add3A_182 = arith.constant 1 : i32
      %add3A_183 = arith.addi %scan3A_180, %add3A_182 : i32
      %and3A_184 = arith.constant 1 : i32
      %and3A_185 = arith.andi %add3A_183, %and3A_184 : i32
      %eq3A = arith.constant 1 : i32
      %eq3A_186 = arith.cmpi eq, %and3A_185, %eq3A : i32
      %and3A_187 = arith.constant 1 : i32
      %and3A_188 = arith.andi %scan3A_180, %and3A_187 : i32
      %eq3A_189 = arith.constant 1 : i32
      %eq3A_190 = arith.cmpi eq, %and3A_188, %eq3A_189 : i32
      %lt3A_191 = arith.constant 64 : i32
      %lt3A_192 = arith.cmpi slt, %add3A_183, %lt3A_191 : i32
      %not3A = arith.constant true
      %not3A_193 = arith.xori %eq3A_186, %not3A : i1
      %and3A_194 = arith.andi %lt3A_192, %not3A_193 : i1
      %convert_element_type3A_195 = arith.extui %and3A_194 : i1 to i32
      %cond3A_196 = arith.constant 0 : i32
      %cond3A_197 = arith.cmpi ne, %convert_element_type3A_195, %cond3A_196 : i32
      scf.if %cond3A_197 {
        %dma_wait3A_246 = arith.constant 0 : i32
        %dma_wait3A_247 = arith.constant 0 : i32
        %dma_wait3A_248 = tpu.memref_slice %arg6[%dma_wait3A_246, %dma_wait3A_247] : memref<64x128xf32, #tpu.memory_space<vmem>> -> memref<32x128xf32, #tpu.memory_space<vmem>>
        %dma_wait3A_249 = arith.constant 0 : i32
        %dma_wait3A_250 = arith.constant 0 : i32
        %dma_wait3A_251 = tpu.memref_slice %arg2[%dma_wait3A_249, %dma_wait3A_250] : memref<65536x128xf32, #tpu.memory_space<hbm>> -> memref<32x128xf32, #tpu.memory_space<hbm>>
        %dma_wait3A_252 = arith.constant 0 : i32
        %dma_wait3A_253 = arith.constant 0 : i32
        %dma_wait3A_254 = tpu.memref_slice %arg6[%dma_wait3A_252, %dma_wait3A_253] : memref<64x128xf32, #tpu.memory_space<vmem>> -> memref<32x128xf32, #tpu.memory_space<vmem>>
        %dma_wait3A_255 = arith.constant 0 : i32
        %dma_wait3A_256 = arith.constant 0 : i32
        %dma_wait3A_257 = tpu.memref_slice %arg2[%dma_wait3A_255, %dma_wait3A_256] : memref<65536x128xf32, #tpu.memory_space<hbm>> -> memref<32x128xf32, #tpu.memory_space<hbm>>
        tpu.wait_dma2 semaphore(%arg18 : memref<!tpu.dma_semaphore, #tpu.memory_space<semaphore_mem>>) src(%dma_wait3A_257 : memref<32x128xf32, #tpu.memory_space<hbm>>) dst(%dma_wait3A_254 : memref<32x128xf32, #tpu.memory_space<vmem>>)
        %parallel_loop3A_258 = arith.constant 0 : i32
        %parallel_loop3A_259 = arith.constant 16 : i32
        %parallel_loop3A_260 = arith.constant 1 : i32
        scf.for %parallel_loop3A_268 = %parallel_loop3A_258 to %parallel_loop3A_259 step %parallel_loop3A_260  : i32 {
          %parallel_loop3A_269 = arith.constant 2 : i32
          %parallel_loop3A_270 = arith.muli %parallel_loop3A_269, %parallel_loop3A_268 : i32
          %parallel_loop3A_271 = arith.constant 0 : i32
          %parallel_loop3A_272 = arith.addi %parallel_loop3A_271, %parallel_loop3A_270 : i32
          %parallel_loop3A_273 = arith.constant 0 : i32
          %parallel_loop3A_274 = arith.constant 0 : i32
          %parallel_loop3A_275 = arith.constant 8 : i32
          %parallel_loop3A_276 = arith.muli %parallel_loop3A_268, %parallel_loop3A_275 : i32
          %parallel_loop3A_277 = arith.addi %parallel_loop3A_276, %parallel_loop3A_274 : i32
          %parallel_loop3A_278 = arith.constant 16 : i32
          %parallel_loop3A_279 = arith.muli %parallel_loop3A_274, %parallel_loop3A_278 : i32
          %parallel_loop3A_280 = arith.index_cast %parallel_loop3A_272 : i32 to index
          %parallel_loop3A_281 = arith.index_cast %parallel_loop3A_279 : i32 to index
          %parallel_loop3A_282 = tpu.vector_load %arg6[%parallel_loop3A_280, %parallel_loop3A_281] {strides = array<i32>} : memref<64x128xf32, #tpu.memory_space<vmem>>, vector<16xf32>,
          %parallel_loop3A_283 = arith.constant 1 : i32
          %parallel_loop3A_284 = arith.addi %parallel_loop3A_272, %parallel_loop3A_283 : i32
          %parallel_loop3A_285 = arith.constant 16 : i32
          %parallel_loop3A_286 = arith.muli %parallel_loop3A_274, %parallel_loop3A_285 : i32
          %parallel_loop3A_287 = arith.index_cast %parallel_loop3A_284 : i32 to index
          %parallel_loop3A_288 = arith.index_cast %parallel_loop3A_286 : i32 to index
          %parallel_loop3A_289 = tpu.vector_load %arg6[%parallel_loop3A_287, %parallel_loop3A_288] {strides = array<i32>} : memref<64x128xf32, #tpu.memory_space<vmem>>, vector<16xf32>,
          %parallel_loop3A_290 = arith.constant 5.120000e+02 : f32
          %parallel_loop3A_291 = vector.broadcast %parallel_loop3A_290 : f32 to vector<16xf32>
          %parallel_loop3A_292 = arith.mulf %parallel_loop3A_282, %parallel_loop3A_291 : vector<16xf32>
          %parallel_loop3A_293 = arith.constant 5.000000e-01 : f32
          %parallel_loop3A_294 = vector.broadcast %parallel_loop3A_293 : f32 to vector<16xf32>
          %parallel_loop3A_295 = arith.addf %parallel_loop3A_292, %parallel_loop3A_294 : vector<16xf32>
          %parallel_loop3A_296 = arith.constant 5.120000e+02 : f32
          %parallel_loop3A_297 = vector.broadcast %parallel_loop3A_296 : f32 to vector<16xf32>
          %parallel_loop3A_298 = arith.mulf %parallel_loop3A_289, %parallel_loop3A_297 : vector<16xf32>
          %parallel_loop3A_299 = arith.constant 5.000000e-01 : f32
          %parallel_loop3A_300 = vector.broadcast %parallel_loop3A_299 : f32 to vector<16xf32>
          %parallel_loop3A_301 = arith.addf %parallel_loop3A_298, %parallel_loop3A_300 : vector<16xf32>
          %parallel_loop3A_302 = arith.fptosi %parallel_loop3A_295 : vector<16xf32> to vector<16xi32>
          %parallel_loop3A_303 = arith.fptosi %parallel_loop3A_301 : vector<16xf32> to vector<16xi32>
          %parallel_loop3A_304 = arith.sitofp %parallel_loop3A_302 : vector<16xi32> to vector<16xf32>
          %parallel_loop3A_305 = arith.subf %parallel_loop3A_295, %parallel_loop3A_304 : vector<16xf32>
          %parallel_loop3A_306 = arith.sitofp %parallel_loop3A_303 : vector<16xi32> to vector<16xf32>
          %parallel_loop3A_307 = arith.subf %parallel_loop3A_301, %parallel_loop3A_306 : vector<16xf32>
          %parallel_loop3A_308 = arith.constant 16 : i32
          %parallel_loop3A_309 = arith.muli %parallel_loop3A_277, %parallel_loop3A_308 : i32
          %parallel_loop3A_310 = arith.constant 0 : i32
          %parallel_loop3A_311 = arith.addi %parallel_loop3A_310, %parallel_loop3A_309 : i32
          %parallel_loop3A_312 = arith.index_cast %parallel_loop3A_311 : i32 to index
          %parallel_loop3A_313 = tpu.vector_load %arg7[%parallel_loop3A_312] {strides = array<i32>} : memref<4096xf32, #tpu.memory_space<vmem>>, vector<16xf32>,
          tpu.vector_store %arg7[%parallel_loop3A_312], %parallel_loop3A_305 {strides = array<i32>} : memref<4096xf32, #tpu.memory_space<vmem>>, vector<16xf32>,
          %parallel_loop3A_314 = arith.constant 16 : i32
          %parallel_loop3A_315 = arith.muli %parallel_loop3A_277, %parallel_loop3A_314 : i32
          %parallel_loop3A_316 = arith.constant 0 : i32
          %parallel_loop3A_317 = arith.addi %parallel_loop3A_316, %parallel_loop3A_315 : i32
          %parallel_loop3A_318 = arith.index_cast %parallel_loop3A_317 : i32 to index
          %parallel_loop3A_319 = tpu.vector_load %arg8[%parallel_loop3A_318] {strides = array<i32>} : memref<4096xf32, #tpu.memory_space<vmem>>, vector<16xf32>,
          tpu.vector_store %arg8[%parallel_loop3A_318], %parallel_loop3A_307 {strides = array<i32>} : memref<4096xf32, #tpu.memory_space<vmem>>, vector<16xf32>,
          %parallel_loop3A_320 = arith.constant 513 : i32
          %parallel_loop3A_321 = vector.broadcast %parallel_loop3A_320 : i32 to vector<16xi32>
          %parallel_loop3A_322 = arith.muli %parallel_loop3A_302, %parallel_loop3A_321 : vector<16xi32>
          %parallel_loop3A_323 = arith.addi %parallel_loop3A_322, %parallel_loop3A_303 : vector<16xi32>
          %parallel_loop3A_324 = vector.broadcast %mul3A_2 : i32 to vector<16xi32>
          %parallel_loop3A_325 = arith.addi %parallel_loop3A_323, %parallel_loop3A_324 : vector<16xi32>
          %parallel_loop3A_326 = arith.constant 16 : i32
          %parallel_loop3A_327 = arith.muli %parallel_loop3A_277, %parallel_loop3A_326 : i32
          %parallel_loop3A_328 = arith.constant 0 : i32
          %parallel_loop3A_329 = arith.addi %parallel_loop3A_328, %parallel_loop3A_327 : i32
          %parallel_loop3A_330 = arith.index_cast %parallel_loop3A_329 : i32 to index
          %parallel_loop3A_331 = tpu.vector_load %arg9[%parallel_loop3A_330] {strides = array<i32>} : memref<4096xi32, #tpu.memory_space<vmem>>, vector<16xi32>,
          tpu.vector_store %arg9[%parallel_loop3A_330], %parallel_loop3A_325 {strides = array<i32>} : memref<4096xi32, #tpu.memory_space<vmem>>, vector<16xi32>,
          %parallel_loop3A_332 = arith.constant 0 : i32
          %parallel_loop3A_333 = arith.constant 1 : i32
          %parallel_loop3A_334 = arith.constant 8 : i32
          %parallel_loop3A_335 = arith.muli %parallel_loop3A_268, %parallel_loop3A_334 : i32
          %parallel_loop3A_336 = arith.addi %parallel_loop3A_335, %parallel_loop3A_333 : i32
          %parallel_loop3A_337 = arith.constant 16 : i32
          %parallel_loop3A_338 = arith.muli %parallel_loop3A_333, %parallel_loop3A_337 : i32
          %parallel_loop3A_339 = arith.index_cast %parallel_loop3A_272 : i32 to index
          %parallel_loop3A_340 = arith.index_cast %parallel_loop3A_338 : i32 to index
          %parallel_loop3A_341 = tpu.vector_load %arg6[%parallel_loop3A_339, %parallel_loop3A_340] {strides = array<i32>} : memref<64x128xf32, #tpu.memory_space<vmem>>, vector<16xf32>,
          %parallel_loop3A_342 = arith.constant 1 : i32
          %parallel_loop3A_343 = arith.addi %parallel_loop3A_272, %parallel_loop3A_342 : i32
          %parallel_loop3A_344 = arith.constant 16 : i32
          %parallel_loop3A_345 = arith.muli %parallel_loop3A_333, %parallel_loop3A_344 : i32
          %parallel_loop3A_346 = arith.index_cast %parallel_loop3A_343 : i32 to index
          %parallel_loop3A_347 = arith.index_cast %parallel_loop3A_345 : i32 to index
          %parallel_loop3A_348 = tpu.vector_load %arg6[%parallel_loop3A_346, %parallel_loop3A_347] {strides = array<i32>} : memref<64x128xf32, #tpu.memory_space<vmem>>, vector<16xf32>,
          %parallel_loop3A_349 = arith.constant 5.120000e+02 : f32
          %parallel_loop3A_350 = vector.broadcast %parallel_loop3A_349 : f32 to vector<16xf32>
          %parallel_loop3A_351 = arith.mulf %parallel_loop3A_341, %parallel_loop3A_350 : vector<16xf32>
          %parallel_loop3A_352 = arith.constant 5.000000e-01 : f32
          %parallel_loop3A_353 = vector.broadcast %parallel_loop3A_352 : f32 to vector<16xf32>
          %parallel_loop3A_354 = arith.addf %parallel_loop3A_351, %parallel_loop3A_353 : vector<16xf32>
          %parallel_loop3A_355 = arith.constant 5.120000e+02 : f32
          %parallel_loop3A_356 = vector.broadcast %parallel_loop3A_355 : f32 to vector<16xf32>
          %parallel_loop3A_357 = arith.mulf %parallel_loop3A_348, %parallel_loop3A_356 : vector<16xf32>
          %parallel_loop3A_358 = arith.constant 5.000000e-01 : f32
          %parallel_loop3A_359 = vector.broadcast %parallel_loop3A_358 : f32 to vector<16xf32>
          %parallel_loop3A_360 = arith.addf %parallel_loop3A_357, %parallel_loop3A_359 : vector<16xf32>
          %parallel_loop3A_361 = arith.fptosi %parallel_loop3A_354 : vector<16xf32> to vector<16xi32>
          %parallel_loop3A_362 = arith.fptosi %parallel_loop3A_360 : vector<16xf32> to vector<16xi32>
          %parallel_loop3A_363 = arith.sitofp %parallel_loop3A_361 : vector<16xi32> to vector<16xf32>
          %parallel_loop3A_364 = arith.subf %parallel_loop3A_354, %parallel_loop3A_363 : vector<16xf32>
          %parallel_loop3A_365 = arith.sitofp %parallel_loop3A_362 : vector<16xi32> to vector<16xf32>
          %parallel_loop3A_366 = arith.subf %parallel_loop3A_360, %parallel_loop3A_365 : vector<16xf32>
          %parallel_loop3A_367 = arith.constant 16 : i32
          %parallel_loop3A_368 = arith.muli %parallel_loop3A_336, %parallel_loop3A_367 : i32
          %parallel_loop3A_369 = arith.constant 0 : i32
          %parallel_loop3A_370 = arith.addi %parallel_loop3A_369, %parallel_loop3A_368 : i32
          %parallel_loop3A_371 = arith.index_cast %parallel_loop3A_370 : i32 to index
          %parallel_loop3A_372 = tpu.vector_load %arg7[%parallel_loop3A_371] {strides = array<i32>} : memref<4096xf32, #tpu.memory_space<vmem>>, vector<16xf32>,
          tpu.vector_store %arg7[%parallel_loop3A_371], %parallel_loop3A_364 {strides = array<i32>} : memref<4096xf32, #tpu.memory_space<vmem>>, vector<16xf32>,
          %parallel_loop3A_373 = arith.constant 16 : i32
          %parallel_loop3A_374 = arith.muli %parallel_loop3A_336, %parallel_loop3A_373 : i32
          %parallel_loop3A_375 = arith.constant 0 : i32
          %parallel_loop3A_376 = arith.addi %parallel_loop3A_375, %parallel_loop3A_374 : i32
          %parallel_loop3A_377 = arith.index_cast %parallel_loop3A_376 : i32 to index
          %parallel_loop3A_378 = tpu.vector_load %arg8[%parallel_loop3A_377] {strides = array<i32>} : memref<4096xf32, #tpu.memory_space<vmem>>, vector<16xf32>,
          tpu.vector_store %arg8[%parallel_loop3A_377], %parallel_loop3A_366 {strides = array<i32>} : memref<4096xf32, #tpu.memory_space<vmem>>, vector<16xf32>,
          %parallel_loop3A_379 = arith.constant 513 : i32
          %parallel_loop3A_380 = vector.broadcast %parallel_loop3A_379 : i32 to vector<16xi32>
          %parallel_loop3A_381 = arith.muli %parallel_loop3A_361, %parallel_loop3A_380 : vector<16xi32>
          %parallel_loop3A_382 = arith.addi %parallel_loop3A_381, %parallel_loop3A_362 : vector<16xi32>
          %parallel_loop3A_383 = vector.broadcast %mul3A_2 : i32 to vector<16xi32>
          %parallel_loop3A_384 = arith.addi %parallel_loop3A_382, %parallel_loop3A_383 : vector<16xi32>
          %parallel_loop3A_385 = arith.constant 16 : i32
          %parallel_loop3A_386 = arith.muli %parallel_loop3A_336, %parallel_loop3A_385 : i32
          %parallel_loop3A_387 = arith.constant 0 : i32
          %parallel_loop3A_388 = arith.addi %parallel_loop3A_387, %parallel_loop3A_386 : i32
          %parallel_loop3A_389 = arith.index_cast %parallel_loop3A_388 : i32 to index
          %parallel_loop3A_390 = tpu.vector_load %arg9[%parallel_loop3A_389] {strides = array<i32>} : memref<4096xi32, #tpu.memory_space<vmem>>, vector<16xi32>,
          tpu.vector_store %arg9[%parallel_loop3A_389], %parallel_loop3A_384 {strides = array<i32>} : memref<4096xi32, #tpu.memory_space<vmem>>, vector<16xi32>,
          %parallel_loop3A_391 = arith.constant 0 : i32
          %parallel_loop3A_392 = arith.constant 2 : i32
          %parallel_loop3A_393 = arith.constant 8 : i32
          %parallel_loop3A_394 = arith.muli %parallel_loop3A_268, %parallel_loop3A_393 : i32
          %parallel_loop3A_395 = arith.addi %parallel_loop3A_394, %parallel_loop3A_392 : i32
          %parallel_loop3A_396 = arith.constant 16 : i32
          %parallel_loop3A_397 = arith.muli %parallel_loop3A_392, %parallel_loop3A_396 : i32
          %parallel_loop3A_398 = arith.index_cast %parallel_loop3A_272 : i32 to index
          %parallel_loop3A_399 = arith.index_cast %parallel_loop3A_397 : i32 to index
          %parallel_loop3A_400 = tpu.vector_load %arg6[%parallel_loop3A_398, %parallel_loop3A_399] {strides = array<i32>} : memref<64x128xf32, #tpu.memory_space<vmem>>, vector<16xf32>,
          %parallel_loop3A_401 = arith.constant 1 : i32
          %parallel_loop3A_402 = arith.addi %parallel_loop3A_272, %parallel_loop3A_401 : i32
          %parallel_loop3A_403 = arith.constant 16 : i32
          %parallel_loop3A_404 = arith.muli %parallel_loop3A_392, %parallel_loop3A_403 : i32
          %parallel_loop3A_405 = arith.index_cast %parallel_loop3A_402 : i32 to index
          %parallel_loop3A_406 = arith.index_cast %parallel_loop3A_404 : i32 to index
          %parallel_loop3A_407 = tpu.vector_load %arg6[%parallel_loop3A_405, %parallel_loop3A_406] {strides = array<i32>} : memref<64x128xf32, #tpu.memory_space<vmem>>, vector<16xf32>,
          %parallel_loop3A_408 = arith.constant 5.120000e+02 : f32
          %parallel_loop3A_409 = vector.broadcast %parallel_loop3A_408 : f32 to vector<16xf32>
          %parallel_loop3A_410 = arith.mulf %parallel_loop3A_400, %parallel_loop3A_409 : vector<16xf32>
          %parallel_loop3A_411 = arith.constant 5.000000e-01 : f32
          %parallel_loop3A_412 = vector.broadcast %parallel_loop3A_411 : f32 to vector<16xf32>
          %parallel_loop3A_413 = arith.addf %parallel_loop3A_410, %parallel_loop3A_412 : vector<16xf32>
          %parallel_loop3A_414 = arith.constant 5.120000e+02 : f32
          %parallel_loop3A_415 = vector.broadcast %parallel_loop3A_414 : f32 to vector<16xf32>
          %parallel_loop3A_416 = arith.mulf %parallel_loop3A_407, %parallel_loop3A_415 : vector<16xf32>
          %parallel_loop3A_417 = arith.constant 5.000000e-01 : f32
          %parallel_loop3A_418 = vector.broadcast %parallel_loop3A_417 : f32 to vector<16xf32>
          %parallel_loop3A_419 = arith.addf %parallel_loop3A_416, %parallel_loop3A_418 : vector<16xf32>
          %parallel_loop3A_420 = arith.fptosi %parallel_loop3A_413 : vector<16xf32> to vector<16xi32>
          %parallel_loop3A_421 = arith.fptosi %parallel_loop3A_419 : vector<16xf32> to vector<16xi32>
          %parallel_loop3A_422 = arith.sitofp %parallel_loop3A_420 : vector<16xi32> to vector<16xf32>
          %parallel_loop3A_423 = arith.subf %parallel_loop3A_413, %parallel_loop3A_422 : vector<16xf32>
          %parallel_loop3A_424 = arith.sitofp %parallel_loop3A_421 : vector<16xi32> to vector<16xf32>
          %parallel_loop3A_425 = arith.subf %parallel_loop3A_419, %parallel_loop3A_424 : vector<16xf32>
          %parallel_loop3A_426 = arith.constant 16 : i32
          %parallel_loop3A_427 = arith.muli %parallel_loop3A_395, %parallel_loop3A_426 : i32
          %parallel_loop3A_428 = arith.constant 0 : i32
          %parallel_loop3A_429 = arith.addi %parallel_loop3A_428, %parallel_loop3A_427 : i32
          %parallel_loop3A_430 = arith.index_cast %parallel_loop3A_429 : i32 to index
          %parallel_loop3A_431 = tpu.vector_load %arg7[%parallel_loop3A_430] {strides = array<i32>} : memref<4096xf32, #tpu.memory_space<vmem>>, vector<16xf32>,
          tpu.vector_store %arg7[%parallel_loop3A_430], %parallel_loop3A_423 {strides = array<i32>} : memref<4096xf32, #tpu.memory_space<vmem>>, vector<16xf32>,
          %parallel_loop3A_432 = arith.constant 16 : i32
          %parallel_loop3A_433 = arith.muli %parallel_loop3A_395, %parallel_loop3A_432 : i32
          %parallel_loop3A_434 = arith.constant 0 : i32
          %parallel_loop3A_435 = arith.addi %parallel_loop3A_434, %parallel_loop3A_433 : i32
          %parallel_loop3A_436 = arith.index_cast %parallel_loop3A_435 : i32 to index
          %parallel_loop3A_437 = tpu.vector_load %arg8[%parallel_loop3A_436] {strides = array<i32>} : memref<4096xf32, #tpu.memory_space<vmem>>, vector<16xf32>,
          tpu.vector_store %arg8[%parallel_loop3A_436], %parallel_loop3A_425 {strides = array<i32>} : memref<4096xf32, #tpu.memory_space<vmem>>, vector<16xf32>,
          %parallel_loop3A_438 = arith.constant 513 : i32
          %parallel_loop3A_439 = vector.broadcast %parallel_loop3A_438 : i32 to vector<16xi32>
          %parallel_loop3A_440 = arith.muli %parallel_loop3A_420, %parallel_loop3A_439 : vector<16xi32>
          %parallel_loop3A_441 = arith.addi %parallel_loop3A_440, %parallel_loop3A_421 : vector<16xi32>
          %parallel_loop3A_442 = vector.broadcast %mul3A_2 : i32 to vector<16xi32>
          %parallel_loop3A_443 = arith.addi %parallel_loop3A_441, %parallel_loop3A_442 : vector<16xi32>
          %parallel_loop3A_444 = arith.constant 16 : i32
          %parallel_loop3A_445 = arith.muli %parallel_loop3A_395, %parallel_loop3A_444 : i32
          %parallel_loop3A_446 = arith.constant 0 : i32
          %parallel_loop3A_447 = arith.addi %parallel_loop3A_446, %parallel_loop3A_445 : i32
          %parallel_loop3A_448 = arith.index_cast %parallel_loop3A_447 : i32 to index
          %parallel_loop3A_449 = tpu.vector_load %arg9[%parallel_loop3A_448] {strides = array<i32>} : memref<4096xi32, #tpu.memory_space<vmem>>, vector<16xi32>,
          tpu.vector_store %arg9[%parallel_loop3A_448], %parallel_loop3A_443 {strides = array<i32>} : memref<4096xi32, #tpu.memory_space<vmem>>, vector<16xi32>,
          %parallel_loop3A_450 = arith.constant 0 : i32
          %parallel_loop3A_451 = arith.constant 3 : i32
          %parallel_loop3A_452 = arith.constant 8 : i32
          %parallel_loop3A_453 = arith.muli %parallel_loop3A_268, %parallel_loop3A_452 : i32
          %parallel_loop3A_454 = arith.addi %parallel_loop3A_453, %parallel_loop3A_451 : i32
          %parallel_loop3A_455 = arith.constant 16 : i32
          %parallel_loop3A_456 = arith.muli %parallel_loop3A_451, %parallel_loop3A_455 : i32
          %parallel_loop3A_457 = arith.index_cast %parallel_loop3A_272 : i32 to index
          %parallel_loop3A_458 = arith.index_cast %parallel_loop3A_456 : i32 to index
          %parallel_loop3A_459 = tpu.vector_load %arg6[%parallel_loop3A_457, %parallel_loop3A_458] {strides = array<i32>} : memref<64x128xf32, #tpu.memory_space<vmem>>, vector<16xf32>,
          %parallel_loop3A_460 = arith.constant 1 : i32
          %parallel_loop3A_461 = arith.addi %parallel_loop3A_272, %parallel_loop3A_460 : i32
          %parallel_loop3A_462 = arith.constant 16 : i32
          %parallel_loop3A_463 = arith.muli %parallel_loop3A_451, %parallel_loop3A_462 : i32
          %parallel_loop3A_464 = arith.index_cast %parallel_loop3A_461 : i32 to index
          %parallel_loop3A_465 = arith.index_cast %parallel_loop3A_463 : i32 to index
          %parallel_loop3A_466 = tpu.vector_load %arg6[%parallel_loop3A_464, %parallel_loop3A_465] {strides = array<i32>} : memref<64x128xf32, #tpu.memory_space<vmem>>, vector<16xf32>,
          %parallel_loop3A_467 = arith.constant 5.120000e+02 : f32
          %parallel_loop3A_468 = vector.broadcast %parallel_loop3A_467 : f32 to vector<16xf32>
          %parallel_loop3A_469 = arith.mulf %parallel_loop3A_459, %parallel_loop3A_468 : vector<16xf32>
          %parallel_loop3A_470 = arith.constant 5.000000e-01 : f32
          %parallel_loop3A_471 = vector.broadcast %parallel_loop3A_470 : f32 to vector<16xf32>
          %parallel_loop3A_472 = arith.addf %parallel_loop3A_469, %parallel_loop3A_471 : vector<16xf32>
          %parallel_loop3A_473 = arith.constant 5.120000e+02 : f32
          %parallel_loop3A_474 = vector.broadcast %parallel_loop3A_473 : f32 to vector<16xf32>
          %parallel_loop3A_475 = arith.mulf %parallel_loop3A_466, %parallel_loop3A_474 : vector<16xf32>
          %parallel_loop3A_476 = arith.constant 5.000000e-01 : f32
          %parallel_loop3A_477 = vector.broadcast %parallel_loop3A_476 : f32 to vector<16xf32>
          %parallel_loop3A_478 = arith.addf %parallel_loop3A_475, %parallel_loop3A_477 : vector<16xf32>
          %parallel_loop3A_479 = arith.fptosi %parallel_loop3A_472 : vector<16xf32> to vector<16xi32>
          %parallel_loop3A_480 = arith.fptosi %parallel_loop3A_478 : vector<16xf32> to vector<16xi32>
          %parallel_loop3A_481 = arith.sitofp %parallel_loop3A_479 : vector<16xi32> to vector<16xf32>
          %parallel_loop3A_482 = arith.subf %parallel_loop3A_472, %parallel_loop3A_481 : vector<16xf32>
          %parallel_loop3A_483 = arith.sitofp %parallel_loop3A_480 : vector<16xi32> to vector<16xf32>
          %parallel_loop3A_484 = arith.subf %parallel_loop3A_478, %parallel_loop3A_483 : vector<16xf32>
          %parallel_loop3A_485 = arith.constant 16 : i32
          %parallel_loop3A_486 = arith.muli %parallel_loop3A_454, %parallel_loop3A_485 : i32
          %parallel_loop3A_487 = arith.constant 0 : i32
          %parallel_loop3A_488 = arith.addi %parallel_loop3A_487, %parallel_loop3A_486 : i32
          %parallel_loop3A_489 = arith.index_cast %parallel_loop3A_488 : i32 to index
          %parallel_loop3A_490 = tpu.vector_load %arg7[%parallel_loop3A_489] {strides = array<i32>} : memref<4096xf32, #tpu.memory_space<vmem>>, vector<16xf32>,
          tpu.vector_store %arg7[%parallel_loop3A_489], %parallel_loop3A_482 {strides = array<i32>} : memref<4096xf32, #tpu.memory_space<vmem>>, vector<16xf32>,
          %parallel_loop3A_491 = arith.constant 16 : i32
          %parallel_loop3A_492 = arith.muli %parallel_loop3A_454, %parallel_loop3A_491 : i32
          %parallel_loop3A_493 = arith.constant 0 : i32
          %parallel_loop3A_494 = arith.addi %parallel_loop3A_493, %parallel_loop3A_492 : i32
          %parallel_loop3A_495 = arith.index_cast %parallel_loop3A_494 : i32 to index
          %parallel_loop3A_496 = tpu.vector_load %arg8[%parallel_loop3A_495] {strides = array<i32>} : memref<4096xf32, #tpu.memory_space<vmem>>, vector<16xf32>,
          tpu.vector_store %arg8[%parallel_loop3A_495], %parallel_loop3A_484 {strides = array<i32>} : memref<4096xf32, #tpu.memory_space<vmem>>, vector<16xf32>,
          %parallel_loop3A_497 = arith.constant 513 : i32
          %parallel_loop3A_498 = vector.broadcast %parallel_loop3A_497 : i32 to vector<16xi32>
          %parallel_loop3A_499 = arith.muli %parallel_loop3A_479, %parallel_loop3A_498 : vector<16xi32>
          %parallel_loop3A_500 = arith.addi %parallel_loop3A_499, %parallel_loop3A_480 : vector<16xi32>
          %parallel_loop3A_501 = vector.broadcast %mul3A_2 : i32 to vector<16xi32>
          %parallel_loop3A_502 = arith.addi %parallel_loop3A_500, %parallel_loop3A_501 : vector<16xi32>
          %parallel_loop3A_503 = arith.constant 16 : i32
          %parallel_loop3A_504 = arith.muli %parallel_loop3A_454, %parallel_loop3A_503 : i32
          %parallel_loop3A_505 = arith.constant 0 : i32
          %parallel_loop3A_506 = arith.addi %parallel_loop3A_505, %parallel_loop3A_504 : i32
          %parallel_loop3A_507 = arith.index_cast %parallel_loop3A_506 : i32 to index
          %parallel_loop3A_508 = tpu.vector_load %arg9[%parallel_loop3A_507] {strides = array<i32>} : memref<4096xi32, #tpu.memory_space<vmem>>, vector<16xi32>,
          tpu.vector_store %arg9[%parallel_loop3A_507], %parallel_loop3A_502 {strides = array<i32>} : memref<4096xi32, #tpu.memory_space<vmem>>, vector<16xi32>,
          %parallel_loop3A_509 = arith.constant 0 : i32
          %parallel_loop3A_510 = arith.constant 4 : i32
          %parallel_loop3A_511 = arith.constant 8 : i32
          %parallel_loop3A_512 = arith.muli %parallel_loop3A_268, %parallel_loop3A_511 : i32
          %parallel_loop3A_513 = arith.addi %parallel_loop3A_512, %parallel_loop3A_510 : i32
          %parallel_loop3A_514 = arith.constant 16 : i32
          %parallel_loop3A_515 = arith.muli %parallel_loop3A_510, %parallel_loop3A_514 : i32
          %parallel_loop3A_516 = arith.index_cast %parallel_loop3A_272 : i32 to index
          %parallel_loop3A_517 = arith.index_cast %parallel_loop3A_515 : i32 to index
          %parallel_loop3A_518 = tpu.vector_load %arg6[%parallel_loop3A_516, %parallel_loop3A_517] {strides = array<i32>} : memref<64x128xf32, #tpu.memory_space<vmem>>, vector<16xf32>,
          %parallel_loop3A_519 = arith.constant 1 : i32
          %parallel_loop3A_520 = arith.addi %parallel_loop3A_272, %parallel_loop3A_519 : i32
          %parallel_loop3A_521 = arith.constant 16 : i32
          %parallel_loop3A_522 = arith.muli %parallel_loop3A_510, %parallel_loop3A_521 : i32
          %parallel_loop3A_523 = arith.index_cast %parallel_loop3A_520 : i32 to index
          %parallel_loop3A_524 = arith.index_cast %parallel_loop3A_522 : i32 to index
          %parallel_loop3A_525 = tpu.vector_load %arg6[%parallel_loop3A_523, %parallel_loop3A_524] {strides = array<i32>} : memref<64x128xf32, #tpu.memory_space<vmem>>, vector<16xf32>,
          %parallel_loop3A_526 = arith.constant 5.120000e+02 : f32
          %parallel_loop3A_527 = vector.broadcast %parallel_loop3A_526 : f32 to vector<16xf32>
          %parallel_loop3A_528 = arith.mulf %parallel_loop3A_518, %parallel_loop3A_527 : vector<16xf32>
          %parallel_loop3A_529 = arith.constant 5.000000e-01 : f32
          %parallel_loop3A_530 = vector.broadcast %parallel_loop3A_529 : f32 to vector<16xf32>
          %parallel_loop3A_531 = arith.addf %parallel_loop3A_528, %parallel_loop3A_530 : vector<16xf32>
          %parallel_loop3A_532 = arith.constant 5.120000e+02 : f32
          %parallel_loop3A_533 = vector.broadcast %parallel_loop3A_532 : f32 to vector<16xf32>
          %parallel_loop3A_534 = arith.mulf %parallel_loop3A_525, %parallel_loop3A_533 : vector<16xf32>
          %parallel_loop3A_535 = arith.constant 5.000000e-01 : f32
          %parallel_loop3A_536 = vector.broadcast %parallel_loop3A_535 : f32 to vector<16xf32>
          %parallel_loop3A_537 = arith.addf %parallel_loop3A_534, %parallel_loop3A_536 : vector<16xf32>
          %parallel_loop3A_538 = arith.fptosi %parallel_loop3A_531 : vector<16xf32> to vector<16xi32>
          %parallel_loop3A_539 = arith.fptosi %parallel_loop3A_537 : vector<16xf32> to vector<16xi32>
          %parallel_loop3A_540 = arith.sitofp %parallel_loop3A_538 : vector<16xi32> to vector<16xf32>
          %parallel_loop3A_541 = arith.subf %parallel_loop3A_531, %parallel_loop3A_540 : vector<16xf32>
          %parallel_loop3A_542 = arith.sitofp %parallel_loop3A_539 : vector<16xi32> to vector<16xf32>
          %parallel_loop3A_543 = arith.subf %parallel_loop3A_537, %parallel_loop3A_542 : vector<16xf32>
          %parallel_loop3A_544 = arith.constant 16 : i32
          %parallel_loop3A_545 = arith.muli %parallel_loop3A_513, %parallel_loop3A_544 : i32
          %parallel_loop3A_546 = arith.constant 0 : i32
          %parallel_loop3A_547 = arith.addi %parallel_loop3A_546, %parallel_loop3A_545 : i32
          %parallel_loop3A_548 = arith.index_cast %parallel_loop3A_547 : i32 to index
          %parallel_loop3A_549 = tpu.vector_load %arg7[%parallel_loop3A_548] {strides = array<i32>} : memref<4096xf32, #tpu.memory_space<vmem>>, vector<16xf32>,
          tpu.vector_store %arg7[%parallel_loop3A_548], %parallel_loop3A_541 {strides = array<i32>} : memref<4096xf32, #tpu.memory_space<vmem>>, vector<16xf32>,
          %parallel_loop3A_550 = arith.constant 16 : i32
          %parallel_loop3A_551 = arith.muli %parallel_loop3A_513, %parallel_loop3A_550 : i32
          %parallel_loop3A_552 = arith.constant 0 : i32
          %parallel_loop3A_553 = arith.addi %parallel_loop3A_552, %parallel_loop3A_551 : i32
          %parallel_loop3A_554 = arith.index_cast %parallel_loop3A_553 : i32 to index
          %parallel_loop3A_555 = tpu.vector_load %arg8[%parallel_loop3A_554] {strides = array<i32>} : memref<4096xf32, #tpu.memory_space<vmem>>, vector<16xf32>,
          tpu.vector_store %arg8[%parallel_loop3A_554], %parallel_loop3A_543 {strides = array<i32>} : memref<4096xf32, #tpu.memory_space<vmem>>, vector<16xf32>,
          %parallel_loop3A_556 = arith.constant 513 : i32
          %parallel_loop3A_557 = vector.broadcast %parallel_loop3A_556 : i32 to vector<16xi32>
          %parallel_loop3A_558 = arith.muli %parallel_loop3A_538, %parallel_loop3A_557 : vector<16xi32>
          %parallel_loop3A_559 = arith.addi %parallel_loop3A_558, %parallel_loop3A_539 : vector<16xi32>
          %parallel_loop3A_560 = vector.broadcast %mul3A_2 : i32 to vector<16xi32>
          %parallel_loop3A_561 = arith.addi %parallel_loop3A_559, %parallel_loop3A_560 : vector<16xi32>
          %parallel_loop3A_562 = arith.constant 16 : i32
          %parallel_loop3A_563 = arith.muli %parallel_loop3A_513, %parallel_loop3A_562 : i32
          %parallel_loop3A_564 = arith.constant 0 : i32
          %parallel_loop3A_565 = arith.addi %parallel_loop3A_564, %parallel_loop3A_563 : i32
          %parallel_loop3A_566 = arith.index_cast %parallel_loop3A_565 : i32 to index
          %parallel_loop3A_567 = tpu.vector_load %arg9[%parallel_loop3A_566] {strides = array<i32>} : memref<4096xi32, #tpu.memory_space<vmem>>, vector<16xi32>,
          tpu.vector_store %arg9[%parallel_loop3A_566], %parallel_loop3A_561 {strides = array<i32>} : memref<4096xi32, #tpu.memory_space<vmem>>, vector<16xi32>,
          %parallel_loop3A_568 = arith.constant 0 : i32
          %parallel_loop3A_569 = arith.constant 5 : i32
          %parallel_loop3A_570 = arith.constant 8 : i32
          %parallel_loop3A_571 = arith.muli %parallel_loop3A_268, %parallel_loop3A_570 : i32
          %parallel_loop3A_572 = arith.addi %parallel_loop3A_571, %parallel_loop3A_569 : i32
          %parallel_loop3A_573 = arith.constant 16 : i32
          %parallel_loop3A_574 = arith.muli %parallel_loop3A_569, %parallel_loop3A_573 : i32
          %parallel_loop3A_575 = arith.index_cast %parallel_loop3A_272 : i32 to index
          %parallel_loop3A_576 = arith.index_cast %parallel_loop3A_574 : i32 to index
          %parallel_loop3A_577 = tpu.vector_load %arg6[%parallel_loop3A_575, %parallel_loop3A_576] {strides = array<i32>} : memref<64x128xf32, #tpu.memory_space<vmem>>, vector<16xf32>,
          %parallel_loop3A_578 = arith.constant 1 : i32
          %parallel_loop3A_579 = arith.addi %parallel_loop3A_272, %parallel_loop3A_578 : i32
          %parallel_loop3A_580 = arith.constant 16 : i32
          %parallel_loop3A_581 = arith.muli %parallel_loop3A_569, %parallel_loop3A_580 : i32
          %parallel_loop3A_582 = arith.index_cast %parallel_loop3A_579 : i32 to index
          %parallel_loop3A_583 = arith.index_cast %parallel_loop3A_581 : i32 to index
          %parallel_loop3A_584 = tpu.vector_load %arg6[%parallel_loop3A_582, %parallel_loop3A_583] {strides = array<i32>} : memref<64x128xf32, #tpu.memory_space<vmem>>, vector<16xf32>,
          %parallel_loop3A_585 = arith.constant 5.120000e+02 : f32
          %parallel_loop3A_586 = vector.broadcast %parallel_loop3A_585 : f32 to vector<16xf32>
          %parallel_loop3A_587 = arith.mulf %parallel_loop3A_577, %parallel_loop3A_586 : vector<16xf32>
          %parallel_loop3A_588 = arith.constant 5.000000e-01 : f32
          %parallel_loop3A_589 = vector.broadcast %parallel_loop3A_588 : f32 to vector<16xf32>
          %parallel_loop3A_590 = arith.addf %parallel_loop3A_587, %parallel_loop3A_589 : vector<16xf32>
          %parallel_loop3A_591 = arith.constant 5.120000e+02 : f32
          %parallel_loop3A_592 = vector.broadcast %parallel_loop3A_591 : f32 to vector<16xf32>
          %parallel_loop3A_593 = arith.mulf %parallel_loop3A_584, %parallel_loop3A_592 : vector<16xf32>
          %parallel_loop3A_594 = arith.constant 5.000000e-01 : f32
          %parallel_loop3A_595 = vector.broadcast %parallel_loop3A_594 : f32 to vector<16xf32>
          %parallel_loop3A_596 = arith.addf %parallel_loop3A_593, %parallel_loop3A_595 : vector<16xf32>
          %parallel_loop3A_597 = arith.fptosi %parallel_loop3A_590 : vector<16xf32> to vector<16xi32>
          %parallel_loop3A_598 = arith.fptosi %parallel_loop3A_596 : vector<16xf32> to vector<16xi32>
          %parallel_loop3A_599 = arith.sitofp %parallel_loop3A_597 : vector<16xi32> to vector<16xf32>
          %parallel_loop3A_600 = arith.subf %parallel_loop3A_590, %parallel_loop3A_599 : vector<16xf32>
          %parallel_loop3A_601 = arith.sitofp %parallel_loop3A_598 : vector<16xi32> to vector<16xf32>
          %parallel_loop3A_602 = arith.subf %parallel_loop3A_596, %parallel_loop3A_601 : vector<16xf32>
          %parallel_loop3A_603 = arith.constant 16 : i32
          %parallel_loop3A_604 = arith.muli %parallel_loop3A_572, %parallel_loop3A_603 : i32
          %parallel_loop3A_605 = arith.constant 0 : i32
          %parallel_loop3A_606 = arith.addi %parallel_loop3A_605, %parallel_loop3A_604 : i32
          %parallel_loop3A_607 = arith.index_cast %parallel_loop3A_606 : i32 to index
          %parallel_loop3A_608 = tpu.vector_load %arg7[%parallel_loop3A_607] {strides = array<i32>} : memref<4096xf32, #tpu.memory_space<vmem>>, vector<16xf32>,
          tpu.vector_store %arg7[%parallel_loop3A_607], %parallel_loop3A_600 {strides = array<i32>} : memref<4096xf32, #tpu.memory_space<vmem>>, vector<16xf32>,
          %parallel_loop3A_609 = arith.constant 16 : i32
          %parallel_loop3A_610 = arith.muli %parallel_loop3A_572, %parallel_loop3A_609 : i32
          %parallel_loop3A_611 = arith.constant 0 : i32
          %parallel_loop3A_612 = arith.addi %parallel_loop3A_611, %parallel_loop3A_610 : i32
          %parallel_loop3A_613 = arith.index_cast %parallel_loop3A_612 : i32 to index
          %parallel_loop3A_614 = tpu.vector_load %arg8[%parallel_loop3A_613] {strides = array<i32>} : memref<4096xf32, #tpu.memory_space<vmem>>, vector<16xf32>,
          tpu.vector_store %arg8[%parallel_loop3A_613], %parallel_loop3A_602 {strides = array<i32>} : memref<4096xf32, #tpu.memory_space<vmem>>, vector<16xf32>,
          %parallel_loop3A_615 = arith.constant 513 : i32
          %parallel_loop3A_616 = vector.broadcast %parallel_loop3A_615 : i32 to vector<16xi32>
          %parallel_loop3A_617 = arith.muli %parallel_loop3A_597, %parallel_loop3A_616 : vector<16xi32>
          %parallel_loop3A_618 = arith.addi %parallel_loop3A_617, %parallel_loop3A_598 : vector<16xi32>
          %parallel_loop3A_619 = vector.broadcast %mul3A_2 : i32 to vector<16xi32>
          %parallel_loop3A_620 = arith.addi %parallel_loop3A_618, %parallel_loop3A_619 : vector<16xi32>
          %parallel_loop3A_621 = arith.constant 16 : i32
          %parallel_loop3A_622 = arith.muli %parallel_loop3A_572, %parallel_loop3A_621 : i32
          %parallel_loop3A_623 = arith.constant 0 : i32
          %parallel_loop3A_624 = arith.addi %parallel_loop3A_623, %parallel_loop3A_622 : i32
          %parallel_loop3A_625 = arith.index_cast %parallel_loop3A_624 : i32 to index
          %parallel_loop3A_626 = tpu.vector_load %arg9[%parallel_loop3A_625] {strides = array<i32>} : memref<4096xi32, #tpu.memory_space<vmem>>, vector<16xi32>,
          tpu.vector_store %arg9[%parallel_loop3A_625], %parallel_loop3A_620 {strides = array<i32>} : memref<4096xi32, #tpu.memory_space<vmem>>, vector<16xi32>,
          %parallel_loop3A_627 = arith.constant 0 : i32
          %parallel_loop3A_628 = arith.constant 6 : i32
          %parallel_loop3A_629 = arith.constant 8 : i32
          %parallel_loop3A_630 = arith.muli %parallel_loop3A_268, %parallel_loop3A_629 : i32
          %parallel_loop3A_631 = arith.addi %parallel_loop3A_630, %parallel_loop3A_628 : i32
          %parallel_loop3A_632 = arith.constant 16 : i32
          %parallel_loop3A_633 = arith.muli %parallel_loop3A_628, %parallel_loop3A_632 : i32
          %parallel_loop3A_634 = arith.index_cast %parallel_loop3A_272 : i32 to index
          %parallel_loop3A_635 = arith.index_cast %parallel_loop3A_633 : i32 to index
          %parallel_loop3A_636 = tpu.vector_load %arg6[%parallel_loop3A_634, %parallel_loop3A_635] {strides = array<i32>} : memref<64x128xf32, #tpu.memory_space<vmem>>, vector<16xf32>,
          %parallel_loop3A_637 = arith.constant 1 : i32
          %parallel_loop3A_638 = arith.addi %parallel_loop3A_272, %parallel_loop3A_637 : i32
          %parallel_loop3A_639 = arith.constant 16 : i32
          %parallel_loop3A_640 = arith.muli %parallel_loop3A_628, %parallel_loop3A_639 : i32
          %parallel_loop3A_641 = arith.index_cast %parallel_loop3A_638 : i32 to index
          %parallel_loop3A_642 = arith.index_cast %parallel_loop3A_640 : i32 to index
          %parallel_loop3A_643 = tpu.vector_load %arg6[%parallel_loop3A_641, %parallel_loop3A_642] {strides = array<i32>} : memref<64x128xf32, #tpu.memory_space<vmem>>, vector<16xf32>,
          %parallel_loop3A_644 = arith.constant 5.120000e+02 : f32
          %parallel_loop3A_645 = vector.broadcast %parallel_loop3A_644 : f32 to vector<16xf32>
          %parallel_loop3A_646 = arith.mulf %parallel_loop3A_636, %parallel_loop3A_645 : vector<16xf32>
          %parallel_loop3A_647 = arith.constant 5.000000e-01 : f32
          %parallel_loop3A_648 = vector.broadcast %parallel_loop3A_647 : f32 to vector<16xf32>
          %parallel_loop3A_649 = arith.addf %parallel_loop3A_646, %parallel_loop3A_648 : vector<16xf32>
          %parallel_loop3A_650 = arith.constant 5.120000e+02 : f32
          %parallel_loop3A_651 = vector.broadcast %parallel_loop3A_650 : f32 to vector<16xf32>
          %parallel_loop3A_652 = arith.mulf %parallel_loop3A_643, %parallel_loop3A_651 : vector<16xf32>
          %parallel_loop3A_653 = arith.constant 5.000000e-01 : f32
          %parallel_loop3A_654 = vector.broadcast %parallel_loop3A_653 : f32 to vector<16xf32>
          %parallel_loop3A_655 = arith.addf %parallel_loop3A_652, %parallel_loop3A_654 : vector<16xf32>
          %parallel_loop3A_656 = arith.fptosi %parallel_loop3A_649 : vector<16xf32> to vector<16xi32>
          %parallel_loop3A_657 = arith.fptosi %parallel_loop3A_655 : vector<16xf32> to vector<16xi32>
          %parallel_loop3A_658 = arith.sitofp %parallel_loop3A_656 : vector<16xi32> to vector<16xf32>
          %parallel_loop3A_659 = arith.subf %parallel_loop3A_649, %parallel_loop3A_658 : vector<16xf32>
          %parallel_loop3A_660 = arith.sitofp %parallel_loop3A_657 : vector<16xi32> to vector<16xf32>
          %parallel_loop3A_661 = arith.subf %parallel_loop3A_655, %parallel_loop3A_660 : vector<16xf32>
          %parallel_loop3A_662 = arith.constant 16 : i32
          %parallel_loop3A_663 = arith.muli %parallel_loop3A_631, %parallel_loop3A_662 : i32
          %parallel_loop3A_664 = arith.constant 0 : i32
          %parallel_loop3A_665 = arith.addi %parallel_loop3A_664, %parallel_loop3A_663 : i32
          %parallel_loop3A_666 = arith.index_cast %parallel_loop3A_665 : i32 to index
          %parallel_loop3A_667 = tpu.vector_load %arg7[%parallel_loop3A_666] {strides = array<i32>} : memref<4096xf32, #tpu.memory_space<vmem>>, vector<16xf32>,
          tpu.vector_store %arg7[%parallel_loop3A_666], %parallel_loop3A_659 {strides = array<i32>} : memref<4096xf32, #tpu.memory_space<vmem>>, vector<16xf32>,
          %parallel_loop3A_668 = arith.constant 16 : i32
          %parallel_loop3A_669 = arith.muli %parallel_loop3A_631, %parallel_loop3A_668 : i32
          %parallel_loop3A_670 = arith.constant 0 : i32
          %parallel_loop3A_671 = arith.addi %parallel_loop3A_670, %parallel_loop3A_669 : i32
          %parallel_loop3A_672 = arith.index_cast %parallel_loop3A_671 : i32 to index
          %parallel_loop3A_673 = tpu.vector_load %arg8[%parallel_loop3A_672] {strides = array<i32>} : memref<4096xf32, #tpu.memory_space<vmem>>, vector<16xf32>,
          tpu.vector_store %arg8[%parallel_loop3A_672], %parallel_loop3A_661 {strides = array<i32>} : memref<4096xf32, #tpu.memory_space<vmem>>, vector<16xf32>,
          %parallel_loop3A_674 = arith.constant 513 : i32
          %parallel_loop3A_675 = vector.broadcast %parallel_loop3A_674 : i32 to vector<16xi32>
          %parallel_loop3A_676 = arith.muli %parallel_loop3A_656, %parallel_loop3A_675 : vector<16xi32>
          %parallel_loop3A_677 = arith.addi %parallel_loop3A_676, %parallel_loop3A_657 : vector<16xi32>
          %parallel_loop3A_678 = vector.broadcast %mul3A_2 : i32 to vector<16xi32>
          %parallel_loop3A_679 = arith.addi %parallel_loop3A_677, %parallel_loop3A_678 : vector<16xi32>
          %parallel_loop3A_680 = arith.constant 16 : i32
          %parallel_loop3A_681 = arith.muli %parallel_loop3A_631, %parallel_loop3A_680 : i32
          %parallel_loop3A_682 = arith.constant 0 : i32
          %parallel_loop3A_683 = arith.addi %parallel_loop3A_682, %parallel_loop3A_681 : i32
          %parallel_loop3A_684 = arith.index_cast %parallel_loop3A_683 : i32 to index
          %parallel_loop3A_685 = tpu.vector_load %arg9[%parallel_loop3A_684] {strides = array<i32>} : memref<4096xi32, #tpu.memory_space<vmem>>, vector<16xi32>,
          tpu.vector_store %arg9[%parallel_loop3A_684], %parallel_loop3A_679 {strides = array<i32>} : memref<4096xi32, #tpu.memory_space<vmem>>, vector<16xi32>,
          %parallel_loop3A_686 = arith.constant 0 : i32
          %parallel_loop3A_687 = arith.constant 7 : i32
          %parallel_loop3A_688 = arith.constant 8 : i32
          %parallel_loop3A_689 = arith.muli %parallel_loop3A_268, %parallel_loop3A_688 : i32
          %parallel_loop3A_690 = arith.addi %parallel_loop3A_689, %parallel_loop3A_687 : i32
          %parallel_loop3A_691 = arith.constant 16 : i32
          %parallel_loop3A_692 = arith.muli %parallel_loop3A_687, %parallel_loop3A_691 : i32
          %parallel_loop3A_693 = arith.index_cast %parallel_loop3A_272 : i32 to index
          %parallel_loop3A_694 = arith.index_cast %parallel_loop3A_692 : i32 to index
          %parallel_loop3A_695 = tpu.vector_load %arg6[%parallel_loop3A_693, %parallel_loop3A_694] {strides = array<i32>} : memref<64x128xf32, #tpu.memory_space<vmem>>, vector<16xf32>,
          %parallel_loop3A_696 = arith.constant 1 : i32
          %parallel_loop3A_697 = arith.addi %parallel_loop3A_272, %parallel_loop3A_696 : i32
          %parallel_loop3A_698 = arith.constant 16 : i32
          %parallel_loop3A_699 = arith.muli %parallel_loop3A_687, %parallel_loop3A_698 : i32
          %parallel_loop3A_700 = arith.index_cast %parallel_loop3A_697 : i32 to index
          %parallel_loop3A_701 = arith.index_cast %parallel_loop3A_699 : i32 to index
          %parallel_loop3A_702 = tpu.vector_load %arg6[%parallel_loop3A_700, %parallel_loop3A_701] {strides = array<i32>} : memref<64x128xf32, #tpu.memory_space<vmem>>, vector<16xf32>,
          %parallel_loop3A_703 = arith.constant 5.120000e+02 : f32
          %parallel_loop3A_704 = vector.broadcast %parallel_loop3A_703 : f32 to vector<16xf32>
          %parallel_loop3A_705 = arith.mulf %parallel_loop3A_695, %parallel_loop3A_704 : vector<16xf32>
          %parallel_loop3A_706 = arith.constant 5.000000e-01 : f32
          %parallel_loop3A_707 = vector.broadcast %parallel_loop3A_706 : f32 to vector<16xf32>
          %parallel_loop3A_708 = arith.addf %parallel_loop3A_705, %parallel_loop3A_707 : vector<16xf32>
          %parallel_loop3A_709 = arith.constant 5.120000e+02 : f32
          %parallel_loop3A_710 = vector.broadcast %parallel_loop3A_709 : f32 to vector<16xf32>
          %parallel_loop3A_711 = arith.mulf %parallel_loop3A_702, %parallel_loop3A_710 : vector<16xf32>
          %parallel_loop3A_712 = arith.constant 5.000000e-01 : f32
          %parallel_loop3A_713 = vector.broadcast %parallel_loop3A_712 : f32 to vector<16xf32>
          %parallel_loop3A_714 = arith.addf %parallel_loop3A_711, %parallel_loop3A_713 : vector<16xf32>
          %parallel_loop3A_715 = arith.fptosi %parallel_loop3A_708 : vector<16xf32> to vector<16xi32>
          %parallel_loop3A_716 = arith.fptosi %parallel_loop3A_714 : vector<16xf32> to vector<16xi32>
          %parallel_loop3A_717 = arith.sitofp %parallel_loop3A_715 : vector<16xi32> to vector<16xf32>
          %parallel_loop3A_718 = arith.subf %parallel_loop3A_708, %parallel_loop3A_717 : vector<16xf32>
          %parallel_loop3A_719 = arith.sitofp %parallel_loop3A_716 : vector<16xi32> to vector<16xf32>
          %parallel_loop3A_720 = arith.subf %parallel_loop3A_714, %parallel_loop3A_719 : vector<16xf32>
          %parallel_loop3A_721 = arith.constant 16 : i32
          %parallel_loop3A_722 = arith.muli %parallel_loop3A_690, %parallel_loop3A_721 : i32
          %parallel_loop3A_723 = arith.constant 0 : i32
          %parallel_loop3A_724 = arith.addi %parallel_loop3A_723, %parallel_loop3A_722 : i32
          %parallel_loop3A_725 = arith.index_cast %parallel_loop3A_724 : i32 to index
          %parallel_loop3A_726 = tpu.vector_load %arg7[%parallel_loop3A_725] {strides = array<i32>} : memref<4096xf32, #tpu.memory_space<vmem>>, vector<16xf32>,
          tpu.vector_store %arg7[%parallel_loop3A_725], %parallel_loop3A_718 {strides = array<i32>} : memref<4096xf32, #tpu.memory_space<vmem>>, vector<16xf32>,
          %parallel_loop3A_727 = arith.constant 16 : i32
          %parallel_loop3A_728 = arith.muli %parallel_loop3A_690, %parallel_loop3A_727 : i32
          %parallel_loop3A_729 = arith.constant 0 : i32
          %parallel_loop3A_730 = arith.addi %parallel_loop3A_729, %parallel_loop3A_728 : i32
          %parallel_loop3A_731 = arith.index_cast %parallel_loop3A_730 : i32 to index
          %parallel_loop3A_732 = tpu.vector_load %arg8[%parallel_loop3A_731] {strides = array<i32>} : memref<4096xf32, #tpu.memory_space<vmem>>, vector<16xf32>,
          tpu.vector_store %arg8[%parallel_loop3A_731], %parallel_loop3A_720 {strides = array<i32>} : memref<4096xf32, #tpu.memory_space<vmem>>, vector<16xf32>,
          %parallel_loop3A_733 = arith.constant 513 : i32
          %parallel_loop3A_734 = vector.broadcast %parallel_loop3A_733 : i32 to vector<16xi32>
          %parallel_loop3A_735 = arith.muli %parallel_loop3A_715, %parallel_loop3A_734 : vector<16xi32>
          %parallel_loop3A_736 = arith.addi %parallel_loop3A_735, %parallel_loop3A_716 : vector<16xi32>
          %parallel_loop3A_737 = vector.broadcast %mul3A_2 : i32 to vector<16xi32>
          %parallel_loop3A_738 = arith.addi %parallel_loop3A_736, %parallel_loop3A_737 : vector<16xi32>
          %parallel_loop3A_739 = arith.constant 16 : i32
          %parallel_loop3A_740 = arith.muli %parallel_loop3A_690, %parallel_loop3A_739 : i32
          %parallel_loop3A_741 = arith.constant 0 : i32
          %parallel_loop3A_742 = arith.addi %parallel_loop3A_741, %parallel_loop3A_740 : i32
          %parallel_loop3A_743 = arith.index_cast %parallel_loop3A_742 : i32 to index
          %parallel_loop3A_744 = tpu.vector_load %arg9[%parallel_loop3A_743] {strides = array<i32>} : memref<4096xi32, #tpu.memory_space<vmem>>, vector<16xi32>,
          tpu.vector_store %arg9[%parallel_loop3A_743], %parallel_loop3A_738 {strides = array<i32>} : memref<4096xi32, #tpu.memory_space<vmem>>, vector<16xi32>,
          %parallel_loop3A_745 = arith.constant 0 : i32
          %parallel_loop3A_746 = arith.constant 8 : i32
          %parallel_loop3A_747 = arith.constant 128 : i32
          %parallel_loop3A_748 = arith.muli %parallel_loop3A_268, %parallel_loop3A_747 : i32
          %parallel_loop3A_749 = arith.constant 0 : i32
          %parallel_loop3A_750 = arith.addi %parallel_loop3A_749, %parallel_loop3A_748 : i32
          %parallel_loop3A_751 = arith.constant 128 : i32
          %parallel_loop3A_752 = arith.muli %parallel_loop3A_268, %parallel_loop3A_751 : i32
          %parallel_loop3A_753 = arith.constant 0 : i32
          %parallel_loop3A_754 = arith.addi %parallel_loop3A_753, %parallel_loop3A_752 : i32
          %parallel_loop3A_755 = arith.constant 0 : i32
          %parallel_loop3A_756 = tpu.memref_slice %arg10[%parallel_loop3A_754, %parallel_loop3A_755] : memref<4096x16xf32, #tpu.memory_space<vmem>> -> memref<128x16xf32, #tpu.memory_space<vmem>>
          %parallel_loop3A_757 = tpu.memref_slice %arg9[%parallel_loop3A_750] : memref<4096xi32, #tpu.memory_space<vmem>> -> memref<128xi32, #tpu.memory_space<vmem>>
          %parallel_loop3A_758 = arith.constant 0 : i32
          %parallel_loop3A_759 = arith.constant 0 : i32
          %parallel_loop3A_760 = tpu.memref_slice %arg5[%parallel_loop3A_758, %parallel_loop3A_759] : memref<526338x16xf32, #tpu.memory_space<hbm>> -> memref<526338x16xf32, #tpu.memory_space<hbm>>
          tpu.enqueue_indirect_dma source(%parallel_loop3A_760 : memref<526338x16xf32, #tpu.memory_space<hbm>>) target(%parallel_loop3A_756 : memref<128x16xf32, #tpu.memory_space<vmem>>) offsets(%parallel_loop3A_757 : memref<128xi32, #tpu.memory_space<vmem>>) semaphore(%arg14 : memref<!tpu.dma_semaphore, #tpu.memory_space<semaphore_mem>>)
        } {sc.loop_unroll_factor = 1 : i64, sc.parallel_access}
        %add3A_261 = arith.constant 2 : i32
        %add3A_262 = arith.addi %add3A_183, %add3A_261 : i32
        %lt3A_263 = arith.constant 64 : i32
        %lt3A_264 = arith.cmpi slt, %add3A_262, %lt3A_263 : i32
        %convert_element_type3A_265 = arith.extui %lt3A_264 : i1 to i32
        %cond3A_266 = arith.constant 0 : i32
        %cond3A_267 = arith.cmpi ne, %convert_element_type3A_265, %cond3A_266 : i32
        scf.if %cond3A_267 {
          %mul3A_268 = arith.constant 131072 : i32
          %mul3A_269 = arith.muli %add3A, %mul3A_268 : i32
          %add3A_270 = arith.constant 2 : i32
          %add3A_271 = arith.addi %add3A_183, %add3A_270 : i32
          %mul3A_272 = arith.constant 2048 : i32
          %mul3A_273 = arith.muli %add3A_271, %mul3A_272 : i32
          %add3A_274 = arith.addi %mul3A_269, %mul3A_273 : i32
          %jit3A_275 = arith.constant 64 : i32
          %div3A_276 = arith.divsi %add3A_274, %jit3A_275 : i32
          %sign3A_277 = arith.constant 0 : i32
          %sign3A_278 = arith.cmpi sgt, %add3A_274, %sign3A_277 : i32
          %sign3A_279 = arith.extui %sign3A_278 : i1 to i32
          %sign3A_280 = arith.constant 0 : i32
          %sign3A_281 = arith.cmpi slt, %add3A_274, %sign3A_280 : i32
          %sign3A_282 = arith.extui %sign3A_281 : i1 to i32
          %sign3A_283 = arith.subi %sign3A_279, %sign3A_282 : i32
          %sign3A_284 = arith.constant 0 : i32
          %sign3A_285 = arith.cmpi sgt, %jit3A_275, %sign3A_284 : i32
          %sign3A_286 = arith.extui %sign3A_285 : i1 to i32
          %sign3A_287 = arith.constant 0 : i32
          %sign3A_288 = arith.cmpi slt, %jit3A_275, %sign3A_287 : i32
          %sign3A_289 = arith.extui %sign3A_288 : i1 to i32
          %sign3A_290 = arith.subi %sign3A_286, %sign3A_289 : i32
          %ne3A_291 = arith.cmpi ne, %sign3A_283, %sign3A_290 : i32
          %rem3A_292 = arith.remsi %add3A_274, %jit3A_275 : i32
          %ne3A_293 = arith.constant 0 : i32
          %ne3A_294 = arith.cmpi ne, %rem3A_292, %ne3A_293 : i32
          %and3A_295 = arith.andi %ne3A_291, %ne3A_294 : i1
          %sub3A_296 = arith.constant 1 : i32
          %sub3A_297 = arith.subi %div3A_276, %sub3A_296 : i32
          %select_n3A_298 = arith.select %and3A_295, %sub3A_297, %div3A_276 : i32
          %dma_start3A_299 = arith.constant 0 : i32
          %dma_start3A_300 = arith.constant 0 : i32
          %dma_start3A_301 = tpu.memref_slice %arg6[%dma_start3A_299, %dma_start3A_300] : memref<64x128xf32, #tpu.memory_space<vmem>> -> memref<32x128xf32, #tpu.memory_space<vmem>>
          %dma_start3A_302 = arith.constant 0 : i32
          %dma_start3A_303 = tpu.memref_slice %arg2[%select_n3A_298, %dma_start3A_302] : memref<65536x128xf32, #tpu.memory_space<hbm>> -> memref<32x128xf32, #tpu.memory_space<hbm>>
          %dma_start3A_304 = arith.constant 0 : i32
          %dma_start3A_305 = arith.constant 0 : i32
          %dma_start3A_306 = tpu.memref_slice %arg6[%dma_start3A_304, %dma_start3A_305] : memref<64x128xf32, #tpu.memory_space<vmem>> -> memref<32x128xf32, #tpu.memory_space<vmem>>
          %dma_start3A_307 = arith.constant 0 : i32
          %dma_start3A_308 = tpu.memref_slice %arg2[%select_n3A_298, %dma_start3A_307] : memref<65536x128xf32, #tpu.memory_space<hbm>> -> memref<32x128xf32, #tpu.memory_space<hbm>>
          tpu.enqueue_dma source(%dma_start3A_308 : memref<32x128xf32, #tpu.memory_space<hbm>>) target(%dma_start3A_306 : memref<32x128xf32, #tpu.memory_space<vmem>>) target_semaphore(%arg18 : memref<!tpu.dma_semaphore, #tpu.memory_space<semaphore_mem>>)
        } else {
        }
      } else {
      }
      %lt3A_198 = arith.constant 64 : i32
      %lt3A_199 = arith.cmpi slt, %add3A_183, %lt3A_198 : i32
      %and3A_200 = arith.andi %lt3A_199, %eq3A_186 : i1
      %convert_element_type3A_201 = arith.extui %and3A_200 : i1 to i32
      %cond3A_202 = arith.constant 0 : i32
      %cond3A_203 = arith.cmpi ne, %convert_element_type3A_201, %cond3A_202 : i32
      scf.if %cond3A_203 {
        %dma_wait3A_246 = arith.constant 32 : i32
        %dma_wait3A_247 = arith.constant 0 : i32
        %dma_wait3A_248 = tpu.memref_slice %arg6[%dma_wait3A_246, %dma_wait3A_247] : memref<64x128xf32, #tpu.memory_space<vmem>> -> memref<32x128xf32, #tpu.memory_space<vmem>>
        %dma_wait3A_249 = arith.constant 0 : i32
        %dma_wait3A_250 = arith.constant 0 : i32
        %dma_wait3A_251 = tpu.memref_slice %arg2[%dma_wait3A_249, %dma_wait3A_250] : memref<65536x128xf32, #tpu.memory_space<hbm>> -> memref<32x128xf32, #tpu.memory_space<hbm>>
        %dma_wait3A_252 = arith.constant 32 : i32
        %dma_wait3A_253 = arith.constant 0 : i32
        %dma_wait3A_254 = tpu.memref_slice %arg6[%dma_wait3A_252, %dma_wait3A_253] : memref<64x128xf32, #tpu.memory_space<vmem>> -> memref<32x128xf32, #tpu.memory_space<vmem>>
        %dma_wait3A_255 = arith.constant 0 : i32
        %dma_wait3A_256 = arith.constant 0 : i32
        %dma_wait3A_257 = tpu.memref_slice %arg2[%dma_wait3A_255, %dma_wait3A_256] : memref<65536x128xf32, #tpu.memory_space<hbm>> -> memref<32x128xf32, #tpu.memory_space<hbm>>
        tpu.wait_dma2 semaphore(%arg19 : memref<!tpu.dma_semaphore, #tpu.memory_space<semaphore_mem>>) src(%dma_wait3A_257 : memref<32x128xf32, #tpu.memory_space<hbm>>) dst(%dma_wait3A_254 : memref<32x128xf32, #tpu.memory_space<vmem>>)
        %parallel_loop3A_258 = arith.constant 0 : i32
        %parallel_loop3A_259 = arith.constant 16 : i32
        %parallel_loop3A_260 = arith.constant 1 : i32
        scf.for %parallel_loop3A_268 = %parallel_loop3A_258 to %parallel_loop3A_259 step %parallel_loop3A_260  : i32 {
          %parallel_loop3A_269 = arith.constant 2 : i32
          %parallel_loop3A_270 = arith.muli %parallel_loop3A_269, %parallel_loop3A_268 : i32
          %parallel_loop3A_271 = arith.constant 32 : i32
          %parallel_loop3A_272 = arith.addi %parallel_loop3A_271, %parallel_loop3A_270 : i32
          %parallel_loop3A_273 = arith.constant 0 : i32
          %parallel_loop3A_274 = arith.constant 0 : i32
          %parallel_loop3A_275 = arith.constant 8 : i32
          %parallel_loop3A_276 = arith.muli %parallel_loop3A_268, %parallel_loop3A_275 : i32
          %parallel_loop3A_277 = arith.addi %parallel_loop3A_276, %parallel_loop3A_274 : i32
          %parallel_loop3A_278 = arith.constant 16 : i32
          %parallel_loop3A_279 = arith.muli %parallel_loop3A_274, %parallel_loop3A_278 : i32
          %parallel_loop3A_280 = arith.index_cast %parallel_loop3A_272 : i32 to index
          %parallel_loop3A_281 = arith.index_cast %parallel_loop3A_279 : i32 to index
          %parallel_loop3A_282 = tpu.vector_load %arg6[%parallel_loop3A_280, %parallel_loop3A_281] {strides = array<i32>} : memref<64x128xf32, #tpu.memory_space<vmem>>, vector<16xf32>,
          %parallel_loop3A_283 = arith.constant 1 : i32
          %parallel_loop3A_284 = arith.addi %parallel_loop3A_272, %parallel_loop3A_283 : i32
          %parallel_loop3A_285 = arith.constant 16 : i32
          %parallel_loop3A_286 = arith.muli %parallel_loop3A_274, %parallel_loop3A_285 : i32
          %parallel_loop3A_287 = arith.index_cast %parallel_loop3A_284 : i32 to index
          %parallel_loop3A_288 = arith.index_cast %parallel_loop3A_286 : i32 to index
          %parallel_loop3A_289 = tpu.vector_load %arg6[%parallel_loop3A_287, %parallel_loop3A_288] {strides = array<i32>} : memref<64x128xf32, #tpu.memory_space<vmem>>, vector<16xf32>,
          %parallel_loop3A_290 = arith.constant 5.120000e+02 : f32
          %parallel_loop3A_291 = vector.broadcast %parallel_loop3A_290 : f32 to vector<16xf32>
          %parallel_loop3A_292 = arith.mulf %parallel_loop3A_282, %parallel_loop3A_291 : vector<16xf32>
          %parallel_loop3A_293 = arith.constant 5.000000e-01 : f32
          %parallel_loop3A_294 = vector.broadcast %parallel_loop3A_293 : f32 to vector<16xf32>
          %parallel_loop3A_295 = arith.addf %parallel_loop3A_292, %parallel_loop3A_294 : vector<16xf32>
          %parallel_loop3A_296 = arith.constant 5.120000e+02 : f32
          %parallel_loop3A_297 = vector.broadcast %parallel_loop3A_296 : f32 to vector<16xf32>
          %parallel_loop3A_298 = arith.mulf %parallel_loop3A_289, %parallel_loop3A_297 : vector<16xf32>
          %parallel_loop3A_299 = arith.constant 5.000000e-01 : f32
          %parallel_loop3A_300 = vector.broadcast %parallel_loop3A_299 : f32 to vector<16xf32>
          %parallel_loop3A_301 = arith.addf %parallel_loop3A_298, %parallel_loop3A_300 : vector<16xf32>
          %parallel_loop3A_302 = arith.fptosi %parallel_loop3A_295 : vector<16xf32> to vector<16xi32>
          %parallel_loop3A_303 = arith.fptosi %parallel_loop3A_301 : vector<16xf32> to vector<16xi32>
          %parallel_loop3A_304 = arith.sitofp %parallel_loop3A_302 : vector<16xi32> to vector<16xf32>
          %parallel_loop3A_305 = arith.subf %parallel_loop3A_295, %parallel_loop3A_304 : vector<16xf32>
          %parallel_loop3A_306 = arith.sitofp %parallel_loop3A_303 : vector<16xi32> to vector<16xf32>
          %parallel_loop3A_307 = arith.subf %parallel_loop3A_301, %parallel_loop3A_306 : vector<16xf32>
          %parallel_loop3A_308 = arith.constant 16 : i32
          %parallel_loop3A_309 = arith.muli %parallel_loop3A_277, %parallel_loop3A_308 : i32
          %parallel_loop3A_310 = arith.constant 2048 : i32
          %parallel_loop3A_311 = arith.addi %parallel_loop3A_310, %parallel_loop3A_309 : i32
          %parallel_loop3A_312 = arith.index_cast %parallel_loop3A_311 : i32 to index
          %parallel_loop3A_313 = tpu.vector_load %arg7[%parallel_loop3A_312] {strides = array<i32>} : memref<4096xf32, #tpu.memory_space<vmem>>, vector<16xf32>,
          tpu.vector_store %arg7[%parallel_loop3A_312], %parallel_loop3A_305 {strides = array<i32>} : memref<4096xf32, #tpu.memory_space<vmem>>, vector<16xf32>,
          %parallel_loop3A_314 = arith.constant 16 : i32
          %parallel_loop3A_315 = arith.muli %parallel_loop3A_277, %parallel_loop3A_314 : i32
          %parallel_loop3A_316 = arith.constant 2048 : i32
          %parallel_loop3A_317 = arith.addi %parallel_loop3A_316, %parallel_loop3A_315 : i32
          %parallel_loop3A_318 = arith.index_cast %parallel_loop3A_317 : i32 to index
          %parallel_loop3A_319 = tpu.vector_load %arg8[%parallel_loop3A_318] {strides = array<i32>} : memref<4096xf32, #tpu.memory_space<vmem>>, vector<16xf32>,
          tpu.vector_store %arg8[%parallel_loop3A_318], %parallel_loop3A_307 {strides = array<i32>} : memref<4096xf32, #tpu.memory_space<vmem>>, vector<16xf32>,
          %parallel_loop3A_320 = arith.constant 513 : i32
          %parallel_loop3A_321 = vector.broadcast %parallel_loop3A_320 : i32 to vector<16xi32>
          %parallel_loop3A_322 = arith.muli %parallel_loop3A_302, %parallel_loop3A_321 : vector<16xi32>
          %parallel_loop3A_323 = arith.addi %parallel_loop3A_322, %parallel_loop3A_303 : vector<16xi32>
          %parallel_loop3A_324 = vector.broadcast %mul3A_2 : i32 to vector<16xi32>
          %parallel_loop3A_325 = arith.addi %parallel_loop3A_323, %parallel_loop3A_324 : vector<16xi32>
          %parallel_loop3A_326 = arith.constant 16 : i32
          %parallel_loop3A_327 = arith.muli %parallel_loop3A_277, %parallel_loop3A_326 : i32
          %parallel_loop3A_328 = arith.constant 2048 : i32
          %parallel_loop3A_329 = arith.addi %parallel_loop3A_328, %parallel_loop3A_327 : i32
          %parallel_loop3A_330 = arith.index_cast %parallel_loop3A_329 : i32 to index
          %parallel_loop3A_331 = tpu.vector_load %arg9[%parallel_loop3A_330] {strides = array<i32>} : memref<4096xi32, #tpu.memory_space<vmem>>, vector<16xi32>,
          tpu.vector_store %arg9[%parallel_loop3A_330], %parallel_loop3A_325 {strides = array<i32>} : memref<4096xi32, #tpu.memory_space<vmem>>, vector<16xi32>,
          %parallel_loop3A_332 = arith.constant 0 : i32
          %parallel_loop3A_333 = arith.constant 1 : i32
          %parallel_loop3A_334 = arith.constant 8 : i32
          %parallel_loop3A_335 = arith.muli %parallel_loop3A_268, %parallel_loop3A_334 : i32
          %parallel_loop3A_336 = arith.addi %parallel_loop3A_335, %parallel_loop3A_333 : i32
          %parallel_loop3A_337 = arith.constant 16 : i32
          %parallel_loop3A_338 = arith.muli %parallel_loop3A_333, %parallel_loop3A_337 : i32
          %parallel_loop3A_339 = arith.index_cast %parallel_loop3A_272 : i32 to index
          %parallel_loop3A_340 = arith.index_cast %parallel_loop3A_338 : i32 to index
          %parallel_loop3A_341 = tpu.vector_load %arg6[%parallel_loop3A_339, %parallel_loop3A_340] {strides = array<i32>} : memref<64x128xf32, #tpu.memory_space<vmem>>, vector<16xf32>,
          %parallel_loop3A_342 = arith.constant 1 : i32
          %parallel_loop3A_343 = arith.addi %parallel_loop3A_272, %parallel_loop3A_342 : i32
          %parallel_loop3A_344 = arith.constant 16 : i32
          %parallel_loop3A_345 = arith.muli %parallel_loop3A_333, %parallel_loop3A_344 : i32
          %parallel_loop3A_346 = arith.index_cast %parallel_loop3A_343 : i32 to index
          %parallel_loop3A_347 = arith.index_cast %parallel_loop3A_345 : i32 to index
          %parallel_loop3A_348 = tpu.vector_load %arg6[%parallel_loop3A_346, %parallel_loop3A_347] {strides = array<i32>} : memref<64x128xf32, #tpu.memory_space<vmem>>, vector<16xf32>,
          %parallel_loop3A_349 = arith.constant 5.120000e+02 : f32
          %parallel_loop3A_350 = vector.broadcast %parallel_loop3A_349 : f32 to vector<16xf32>
          %parallel_loop3A_351 = arith.mulf %parallel_loop3A_341, %parallel_loop3A_350 : vector<16xf32>
          %parallel_loop3A_352 = arith.constant 5.000000e-01 : f32
          %parallel_loop3A_353 = vector.broadcast %parallel_loop3A_352 : f32 to vector<16xf32>
          %parallel_loop3A_354 = arith.addf %parallel_loop3A_351, %parallel_loop3A_353 : vector<16xf32>
          %parallel_loop3A_355 = arith.constant 5.120000e+02 : f32
          %parallel_loop3A_356 = vector.broadcast %parallel_loop3A_355 : f32 to vector<16xf32>
          %parallel_loop3A_357 = arith.mulf %parallel_loop3A_348, %parallel_loop3A_356 : vector<16xf32>
          %parallel_loop3A_358 = arith.constant 5.000000e-01 : f32
          %parallel_loop3A_359 = vector.broadcast %parallel_loop3A_358 : f32 to vector<16xf32>
          %parallel_loop3A_360 = arith.addf %parallel_loop3A_357, %parallel_loop3A_359 : vector<16xf32>
          %parallel_loop3A_361 = arith.fptosi %parallel_loop3A_354 : vector<16xf32> to vector<16xi32>
          %parallel_loop3A_362 = arith.fptosi %parallel_loop3A_360 : vector<16xf32> to vector<16xi32>
          %parallel_loop3A_363 = arith.sitofp %parallel_loop3A_361 : vector<16xi32> to vector<16xf32>
          %parallel_loop3A_364 = arith.subf %parallel_loop3A_354, %parallel_loop3A_363 : vector<16xf32>
          %parallel_loop3A_365 = arith.sitofp %parallel_loop3A_362 : vector<16xi32> to vector<16xf32>
          %parallel_loop3A_366 = arith.subf %parallel_loop3A_360, %parallel_loop3A_365 : vector<16xf32>
          %parallel_loop3A_367 = arith.constant 16 : i32
          %parallel_loop3A_368 = arith.muli %parallel_loop3A_336, %parallel_loop3A_367 : i32
          %parallel_loop3A_369 = arith.constant 2048 : i32
          %parallel_loop3A_370 = arith.addi %parallel_loop3A_369, %parallel_loop3A_368 : i32
          %parallel_loop3A_371 = arith.index_cast %parallel_loop3A_370 : i32 to index
          %parallel_loop3A_372 = tpu.vector_load %arg7[%parallel_loop3A_371] {strides = array<i32>} : memref<4096xf32, #tpu.memory_space<vmem>>, vector<16xf32>,
          tpu.vector_store %arg7[%parallel_loop3A_371], %parallel_loop3A_364 {strides = array<i32>} : memref<4096xf32, #tpu.memory_space<vmem>>, vector<16xf32>,
          %parallel_loop3A_373 = arith.constant 16 : i32
          %parallel_loop3A_374 = arith.muli %parallel_loop3A_336, %parallel_loop3A_373 : i32
          %parallel_loop3A_375 = arith.constant 2048 : i32
          %parallel_loop3A_376 = arith.addi %parallel_loop3A_375, %parallel_loop3A_374 : i32
          %parallel_loop3A_377 = arith.index_cast %parallel_loop3A_376 : i32 to index
          %parallel_loop3A_378 = tpu.vector_load %arg8[%parallel_loop3A_377] {strides = array<i32>} : memref<4096xf32, #tpu.memory_space<vmem>>, vector<16xf32>,
          tpu.vector_store %arg8[%parallel_loop3A_377], %parallel_loop3A_366 {strides = array<i32>} : memref<4096xf32, #tpu.memory_space<vmem>>, vector<16xf32>,
          %parallel_loop3A_379 = arith.constant 513 : i32
          %parallel_loop3A_380 = vector.broadcast %parallel_loop3A_379 : i32 to vector<16xi32>
          %parallel_loop3A_381 = arith.muli %parallel_loop3A_361, %parallel_loop3A_380 : vector<16xi32>
          %parallel_loop3A_382 = arith.addi %parallel_loop3A_381, %parallel_loop3A_362 : vector<16xi32>
          %parallel_loop3A_383 = vector.broadcast %mul3A_2 : i32 to vector<16xi32>
          %parallel_loop3A_384 = arith.addi %parallel_loop3A_382, %parallel_loop3A_383 : vector<16xi32>
          %parallel_loop3A_385 = arith.constant 16 : i32
          %parallel_loop3A_386 = arith.muli %parallel_loop3A_336, %parallel_loop3A_385 : i32
          %parallel_loop3A_387 = arith.constant 2048 : i32
          %parallel_loop3A_388 = arith.addi %parallel_loop3A_387, %parallel_loop3A_386 : i32
          %parallel_loop3A_389 = arith.index_cast %parallel_loop3A_388 : i32 to index
          %parallel_loop3A_390 = tpu.vector_load %arg9[%parallel_loop3A_389] {strides = array<i32>} : memref<4096xi32, #tpu.memory_space<vmem>>, vector<16xi32>,
          tpu.vector_store %arg9[%parallel_loop3A_389], %parallel_loop3A_384 {strides = array<i32>} : memref<4096xi32, #tpu.memory_space<vmem>>, vector<16xi32>,
          %parallel_loop3A_391 = arith.constant 0 : i32
          %parallel_loop3A_392 = arith.constant 2 : i32
          %parallel_loop3A_393 = arith.constant 8 : i32
          %parallel_loop3A_394 = arith.muli %parallel_loop3A_268, %parallel_loop3A_393 : i32
          %parallel_loop3A_395 = arith.addi %parallel_loop3A_394, %parallel_loop3A_392 : i32
          %parallel_loop3A_396 = arith.constant 16 : i32
          %parallel_loop3A_397 = arith.muli %parallel_loop3A_392, %parallel_loop3A_396 : i32
          %parallel_loop3A_398 = arith.index_cast %parallel_loop3A_272 : i32 to index
          %parallel_loop3A_399 = arith.index_cast %parallel_loop3A_397 : i32 to index
          %parallel_loop3A_400 = tpu.vector_load %arg6[%parallel_loop3A_398, %parallel_loop3A_399] {strides = array<i32>} : memref<64x128xf32, #tpu.memory_space<vmem>>, vector<16xf32>,
          %parallel_loop3A_401 = arith.constant 1 : i32
          %parallel_loop3A_402 = arith.addi %parallel_loop3A_272, %parallel_loop3A_401 : i32
          %parallel_loop3A_403 = arith.constant 16 : i32
          %parallel_loop3A_404 = arith.muli %parallel_loop3A_392, %parallel_loop3A_403 : i32
          %parallel_loop3A_405 = arith.index_cast %parallel_loop3A_402 : i32 to index
          %parallel_loop3A_406 = arith.index_cast %parallel_loop3A_404 : i32 to index
          %parallel_loop3A_407 = tpu.vector_load %arg6[%parallel_loop3A_405, %parallel_loop3A_406] {strides = array<i32>} : memref<64x128xf32, #tpu.memory_space<vmem>>, vector<16xf32>,
          %parallel_loop3A_408 = arith.constant 5.120000e+02 : f32
          %parallel_loop3A_409 = vector.broadcast %parallel_loop3A_408 : f32 to vector<16xf32>
          %parallel_loop3A_410 = arith.mulf %parallel_loop3A_400, %parallel_loop3A_409 : vector<16xf32>
          %parallel_loop3A_411 = arith.constant 5.000000e-01 : f32
          %parallel_loop3A_412 = vector.broadcast %parallel_loop3A_411 : f32 to vector<16xf32>
          %parallel_loop3A_413 = arith.addf %parallel_loop3A_410, %parallel_loop3A_412 : vector<16xf32>
          %parallel_loop3A_414 = arith.constant 5.120000e+02 : f32
          %parallel_loop3A_415 = vector.broadcast %parallel_loop3A_414 : f32 to vector<16xf32>
          %parallel_loop3A_416 = arith.mulf %parallel_loop3A_407, %parallel_loop3A_415 : vector<16xf32>
          %parallel_loop3A_417 = arith.constant 5.000000e-01 : f32
          %parallel_loop3A_418 = vector.broadcast %parallel_loop3A_417 : f32 to vector<16xf32>
          %parallel_loop3A_419 = arith.addf %parallel_loop3A_416, %parallel_loop3A_418 : vector<16xf32>
          %parallel_loop3A_420 = arith.fptosi %parallel_loop3A_413 : vector<16xf32> to vector<16xi32>
          %parallel_loop3A_421 = arith.fptosi %parallel_loop3A_419 : vector<16xf32> to vector<16xi32>
          %parallel_loop3A_422 = arith.sitofp %parallel_loop3A_420 : vector<16xi32> to vector<16xf32>
          %parallel_loop3A_423 = arith.subf %parallel_loop3A_413, %parallel_loop3A_422 : vector<16xf32>
          %parallel_loop3A_424 = arith.sitofp %parallel_loop3A_421 : vector<16xi32> to vector<16xf32>
          %parallel_loop3A_425 = arith.subf %parallel_loop3A_419, %parallel_loop3A_424 : vector<16xf32>
          %parallel_loop3A_426 = arith.constant 16 : i32
          %parallel_loop3A_427 = arith.muli %parallel_loop3A_395, %parallel_loop3A_426 : i32
          %parallel_loop3A_428 = arith.constant 2048 : i32
          %parallel_loop3A_429 = arith.addi %parallel_loop3A_428, %parallel_loop3A_427 : i32
          %parallel_loop3A_430 = arith.index_cast %parallel_loop3A_429 : i32 to index
          %parallel_loop3A_431 = tpu.vector_load %arg7[%parallel_loop3A_430] {strides = array<i32>} : memref<4096xf32, #tpu.memory_space<vmem>>, vector<16xf32>,
          tpu.vector_store %arg7[%parallel_loop3A_430], %parallel_loop3A_423 {strides = array<i32>} : memref<4096xf32, #tpu.memory_space<vmem>>, vector<16xf32>,
          %parallel_loop3A_432 = arith.constant 16 : i32
          %parallel_loop3A_433 = arith.muli %parallel_loop3A_395, %parallel_loop3A_432 : i32
          %parallel_loop3A_434 = arith.constant 2048 : i32
          %parallel_loop3A_435 = arith.addi %parallel_loop3A_434, %parallel_loop3A_433 : i32
          %parallel_loop3A_436 = arith.index_cast %parallel_loop3A_435 : i32 to index
          %parallel_loop3A_437 = tpu.vector_load %arg8[%parallel_loop3A_436] {strides = array<i32>} : memref<4096xf32, #tpu.memory_space<vmem>>, vector<16xf32>,
          tpu.vector_store %arg8[%parallel_loop3A_436], %parallel_loop3A_425 {strides = array<i32>} : memref<4096xf32, #tpu.memory_space<vmem>>, vector<16xf32>,
          %parallel_loop3A_438 = arith.constant 513 : i32
          %parallel_loop3A_439 = vector.broadcast %parallel_loop3A_438 : i32 to vector<16xi32>
          %parallel_loop3A_440 = arith.muli %parallel_loop3A_420, %parallel_loop3A_439 : vector<16xi32>
          %parallel_loop3A_441 = arith.addi %parallel_loop3A_440, %parallel_loop3A_421 : vector<16xi32>
          %parallel_loop3A_442 = vector.broadcast %mul3A_2 : i32 to vector<16xi32>
          %parallel_loop3A_443 = arith.addi %parallel_loop3A_441, %parallel_loop3A_442 : vector<16xi32>
          %parallel_loop3A_444 = arith.constant 16 : i32
          %parallel_loop3A_445 = arith.muli %parallel_loop3A_395, %parallel_loop3A_444 : i32
          %parallel_loop3A_446 = arith.constant 2048 : i32
          %parallel_loop3A_447 = arith.addi %parallel_loop3A_446, %parallel_loop3A_445 : i32
          %parallel_loop3A_448 = arith.index_cast %parallel_loop3A_447 : i32 to index
          %parallel_loop3A_449 = tpu.vector_load %arg9[%parallel_loop3A_448] {strides = array<i32>} : memref<4096xi32, #tpu.memory_space<vmem>>, vector<16xi32>,
          tpu.vector_store %arg9[%parallel_loop3A_448], %parallel_loop3A_443 {strides = array<i32>} : memref<4096xi32, #tpu.memory_space<vmem>>, vector<16xi32>,
          %parallel_loop3A_450 = arith.constant 0 : i32
          %parallel_loop3A_451 = arith.constant 3 : i32
          %parallel_loop3A_452 = arith.constant 8 : i32
          %parallel_loop3A_453 = arith.muli %parallel_loop3A_268, %parallel_loop3A_452 : i32
          %parallel_loop3A_454 = arith.addi %parallel_loop3A_453, %parallel_loop3A_451 : i32
          %parallel_loop3A_455 = arith.constant 16 : i32
          %parallel_loop3A_456 = arith.muli %parallel_loop3A_451, %parallel_loop3A_455 : i32
          %parallel_loop3A_457 = arith.index_cast %parallel_loop3A_272 : i32 to index
          %parallel_loop3A_458 = arith.index_cast %parallel_loop3A_456 : i32 to index
          %parallel_loop3A_459 = tpu.vector_load %arg6[%parallel_loop3A_457, %parallel_loop3A_458] {strides = array<i32>} : memref<64x128xf32, #tpu.memory_space<vmem>>, vector<16xf32>,
          %parallel_loop3A_460 = arith.constant 1 : i32
          %parallel_loop3A_461 = arith.addi %parallel_loop3A_272, %parallel_loop3A_460 : i32
          %parallel_loop3A_462 = arith.constant 16 : i32
          %parallel_loop3A_463 = arith.muli %parallel_loop3A_451, %parallel_loop3A_462 : i32
          %parallel_loop3A_464 = arith.index_cast %parallel_loop3A_461 : i32 to index
          %parallel_loop3A_465 = arith.index_cast %parallel_loop3A_463 : i32 to index
          %parallel_loop3A_466 = tpu.vector_load %arg6[%parallel_loop3A_464, %parallel_loop3A_465] {strides = array<i32>} : memref<64x128xf32, #tpu.memory_space<vmem>>, vector<16xf32>,
          %parallel_loop3A_467 = arith.constant 5.120000e+02 : f32
          %parallel_loop3A_468 = vector.broadcast %parallel_loop3A_467 : f32 to vector<16xf32>
          %parallel_loop3A_469 = arith.mulf %parallel_loop3A_459, %parallel_loop3A_468 : vector<16xf32>
          %parallel_loop3A_470 = arith.constant 5.000000e-01 : f32
          %parallel_loop3A_471 = vector.broadcast %parallel_loop3A_470 : f32 to vector<16xf32>
          %parallel_loop3A_472 = arith.addf %parallel_loop3A_469, %parallel_loop3A_471 : vector<16xf32>
          %parallel_loop3A_473 = arith.constant 5.120000e+02 : f32
          %parallel_loop3A_474 = vector.broadcast %parallel_loop3A_473 : f32 to vector<16xf32>
          %parallel_loop3A_475 = arith.mulf %parallel_loop3A_466, %parallel_loop3A_474 : vector<16xf32>
          %parallel_loop3A_476 = arith.constant 5.000000e-01 : f32
          %parallel_loop3A_477 = vector.broadcast %parallel_loop3A_476 : f32 to vector<16xf32>
          %parallel_loop3A_478 = arith.addf %parallel_loop3A_475, %parallel_loop3A_477 : vector<16xf32>
          %parallel_loop3A_479 = arith.fptosi %parallel_loop3A_472 : vector<16xf32> to vector<16xi32>
          %parallel_loop3A_480 = arith.fptosi %parallel_loop3A_478 : vector<16xf32> to vector<16xi32>
          %parallel_loop3A_481 = arith.sitofp %parallel_loop3A_479 : vector<16xi32> to vector<16xf32>
          %parallel_loop3A_482 = arith.subf %parallel_loop3A_472, %parallel_loop3A_481 : vector<16xf32>
          %parallel_loop3A_483 = arith.sitofp %parallel_loop3A_480 : vector<16xi32> to vector<16xf32>
          %parallel_loop3A_484 = arith.subf %parallel_loop3A_478, %parallel_loop3A_483 : vector<16xf32>
          %parallel_loop3A_485 = arith.constant 16 : i32
          %parallel_loop3A_486 = arith.muli %parallel_loop3A_454, %parallel_loop3A_485 : i32
          %parallel_loop3A_487 = arith.constant 2048 : i32
          %parallel_loop3A_488 = arith.addi %parallel_loop3A_487, %parallel_loop3A_486 : i32
          %parallel_loop3A_489 = arith.index_cast %parallel_loop3A_488 : i32 to index
          %parallel_loop3A_490 = tpu.vector_load %arg7[%parallel_loop3A_489] {strides = array<i32>} : memref<4096xf32, #tpu.memory_space<vmem>>, vector<16xf32>,
          tpu.vector_store %arg7[%parallel_loop3A_489], %parallel_loop3A_482 {strides = array<i32>} : memref<4096xf32, #tpu.memory_space<vmem>>, vector<16xf32>,
          %parallel_loop3A_491 = arith.constant 16 : i32
          %parallel_loop3A_492 = arith.muli %parallel_loop3A_454, %parallel_loop3A_491 : i32
          %parallel_loop3A_493 = arith.constant 2048 : i32
          %parallel_loop3A_494 = arith.addi %parallel_loop3A_493, %parallel_loop3A_492 : i32
          %parallel_loop3A_495 = arith.index_cast %parallel_loop3A_494 : i32 to index
          %parallel_loop3A_496 = tpu.vector_load %arg8[%parallel_loop3A_495] {strides = array<i32>} : memref<4096xf32, #tpu.memory_space<vmem>>, vector<16xf32>,
          tpu.vector_store %arg8[%parallel_loop3A_495], %parallel_loop3A_484 {strides = array<i32>} : memref<4096xf32, #tpu.memory_space<vmem>>, vector<16xf32>,
          %parallel_loop3A_497 = arith.constant 513 : i32
          %parallel_loop3A_498 = vector.broadcast %parallel_loop3A_497 : i32 to vector<16xi32>
          %parallel_loop3A_499 = arith.muli %parallel_loop3A_479, %parallel_loop3A_498 : vector<16xi32>
          %parallel_loop3A_500 = arith.addi %parallel_loop3A_499, %parallel_loop3A_480 : vector<16xi32>
          %parallel_loop3A_501 = vector.broadcast %mul3A_2 : i32 to vector<16xi32>
          %parallel_loop3A_502 = arith.addi %parallel_loop3A_500, %parallel_loop3A_501 : vector<16xi32>
          %parallel_loop3A_503 = arith.constant 16 : i32
          %parallel_loop3A_504 = arith.muli %parallel_loop3A_454, %parallel_loop3A_503 : i32
          %parallel_loop3A_505 = arith.constant 2048 : i32
          %parallel_loop3A_506 = arith.addi %parallel_loop3A_505, %parallel_loop3A_504 : i32
          %parallel_loop3A_507 = arith.index_cast %parallel_loop3A_506 : i32 to index
          %parallel_loop3A_508 = tpu.vector_load %arg9[%parallel_loop3A_507] {strides = array<i32>} : memref<4096xi32, #tpu.memory_space<vmem>>, vector<16xi32>,
          tpu.vector_store %arg9[%parallel_loop3A_507], %parallel_loop3A_502 {strides = array<i32>} : memref<4096xi32, #tpu.memory_space<vmem>>, vector<16xi32>,
          %parallel_loop3A_509 = arith.constant 0 : i32
          %parallel_loop3A_510 = arith.constant 4 : i32
          %parallel_loop3A_511 = arith.constant 8 : i32
          %parallel_loop3A_512 = arith.muli %parallel_loop3A_268, %parallel_loop3A_511 : i32
          %parallel_loop3A_513 = arith.addi %parallel_loop3A_512, %parallel_loop3A_510 : i32
          %parallel_loop3A_514 = arith.constant 16 : i32
          %parallel_loop3A_515 = arith.muli %parallel_loop3A_510, %parallel_loop3A_514 : i32
          %parallel_loop3A_516 = arith.index_cast %parallel_loop3A_272 : i32 to index
          %parallel_loop3A_517 = arith.index_cast %parallel_loop3A_515 : i32 to index
          %parallel_loop3A_518 = tpu.vector_load %arg6[%parallel_loop3A_516, %parallel_loop3A_517] {strides = array<i32>} : memref<64x128xf32, #tpu.memory_space<vmem>>, vector<16xf32>,
          %parallel_loop3A_519 = arith.constant 1 : i32
          %parallel_loop3A_520 = arith.addi %parallel_loop3A_272, %parallel_loop3A_519 : i32
          %parallel_loop3A_521 = arith.constant 16 : i32
          %parallel_loop3A_522 = arith.muli %parallel_loop3A_510, %parallel_loop3A_521 : i32
          %parallel_loop3A_523 = arith.index_cast %parallel_loop3A_520 : i32 to index
          %parallel_loop3A_524 = arith.index_cast %parallel_loop3A_522 : i32 to index
          %parallel_loop3A_525 = tpu.vector_load %arg6[%parallel_loop3A_523, %parallel_loop3A_524] {strides = array<i32>} : memref<64x128xf32, #tpu.memory_space<vmem>>, vector<16xf32>,
          %parallel_loop3A_526 = arith.constant 5.120000e+02 : f32
          %parallel_loop3A_527 = vector.broadcast %parallel_loop3A_526 : f32 to vector<16xf32>
          %parallel_loop3A_528 = arith.mulf %parallel_loop3A_518, %parallel_loop3A_527 : vector<16xf32>
          %parallel_loop3A_529 = arith.constant 5.000000e-01 : f32
          %parallel_loop3A_530 = vector.broadcast %parallel_loop3A_529 : f32 to vector<16xf32>
          %parallel_loop3A_531 = arith.addf %parallel_loop3A_528, %parallel_loop3A_530 : vector<16xf32>
          %parallel_loop3A_532 = arith.constant 5.120000e+02 : f32
          %parallel_loop3A_533 = vector.broadcast %parallel_loop3A_532 : f32 to vector<16xf32>
          %parallel_loop3A_534 = arith.mulf %parallel_loop3A_525, %parallel_loop3A_533 : vector<16xf32>
          %parallel_loop3A_535 = arith.constant 5.000000e-01 : f32
          %parallel_loop3A_536 = vector.broadcast %parallel_loop3A_535 : f32 to vector<16xf32>
          %parallel_loop3A_537 = arith.addf %parallel_loop3A_534, %parallel_loop3A_536 : vector<16xf32>
          %parallel_loop3A_538 = arith.fptosi %parallel_loop3A_531 : vector<16xf32> to vector<16xi32>
          %parallel_loop3A_539 = arith.fptosi %parallel_loop3A_537 : vector<16xf32> to vector<16xi32>
          %parallel_loop3A_540 = arith.sitofp %parallel_loop3A_538 : vector<16xi32> to vector<16xf32>
          %parallel_loop3A_541 = arith.subf %parallel_loop3A_531, %parallel_loop3A_540 : vector<16xf32>
          %parallel_loop3A_542 = arith.sitofp %parallel_loop3A_539 : vector<16xi32> to vector<16xf32>
          %parallel_loop3A_543 = arith.subf %parallel_loop3A_537, %parallel_loop3A_542 : vector<16xf32>
          %parallel_loop3A_544 = arith.constant 16 : i32
          %parallel_loop3A_545 = arith.muli %parallel_loop3A_513, %parallel_loop3A_544 : i32
          %parallel_loop3A_546 = arith.constant 2048 : i32
          %parallel_loop3A_547 = arith.addi %parallel_loop3A_546, %parallel_loop3A_545 : i32
          %parallel_loop3A_548 = arith.index_cast %parallel_loop3A_547 : i32 to index
          %parallel_loop3A_549 = tpu.vector_load %arg7[%parallel_loop3A_548] {strides = array<i32>} : memref<4096xf32, #tpu.memory_space<vmem>>, vector<16xf32>,
          tpu.vector_store %arg7[%parallel_loop3A_548], %parallel_loop3A_541 {strides = array<i32>} : memref<4096xf32, #tpu.memory_space<vmem>>, vector<16xf32>,
          %parallel_loop3A_550 = arith.constant 16 : i32
          %parallel_loop3A_551 = arith.muli %parallel_loop3A_513, %parallel_loop3A_550 : i32
          %parallel_loop3A_552 = arith.constant 2048 : i32
          %parallel_loop3A_553 = arith.addi %parallel_loop3A_552, %parallel_loop3A_551 : i32
          %parallel_loop3A_554 = arith.index_cast %parallel_loop3A_553 : i32 to index
          %parallel_loop3A_555 = tpu.vector_load %arg8[%parallel_loop3A_554] {strides = array<i32>} : memref<4096xf32, #tpu.memory_space<vmem>>, vector<16xf32>,
          tpu.vector_store %arg8[%parallel_loop3A_554], %parallel_loop3A_543 {strides = array<i32>} : memref<4096xf32, #tpu.memory_space<vmem>>, vector<16xf32>,
          %parallel_loop3A_556 = arith.constant 513 : i32
          %parallel_loop3A_557 = vector.broadcast %parallel_loop3A_556 : i32 to vector<16xi32>
          %parallel_loop3A_558 = arith.muli %parallel_loop3A_538, %parallel_loop3A_557 : vector<16xi32>
          %parallel_loop3A_559 = arith.addi %parallel_loop3A_558, %parallel_loop3A_539 : vector<16xi32>
          %parallel_loop3A_560 = vector.broadcast %mul3A_2 : i32 to vector<16xi32>
          %parallel_loop3A_561 = arith.addi %parallel_loop3A_559, %parallel_loop3A_560 : vector<16xi32>
          %parallel_loop3A_562 = arith.constant 16 : i32
          %parallel_loop3A_563 = arith.muli %parallel_loop3A_513, %parallel_loop3A_562 : i32
          %parallel_loop3A_564 = arith.constant 2048 : i32
          %parallel_loop3A_565 = arith.addi %parallel_loop3A_564, %parallel_loop3A_563 : i32
          %parallel_loop3A_566 = arith.index_cast %parallel_loop3A_565 : i32 to index
          %parallel_loop3A_567 = tpu.vector_load %arg9[%parallel_loop3A_566] {strides = array<i32>} : memref<4096xi32, #tpu.memory_space<vmem>>, vector<16xi32>,
          tpu.vector_store %arg9[%parallel_loop3A_566], %parallel_loop3A_561 {strides = array<i32>} : memref<4096xi32, #tpu.memory_space<vmem>>, vector<16xi32>,
          %parallel_loop3A_568 = arith.constant 0 : i32
          %parallel_loop3A_569 = arith.constant 5 : i32
          %parallel_loop3A_570 = arith.constant 8 : i32
          %parallel_loop3A_571 = arith.muli %parallel_loop3A_268, %parallel_loop3A_570 : i32
          %parallel_loop3A_572 = arith.addi %parallel_loop3A_571, %parallel_loop3A_569 : i32
          %parallel_loop3A_573 = arith.constant 16 : i32
          %parallel_loop3A_574 = arith.muli %parallel_loop3A_569, %parallel_loop3A_573 : i32
          %parallel_loop3A_575 = arith.index_cast %parallel_loop3A_272 : i32 to index
          %parallel_loop3A_576 = arith.index_cast %parallel_loop3A_574 : i32 to index
          %parallel_loop3A_577 = tpu.vector_load %arg6[%parallel_loop3A_575, %parallel_loop3A_576] {strides = array<i32>} : memref<64x128xf32, #tpu.memory_space<vmem>>, vector<16xf32>,
          %parallel_loop3A_578 = arith.constant 1 : i32
          %parallel_loop3A_579 = arith.addi %parallel_loop3A_272, %parallel_loop3A_578 : i32
          %parallel_loop3A_580 = arith.constant 16 : i32
          %parallel_loop3A_581 = arith.muli %parallel_loop3A_569, %parallel_loop3A_580 : i32
          %parallel_loop3A_582 = arith.index_cast %parallel_loop3A_579 : i32 to index
          %parallel_loop3A_583 = arith.index_cast %parallel_loop3A_581 : i32 to index
          %parallel_loop3A_584 = tpu.vector_load %arg6[%parallel_loop3A_582, %parallel_loop3A_583] {strides = array<i32>} : memref<64x128xf32, #tpu.memory_space<vmem>>, vector<16xf32>,
          %parallel_loop3A_585 = arith.constant 5.120000e+02 : f32
          %parallel_loop3A_586 = vector.broadcast %parallel_loop3A_585 : f32 to vector<16xf32>
          %parallel_loop3A_587 = arith.mulf %parallel_loop3A_577, %parallel_loop3A_586 : vector<16xf32>
          %parallel_loop3A_588 = arith.constant 5.000000e-01 : f32
          %parallel_loop3A_589 = vector.broadcast %parallel_loop3A_588 : f32 to vector<16xf32>
          %parallel_loop3A_590 = arith.addf %parallel_loop3A_587, %parallel_loop3A_589 : vector<16xf32>
          %parallel_loop3A_591 = arith.constant 5.120000e+02 : f32
          %parallel_loop3A_592 = vector.broadcast %parallel_loop3A_591 : f32 to vector<16xf32>
          %parallel_loop3A_593 = arith.mulf %parallel_loop3A_584, %parallel_loop3A_592 : vector<16xf32>
          %parallel_loop3A_594 = arith.constant 5.000000e-01 : f32
          %parallel_loop3A_595 = vector.broadcast %parallel_loop3A_594 : f32 to vector<16xf32>
          %parallel_loop3A_596 = arith.addf %parallel_loop3A_593, %parallel_loop3A_595 : vector<16xf32>
          %parallel_loop3A_597 = arith.fptosi %parallel_loop3A_590 : vector<16xf32> to vector<16xi32>
          %parallel_loop3A_598 = arith.fptosi %parallel_loop3A_596 : vector<16xf32> to vector<16xi32>
          %parallel_loop3A_599 = arith.sitofp %parallel_loop3A_597 : vector<16xi32> to vector<16xf32>
          %parallel_loop3A_600 = arith.subf %parallel_loop3A_590, %parallel_loop3A_599 : vector<16xf32>
          %parallel_loop3A_601 = arith.sitofp %parallel_loop3A_598 : vector<16xi32> to vector<16xf32>
          %parallel_loop3A_602 = arith.subf %parallel_loop3A_596, %parallel_loop3A_601 : vector<16xf32>
          %parallel_loop3A_603 = arith.constant 16 : i32
          %parallel_loop3A_604 = arith.muli %parallel_loop3A_572, %parallel_loop3A_603 : i32
          %parallel_loop3A_605 = arith.constant 2048 : i32
          %parallel_loop3A_606 = arith.addi %parallel_loop3A_605, %parallel_loop3A_604 : i32
          %parallel_loop3A_607 = arith.index_cast %parallel_loop3A_606 : i32 to index
          %parallel_loop3A_608 = tpu.vector_load %arg7[%parallel_loop3A_607] {strides = array<i32>} : memref<4096xf32, #tpu.memory_space<vmem>>, vector<16xf32>,
          tpu.vector_store %arg7[%parallel_loop3A_607], %parallel_loop3A_600 {strides = array<i32>} : memref<4096xf32, #tpu.memory_space<vmem>>, vector<16xf32>,
          %parallel_loop3A_609 = arith.constant 16 : i32
          %parallel_loop3A_610 = arith.muli %parallel_loop3A_572, %parallel_loop3A_609 : i32
          %parallel_loop3A_611 = arith.constant 2048 : i32
          %parallel_loop3A_612 = arith.addi %parallel_loop3A_611, %parallel_loop3A_610 : i32
          %parallel_loop3A_613 = arith.index_cast %parallel_loop3A_612 : i32 to index
          %parallel_loop3A_614 = tpu.vector_load %arg8[%parallel_loop3A_613] {strides = array<i32>} : memref<4096xf32, #tpu.memory_space<vmem>>, vector<16xf32>,
          tpu.vector_store %arg8[%parallel_loop3A_613], %parallel_loop3A_602 {strides = array<i32>} : memref<4096xf32, #tpu.memory_space<vmem>>, vector<16xf32>,
          %parallel_loop3A_615 = arith.constant 513 : i32
          %parallel_loop3A_616 = vector.broadcast %parallel_loop3A_615 : i32 to vector<16xi32>
          %parallel_loop3A_617 = arith.muli %parallel_loop3A_597, %parallel_loop3A_616 : vector<16xi32>
          %parallel_loop3A_618 = arith.addi %parallel_loop3A_617, %parallel_loop3A_598 : vector<16xi32>
          %parallel_loop3A_619 = vector.broadcast %mul3A_2 : i32 to vector<16xi32>
          %parallel_loop3A_620 = arith.addi %parallel_loop3A_618, %parallel_loop3A_619 : vector<16xi32>
          %parallel_loop3A_621 = arith.constant 16 : i32
          %parallel_loop3A_622 = arith.muli %parallel_loop3A_572, %parallel_loop3A_621 : i32
          %parallel_loop3A_623 = arith.constant 2048 : i32
          %parallel_loop3A_624 = arith.addi %parallel_loop3A_623, %parallel_loop3A_622 : i32
          %parallel_loop3A_625 = arith.index_cast %parallel_loop3A_624 : i32 to index
          %parallel_loop3A_626 = tpu.vector_load %arg9[%parallel_loop3A_625] {strides = array<i32>} : memref<4096xi32, #tpu.memory_space<vmem>>, vector<16xi32>,
          tpu.vector_store %arg9[%parallel_loop3A_625], %parallel_loop3A_620 {strides = array<i32>} : memref<4096xi32, #tpu.memory_space<vmem>>, vector<16xi32>,
          %parallel_loop3A_627 = arith.constant 0 : i32
          %parallel_loop3A_628 = arith.constant 6 : i32
          %parallel_loop3A_629 = arith.constant 8 : i32
          %parallel_loop3A_630 = arith.muli %parallel_loop3A_268, %parallel_loop3A_629 : i32
          %parallel_loop3A_631 = arith.addi %parallel_loop3A_630, %parallel_loop3A_628 : i32
          %parallel_loop3A_632 = arith.constant 16 : i32
          %parallel_loop3A_633 = arith.muli %parallel_loop3A_628, %parallel_loop3A_632 : i32
          %parallel_loop3A_634 = arith.index_cast %parallel_loop3A_272 : i32 to index
          %parallel_loop3A_635 = arith.index_cast %parallel_loop3A_633 : i32 to index
          %parallel_loop3A_636 = tpu.vector_load %arg6[%parallel_loop3A_634, %parallel_loop3A_635] {strides = array<i32>} : memref<64x128xf32, #tpu.memory_space<vmem>>, vector<16xf32>,
          %parallel_loop3A_637 = arith.constant 1 : i32
          %parallel_loop3A_638 = arith.addi %parallel_loop3A_272, %parallel_loop3A_637 : i32
          %parallel_loop3A_639 = arith.constant 16 : i32
          %parallel_loop3A_640 = arith.muli %parallel_loop3A_628, %parallel_loop3A_639 : i32
          %parallel_loop3A_641 = arith.index_cast %parallel_loop3A_638 : i32 to index
          %parallel_loop3A_642 = arith.index_cast %parallel_loop3A_640 : i32 to index
          %parallel_loop3A_643 = tpu.vector_load %arg6[%parallel_loop3A_641, %parallel_loop3A_642] {strides = array<i32>} : memref<64x128xf32, #tpu.memory_space<vmem>>, vector<16xf32>,
          %parallel_loop3A_644 = arith.constant 5.120000e+02 : f32
          %parallel_loop3A_645 = vector.broadcast %parallel_loop3A_644 : f32 to vector<16xf32>
          %parallel_loop3A_646 = arith.mulf %parallel_loop3A_636, %parallel_loop3A_645 : vector<16xf32>
          %parallel_loop3A_647 = arith.constant 5.000000e-01 : f32
          %parallel_loop3A_648 = vector.broadcast %parallel_loop3A_647 : f32 to vector<16xf32>
          %parallel_loop3A_649 = arith.addf %parallel_loop3A_646, %parallel_loop3A_648 : vector<16xf32>
          %parallel_loop3A_650 = arith.constant 5.120000e+02 : f32
          %parallel_loop3A_651 = vector.broadcast %parallel_loop3A_650 : f32 to vector<16xf32>
          %parallel_loop3A_652 = arith.mulf %parallel_loop3A_643, %parallel_loop3A_651 : vector<16xf32>
          %parallel_loop3A_653 = arith.constant 5.000000e-01 : f32
          %parallel_loop3A_654 = vector.broadcast %parallel_loop3A_653 : f32 to vector<16xf32>
          %parallel_loop3A_655 = arith.addf %parallel_loop3A_652, %parallel_loop3A_654 : vector<16xf32>
          %parallel_loop3A_656 = arith.fptosi %parallel_loop3A_649 : vector<16xf32> to vector<16xi32>
          %parallel_loop3A_657 = arith.fptosi %parallel_loop3A_655 : vector<16xf32> to vector<16xi32>
          %parallel_loop3A_658 = arith.sitofp %parallel_loop3A_656 : vector<16xi32> to vector<16xf32>
          %parallel_loop3A_659 = arith.subf %parallel_loop3A_649, %parallel_loop3A_658 : vector<16xf32>
          %parallel_loop3A_660 = arith.sitofp %parallel_loop3A_657 : vector<16xi32> to vector<16xf32>
          %parallel_loop3A_661 = arith.subf %parallel_loop3A_655, %parallel_loop3A_660 : vector<16xf32>
          %parallel_loop3A_662 = arith.constant 16 : i32
          %parallel_loop3A_663 = arith.muli %parallel_loop3A_631, %parallel_loop3A_662 : i32
          %parallel_loop3A_664 = arith.constant 2048 : i32
          %parallel_loop3A_665 = arith.addi %parallel_loop3A_664, %parallel_loop3A_663 : i32
          %parallel_loop3A_666 = arith.index_cast %parallel_loop3A_665 : i32 to index
          %parallel_loop3A_667 = tpu.vector_load %arg7[%parallel_loop3A_666] {strides = array<i32>} : memref<4096xf32, #tpu.memory_space<vmem>>, vector<16xf32>,
          tpu.vector_store %arg7[%parallel_loop3A_666], %parallel_loop3A_659 {strides = array<i32>} : memref<4096xf32, #tpu.memory_space<vmem>>, vector<16xf32>,
          %parallel_loop3A_668 = arith.constant 16 : i32
          %parallel_loop3A_669 = arith.muli %parallel_loop3A_631, %parallel_loop3A_668 : i32
          %parallel_loop3A_670 = arith.constant 2048 : i32
          %parallel_loop3A_671 = arith.addi %parallel_loop3A_670, %parallel_loop3A_669 : i32
          %parallel_loop3A_672 = arith.index_cast %parallel_loop3A_671 : i32 to index
          %parallel_loop3A_673 = tpu.vector_load %arg8[%parallel_loop3A_672] {strides = array<i32>} : memref<4096xf32, #tpu.memory_space<vmem>>, vector<16xf32>,
          tpu.vector_store %arg8[%parallel_loop3A_672], %parallel_loop3A_661 {strides = array<i32>} : memref<4096xf32, #tpu.memory_space<vmem>>, vector<16xf32>,
          %parallel_loop3A_674 = arith.constant 513 : i32
          %parallel_loop3A_675 = vector.broadcast %parallel_loop3A_674 : i32 to vector<16xi32>
          %parallel_loop3A_676 = arith.muli %parallel_loop3A_656, %parallel_loop3A_675 : vector<16xi32>
          %parallel_loop3A_677 = arith.addi %parallel_loop3A_676, %parallel_loop3A_657 : vector<16xi32>
          %parallel_loop3A_678 = vector.broadcast %mul3A_2 : i32 to vector<16xi32>
          %parallel_loop3A_679 = arith.addi %parallel_loop3A_677, %parallel_loop3A_678 : vector<16xi32>
          %parallel_loop3A_680 = arith.constant 16 : i32
          %parallel_loop3A_681 = arith.muli %parallel_loop3A_631, %parallel_loop3A_680 : i32
          %parallel_loop3A_682 = arith.constant 2048 : i32
          %parallel_loop3A_683 = arith.addi %parallel_loop3A_682, %parallel_loop3A_681 : i32
          %parallel_loop3A_684 = arith.index_cast %parallel_loop3A_683 : i32 to index
          %parallel_loop3A_685 = tpu.vector_load %arg9[%parallel_loop3A_684] {strides = array<i32>} : memref<4096xi32, #tpu.memory_space<vmem>>, vector<16xi32>,
          tpu.vector_store %arg9[%parallel_loop3A_684], %parallel_loop3A_679 {strides = array<i32>} : memref<4096xi32, #tpu.memory_space<vmem>>, vector<16xi32>,
          %parallel_loop3A_686 = arith.constant 0 : i32
          %parallel_loop3A_687 = arith.constant 7 : i32
          %parallel_loop3A_688 = arith.constant 8 : i32
          %parallel_loop3A_689 = arith.muli %parallel_loop3A_268, %parallel_loop3A_688 : i32
          %parallel_loop3A_690 = arith.addi %parallel_loop3A_689, %parallel_loop3A_687 : i32
          %parallel_loop3A_691 = arith.constant 16 : i32
          %parallel_loop3A_692 = arith.muli %parallel_loop3A_687, %parallel_loop3A_691 : i32
          %parallel_loop3A_693 = arith.index_cast %parallel_loop3A_272 : i32 to index
          %parallel_loop3A_694 = arith.index_cast %parallel_loop3A_692 : i32 to index
          %parallel_loop3A_695 = tpu.vector_load %arg6[%parallel_loop3A_693, %parallel_loop3A_694] {strides = array<i32>} : memref<64x128xf32, #tpu.memory_space<vmem>>, vector<16xf32>,
          %parallel_loop3A_696 = arith.constant 1 : i32
          %parallel_loop3A_697 = arith.addi %parallel_loop3A_272, %parallel_loop3A_696 : i32
          %parallel_loop3A_698 = arith.constant 16 : i32
          %parallel_loop3A_699 = arith.muli %parallel_loop3A_687, %parallel_loop3A_698 : i32
          %parallel_loop3A_700 = arith.index_cast %parallel_loop3A_697 : i32 to index
          %parallel_loop3A_701 = arith.index_cast %parallel_loop3A_699 : i32 to index
          %parallel_loop3A_702 = tpu.vector_load %arg6[%parallel_loop3A_700, %parallel_loop3A_701] {strides = array<i32>} : memref<64x128xf32, #tpu.memory_space<vmem>>, vector<16xf32>,
          %parallel_loop3A_703 = arith.constant 5.120000e+02 : f32
          %parallel_loop3A_704 = vector.broadcast %parallel_loop3A_703 : f32 to vector<16xf32>
          %parallel_loop3A_705 = arith.mulf %parallel_loop3A_695, %parallel_loop3A_704 : vector<16xf32>
          %parallel_loop3A_706 = arith.constant 5.000000e-01 : f32
          %parallel_loop3A_707 = vector.broadcast %parallel_loop3A_706 : f32 to vector<16xf32>
          %parallel_loop3A_708 = arith.addf %parallel_loop3A_705, %parallel_loop3A_707 : vector<16xf32>
          %parallel_loop3A_709 = arith.constant 5.120000e+02 : f32
          %parallel_loop3A_710 = vector.broadcast %parallel_loop3A_709 : f32 to vector<16xf32>
          %parallel_loop3A_711 = arith.mulf %parallel_loop3A_702, %parallel_loop3A_710 : vector<16xf32>
          %parallel_loop3A_712 = arith.constant 5.000000e-01 : f32
          %parallel_loop3A_713 = vector.broadcast %parallel_loop3A_712 : f32 to vector<16xf32>
          %parallel_loop3A_714 = arith.addf %parallel_loop3A_711, %parallel_loop3A_713 : vector<16xf32>
          %parallel_loop3A_715 = arith.fptosi %parallel_loop3A_708 : vector<16xf32> to vector<16xi32>
          %parallel_loop3A_716 = arith.fptosi %parallel_loop3A_714 : vector<16xf32> to vector<16xi32>
          %parallel_loop3A_717 = arith.sitofp %parallel_loop3A_715 : vector<16xi32> to vector<16xf32>
          %parallel_loop3A_718 = arith.subf %parallel_loop3A_708, %parallel_loop3A_717 : vector<16xf32>
          %parallel_loop3A_719 = arith.sitofp %parallel_loop3A_716 : vector<16xi32> to vector<16xf32>
          %parallel_loop3A_720 = arith.subf %parallel_loop3A_714, %parallel_loop3A_719 : vector<16xf32>
          %parallel_loop3A_721 = arith.constant 16 : i32
          %parallel_loop3A_722 = arith.muli %parallel_loop3A_690, %parallel_loop3A_721 : i32
          %parallel_loop3A_723 = arith.constant 2048 : i32
          %parallel_loop3A_724 = arith.addi %parallel_loop3A_723, %parallel_loop3A_722 : i32
          %parallel_loop3A_725 = arith.index_cast %parallel_loop3A_724 : i32 to index
          %parallel_loop3A_726 = tpu.vector_load %arg7[%parallel_loop3A_725] {strides = array<i32>} : memref<4096xf32, #tpu.memory_space<vmem>>, vector<16xf32>,
          tpu.vector_store %arg7[%parallel_loop3A_725], %parallel_loop3A_718 {strides = array<i32>} : memref<4096xf32, #tpu.memory_space<vmem>>, vector<16xf32>,
          %parallel_loop3A_727 = arith.constant 16 : i32
          %parallel_loop3A_728 = arith.muli %parallel_loop3A_690, %parallel_loop3A_727 : i32
          %parallel_loop3A_729 = arith.constant 2048 : i32
          %parallel_loop3A_730 = arith.addi %parallel_loop3A_729, %parallel_loop3A_728 : i32
          %parallel_loop3A_731 = arith.index_cast %parallel_loop3A_730 : i32 to index
          %parallel_loop3A_732 = tpu.vector_load %arg8[%parallel_loop3A_731] {strides = array<i32>} : memref<4096xf32, #tpu.memory_space<vmem>>, vector<16xf32>,
          tpu.vector_store %arg8[%parallel_loop3A_731], %parallel_loop3A_720 {strides = array<i32>} : memref<4096xf32, #tpu.memory_space<vmem>>, vector<16xf32>,
          %parallel_loop3A_733 = arith.constant 513 : i32
          %parallel_loop3A_734 = vector.broadcast %parallel_loop3A_733 : i32 to vector<16xi32>
          %parallel_loop3A_735 = arith.muli %parallel_loop3A_715, %parallel_loop3A_734 : vector<16xi32>
          %parallel_loop3A_736 = arith.addi %parallel_loop3A_735, %parallel_loop3A_716 : vector<16xi32>
          %parallel_loop3A_737 = vector.broadcast %mul3A_2 : i32 to vector<16xi32>
          %parallel_loop3A_738 = arith.addi %parallel_loop3A_736, %parallel_loop3A_737 : vector<16xi32>
          %parallel_loop3A_739 = arith.constant 16 : i32
          %parallel_loop3A_740 = arith.muli %parallel_loop3A_690, %parallel_loop3A_739 : i32
          %parallel_loop3A_741 = arith.constant 2048 : i32
          %parallel_loop3A_742 = arith.addi %parallel_loop3A_741, %parallel_loop3A_740 : i32
          %parallel_loop3A_743 = arith.index_cast %parallel_loop3A_742 : i32 to index
          %parallel_loop3A_744 = tpu.vector_load %arg9[%parallel_loop3A_743] {strides = array<i32>} : memref<4096xi32, #tpu.memory_space<vmem>>, vector<16xi32>,
          tpu.vector_store %arg9[%parallel_loop3A_743], %parallel_loop3A_738 {strides = array<i32>} : memref<4096xi32, #tpu.memory_space<vmem>>, vector<16xi32>,
          %parallel_loop3A_745 = arith.constant 0 : i32
          %parallel_loop3A_746 = arith.constant 8 : i32
          %parallel_loop3A_747 = arith.constant 128 : i32
          %parallel_loop3A_748 = arith.muli %parallel_loop3A_268, %parallel_loop3A_747 : i32
          %parallel_loop3A_749 = arith.constant 2048 : i32
          %parallel_loop3A_750 = arith.addi %parallel_loop3A_749, %parallel_loop3A_748 : i32
          %parallel_loop3A_751 = arith.constant 128 : i32
          %parallel_loop3A_752 = arith.muli %parallel_loop3A_268, %parallel_loop3A_751 : i32
          %parallel_loop3A_753 = arith.constant 2048 : i32
          %parallel_loop3A_754 = arith.addi %parallel_loop3A_753, %parallel_loop3A_752 : i32
          %parallel_loop3A_755 = arith.constant 0 : i32
          %parallel_loop3A_756 = tpu.memref_slice %arg10[%parallel_loop3A_754, %parallel_loop3A_755] : memref<4096x16xf32, #tpu.memory_space<vmem>> -> memref<128x16xf32, #tpu.memory_space<vmem>>
          %parallel_loop3A_757 = tpu.memref_slice %arg9[%parallel_loop3A_750] : memref<4096xi32, #tpu.memory_space<vmem>> -> memref<128xi32, #tpu.memory_space<vmem>>
          %parallel_loop3A_758 = arith.constant 0 : i32
          %parallel_loop3A_759 = arith.constant 0 : i32
          %parallel_loop3A_760 = tpu.memref_slice %arg5[%parallel_loop3A_758, %parallel_loop3A_759] : memref<526338x16xf32, #tpu.memory_space<hbm>> -> memref<526338x16xf32, #tpu.memory_space<hbm>>
          tpu.enqueue_indirect_dma source(%parallel_loop3A_760 : memref<526338x16xf32, #tpu.memory_space<hbm>>) target(%parallel_loop3A_756 : memref<128x16xf32, #tpu.memory_space<vmem>>) offsets(%parallel_loop3A_757 : memref<128xi32, #tpu.memory_space<vmem>>) semaphore(%arg15 : memref<!tpu.dma_semaphore, #tpu.memory_space<semaphore_mem>>)
        } {sc.loop_unroll_factor = 1 : i64, sc.parallel_access}
        %add3A_261 = arith.constant 2 : i32
        %add3A_262 = arith.addi %add3A_183, %add3A_261 : i32
        %lt3A_263 = arith.constant 64 : i32
        %lt3A_264 = arith.cmpi slt, %add3A_262, %lt3A_263 : i32
        %convert_element_type3A_265 = arith.extui %lt3A_264 : i1 to i32
        %cond3A_266 = arith.constant 0 : i32
        %cond3A_267 = arith.cmpi ne, %convert_element_type3A_265, %cond3A_266 : i32
        scf.if %cond3A_267 {
          %mul3A_268 = arith.constant 131072 : i32
          %mul3A_269 = arith.muli %add3A, %mul3A_268 : i32
          %add3A_270 = arith.constant 2 : i32
          %add3A_271 = arith.addi %add3A_183, %add3A_270 : i32
          %mul3A_272 = arith.constant 2048 : i32
          %mul3A_273 = arith.muli %add3A_271, %mul3A_272 : i32
          %add3A_274 = arith.addi %mul3A_269, %mul3A_273 : i32
          %jit3A_275 = arith.constant 64 : i32
          %div3A_276 = arith.divsi %add3A_274, %jit3A_275 : i32
          %sign3A_277 = arith.constant 0 : i32
          %sign3A_278 = arith.cmpi sgt, %add3A_274, %sign3A_277 : i32
          %sign3A_279 = arith.extui %sign3A_278 : i1 to i32
          %sign3A_280 = arith.constant 0 : i32
          %sign3A_281 = arith.cmpi slt, %add3A_274, %sign3A_280 : i32
          %sign3A_282 = arith.extui %sign3A_281 : i1 to i32
          %sign3A_283 = arith.subi %sign3A_279, %sign3A_282 : i32
          %sign3A_284 = arith.constant 0 : i32
          %sign3A_285 = arith.cmpi sgt, %jit3A_275, %sign3A_284 : i32
          %sign3A_286 = arith.extui %sign3A_285 : i1 to i32
          %sign3A_287 = arith.constant 0 : i32
          %sign3A_288 = arith.cmpi slt, %jit3A_275, %sign3A_287 : i32
          %sign3A_289 = arith.extui %sign3A_288 : i1 to i32
          %sign3A_290 = arith.subi %sign3A_286, %sign3A_289 : i32
          %ne3A_291 = arith.cmpi ne, %sign3A_283, %sign3A_290 : i32
          %rem3A_292 = arith.remsi %add3A_274, %jit3A_275 : i32
          %ne3A_293 = arith.constant 0 : i32
          %ne3A_294 = arith.cmpi ne, %rem3A_292, %ne3A_293 : i32
          %and3A_295 = arith.andi %ne3A_291, %ne3A_294 : i1
          %sub3A_296 = arith.constant 1 : i32
          %sub3A_297 = arith.subi %div3A_276, %sub3A_296 : i32
          %select_n3A_298 = arith.select %and3A_295, %sub3A_297, %div3A_276 : i32
          %dma_start3A_299 = arith.constant 32 : i32
          %dma_start3A_300 = arith.constant 0 : i32
          %dma_start3A_301 = tpu.memref_slice %arg6[%dma_start3A_299, %dma_start3A_300] : memref<64x128xf32, #tpu.memory_space<vmem>> -> memref<32x128xf32, #tpu.memory_space<vmem>>
          %dma_start3A_302 = arith.constant 0 : i32
          %dma_start3A_303 = tpu.memref_slice %arg2[%select_n3A_298, %dma_start3A_302] : memref<65536x128xf32, #tpu.memory_space<hbm>> -> memref<32x128xf32, #tpu.memory_space<hbm>>
          %dma_start3A_304 = arith.constant 32 : i32
          %dma_start3A_305 = arith.constant 0 : i32
          %dma_start3A_306 = tpu.memref_slice %arg6[%dma_start3A_304, %dma_start3A_305] : memref<64x128xf32, #tpu.memory_space<vmem>> -> memref<32x128xf32, #tpu.memory_space<vmem>>
          %dma_start3A_307 = arith.constant 0 : i32
          %dma_start3A_308 = tpu.memref_slice %arg2[%select_n3A_298, %dma_start3A_307] : memref<65536x128xf32, #tpu.memory_space<hbm>> -> memref<32x128xf32, #tpu.memory_space<hbm>>
          tpu.enqueue_dma source(%dma_start3A_308 : memref<32x128xf32, #tpu.memory_space<hbm>>) target(%dma_start3A_306 : memref<32x128xf32, #tpu.memory_space<vmem>>) target_semaphore(%arg19 : memref<!tpu.dma_semaphore, #tpu.memory_space<semaphore_mem>>)
        } else {
        }
      } else {
      }
      %not3A_204 = arith.constant true
      %not3A_205 = arith.xori %eq3A_190, %not3A_204 : i1
      %convert_element_type3A_206 = arith.extui %not3A_205 : i1 to i32
      %cond3A_207 = arith.constant 0 : i32
      %cond3A_208 = arith.cmpi ne, %convert_element_type3A_206, %cond3A_207 : i32
      scf.if %cond3A_208 {
        %dma_wait3A_246 = arith.constant 0 : i32
        %dma_wait3A_247 = arith.constant 0 : i32
        %dma_wait3A_248 = tpu.memref_slice %arg10[%dma_wait3A_246, %dma_wait3A_247] : memref<4096x16xf32, #tpu.memory_space<vmem>> -> memref<2048x16xf32, #tpu.memory_space<vmem>>
        %dma_wait3A_249 = arith.constant 0 : i32
        %dma_wait3A_250 = arith.constant 0 : i32
        %dma_wait3A_251 = tpu.memref_slice %arg5[%dma_wait3A_249, %dma_wait3A_250] : memref<526338x16xf32, #tpu.memory_space<hbm>> -> memref<2048x16xf32, #tpu.memory_space<hbm>>
        %dma_wait3A_252 = arith.constant 0 : i32
        %dma_wait3A_253 = arith.constant 0 : i32
        %dma_wait3A_254 = tpu.memref_slice %arg10[%dma_wait3A_252, %dma_wait3A_253] : memref<4096x16xf32, #tpu.memory_space<vmem>> -> memref<2048x16xf32, #tpu.memory_space<vmem>>
        %dma_wait3A_255 = arith.constant 0 : i32
        %dma_wait3A_256 = arith.constant 0 : i32
        %dma_wait3A_257 = tpu.memref_slice %arg5[%dma_wait3A_255, %dma_wait3A_256] : memref<526338x16xf32, #tpu.memory_space<hbm>> -> memref<2048x16xf32, #tpu.memory_space<hbm>>
        tpu.wait_dma2 semaphore(%arg14 : memref<!tpu.dma_semaphore, #tpu.memory_space<semaphore_mem>>) src(%dma_wait3A_257 : memref<2048x16xf32, #tpu.memory_space<hbm>>) dst(%dma_wait3A_254 : memref<2048x16xf32, #tpu.memory_space<vmem>>)
      } else {
      }
      %convert_element_type3A_209 = arith.extui %eq3A_190 : i1 to i32
      %cond3A_210 = arith.constant 0 : i32
      %cond3A_211 = arith.cmpi ne, %convert_element_type3A_209, %cond3A_210 : i32
      scf.if %cond3A_211 {
        %dma_wait3A_246 = arith.constant 0 : i32
        %dma_wait3A_247 = arith.constant 0 : i32
        %dma_wait3A_248 = tpu.memref_slice %arg10[%dma_wait3A_246, %dma_wait3A_247] : memref<4096x16xf32, #tpu.memory_space<vmem>> -> memref<2048x16xf32, #tpu.memory_space<vmem>>
        %dma_wait3A_249 = arith.constant 0 : i32
        %dma_wait3A_250 = arith.constant 0 : i32
        %dma_wait3A_251 = tpu.memref_slice %arg5[%dma_wait3A_249, %dma_wait3A_250] : memref<526338x16xf32, #tpu.memory_space<hbm>> -> memref<2048x16xf32, #tpu.memory_space<hbm>>
        %dma_wait3A_252 = arith.constant 0 : i32
        %dma_wait3A_253 = arith.constant 0 : i32
        %dma_wait3A_254 = tpu.memref_slice %arg10[%dma_wait3A_252, %dma_wait3A_253] : memref<4096x16xf32, #tpu.memory_space<vmem>> -> memref<2048x16xf32, #tpu.memory_space<vmem>>
        %dma_wait3A_255 = arith.constant 0 : i32
        %dma_wait3A_256 = arith.constant 0 : i32
        %dma_wait3A_257 = tpu.memref_slice %arg5[%dma_wait3A_255, %dma_wait3A_256] : memref<526338x16xf32, #tpu.memory_space<hbm>> -> memref<2048x16xf32, #tpu.memory_space<hbm>>
        tpu.wait_dma2 semaphore(%arg15 : memref<!tpu.dma_semaphore, #tpu.memory_space<semaphore_mem>>) src(%dma_wait3A_257 : memref<2048x16xf32, #tpu.memory_space<hbm>>) dst(%dma_wait3A_254 : memref<2048x16xf32, #tpu.memory_space<vmem>>)
      } else {
      }
      %ge3A = arith.constant 2 : i32
      %ge3A_212 = arith.cmpi sge, %scan3A_180, %ge3A : i32
      %not3A_213 = arith.constant true
      %not3A_214 = arith.xori %eq3A_190, %not3A_213 : i1
      %and3A_215 = arith.andi %ge3A_212, %not3A_214 : i1
      %convert_element_type3A_216 = arith.extui %and3A_215 : i1 to i32
      %cond3A_217 = arith.constant 0 : i32
      %cond3A_218 = arith.cmpi ne, %convert_element_type3A_216, %cond3A_217 : i32
      scf.if %cond3A_218 {
        %dma_wait3A_246 = arith.constant 0 : i32
        %dma_wait3A_247 = arith.constant 0 : i32
        %dma_wait3A_248 = tpu.memref_slice %arg11[%dma_wait3A_246, %dma_wait3A_247] : memref<32x128xf32, #tpu.memory_space<vmem>> -> memref<16x128xf32, #tpu.memory_space<vmem>>
        %dma_wait3A_249 = arith.constant 0 : i32
        %dma_wait3A_250 = arith.constant 0 : i32
        %dma_wait3A_251 = tpu.memref_slice %arg4[%dma_wait3A_249, %dma_wait3A_250] : memref<32768x128xf32, #tpu.memory_space<hbm>> -> memref<16x128xf32, #tpu.memory_space<hbm>>
        %dma_wait3A_252 = arith.constant 0 : i32
        %dma_wait3A_253 = arith.constant 0 : i32
        %dma_wait3A_254 = tpu.memref_slice %arg4[%dma_wait3A_252, %dma_wait3A_253] : memref<32768x128xf32, #tpu.memory_space<hbm>> -> memref<16x128xf32, #tpu.memory_space<hbm>>
        %dma_wait3A_255 = arith.constant 0 : i32
        %dma_wait3A_256 = arith.constant 0 : i32
        %dma_wait3A_257 = tpu.memref_slice %arg11[%dma_wait3A_255, %dma_wait3A_256] : memref<32x128xf32, #tpu.memory_space<vmem>> -> memref<16x128xf32, #tpu.memory_space<vmem>>
        tpu.wait_dma2 semaphore(%arg16 : memref<!tpu.dma_semaphore, #tpu.memory_space<semaphore_mem>>) src(%dma_wait3A_257 : memref<16x128xf32, #tpu.memory_space<vmem>>) dst(%dma_wait3A_254 : memref<16x128xf32, #tpu.memory_space<hbm>>)
      } else {
      }
      %ge3A_219 = arith.constant 2 : i32
      %ge3A_220 = arith.cmpi sge, %scan3A_180, %ge3A_219 : i32
      %and3A_221 = arith.andi %ge3A_220, %eq3A_190 : i1
      %convert_element_type3A_222 = arith.extui %and3A_221 : i1 to i32
      %cond3A_223 = arith.constant 0 : i32
      %cond3A_224 = arith.cmpi ne, %convert_element_type3A_222, %cond3A_223 : i32
      scf.if %cond3A_224 {
        %dma_wait3A_246 = arith.constant 0 : i32
        %dma_wait3A_247 = arith.constant 0 : i32
        %dma_wait3A_248 = tpu.memref_slice %arg11[%dma_wait3A_246, %dma_wait3A_247] : memref<32x128xf32, #tpu.memory_space<vmem>> -> memref<16x128xf32, #tpu.memory_space<vmem>>
        %dma_wait3A_249 = arith.constant 0 : i32
        %dma_wait3A_250 = arith.constant 0 : i32
        %dma_wait3A_251 = tpu.memref_slice %arg4[%dma_wait3A_249, %dma_wait3A_250] : memref<32768x128xf32, #tpu.memory_space<hbm>> -> memref<16x128xf32, #tpu.memory_space<hbm>>
        %dma_wait3A_252 = arith.constant 0 : i32
        %dma_wait3A_253 = arith.constant 0 : i32
        %dma_wait3A_254 = tpu.memref_slice %arg4[%dma_wait3A_252, %dma_wait3A_253] : memref<32768x128xf32, #tpu.memory_space<hbm>> -> memref<16x128xf32, #tpu.memory_space<hbm>>
        %dma_wait3A_255 = arith.constant 0 : i32
        %dma_wait3A_256 = arith.constant 0 : i32
        %dma_wait3A_257 = tpu.memref_slice %arg11[%dma_wait3A_255, %dma_wait3A_256] : memref<32x128xf32, #tpu.memory_space<vmem>> -> memref<16x128xf32, #tpu.memory_space<vmem>>
        tpu.wait_dma2 semaphore(%arg17 : memref<!tpu.dma_semaphore, #tpu.memory_space<semaphore_mem>>) src(%dma_wait3A_257 : memref<16x128xf32, #tpu.memory_space<vmem>>) dst(%dma_wait3A_254 : memref<16x128xf32, #tpu.memory_space<hbm>>)
      } else {
      }
      %and3A_225 = arith.constant 1 : i32
      %and3A_226 = arith.andi %scan3A_180, %and3A_225 : i32
      %mul3A_227 = arith.constant 2048 : i32
      %mul3A_228 = arith.muli %and3A_226, %mul3A_227 : i32
      %parallel_loop3A_229 = arith.constant 0 : i32
      %parallel_loop3A_230 = arith.constant 128 : i32
      %parallel_loop3A_231 = arith.constant 1 : i32
      scf.for %parallel_loop3A_246 = %parallel_loop3A_229 to %parallel_loop3A_230 step %parallel_loop3A_231  : i32 {
        %parallel_loop3A_247 = arith.constant 16 : i32
        %parallel_loop3A_248 = arith.muli %parallel_loop3A_246, %parallel_loop3A_247 : i32
        %parallel_loop3A_249 = arith.addi %mul3A_228, %parallel_loop3A_248 : i32
        %parallel_loop3A_250 = arith.index_cast %parallel_loop3A_249 : i32 to index
        %parallel_loop3A_251 = tpu.vector_load %arg7[%parallel_loop3A_250] {strides = array<i32>} : memref<4096xf32, #tpu.memory_space<vmem>>, vector<16xf32>,
        %parallel_loop3A_252 = arith.constant 16 : i32
        %parallel_loop3A_253 = arith.muli %parallel_loop3A_246, %parallel_loop3A_252 : i32
        %parallel_loop3A_254 = arith.addi %mul3A_228, %parallel_loop3A_253 : i32
        %parallel_loop3A_255 = arith.index_cast %parallel_loop3A_254 : i32 to index
        %parallel_loop3A_256 = tpu.vector_load %arg8[%parallel_loop3A_255] {strides = array<i32>} : memref<4096xf32, #tpu.memory_space<vmem>>, vector<16xf32>,
        %parallel_loop3A_257 = arith.constant 1.000000e+00 : f32
        %parallel_loop3A_258 = vector.broadcast %parallel_loop3A_257 : f32 to vector<16xf32>
        %parallel_loop3A_259 = arith.subf %parallel_loop3A_258, %parallel_loop3A_251 : vector<16xf32>
        %parallel_loop3A_260 = arith.constant 1.000000e+00 : f32
        %parallel_loop3A_261 = vector.broadcast %parallel_loop3A_260 : f32 to vector<16xf32>
        %parallel_loop3A_262 = arith.subf %parallel_loop3A_261, %parallel_loop3A_256 : vector<16xf32>
        %parallel_loop3A_263 = arith.mulf %parallel_loop3A_251, %parallel_loop3A_251 : vector<16xf32>
        %parallel_loop3A_264 = arith.mulf %parallel_loop3A_256, %parallel_loop3A_256 : vector<16xf32>
        %parallel_loop3A_265 = arith.mulf %parallel_loop3A_259, %parallel_loop3A_259 : vector<16xf32>
        %parallel_loop3A_266 = arith.mulf %parallel_loop3A_262, %parallel_loop3A_262 : vector<16xf32>
        %parallel_loop3A_267 = arith.mulf %parallel_loop3A_265, %parallel_loop3A_259 : vector<16xf32>
        %parallel_loop3A_268 = arith.constant 3.000000e+00 : f32
        %parallel_loop3A_269 = vector.broadcast %parallel_loop3A_268 : f32 to vector<16xf32>
        %parallel_loop3A_270 = arith.mulf %parallel_loop3A_269, %parallel_loop3A_251 : vector<16xf32>
        %parallel_loop3A_271 = arith.constant 6.000000e+00 : f32
        %parallel_loop3A_272 = vector.broadcast %parallel_loop3A_271 : f32 to vector<16xf32>
        %parallel_loop3A_273 = arith.subf %parallel_loop3A_270, %parallel_loop3A_272 : vector<16xf32>
        %parallel_loop3A_274 = arith.mulf %parallel_loop3A_273, %parallel_loop3A_263 : vector<16xf32>
        %parallel_loop3A_275 = arith.constant 4.000000e+00 : f32
        %parallel_loop3A_276 = vector.broadcast %parallel_loop3A_275 : f32 to vector<16xf32>
        %parallel_loop3A_277 = arith.addf %parallel_loop3A_274, %parallel_loop3A_276 : vector<16xf32>
        %parallel_loop3A_278 = arith.constant 3.000000e+00 : f32
        %parallel_loop3A_279 = vector.broadcast %parallel_loop3A_278 : f32 to vector<16xf32>
        %parallel_loop3A_280 = arith.mulf %parallel_loop3A_279, %parallel_loop3A_259 : vector<16xf32>
        %parallel_loop3A_281 = arith.constant 6.000000e+00 : f32
        %parallel_loop3A_282 = vector.broadcast %parallel_loop3A_281 : f32 to vector<16xf32>
        %parallel_loop3A_283 = arith.subf %parallel_loop3A_280, %parallel_loop3A_282 : vector<16xf32>
        %parallel_loop3A_284 = arith.mulf %parallel_loop3A_283, %parallel_loop3A_265 : vector<16xf32>
        %parallel_loop3A_285 = arith.constant 4.000000e+00 : f32
        %parallel_loop3A_286 = vector.broadcast %parallel_loop3A_285 : f32 to vector<16xf32>
        %parallel_loop3A_287 = arith.addf %parallel_loop3A_284, %parallel_loop3A_286 : vector<16xf32>
        %parallel_loop3A_288 = arith.mulf %parallel_loop3A_263, %parallel_loop3A_251 : vector<16xf32>
        %parallel_loop3A_289 = arith.mulf %parallel_loop3A_266, %parallel_loop3A_262 : vector<16xf32>
        %parallel_loop3A_290 = arith.constant 3.000000e+00 : f32
        %parallel_loop3A_291 = vector.broadcast %parallel_loop3A_290 : f32 to vector<16xf32>
        %parallel_loop3A_292 = arith.mulf %parallel_loop3A_291, %parallel_loop3A_256 : vector<16xf32>
        %parallel_loop3A_293 = arith.constant 6.000000e+00 : f32
        %parallel_loop3A_294 = vector.broadcast %parallel_loop3A_293 : f32 to vector<16xf32>
        %parallel_loop3A_295 = arith.subf %parallel_loop3A_292, %parallel_loop3A_294 : vector<16xf32>
        %parallel_loop3A_296 = arith.mulf %parallel_loop3A_295, %parallel_loop3A_264 : vector<16xf32>
        %parallel_loop3A_297 = arith.constant 4.000000e+00 : f32
        %parallel_loop3A_298 = vector.broadcast %parallel_loop3A_297 : f32 to vector<16xf32>
        %parallel_loop3A_299 = arith.addf %parallel_loop3A_296, %parallel_loop3A_298 : vector<16xf32>
        %parallel_loop3A_300 = arith.constant 3.000000e+00 : f32
        %parallel_loop3A_301 = vector.broadcast %parallel_loop3A_300 : f32 to vector<16xf32>
        %parallel_loop3A_302 = arith.mulf %parallel_loop3A_301, %parallel_loop3A_262 : vector<16xf32>
        %parallel_loop3A_303 = arith.constant 6.000000e+00 : f32
        %parallel_loop3A_304 = vector.broadcast %parallel_loop3A_303 : f32 to vector<16xf32>
        %parallel_loop3A_305 = arith.subf %parallel_loop3A_302, %parallel_loop3A_304 : vector<16xf32>
        %parallel_loop3A_306 = arith.mulf %parallel_loop3A_305, %parallel_loop3A_266 : vector<16xf32>
        %parallel_loop3A_307 = arith.constant 4.000000e+00 : f32
        %parallel_loop3A_308 = vector.broadcast %parallel_loop3A_307 : f32 to vector<16xf32>
        %parallel_loop3A_309 = arith.addf %parallel_loop3A_306, %parallel_loop3A_308 : vector<16xf32>
        %parallel_loop3A_310 = arith.mulf %parallel_loop3A_264, %parallel_loop3A_256 : vector<16xf32>
        %parallel_loop3A_311 = arith.constant 16 : i32
        %parallel_loop3A_312 = arith.muli %parallel_loop3A_246, %parallel_loop3A_311 : i32
        %parallel_loop3A_313 = arith.addi %mul3A_228, %parallel_loop3A_312 : i32
        %parallel_loop3A_314 = vector.broadcast %parallel_loop3A_313 : i32 to vector<16xi32>
        %parallel_loop3A_315 = arith.addi %parallel_loop3A_314, %iota3A : vector<16xi32>
        %parallel_loop3A_316 = arith.constant 0.000000e+00 : f32
        %parallel_loop3A_317 = vector.broadcast %parallel_loop3A_316 : f32 to vector<16xf32>
        %parallel_loop3A_318 = arith.constant 0 : i32
        %parallel_loop3A_319 = vector.broadcast %parallel_loop3A_318 : i32 to vector<16xi32>
        %parallel_loop3A_320 = tpu.vector_load_idx %arg10[%parallel_loop3A_315, %parallel_loop3A_319] : memref<4096x16xf32, #tpu.memory_space<vmem>>[vector<16xi32>, vector<16xi32>], vector<16xf32>,
        %parallel_loop3A_321 = arith.mulf %parallel_loop3A_320, %parallel_loop3A_289 : vector<16xf32>
        %parallel_loop3A_322 = arith.constant 1 : i32
        %parallel_loop3A_323 = vector.broadcast %parallel_loop3A_322 : i32 to vector<16xi32>
        %parallel_loop3A_324 = tpu.vector_load_idx %arg10[%parallel_loop3A_315, %parallel_loop3A_323] : memref<4096x16xf32, #tpu.memory_space<vmem>>[vector<16xi32>, vector<16xi32>], vector<16xf32>,
        %parallel_loop3A_325 = arith.mulf %parallel_loop3A_324, %parallel_loop3A_299 : vector<16xf32>
        %parallel_loop3A_326 = arith.addf %parallel_loop3A_321, %parallel_loop3A_325 : vector<16xf32>
        %parallel_loop3A_327 = arith.constant 2 : i32
        %parallel_loop3A_328 = vector.broadcast %parallel_loop3A_327 : i32 to vector<16xi32>
        %parallel_loop3A_329 = tpu.vector_load_idx %arg10[%parallel_loop3A_315, %parallel_loop3A_328] : memref<4096x16xf32, #tpu.memory_space<vmem>>[vector<16xi32>, vector<16xi32>], vector<16xf32>,
        %parallel_loop3A_330 = arith.mulf %parallel_loop3A_329, %parallel_loop3A_309 : vector<16xf32>
        %parallel_loop3A_331 = arith.addf %parallel_loop3A_326, %parallel_loop3A_330 : vector<16xf32>
        %parallel_loop3A_332 = arith.constant 3 : i32
        %parallel_loop3A_333 = vector.broadcast %parallel_loop3A_332 : i32 to vector<16xi32>
        %parallel_loop3A_334 = tpu.vector_load_idx %arg10[%parallel_loop3A_315, %parallel_loop3A_333] : memref<4096x16xf32, #tpu.memory_space<vmem>>[vector<16xi32>, vector<16xi32>], vector<16xf32>,
        %parallel_loop3A_335 = arith.mulf %parallel_loop3A_334, %parallel_loop3A_310 : vector<16xf32>
        %parallel_loop3A_336 = arith.addf %parallel_loop3A_331, %parallel_loop3A_335 : vector<16xf32>
        %parallel_loop3A_337 = arith.mulf %parallel_loop3A_336, %parallel_loop3A_267 : vector<16xf32>
        %parallel_loop3A_338 = arith.addf %parallel_loop3A_317, %parallel_loop3A_337 : vector<16xf32>
        %parallel_loop3A_339 = arith.constant 4 : i32
        %parallel_loop3A_340 = vector.broadcast %parallel_loop3A_339 : i32 to vector<16xi32>
        %parallel_loop3A_341 = tpu.vector_load_idx %arg10[%parallel_loop3A_315, %parallel_loop3A_340] : memref<4096x16xf32, #tpu.memory_space<vmem>>[vector<16xi32>, vector<16xi32>], vector<16xf32>,
        %parallel_loop3A_342 = arith.mulf %parallel_loop3A_341, %parallel_loop3A_289 : vector<16xf32>
        %parallel_loop3A_343 = arith.constant 5 : i32
        %parallel_loop3A_344 = vector.broadcast %parallel_loop3A_343 : i32 to vector<16xi32>
        %parallel_loop3A_345 = tpu.vector_load_idx %arg10[%parallel_loop3A_315, %parallel_loop3A_344] : memref<4096x16xf32, #tpu.memory_space<vmem>>[vector<16xi32>, vector<16xi32>], vector<16xf32>,
        %parallel_loop3A_346 = arith.mulf %parallel_loop3A_345, %parallel_loop3A_299 : vector<16xf32>
        %parallel_loop3A_347 = arith.addf %parallel_loop3A_342, %parallel_loop3A_346 : vector<16xf32>
        %parallel_loop3A_348 = arith.constant 6 : i32
        %parallel_loop3A_349 = vector.broadcast %parallel_loop3A_348 : i32 to vector<16xi32>
        %parallel_loop3A_350 = tpu.vector_load_idx %arg10[%parallel_loop3A_315, %parallel_loop3A_349] : memref<4096x16xf32, #tpu.memory_space<vmem>>[vector<16xi32>, vector<16xi32>], vector<16xf32>,
        %parallel_loop3A_351 = arith.mulf %parallel_loop3A_350, %parallel_loop3A_309 : vector<16xf32>
        %parallel_loop3A_352 = arith.addf %parallel_loop3A_347, %parallel_loop3A_351 : vector<16xf32>
        %parallel_loop3A_353 = arith.constant 7 : i32
        %parallel_loop3A_354 = vector.broadcast %parallel_loop3A_353 : i32 to vector<16xi32>
        %parallel_loop3A_355 = tpu.vector_load_idx %arg10[%parallel_loop3A_315, %parallel_loop3A_354] : memref<4096x16xf32, #tpu.memory_space<vmem>>[vector<16xi32>, vector<16xi32>], vector<16xf32>,
        %parallel_loop3A_356 = arith.mulf %parallel_loop3A_355, %parallel_loop3A_310 : vector<16xf32>
        %parallel_loop3A_357 = arith.addf %parallel_loop3A_352, %parallel_loop3A_356 : vector<16xf32>
        %parallel_loop3A_358 = arith.mulf %parallel_loop3A_357, %parallel_loop3A_277 : vector<16xf32>
        %parallel_loop3A_359 = arith.addf %parallel_loop3A_338, %parallel_loop3A_358 : vector<16xf32>
        %parallel_loop3A_360 = arith.constant 8 : i32
        %parallel_loop3A_361 = vector.broadcast %parallel_loop3A_360 : i32 to vector<16xi32>
        %parallel_loop3A_362 = tpu.vector_load_idx %arg10[%parallel_loop3A_315, %parallel_loop3A_361] : memref<4096x16xf32, #tpu.memory_space<vmem>>[vector<16xi32>, vector<16xi32>], vector<16xf32>,
        %parallel_loop3A_363 = arith.mulf %parallel_loop3A_362, %parallel_loop3A_289 : vector<16xf32>
        %parallel_loop3A_364 = arith.constant 9 : i32
        %parallel_loop3A_365 = vector.broadcast %parallel_loop3A_364 : i32 to vector<16xi32>
        %parallel_loop3A_366 = tpu.vector_load_idx %arg10[%parallel_loop3A_315, %parallel_loop3A_365] : memref<4096x16xf32, #tpu.memory_space<vmem>>[vector<16xi32>, vector<16xi32>], vector<16xf32>,
        %parallel_loop3A_367 = arith.mulf %parallel_loop3A_366, %parallel_loop3A_299 : vector<16xf32>
        %parallel_loop3A_368 = arith.addf %parallel_loop3A_363, %parallel_loop3A_367 : vector<16xf32>
        %parallel_loop3A_369 = arith.constant 10 : i32
        %parallel_loop3A_370 = vector.broadcast %parallel_loop3A_369 : i32 to vector<16xi32>
        %parallel_loop3A_371 = tpu.vector_load_idx %arg10[%parallel_loop3A_315, %parallel_loop3A_370] : memref<4096x16xf32, #tpu.memory_space<vmem>>[vector<16xi32>, vector<16xi32>], vector<16xf32>,
        %parallel_loop3A_372 = arith.mulf %parallel_loop3A_371, %parallel_loop3A_309 : vector<16xf32>
        %parallel_loop3A_373 = arith.addf %parallel_loop3A_368, %parallel_loop3A_372 : vector<16xf32>
        %parallel_loop3A_374 = arith.constant 11 : i32
        %parallel_loop3A_375 = vector.broadcast %parallel_loop3A_374 : i32 to vector<16xi32>
        %parallel_loop3A_376 = tpu.vector_load_idx %arg10[%parallel_loop3A_315, %parallel_loop3A_375] : memref<4096x16xf32, #tpu.memory_space<vmem>>[vector<16xi32>, vector<16xi32>], vector<16xf32>,
        %parallel_loop3A_377 = arith.mulf %parallel_loop3A_376, %parallel_loop3A_310 : vector<16xf32>
        %parallel_loop3A_378 = arith.addf %parallel_loop3A_373, %parallel_loop3A_377 : vector<16xf32>
        %parallel_loop3A_379 = arith.mulf %parallel_loop3A_378, %parallel_loop3A_287 : vector<16xf32>
        %parallel_loop3A_380 = arith.addf %parallel_loop3A_359, %parallel_loop3A_379 : vector<16xf32>
        %parallel_loop3A_381 = arith.constant 12 : i32
        %parallel_loop3A_382 = vector.broadcast %parallel_loop3A_381 : i32 to vector<16xi32>
        %parallel_loop3A_383 = tpu.vector_load_idx %arg10[%parallel_loop3A_315, %parallel_loop3A_382] : memref<4096x16xf32, #tpu.memory_space<vmem>>[vector<16xi32>, vector<16xi32>], vector<16xf32>,
        %parallel_loop3A_384 = arith.mulf %parallel_loop3A_383, %parallel_loop3A_289 : vector<16xf32>
        %parallel_loop3A_385 = arith.constant 13 : i32
        %parallel_loop3A_386 = vector.broadcast %parallel_loop3A_385 : i32 to vector<16xi32>
        %parallel_loop3A_387 = tpu.vector_load_idx %arg10[%parallel_loop3A_315, %parallel_loop3A_386] : memref<4096x16xf32, #tpu.memory_space<vmem>>[vector<16xi32>, vector<16xi32>], vector<16xf32>,
        %parallel_loop3A_388 = arith.mulf %parallel_loop3A_387, %parallel_loop3A_299 : vector<16xf32>
        %parallel_loop3A_389 = arith.addf %parallel_loop3A_384, %parallel_loop3A_388 : vector<16xf32>
        %parallel_loop3A_390 = arith.constant 14 : i32
        %parallel_loop3A_391 = vector.broadcast %parallel_loop3A_390 : i32 to vector<16xi32>
        %parallel_loop3A_392 = tpu.vector_load_idx %arg10[%parallel_loop3A_315, %parallel_loop3A_391] : memref<4096x16xf32, #tpu.memory_space<vmem>>[vector<16xi32>, vector<16xi32>], vector<16xf32>,
        %parallel_loop3A_393 = arith.mulf %parallel_loop3A_392, %parallel_loop3A_309 : vector<16xf32>
        %parallel_loop3A_394 = arith.addf %parallel_loop3A_389, %parallel_loop3A_393 : vector<16xf32>
        %parallel_loop3A_395 = arith.constant 15 : i32
        %parallel_loop3A_396 = vector.broadcast %parallel_loop3A_395 : i32 to vector<16xi32>
        %parallel_loop3A_397 = tpu.vector_load_idx %arg10[%parallel_loop3A_315, %parallel_loop3A_396] : memref<4096x16xf32, #tpu.memory_space<vmem>>[vector<16xi32>, vector<16xi32>], vector<16xf32>,
        %parallel_loop3A_398 = arith.mulf %parallel_loop3A_397, %parallel_loop3A_310 : vector<16xf32>
        %parallel_loop3A_399 = arith.addf %parallel_loop3A_394, %parallel_loop3A_398 : vector<16xf32>
        %parallel_loop3A_400 = arith.mulf %parallel_loop3A_399, %parallel_loop3A_288 : vector<16xf32>
        %parallel_loop3A_401 = arith.addf %parallel_loop3A_380, %parallel_loop3A_400 : vector<16xf32>
        %parallel_loop3A_402 = arith.constant 1 : i32
        %parallel_loop3A_403 = arith.andi %scan3A_180, %parallel_loop3A_402 : i32
        %parallel_loop3A_404 = arith.constant 16 : i32
        %parallel_loop3A_405 = arith.muli %parallel_loop3A_403, %parallel_loop3A_404 : i32
        %parallel_loop3A_406 = arith.constant 3 : i32
        %parallel_loop3A_407 = arith.shrsi %parallel_loop3A_246, %parallel_loop3A_406 : i32
        %parallel_loop3A_408 = arith.addi %parallel_loop3A_405, %parallel_loop3A_407 : i32
        %parallel_loop3A_409 = arith.constant 7 : i32
        %parallel_loop3A_410 = arith.andi %parallel_loop3A_246, %parallel_loop3A_409 : i32
        %parallel_loop3A_411 = arith.constant 16 : i32
        %parallel_loop3A_412 = arith.muli %parallel_loop3A_410, %parallel_loop3A_411 : i32
        %parallel_loop3A_413 = arith.index_cast %parallel_loop3A_408 : i32 to index
        %parallel_loop3A_414 = arith.index_cast %parallel_loop3A_412 : i32 to index
        %parallel_loop3A_415 = tpu.vector_load %arg11[%parallel_loop3A_413, %parallel_loop3A_414] {strides = array<i32>} : memref<32x128xf32, #tpu.memory_space<vmem>>, vector<16xf32>,
        tpu.vector_store %arg11[%parallel_loop3A_413, %parallel_loop3A_414], %parallel_loop3A_401 {strides = array<i32>} : memref<32x128xf32, #tpu.memory_space<vmem>>, vector<16xf32>,
      } {sc.loop_unroll_factor = 2 : i64, sc.parallel_access}
      %mul3A_232 = arith.constant 131072 : i32
      %mul3A_233 = arith.muli %add3A, %mul3A_232 : i32
      %mul3A_234 = arith.constant 2048 : i32
      %mul3A_235 = arith.muli %scan3A_180, %mul3A_234 : i32
      %add3A_236 = arith.addi %mul3A_233, %mul3A_235 : i32
      %not3A_237 = arith.constant true
      %not3A_238 = arith.xori %eq3A_190, %not3A_237 : i1
      %convert_element_type3A_239 = arith.extui %not3A_238 : i1 to i32
      %cond3A_240 = arith.constant 0 : i32
      %cond3A_241 = arith.cmpi ne, %convert_element_type3A_239, %cond3A_240 : i32
      scf.if %cond3A_241 {
        %jit3A_246 = arith.constant 128 : i32
        %div3A_247 = arith.divsi %add3A_236, %jit3A_246 : i32
        %sign3A_248 = arith.constant 0 : i32
        %sign3A_249 = arith.cmpi sgt, %add3A_236, %sign3A_248 : i32
        %sign3A_250 = arith.extui %sign3A_249 : i1 to i32
        %sign3A_251 = arith.constant 0 : i32
        %sign3A_252 = arith.cmpi slt, %add3A_236, %sign3A_251 : i32
        %sign3A_253 = arith.extui %sign3A_252 : i1 to i32
        %sign3A_254 = arith.subi %sign3A_250, %sign3A_253 : i32
        %sign3A_255 = arith.constant 0 : i32
        %sign3A_256 = arith.cmpi sgt, %jit3A_246, %sign3A_255 : i32
        %sign3A_257 = arith.extui %sign3A_256 : i1 to i32
        %sign3A_258 = arith.constant 0 : i32
        %sign3A_259 = arith.cmpi slt, %jit3A_246, %sign3A_258 : i32
        %sign3A_260 = arith.extui %sign3A_259 : i1 to i32
        %sign3A_261 = arith.subi %sign3A_257, %sign3A_260 : i32
        %ne3A_262 = arith.cmpi ne, %sign3A_254, %sign3A_261 : i32
        %rem3A_263 = arith.remsi %add3A_236, %jit3A_246 : i32
        %ne3A_264 = arith.constant 0 : i32
        %ne3A_265 = arith.cmpi ne, %rem3A_263, %ne3A_264 : i32
        %and3A_266 = arith.andi %ne3A_262, %ne3A_265 : i1
        %sub3A_267 = arith.constant 1 : i32
        %sub3A_268 = arith.subi %div3A_247, %sub3A_267 : i32
        %select_n3A_269 = arith.select %and3A_266, %sub3A_268, %div3A_247 : i32
        %dma_start3A_270 = arith.constant 0 : i32
        %dma_start3A_271 = arith.constant 0 : i32
        %dma_start3A_272 = tpu.memref_slice %arg11[%dma_start3A_270, %dma_start3A_271] : memref<32x128xf32, #tpu.memory_space<vmem>> -> memref<16x128xf32, #tpu.memory_space<vmem>>
        %dma_start3A_273 = arith.constant 0 : i32
        %dma_start3A_274 = tpu.memref_slice %arg4[%select_n3A_269, %dma_start3A_273] : memref<32768x128xf32, #tpu.memory_space<hbm>> -> memref<16x128xf32, #tpu.memory_space<hbm>>
        %dma_start3A_275 = arith.constant 0 : i32
        %dma_start3A_276 = tpu.memref_slice %arg4[%select_n3A_269, %dma_start3A_275] : memref<32768x128xf32, #tpu.memory_space<hbm>> -> memref<16x128xf32, #tpu.memory_space<hbm>>
        %dma_start3A_277 = arith.constant 0 : i32
        %dma_start3A_278 = arith.constant 0 : i32
        %dma_start3A_279 = tpu.memref_slice %arg11[%dma_start3A_277, %dma_start3A_278] : memref<32x128xf32, #tpu.memory_space<vmem>> -> memref<16x128xf32, #tpu.memory_space<vmem>>
        tpu.enqueue_dma source(%dma_start3A_279 : memref<16x128xf32, #tpu.memory_space<vmem>>) target(%dma_start3A_276 : memref<16x128xf32, #tpu.memory_space<hbm>>) target_semaphore(%arg16 : memref<!tpu.dma_semaphore, #tpu.memory_space<semaphore_mem>>)
      } else {
      }
      %convert_element_type3A_242 = arith.extui %eq3A_190 : i1 to i32
      %cond3A_243 = arith.constant 0 : i32
      %cond3A_244 = arith.cmpi ne, %convert_element_type3A_242, %cond3A_243 : i32
      scf.if %cond3A_244 {
        %jit3A_246 = arith.constant 128 : i32
        %div3A_247 = arith.divsi %add3A_236, %jit3A_246 : i32
        %sign3A_248 = arith.constant 0 : i32
        %sign3A_249 = arith.cmpi sgt, %add3A_236, %sign3A_248 : i32
        %sign3A_250 = arith.extui %sign3A_249 : i1 to i32
        %sign3A_251 = arith.constant 0 : i32
        %sign3A_252 = arith.cmpi slt, %add3A_236, %sign3A_251 : i32
        %sign3A_253 = arith.extui %sign3A_252 : i1 to i32
        %sign3A_254 = arith.subi %sign3A_250, %sign3A_253 : i32
        %sign3A_255 = arith.constant 0 : i32
        %sign3A_256 = arith.cmpi sgt, %jit3A_246, %sign3A_255 : i32
        %sign3A_257 = arith.extui %sign3A_256 : i1 to i32
        %sign3A_258 = arith.constant 0 : i32
        %sign3A_259 = arith.cmpi slt, %jit3A_246, %sign3A_258 : i32
        %sign3A_260 = arith.extui %sign3A_259 : i1 to i32
        %sign3A_261 = arith.subi %sign3A_257, %sign3A_260 : i32
        %ne3A_262 = arith.cmpi ne, %sign3A_254, %sign3A_261 : i32
        %rem3A_263 = arith.remsi %add3A_236, %jit3A_246 : i32
        %ne3A_264 = arith.constant 0 : i32
        %ne3A_265 = arith.cmpi ne, %rem3A_263, %ne3A_264 : i32
        %and3A_266 = arith.andi %ne3A_262, %ne3A_265 : i1
        %sub3A_267 = arith.constant 1 : i32
        %sub3A_268 = arith.subi %div3A_247, %sub3A_267 : i32
        %select_n3A_269 = arith.select %and3A_266, %sub3A_268, %div3A_247 : i32
        %dma_start3A_270 = arith.constant 16 : i32
        %dma_start3A_271 = arith.constant 0 : i32
        %dma_start3A_272 = tpu.memref_slice %arg11[%dma_start3A_270, %dma_start3A_271] : memref<32x128xf32, #tpu.memory_space<vmem>> -> memref<16x128xf32, #tpu.memory_space<vmem>>
        %dma_start3A_273 = arith.constant 0 : i32
        %dma_start3A_274 = tpu.memref_slice %arg4[%select_n3A_269, %dma_start3A_273] : memref<32768x128xf32, #tpu.memory_space<hbm>> -> memref<16x128xf32, #tpu.memory_space<hbm>>
        %dma_start3A_275 = arith.constant 0 : i32
        %dma_start3A_276 = tpu.memref_slice %arg4[%select_n3A_269, %dma_start3A_275] : memref<32768x128xf32, #tpu.memory_space<hbm>> -> memref<16x128xf32, #tpu.memory_space<hbm>>
        %dma_start3A_277 = arith.constant 16 : i32
        %dma_start3A_278 = arith.constant 0 : i32
        %dma_start3A_279 = tpu.memref_slice %arg11[%dma_start3A_277, %dma_start3A_278] : memref<32x128xf32, #tpu.memory_space<vmem>> -> memref<16x128xf32, #tpu.memory_space<vmem>>
        tpu.enqueue_dma source(%dma_start3A_279 : memref<16x128xf32, #tpu.memory_space<vmem>>) target(%dma_start3A_276 : memref<16x128xf32, #tpu.memory_space<hbm>>) target_semaphore(%arg17 : memref<!tpu.dma_semaphore, #tpu.memory_space<semaphore_mem>>)
      } else {
      }
      %scan3A_245 = arith.constant 0 : i32
      scf.yield %scan3A_245 : i32
    }
    %scan3A_155 = arith.constant 64 : i32
    %dma_wait3A_156 = arith.constant 0 : i32
    %dma_wait3A_157 = arith.constant 0 : i32
    %dma_wait3A_158 = tpu.memref_slice %arg11[%dma_wait3A_156, %dma_wait3A_157] : memref<32x128xf32, #tpu.memory_space<vmem>> -> memref<16x128xf32, #tpu.memory_space<vmem>>
    %dma_wait3A_159 = arith.constant 0 : i32
    %dma_wait3A_160 = arith.constant 0 : i32
    %dma_wait3A_161 = tpu.memref_slice %arg4[%dma_wait3A_159, %dma_wait3A_160] : memref<32768x128xf32, #tpu.memory_space<hbm>> -> memref<16x128xf32, #tpu.memory_space<hbm>>
    %dma_wait3A_162 = arith.constant 0 : i32
    %dma_wait3A_163 = arith.constant 0 : i32
    %dma_wait3A_164 = tpu.memref_slice %arg4[%dma_wait3A_162, %dma_wait3A_163] : memref<32768x128xf32, #tpu.memory_space<hbm>> -> memref<16x128xf32, #tpu.memory_space<hbm>>
    %dma_wait3A_165 = arith.constant 0 : i32
    %dma_wait3A_166 = arith.constant 0 : i32
    %dma_wait3A_167 = tpu.memref_slice %arg11[%dma_wait3A_165, %dma_wait3A_166] : memref<32x128xf32, #tpu.memory_space<vmem>> -> memref<16x128xf32, #tpu.memory_space<vmem>>
    tpu.wait_dma2 semaphore(%arg16 : memref<!tpu.dma_semaphore, #tpu.memory_space<semaphore_mem>>) src(%dma_wait3A_167 : memref<16x128xf32, #tpu.memory_space<vmem>>) dst(%dma_wait3A_164 : memref<16x128xf32, #tpu.memory_space<hbm>>)
    %dma_wait3A_168 = arith.constant 0 : i32
    %dma_wait3A_169 = arith.constant 0 : i32
    %dma_wait3A_170 = tpu.memref_slice %arg11[%dma_wait3A_168, %dma_wait3A_169] : memref<32x128xf32, #tpu.memory_space<vmem>> -> memref<16x128xf32, #tpu.memory_space<vmem>>
    %dma_wait3A_171 = arith.constant 0 : i32
    %dma_wait3A_172 = arith.constant 0 : i32
    %dma_wait3A_173 = tpu.memref_slice %arg4[%dma_wait3A_171, %dma_wait3A_172] : memref<32768x128xf32, #tpu.memory_space<hbm>> -> memref<16x128xf32, #tpu.memory_space<hbm>>
    %dma_wait3A_174 = arith.constant 0 : i32
    %dma_wait3A_175 = arith.constant 0 : i32
    %dma_wait3A_176 = tpu.memref_slice %arg4[%dma_wait3A_174, %dma_wait3A_175] : memref<32768x128xf32, #tpu.memory_space<hbm>> -> memref<16x128xf32, #tpu.memory_space<hbm>>
    %dma_wait3A_177 = arith.constant 0 : i32
    %dma_wait3A_178 = arith.constant 0 : i32
    %dma_wait3A_179 = tpu.memref_slice %arg11[%dma_wait3A_177, %dma_wait3A_178] : memref<32x128xf32, #tpu.memory_space<vmem>> -> memref<16x128xf32, #tpu.memory_space<vmem>>
    tpu.wait_dma2 semaphore(%arg17 : memref<!tpu.dma_semaphore, #tpu.memory_space<semaphore_mem>>) src(%dma_wait3A_179 : memref<16x128xf32, #tpu.memory_space<vmem>>) dst(%dma_wait3A_176 : memref<16x128xf32, #tpu.memory_space<hbm>>)
    return
  }
}

</mosaic_0001>

<sc_bundles>
// kernel: _run.3.cloned.1.call-start
scs
__scs_entry_jumppad:
0x0: {  	(pc) =	sbr.rel $0x88, $3  }
0x1: {  	(tag) =	ssettag $0x0;
	lr =	simm.s32 $0x1  }
0x2: {  	[smem:$0x3F9F] =	sst lr;
	_ =	strace $0xD0000000  }
0x3: {  	_ = 	snop  }
0x4: {  	_ = 	snop  }
0x5: {  	_ = 	snop  }
0x6: {  	_ = 	snop  }
0x7: {  	_ = 	snop  }
__scs_overlays_trampoline_lowered:
0x8: {  	[smem:$0x3FAE] =	sst s0  }
0x9: {  	[smem:$0x3FAF] =	sst s1  }
0xa: {  	[smem:$0x3FB0] =	sst s2  }
0xb: {  	[smem:$0x3FB1] =	sst s3  }
0xc: {  	[smem:$0x3FB2] =	sst s4  }
0xd: {  	[smem:$0x3FB3] =	sst s5  }
0xe: {  	[smem:$0x3FB4] =	sst s6  }
0xf: {  	[smem:$0x3FB5] =	sst s7  }
0x10: {  	[smem:$0x3FB6] =	sst s8  }
0x11: {  	[smem:$0x3FB7] =	sst s9;
	s0 =	simm.s32 @!p0 $0x0  }
0x12: {  	s1 =	sld [smem:$0x3F9D];
	s0 =	simm.s32 @p0 $0x1  }
0x13: {  	[smem:$0x3FB8] =	sst s0;
	s0 =	simm.s32 @!p1 $0x0  }
0x14: {  	s2 =	sld [smem:$0x3F9C];
	s0 =	simm.s32 @p1 $0x1  }
0x15: {  	[smem:$0x3FB9] =	sst s0;
	s0 =	simm.s32 @!p2 $0x0  }
0x16: {  	s3 =	sld [smem:$0x3FDB];
	s0 =	simm.s32 @p2 $0x1  }
0x17: {  	s4 =	simm.s32 $0x1BF5;
	[smem:$0x3FBB] =	sst s0  }
0x18: {  	s0 =	sld [smem:$0x3F9E];
	_ =	swait.ge [sflag:s4], $0x0  }
0x19: {  	s7 =	sld [smem:$0x3F9F]  }
0x1a: {  	s8 =	sadd.s32 $0xFFFFE003, lr  }
0x1b: {  	s9 =	sadd.s32 $0xFFFFFEF7, lr;
	s5 =	simm.s32 $0xFFFFFFFF;
	p2 =	slt.u32 s8, $0xFFFFF086  }
0x1c: {  	p1 =	slt.u32 s9, $0xF7A;
	s5 =	simm.s32 @!p2 $0x0  }
0x1d: {  	s5 =	simm.s32 @p1 $0x1;
	p0 =	seq.s32 s7, s2  }
0x1e: {  	s7 =	smul.u32 @!p0 $0xF7A, s2;
	p2 =	seq.s32 @!p0 s5, $0x0  }
0x1f: {  	s9 =	smul.u32 $0xF7A, s1;
	s8 =	simm.s32 @!p0 $0x1BF5;
	p2 =	por !p2, p0  }
0x20: {  	[sflag:s8] =	ssyncset.s32 @!p0 $0xFFFFF086;
	s6 =	sadd.s32 @!p0 s3, s7;
	s7 =	simm.s32 @!p0 $0x108  }
0x21: {  	s3 =	sadd.s32 s3, s9;
	s6 =	sadd.s32 @!p0 $0x88, s6;
	s7 =	simm.s32 @p2 $0x1082  }
0x22: {  	[simem:s7], [sflag:s8] =	dma.local @!p0 [hbm:s6], $0xF7A  }
0x23: {  	s9 =	sor.u32 $0xD0000000, s2;
	s6 =	simm.s32 $0x108;
	_ =	swait.ge @!p0 [sflag:s8], $0x0  }
0x24: {  	s3 =	sadd.s32 $0x88, s3;
	s6 =	simm.s32 @!p1 $0x1082;
	[sflag:s4] =	ssyncset.s32 $0xFFFFF086  }
0x25: {  	[simem:s6], [sflag:s4] =	dma.local [hbm:s3], $0xF7A  }
0x26: {  	[smem:$0x3F9F] =	sst s1;
	(tag) =	ssettag s2;
	_ =	strace s9  }
0x27: {  	s1 =	sld [smem:$0x3FAF]  }
0x28: {  	s2 =	sld [smem:$0x3FB0]  }
0x29: {  	s4 =	sld [smem:$0x3FB2]  }
0x2a: {  	p0 =	seq.s32 s5, $0x0;
	s5 =	sld [smem:$0x3FB3]  }
0x2b: {  	s6 =	sld [smem:$0x3FB4]  }
0x2c: {  	s7 =	sld [smem:$0x3FB5]  }
0x2d: {  	s3 =	simm.s32 $0x108;
	s8 =	sld [smem:$0x3FB6]  }
0x2e: {  	s3 =	simm.s32 @!p0 $0x1082;
	s9 =	sld [smem:$0x3FB7]  }
0x2f: {  	lr =	sadd.s32 s0, s3;
	s0 =	sld [smem:$0x3FAE]  }
0x30: {  	s3 =	sld [smem:$0x3FB1]  }
0x31: {  	[smem:$0x3FBA] =	sst s10  }
0x32: {  	s10 =	sld [smem:$0x3FB8];
	_ =	sdelay $0x3  }
0x33: {  	p0 =	seq.s32 s10, $0x1;
	s10 =	sld [smem:$0x3FBA];
	_ =	sdelay $0x3  }
0x34: {  	[smem:$0x3FBA] =	sst s10  }
0x35: {  	s10 =	sld [smem:$0x3FB9];
	_ =	sdelay $0x3  }
0x36: {  	p1 =	seq.s32 s10, $0x1;
	s10 =	sld [smem:$0x3FBA];
	_ =	sdelay $0x3  }
0x37: {  	[smem:$0x3FBA] =	sst s10  }
0x38: {  	s10 =	sld [smem:$0x3FBB]  }
0x39: {  	_ = 	snop;
	(pc) =	sbr.ind lr, $3  }
0x3a: {  	_ = 	snop  }
0x3b: {  	_ = 	snop  }
0x3c: {  	p2 =	seq.s32 s10, $0x1;
	s10 =	sld [smem:$0x3FBA]  }
0x3d: {  	_ =	shalt  }
0x3e: {  	_ =	shalt  }
0x3f: {  	_ =	shalt  }
0x40: {  	_ =	shalt  }
0x41: {  	_ =	shalt  }
0x42: {  	_ =	shalt  }
0x43: {  	_ =	shalt  }
0x44: {  	_ =	shalt  }
0x45: {  	_ =	shalt  }
0x46: {  	_ =	shalt  }
0x47: {  	_ =	shalt  }
0x48: {  	_ =	shalt  }
0x49: {  	_ =	shalt  }
0x4a: {  	_ =	shalt  }
0x4b: {  	_ =	shalt  }
0x4c: {  	_ =	shalt  }
0x4d: {  	_ =	shalt  }
0x4e: {  	_ =	shalt  }
0x4f: {  	_ =	shalt  }
0x50: {  	_ =	shalt  }
0x51: {  	_ =	shalt  }
0x52: {  	_ =	shalt  }
0x53: {  	_ =	shalt  }
0x54: {  	_ =	shalt  }
0x55: {  	_ =	shalt  }
0x56: {  	_ =	shalt  }
0x57: {  	_ =	shalt  }
0x58: {  	_ =	shalt  }
0x59: {  	_ =	shalt  }
0x5a: {  	_ =	shalt  }
0x5b: {  	_ =	shalt  }
0x5c: {  	_ =	shalt  }
0x5d: {  	_ =	shalt  }
0x5e: {  	_ =	shalt  }
0x5f: {  	_ =	shalt  }
0x60: {  	_ =	shalt  }
0x61: {  	_ =	shalt  }
0x62: {  	_ =	shalt  }
0x63: {  	_ =	shalt  }
0x64: {  	_ =	shalt  }
0x65: {  	_ =	shalt  }
0x66: {  	_ =	shalt  }
0x67: {  	_ =	shalt  }
0x68: {  	_ =	shalt  }
0x69: {  	_ =	shalt  }
0x6a: {  	_ =	shalt  }
0x6b: {  	_ =	shalt  }
0x6c: {  	_ =	shalt  }
0x6d: {  	_ =	shalt  }
0x6e: {  	_ =	shalt  }
0x6f: {  	_ =	shalt  }
0x70: {  	_ =	shalt  }
0x71: {  	_ =	shalt  }
0x72: {  	_ =	shalt  }
0x73: {  	_ =	shalt  }
0x74: {  	_ =	shalt  }
0x75: {  	_ =	shalt  }
0x76: {  	_ =	shalt  }
0x77: {  	_ =	shalt  }
0x78: {  	_ =	shalt  }
0x79: {  	_ =	shalt  }
0x7a: {  	_ =	shalt  }
0x7b: {  	_ =	shalt  }
0x7c: {  	_ =	shalt  }
0x7d: {  	_ =	shalt  }
0x7e: {  	_ =	shalt  }
0x7f: {  	_ =	shalt  }
0x80: {  	_ =	shalt  }
0x81: {  	_ =	shalt  }
0x82: {  	_ =	shalt  }
0x83: {  	_ =	shalt  }
0x84: {  	_ =	shalt  }
0x85: {  	_ =	shalt  }
0x86: {  	_ =	shalt  }
0x87: {  	_ =	shalt  }
.Lfunc_end0:
.L_simem_size_0:
called_computation_lowered:
.L_overlay_start_0:
0x88: {  	s2 =	sld [smem:$0x3FD9]  }
0x89: {  	s3 =	sld [smem:$0x3FFE];
	_ =	sdelay $0x1  }
0x8a: {  	s1 =	srdreg.scid  }
0x8b: {  	s0 =	sand.u32 $0x1, s1  }
0x8c: {  	s19 =	sshll.u32 s0, $0xA;
	s2 =	sadd.s32 s3, s2  }
0x8d: {  	s3 =	sadd.s32 s2, s19  }
0x8e: {  	[smem:$0x3FC6] =	sst s3  }
0x8f: {  	_ = 	snop  }
0x90: {  	s3 =	sld [smem:$0x3FC9]  }
0x91: {  	s4 =	sld [smem:$0x3FC8]  }
0x92: {  	s5 =	sld [smem:$0x3FD0];
	(tm) =	ssettm $0x1  }
0x93: {  	s6 =	sld [smem:$0x3FFB];
	_ =	sdelay $0x3  }
0x94: {  	_ =	strace s6  }
0x95: {  	s6 =	sld [smem:$0x3FFC];
	_ =	sdelay $0x3  }
0x96: {  	_ =	strace s6  }
0x97: {  	s6 =	sld [smem:$0x3FFD];
	_ =	sdelay $0x3  }
0x98: {  	_ =	strace s6  }
0x99: {  	_ =	strace $0x8FFFFFFF  }
0x9a: {  	s20 =	sld [smem:$0x3FDB];
	_ =	sdelay $0x1  }
0x9b: {  	s7 =	simm.s32 $_scs_section_size  }
0x9c: {  	s8 =	simm.s32 $_size__tile_overlayer_lowered;
	s9 =	simm.s32 $_tile_overlayer_lowered  }
0x9d: {  	s23 =	simm.s32 $0x1BFF;
	s22 =	sshll.u32 s9, $0x1;
	s6 =	sadd.s32 s7, s20  }
0x9e: {  	s10 =	simm.s32 $0x0;
	s21 =	sshll.u32 s8, $0x1;
	s8 =	sadd.s32 s22, s6  }
0x9f: {  	[timem:s10], [sflag:s23] =	dma.local [hbm:s8], s21  }
0xa0: {  	_ =	swait.ge [sflag:s23], s21  }
0xa1: {  	s7 =	ssub.s32 $0x0, s21;
	[sflag:s23] =	ssyncset.done $0x0  }
0xa2: {  	[sflag:s23] =	ssyncadd.s32 s7;
	_ =	sdelay $0x1  }
0xa3: {  	s24 =	simm.s32 $0x1B8B  }
0xa4: {  	_ =	swait.ge [sflag:s24], $0x1  }
0xa5: {  	[sflag:s24] =	ssyncset.done $0x0  }
0xa6: {  	s25 =	simm.s32 $0x1B8E;
	[sflag:s24] =	ssyncadd.s32 $0xFFFFFFFF  }
0xa7: {  	s26 =	simm.s32 $execute0_lowered;
	[smem:$0x3FD2] =	sst s25  }
0xa8: {  	s7 =	sshll.u32 s26, $0x1;
	_ =	strace $0x80000046;
	[dreg:$0x1] =	wrdreg $0xFFFFFFFF  }
0xa9: {  	s28 =	simm.s32 $_size_execute0_lowered;
	s6 =	sadd.s32 s6, s7;
	[dreg:$0x0] =	wrdreg $0x0  }
0xaa: {  	s7 =	sshll.u32 s28, $0x1;
	[dreg:$0x2] =	wrdreg s6  }
0xab: {  	[dreg:$0x3] =	wrdreg s7  }
0xac: {  	[dreg:$0x4] =	wrdreg $0xC0  }
0xad: {  	_ =	task [dreg:s10], $0x5FFFF  }
0xae: {  	[dreg:$0x1] =	wrdreg $0xFFFFFFFF  }
0xaf: {  	[dreg:$0x0] =	wrdreg $0x60  }
0xb0: {  	[dreg:$0x2] =	wrdreg s3  }
0xb1: {  	[dreg:$0x3] =	wrdreg s4  }
0xb2: {  	s2 =	sadd.s32 $0x800, s2;
	[dreg:$0x4] =	wrdreg s5  }
0xb3: {  	[dreg:$0x5] =	wrdreg s2  }
0xb4: {  	[dreg:$0x6] =	wrdreg $0x9  }
0xb5: {  	_ =	task.clear_ibuf [dreg:s10], $0x7FFFF;
	_ =	strace $0x90000046  }
0xb6: {  	s29 =	simm.s32 $0x9;
	_ =	strace $0x80000048  }
0xb7: {  	_ =	swait.ge [sflag:s29], $0x1  }
0xb8: {  	[sflag:s29] =	ssyncadd.s32 $0xFFFFFFFF  }
0xb9: {  	_ =	strace $0x90000048  }
0xba: {  	_ =	sfence  }
0xbb: {  	s30 =	sld [smem:$0x0];
	_ =	sdelay $0x2  }
0xbc: {  	s31 =	sshll.u32 s1, $0xD;
	s1 =	sshrl.u32 s1, $0x2  }
0xbd: {  	s3 =	sand.u32 $0x4000, s31;
	s1 =	sadd.s32 s1, s30  }
0xbe: {  	s0 =	sor.u32 s3, s0;
	s1 =	sshll.u32 s1, $0x11  }
0xbf: {  	s0 =	sor.u32 s1, s0  }
0xc0: {  	s0 =	sadd.s32 $0x8F2B, s0  }
0xc1: {  	[sflag:s0] =	ssyncadd.remote.s32 $0x1  }
0xc2: {  	_ =	sfence.sel $0xFFFF  }
0xc3: {  	[dreg:$0x0] =	wrdreg $0xFFFFFFFF;
	(pc) =	sbr.abs _section_cstart, $3  }
0xc4: {  	[dreg:$0x1] =	wrdreg $0xFFFFFFFF  }
0xc5: {  	_ =	task.clear_ibuf [dreg:s10], $0x2FFFF;
	_ =	strace $0x9FFFFFFF  }
0xc6: {  	(tm) =	ssettm $0x7FFFFFFF  }
0xc7: {  	_ =	shalt  }
tec
execute0_lowered:
.L_overlay_start_1:
0x0: {  	(tag) =	ssettag $0x1  }
0x1: {  	s1 =	rddreg [dreg:$0x0]  }
0x2: {  	s0 =	rddreg [dreg:$0x1]  }
0x3: {  	s3 =	rddreg [dreg:$0x2]  }
0x4: {  	s4 =	rddreg [dreg:$0x3]  }
0x5: {  	s2 =	srdreg.scid;
	s14 =	stileid.u32;
	s5 =	simm.s32 $0x0  }
0x6: {  	s28 =	simm.s32 $0x80;
	s29 =	simm.s32 $0x6;
	s30 =	simm.s32 $0x5000  }
0x7: {  	s2 =	sand.u32 $0x1, s2;
	s6 =	smul.u32 $0x21, s14;
	[smem:$0x7FF] =	sst s5  }
0x8: {  	s10 =	smul.u32 $0x4284, s14;
	s19 =	sshll.u32 s14, $0x12;
	p0 =	seq.s32 s14, $0xF  }
0x9: {  	v0 =	vimm.s32 $0x3020100;
	s8 =	ssub.s32 $0x2, s2;
	_ =	strace $0x80000047;
	s7 =	sadd.s32 $0xB, s6  }
0xa: {  	v0 =	vunpack.c.0.s8.s32 v0;
	s9 =	sshrl.u32 s8, $0x1;
	s12 =	sshrl.u32 s10, $0x3;
	s13 =	smul.u32 $0x204, s7  }
0xb: {  	vm0 =	vcmask $0xF00;
	s20 =	sadd.s32 $0x16, s6;
	s11 =	ssub.s32 s8, s9;
	s8 =	smul.u32 $0x40401, s2  }
0xc: {  	vm5 =	vcmask $0x1310;
	v0 =	vnsel vm0, $0x60F, v0;
	s9 =	sand.u32 $0x7C, s10;
	s12 =	sand.u32 $0x7FF0, s12;
	s2 =	sshll.u32 s2, $0x11  }
0xd: {  	vm6 =	vcmask $0x1714;
	v0 =	vsel vm5, $0x204, v0;
	s10 =	sadd.s32 $0x2C58, s10;
	[dreg:$0x8] =	wrdreg s20;
	s12 =	sadd.s32 s0, s12  }
0xe: {  	vm7 =	vcmask $0x1B18;
	v0 =	vsel vm6, $0x205, v0;
	s21 =	sshrl.u32 s10, $0x3;
	s10 =	sand.u32 $0x7C, s10;
	s31 =	smax.u32 s11, $0x1  }
0xf: {  	vm8 =	vcmask $0x1F1C;
	[dreg:$0x5] =	wrdreg s12;
	s17 =	sand.u32 $0x7C, s13;
	s18 =	sshrl.u32 s13, $0x3;
	v0 =	vsel vm7, $0x206, v0  }
0x10: {  	vm9 =	vcmask $0x2320;
	s13 =	sor.u32 s2, s19;
	[dreg:$0x9] =	wrdreg s10;
	s2 =	sand.u32 $0xFFF0, s21;
	v0 =	vsel vm8, $0x207, v0  }
0x11: {  	vm10 =	vcmask $0x2724;
	[dreg:$0xe] =	wrdreg s31;
	s10 =	simm.s32 $0x0;
	s12 =	sand.u32 $0x1FFF0, s18;
	v0 =	vsel vm9, $0x408, v0  }
0x12: {  	vm11 =	vcmask $0x2B28;
	[dreg:$0x6] =	wrdreg s17;
	s22 =	sshrl.u32 s13, $0x2;
	s12 =	sadd.s32 s0, s12;
	v0 =	vsel vm10, $0x409, v0  }
0x13: {  	vm12 =	vcmask $0x2F2C;
	s25 =	sshll.u32 s13, $0x1;
	s0 =	sadd.s32 s0, s2;
	[dreg:$0x7] =	wrdreg s12;
	v0 =	vsel vm11, $0x40A, v0  }
0x14: {  	vm13 =	vcmask $0x3330;
	s23 =	sadd.s32 s1, s22;
	s20 =	sor.u32 $0x3000, s25;
	[dreg:$0xb] =	wrdreg s0;
	v0 =	vsel vm12, $0x40B, v0  }
0x15: {  	vm14 =	vcmask $0x3734;
	s22 =	simm.s32 $0x16000;
	s24 =	sadd.s32 $0x200, s23;
	[dreg:$0xa] =	wrdreg s23;
	v0 =	vsel vm13, $0x60C, v0  }
0x16: {  	vm15 =	vcmask $0x3B38;
	v2 =	vlaneseq.u32;
	s26 =	sadd.s32 $0x400, s23;
	s23 =	simm.s32 $0x7;
	[dreg:$0xc] =	wrdreg s24;
	v0 =	vsel vm14, $0x60D, v0  }
0x17: {  	v2 =	vmul.u32 $0x10, v2;
	v1 =	vmov s8;
	[dreg:$0xd] =	wrdreg s26;
	s24 =	simm.s32 $0x17D00;
	s26 =	simm.s32 $0x5;
	v0 =	vsel vm15, $0x60E, v0  }
.LBB2_1:
0x18: {  	[dreg:$0xf] =	wrdreg s10  }
0x19: {  	s0 =	rddreg [dreg:$0x5]  }
0x1a: {  	[tilespmem:s22], [sflag:$0x7] =	stream.linear.gather [hbm4b:s0+s5], $0x1D00, $0x38;
	[tilespmem:$0x19D10] =	vst v63  }
0x1b: {  	_ =	swait.ge [sflag:s23], $0x1D00  }
0x1c: {  	[sflag:s23] =	ssyncset.done $0x0  }
0x1d: {  	s2 =	simm.s32 $0x0;
	s0 =	smov.u32 s9;
	[sflag:s23] =	ssyncadd.s32 $0xFFFFE300  }
.LBB2_2:
0x1e: {  	s10 =	sadd.s32 $0xFFFFFFFC, s0  }
0x1f: {  	s11 =	sadd.s32 $0x4, s10  }
0x20: {  	s12 =	sadd.s32 $0x6, s10;
	v3 =	vadd.s32 s11, v0  }
0x21: {  	s21 =	sadd.s32 $0x5, s10;
	v4 =	vadd.s32 s12, v0  }
0x22: {  	s10 =	sadd.s32 $0x7, s10;
	v5 =	vadd.s32 s21, v0  }
0x23: {  	s31 =	sadd.s32 $0x0, s0;
	v8 =	vadd.s32 s10, v0  }
0x24: {  	s15 =	sadd.s32 $0x4, s31  }
0x25: {  	s25 =	smul.u32 $0x204, s2;
	v10 =	vadd.s32 s15, v0;
	v3 =	vld.idx.msk [tilespmem:v3+s22+$0x0], $0xffff  }
0x26: {  	s16 =	sadd.s32 $0x5, s31;
	s17 =	sadd.s32 $0x6, s31;
	v4 =	vld.idx.msk [tilespmem:v4+s22+$0x0], $0xffff  }
0x27: {  	s10 =	sadd.s32 s9, s25;
	s11 =	simm.s32 $0x17D20;
	s12 =	sadd.s32 $0x7, s31;
	v9 =	vadd.s32 s17, v0;
	v5 =	vld.idx.msk [tilespmem:v5+s22+$0x0], $0xffff  }
0x28: {  	s15 =	simm.s32 $0x8;
	v6 =	vadd.s32 s16, v0;
	s16 =	sadd.s32 $0x4, s0;
	v7 =	vadd.s32 s12, v0;
	s12 =	simm.s32 $0x17D60;
	v8 =	vld.idx.msk [tilespmem:v8+s22+$0x0], $0xffff  }
.LBB2_3:
0x29: {  	s17 =	sadd.s32 $0x4, s16;
	s21 =	smov.u32 s15;
	s15 =	sadd.s32 $0x4, s15  }
0x2a: {  	s18 =	sadd.s32 $0x5, s16;
	s19 =	sadd.s32 $0x6, s16;
	v11 =	vmov v3;
	v3 =	vld.idx.msk [tilespmem:v10+s22+$0x0], $0xffff;
	p1 =	slt.u32 s15, $0x1FC  }
.Ltmp0:
0x2b: {  	s16 =	sadd.s32 $0x7, s16;
	v10 =	vadd.s32 s17, v0;
	v12 =	vadd.s32 s18, v0;
	v13 =	vadd.s32 s19, v0;
	[tilespmem:s11+$0xFFFFFFE0] =	vst v11;
	(pc) =	sbr.rel @p1 .LBB2_3-.Ltmp0, $4  }
0x2c: {  	v11 =	vadd.s32 s16, v0;
	[tilespmem:s11+$0x0] =	vst v4;
	v4 =	vld.idx.msk [tilespmem:v9+s22+$0x0], $0xffff;
	v9 =	vmov v13  }
0x2d: {  	[tilespmem:s11+$0xFFFFFFF0] =	vst v5;
	v5 =	vld.idx.msk [tilespmem:v6+s22+$0x0], $0xffff;
	v6 =	vmov v12  }
0x2e: {  	[tilespmem:s11+$0x10] =	vst v8;
	v8 =	vld.idx.msk [tilespmem:v7+s22+$0x0], $0xffff;
	v7 =	vmov v11;
	s11 =	smov.u32 s12  }
0x2f: {  	s16 =	sadd.s32 s21, s0;
	s12 =	sadd.s32 $0x40, s12  }
0x30: {  	_ =	sdelay $0x1  }
0x31: {  	s15 =	sadd.s32 $0x4, s16  }
0x32: {  	s17 =	sadd.s32 $0x6, s16;
	v11 =	vadd.s32 s15, v0  }
0x33: {  	s19 =	sadd.s32 $0x5, s16;
	v10 =	vld.idx.msk [tilespmem:v10+s22+$0x0], $0xffff;
	v12 =	vadd.s32 s17, v0  }
0x34: {  	s21 =	sadd.s32 $0x7, s16;
	[tilespmem:s11+$0xFFFFFFE0] =	vst v3;
	v3 =	vld.idx.msk [tilespmem:v9+s22+$0x0], $0xffff;
	v13 =	vadd.s32 s19, v0  }
0x35: {  	v58 =	vld.idx.msk [tilespmem:v6+s22+$0x0], $0xffff;
	v57 =	vadd.s32 s21, v0;
	[tilespmem:s11+$0x0] =	vst v4  }
0x36: {  	v59 =	vld.idx.msk [tilespmem:v7+s22+$0x0], $0xffff;
	[tilespmem:s11+$0xFFFFFFF0] =	vst v5  }
0x37: {  	[tilespmem:s11+$0x10] =	vst v8;
	v60 =	vld.idx.msk [tilespmem:v11+s22+$0x0], $0xffff  }
0x38: {  	[tilespmem:s12+$0xFFFFFFE0] =	vst v10;
	v61 =	vld.idx.msk [tilespmem:v12+s22+$0x0], $0xffff  }
0x39: {  	[tilespmem:s12+$0x0] =	vst v3;
	v3 =	vld.idx.msk [tilespmem:v13+s22+$0x0], $0xffff  }
0x3a: {  	s10 =	sadd.s32 $0x200, s10;
	[tilespmem:s12+$0xFFFFFFF0] =	vst v58;
	v62 =	vld.idx.msk [tilespmem:v57+s22+$0x0], $0xffff  }
0x3b: {  	s25 =	sadd.s32 $0x40, s12;
	v63 =	vadd.s32 s10, v0;
	[tilespmem:s12+$0x10] =	vst v59  }
0x3c: {  	[tilespmem:s25+$0xFFFFFFE0] =	vst v60  }
0x3d: {  	[tilespmem:s25+$0x0] =	vst v61  }
0x3e: {  	[tilespmem:s25+$0xFFFFFFF0] =	vst v3  }
0x3f: {  	[tilespmem:s25+$0x10] =	vst v62  }
0x40: {  	s31 =	sadd.s32 s6, s2;
	v3 =	vld.idx.msk [tilespmem:v63+s22+$0x0], $0xffff  }
0x41: {  	s10 =	smul.u32 $0x201, s31;
	_ =	sdelay $0x1  }
0x42: {  	s2 =	sadd.s32 $0x1, s2;
	s10 =	sadd.s32 s8, s10  }
0x43: {  	p1 =	sne.s32 s2, $0xB;
	s10 =	sshll.u32 s10, $0x1  }
.Ltmp1:
0x44: {  	s10 =	sadd.s32 s10, s4;
	[tilespmem:$0x19D00] =	vst v3;
	(pc) =	sbr.rel @p1 .LBB2_2-.Ltmp1, $4  }
0x45: {  	[hbm4b:s10+s5] =	stream.linear.scatter [tilespmem:s24], [sflag:$0x7], $0x2010, $0x38;
	[tilespmem:$0x19D10] =	vst v63  }
0x46: {  	_ =	swait.ge [sflag:s23], $0x2010  }
0x47: {  	[sflag:s23] =	ssyncset.done $0x0  }
0x48: {  	s0 =	sadd.s32 $0x204, s0;
	[sflag:s23] =	ssyncadd.s32 $0xFFFFDFF0  }
.Ltmp2:
0x49: {  	s0 =	simm.s32 $0x0;
	s2 =	rddreg [dreg:$0x7];
	(pc) =	sbr.rel .LBB2_6-.Ltmp2, $4  }
0x4a: {  	[tilespmem:s22], [sflag:$0x7] =	stream.linear.gather [hbm4b:s2+s0], $0x1D00, $0x38;
	[tilespmem:$0x19D10] =	vst v63  }
0x4b: {  	_ =	swait.ge [sflag:s23], $0x1D00  }
0x4c: {  	[sflag:s23] =	ssyncset.done $0x0  }
0x4d: {  	s2 =	smov.u32 s9;
	[sflag:s23] =	ssyncadd.s32 $0xFFFFE300  }
.LBB2_10:
0x4e: {  	s0 =	sadd.s32 $0x1, s0  }
0x4f: {  	p1 =	sne.s32 s0, $0xB  }
.Ltmp3:
0x50: {  	_ = 	snop;
	(pc) =	sbr.rel @!p1 .LBB2_11-.Ltmp3, $2  }
0x51: {  	_ =	sdelay $0x2  }
0x52: {  	s2 =	sadd.s32 $0x204, s2  }
.LBB2_6:
0x53: {  	s10 =	sadd.s32 s7, s0  }
0x54: {  	p1 =	sgt.u32 s10, $0x200  }
.Ltmp4:
0x55: {  	_ = 	snop;
	(pc) =	sbr.rel @p1 .LBB2_10-.Ltmp4, $1  }
0x56: {  	_ =	sdelay $0x3  }
0x57: {  	s11 =	sadd.s32 $0xFFFFFFFC, s2  }
0x58: {  	s12 =	sadd.s32 $0x30, s11  }
0x59: {  	s15 =	sadd.s32 $0x32, s11;
	v3 =	vadd.s32 s12, v0  }
0x5a: {  	s19 =	sadd.s32 $0x31, s11;
	v4 =	vadd.s32 s15, v0  }
0x5b: {  	s11 =	sadd.s32 $0x33, s11;
	v5 =	vadd.s32 s19, v0  }
0x5c: {  	s25 =	sadd.s32 $0x0, s2;
	v8 =	vadd.s32 s11, v0  }
0x5d: {  	s16 =	sadd.s32 $0x30, s25  }
0x5e: {  	s21 =	smul.u32 $0x204, s0;
	v10 =	vadd.s32 s16, v0;
	v3 =	vld.idx.msk [tilespmem:v3+s22+$0x0], $0xffff  }
0x5f: {  	s31 =	rddreg [dreg:$0x6];
	s17 =	sadd.s32 $0x31, s25;
	s18 =	sadd.s32 $0x32, s25;
	v4 =	vld.idx.msk [tilespmem:v4+s22+$0x0], $0xffff  }
0x60: {  	s11 =	sadd.s32 s31, s21;
	s12 =	simm.s32 $0x17D20;
	s15 =	sadd.s32 $0x33, s25;
	v9 =	vadd.s32 s18, v0;
	v5 =	vld.idx.msk [tilespmem:v5+s22+$0x0], $0xffff  }
0x61: {  	s16 =	simm.s32 $0x8;
	v6 =	vadd.s32 s17, v0;
	s17 =	sadd.s32 $0x4, s2;
	v7 =	vadd.s32 s15, v0;
	s15 =	simm.s32 $0x17D60;
	v8 =	vld.idx.msk [tilespmem:v8+s22+$0x0], $0xffff  }
.LBB2_8:
0x62: {  	s18 =	sadd.s32 $0x30, s17;
	s25 =	smov.u32 s16;
	s16 =	sadd.s32 $0x4, s16  }
0x63: {  	s19 =	sadd.s32 $0x31, s17;
	s21 =	sadd.s32 $0x32, s17;
	v11 =	vmov v3;
	v3 =	vld.idx.msk [tilespmem:v10+s22+$0x0], $0xffff;
	p1 =	slt.u32 s16, $0x1FC  }
.Ltmp5:
0x64: {  	s17 =	sadd.s32 $0x33, s17;
	v10 =	vadd.s32 s18, v0;
	v12 =	vadd.s32 s19, v0;
	v13 =	vadd.s32 s21, v0;
	[tilespmem:s12+$0xFFFFFFE0] =	vst v11;
	(pc) =	sbr.rel @p1 .LBB2_8-.Ltmp5, $4  }
0x65: {  	v11 =	vadd.s32 s17, v0;
	[tilespmem:s12+$0x0] =	vst v4;
	v4 =	vld.idx.msk [tilespmem:v9+s22+$0x0], $0xffff;
	v9 =	vmov v13  }
0x66: {  	[tilespmem:s12+$0xFFFFFFF0] =	vst v5;
	v5 =	vld.idx.msk [tilespmem:v6+s22+$0x0], $0xffff;
	v6 =	vmov v12  }
0x67: {  	[tilespmem:s12+$0x10] =	vst v8;
	v8 =	vld.idx.msk [tilespmem:v7+s22+$0x0], $0xffff;
	v7 =	vmov v11;
	s12 =	smov.u32 s15  }
0x68: {  	s17 =	sadd.s32 s25, s2;
	s15 =	sadd.s32 $0x40, s15  }
0x69: {  	_ =	sdelay $0x1  }
0x6a: {  	s16 =	sadd.s32 $0x30, s17  }
0x6b: {  	s18 =	sadd.s32 $0x32, s17;
	v11 =	vadd.s32 s16, v0  }
0x6c: {  	s21 =	sadd.s32 $0x31, s17;
	v10 =	vld.idx.msk [tilespmem:v10+s22+$0x0], $0xffff;
	v12 =	vadd.s32 s18, v0  }
0x6d: {  	s25 =	sadd.s32 $0x33, s17;
	[tilespmem:s12+$0xFFFFFFE0] =	vst v3;
	v3 =	vld.idx.msk [tilespmem:v9+s22+$0x0], $0xffff;
	v13 =	vadd.s32 s21, v0  }
0x6e: {  	v58 =	vld.idx.msk [tilespmem:v6+s22+$0x0], $0xffff;
	v57 =	vadd.s32 s25, v0;
	[tilespmem:s12+$0x0] =	vst v4  }
0x6f: {  	v59 =	vld.idx.msk [tilespmem:v7+s22+$0x0], $0xffff;
	[tilespmem:s12+$0xFFFFFFF0] =	vst v5  }
0x70: {  	[tilespmem:s12+$0x10] =	vst v8;
	v60 =	vld.idx.msk [tilespmem:v11+s22+$0x0], $0xffff  }
0x71: {  	[tilespmem:s15+$0xFFFFFFE0] =	vst v10;
	v61 =	vld.idx.msk [tilespmem:v12+s22+$0x0], $0xffff  }
0x72: {  	[tilespmem:s15+$0x0] =	vst v3;
	v3 =	vld.idx.msk [tilespmem:v13+s22+$0x0], $0xffff  }
0x73: {  	s11 =	sadd.s32 $0x200, s11;
	[tilespmem:s15+$0xFFFFFFF0] =	vst v58;
	v62 =	vld.idx.msk [tilespmem:v57+s22+$0x0], $0xffff  }
0x74: {  	s31 =	sadd.s32 $0x40, s15;
	v63 =	vadd.s32 s11, v0;
	[tilespmem:s15+$0x10] =	vst v59  }
0x75: {  	[tilespmem:s31+$0xFFFFFFE0] =	vst v60  }
0x76: {  	[tilespmem:s31+$0x0] =	vst v61  }
0x77: {  	[tilespmem:s31+$0xFFFFFFF0] =	vst v3  }
0x78: {  	[tilespmem:s31+$0x10] =	vst v62  }
0x79: {  	v3 =	vld.idx.msk [tilespmem:v63+s22+$0x0], $0xffff  }
0x7a: {  	s10 =	smul.u32 $0x201, s10;
	_ =	sdelay $0x1  }
0x7b: {  	s10 =	sadd.s32 s8, s10  }
0x7c: {  	s10 =	sshll.u32 s10, $0x1  }
.Ltmp6:
0x7d: {  	s10 =	sadd.s32 s10, s4;
	[tilespmem:$0x19D00] =	vst v3;
	(pc) =	sbr.rel .LBB2_10-.Ltmp6, $4  }
0x7e: {  	[hbm4b:s10+s5] =	stream.linear.scatter [tilespmem:s24], [sflag:$0x7], $0x2010, $0x38;
	[tilespmem:$0x19D10] =	vst v63  }
0x7f: {  	_ =	swait.ge [sflag:s23], $0x2010  }
0x80: {  	[sflag:s23] =	ssyncset.done $0x0  }
0x81: {  	[sflag:s23] =	ssyncadd.s32 $0xFFFFDFF0  }
.LBB2_11:
.Ltmp7:
0x82: {  	(pc) =	sbr.rel @!p0 .LBB2_12-.Ltmp7, $1  }
0x83: {  	_ =	sdelay $0x3  }
.LBB2_18:
0x84: {  	[bflag:$0x0] =	sbarrier.arrive $0xFFFF  }
0x85: {  	s0 =	simm.s32 $0x0;
	s2 =	rddreg [dreg:$0xa]  }
0x86: {  	[tilespmem:s0], [sflag:$0x5] =	stream.linear.gather [hbm4b:s2+s0], $0x1000, $0x38;
	[tilespmem:$0x19D10] =	vst v63  }
0x87: {  	s10 =	simm.s32 $0x1000;
	s18 =	rddreg [dreg:$0xc]  }
0x88: {  	[tilespmem:s10], [sflag:$0x6] =	stream.linear.gather [hbm4b:s18+s0], $0x1000, $0x38;
	[tilespmem:$0x19D10] =	vst v63  }
0x89: {  	_ =	swait.ge [sflag:s26], $0x1000  }
0x8a: {  	[sflag:s26] =	ssyncset.done $0x0  }
0x8b: {  	s19 =	simm.s32 $0x80;
	[sflag:s26] =	ssyncadd.s32 $0xFFFFF000  }
0x8c: {  	v3 =	vld [tilespmem:s19+$0xFFFFFF80]  }
0x8d: {  	v4 =	vld [tilespmem:s19+$0x0];
	_ =	sdelay $0x3  }
0x8e: {  	v3 =	vmul.f32 $5.120000000e+02, v3  }
0x8f: {  	v4 =	vmul.f32 $5.120000000e+02, v4  }
0x90: {  	v3 =	vadd.f32 $5.000000000e-01, v3  }
0x91: {  	v4 =	vadd.f32 $5.000000000e-01, v4  }
0x92: {  	v5 =	vtrunc.f32 v3  }
0x93: {  	v6 =	vtrunc.f32 v4;
	v5 =	vcvt.f32.s32 v5  }
0x94: {  	v6 =	vcvt.f32.s32 v6  }
0x95: {  	v7 =	vcvt.s32.f32 v5;
	v5 =	vmul.u32 $0x201, v5  }
0x96: {  	v8 =	vcvt.s32.f32 v6;
	v6 =	vadd.s32 v6, v1  }
0x97: {  	s25 =	simm.s32 $0x0;
	v5 =	vadd.s32 v5, v6;
	v3 =	vsub.f32 v3, v7  }
0x98: {  	v4 =	vsub.f32 v4, v8;
	[tilespmem:s25+$0x4000] =	vst v5  }
0x99: {  	[tilespmem:s25+$0x2000] =	vst v3  }
0x9a: {  	[tilespmem:s25+$0x3000] =	vst v4  }
0x9b: {  	v3 =	vld [tilespmem:s19+$0xFFFFFF90]  }
0x9c: {  	v4 =	vld [tilespmem:s19+$0x10];
	_ =	sdelay $0x3  }
0x9d: {  	v3 =	vmul.f32 $5.120000000e+02, v3  }
0x9e: {  	v4 =	vmul.f32 $5.120000000e+02, v4  }
0x9f: {  	v3 =	vadd.f32 $5.000000000e-01, v3  }
0xa0: {  	v4 =	vadd.f32 $5.000000000e-01, v4  }
0xa1: {  	v5 =	vtrunc.f32 v3  }
0xa2: {  	v6 =	vtrunc.f32 v4;
	v5 =	vcvt.f32.s32 v5  }
0xa3: {  	v6 =	vcvt.f32.s32 v6  }
0xa4: {  	v7 =	vcvt.s32.f32 v5;
	v5 =	vmul.u32 $0x201, v5  }
0xa5: {  	v8 =	vcvt.s32.f32 v6;
	v6 =	vadd.s32 v6, v1  }
0xa6: {  	v3 =	vsub.f32 v3, v7;
	v5 =	vadd.s32 v5, v6  }
0xa7: {  	v4 =	vsub.f32 v4, v8;
	[tilespmem:s25+$0x4010] =	vst v5  }
0xa8: {  	[tilespmem:s25+$0x2010] =	vst v3  }
0xa9: {  	[tilespmem:s25+$0x3010] =	vst v4  }
0xaa: {  	v3 =	vld [tilespmem:s19+$0xFFFFFFA0]  }
0xab: {  	v4 =	vld [tilespmem:s19+$0x20];
	_ =	sdelay $0x3  }
0xac: {  	s21 =	simm.s32 $0x180;
	v3 =	vmul.f32 $5.120000000e+02, v3  }
0xad: {  	v5 =	vld [tilespmem:s21+$0xFFFFFF80];
	v4 =	vmul.f32 $5.120000000e+02, v4  }
0xae: {  	v6 =	vld [tilespmem:s21+$0x0];
	v3 =	vadd.f32 $5.000000000e-01, v3  }
0xaf: {  	v4 =	vadd.f32 $5.000000000e-01, v4  }
0xb0: {  	v7 =	vtrunc.f32 v3  }
0xb1: {  	v8 =	vtrunc.f32 v4;
	v7 =	vcvt.f32.s32 v7  }
0xb2: {  	v5 =	vmul.f32 $5.120000000e+02, v5;
	v8 =	vcvt.f32.s32 v8  }
0xb3: {  	v6 =	vmul.f32 $5.120000000e+02, v6;
	v9 =	vcvt.s32.f32 v7;
	v7 =	vmul.u32 $0x201, v7  }
0xb4: {  	v5 =	vadd.f32 $5.000000000e-01, v5;
	v10 =	vcvt.s32.f32 v8;
	v8 =	vadd.s32 v8, v1  }
0xb5: {  	v6 =	vadd.f32 $5.000000000e-01, v6;
	v3 =	vsub.f32 v3, v9;
	v7 =	vadd.s32 v7, v8  }
0xb6: {  	v8 =	vtrunc.f32 v5;
	v4 =	vsub.f32 v4, v10;
	[tilespmem:s25+$0x4020] =	vst v7  }
0xb7: {  	v7 =	vtrunc.f32 v6;
	v8 =	vcvt.f32.s32 v8;
	[tilespmem:s25+$0x2020] =	vst v3  }
0xb8: {  	v3 =	vcvt.f32.s32 v7;
	[tilespmem:s25+$0x3020] =	vst v4  }
0xb9: {  	v4 =	vcvt.s32.f32 v8;
	v7 =	vmul.u32 $0x201, v8;
	v8 =	vld [tilespmem:s19+$0xFFFFFFB0]  }
0xba: {  	v10 =	vld [tilespmem:s19+$0x30];
	v9 =	vcvt.s32.f32 v3;
	v3 =	vadd.s32 v3, v1  }
0xbb: {  	s10 =	simm.s32 $0x80;
	v3 =	vadd.s32 v7, v3;
	v4 =	vsub.f32 v5, v4  }
0xbc: {  	[tilespmem:s10+$0x4000] =	vst v3;
	v3 =	vsub.f32 v6, v9  }
0xbd: {  	[tilespmem:s10+$0x2000] =	vst v4  }
0xbe: {  	[tilespmem:s10+$0x3000] =	vst v3;
	v3 =	vmul.f32 $5.120000000e+02, v8  }
0xbf: {  	v5 =	vmul.f32 $5.120000000e+02, v10;
	v4 =	vld [tilespmem:s21+$0xFFFFFF90]  }
0xc0: {  	v6 =	vld [tilespmem:s21+$0x10];
	v3 =	vadd.f32 $5.000000000e-01, v3  }
0xc1: {  	v5 =	vadd.f32 $5.000000000e-01, v5  }
0xc2: {  	v7 =	vtrunc.f32 v3  }
0xc3: {  	v8 =	vtrunc.f32 v5;
	v7 =	vcvt.f32.s32 v7  }
0xc4: {  	v8 =	vcvt.f32.s32 v8;
	v4 =	vmul.f32 $5.120000000e+02, v4  }
0xc5: {  	v6 =	vmul.f32 $5.120000000e+02, v6;
	v9 =	vcvt.s32.f32 v7;
	v7 =	vmul.u32 $0x201, v7  }
0xc6: {  	v10 =	vcvt.s32.f32 v8;
	v8 =	vadd.s32 v8, v1;
	v4 =	vadd.f32 $5.000000000e-01, v4  }
0xc7: {  	v6 =	vadd.f32 $5.000000000e-01, v6;
	v3 =	vsub.f32 v3, v9;
	v7 =	vadd.s32 v7, v8  }
0xc8: {  	v5 =	vsub.f32 v5, v10;
	v8 =	vtrunc.f32 v4;
	[tilespmem:s25+$0x4030] =	vst v7  }
0xc9: {  	v7 =	vtrunc.f32 v6;
	v8 =	vcvt.f32.s32 v8;
	[tilespmem:s25+$0x2030] =	vst v3  }
0xca: {  	v3 =	vcvt.f32.s32 v7;
	[tilespmem:s25+$0x3030] =	vst v5  }
0xcb: {  	v10 =	vld [tilespmem:s19+$0x40];
	v5 =	vcvt.s32.f32 v8;
	v7 =	vmul.u32 $0x201, v8  }
0xcc: {  	v8 =	vld [tilespmem:s19+$0xFFFFFFC0];
	v9 =	vcvt.s32.f32 v3;
	v3 =	vadd.s32 v3, v1  }
0xcd: {  	v4 =	vsub.f32 v4, v5;
	v3 =	vadd.s32 v7, v3  }
0xce: {  	v5 =	vsub.f32 v6, v9;
	[tilespmem:s10+$0x4010] =	vst v3  }
0xcf: {  	[tilespmem:s10+$0x2010] =	vst v4  }
0xd0: {  	[tilespmem:s10+$0x3010] =	vst v5  }
0xd1: {  	v5 =	vmul.f32 $5.120000000e+02, v10;
	v3 =	vmul.f32 $5.120000000e+02, v8;
	v4 =	vld [tilespmem:s21+$0xFFFFFFA0]  }
0xd2: {  	v6 =	vld [tilespmem:s21+$0x20]  }
0xd3: {  	v5 =	vadd.f32 $5.000000000e-01, v5;
	v3 =	vadd.f32 $5.000000000e-01, v3;
	_ =	sdelay $0x1  }
0xd4: {  	v8 =	vtrunc.f32 v5;
	v7 =	vtrunc.f32 v3  }
0xd5: {  	v8 =	vcvt.f32.s32 v8;
	v7 =	vcvt.f32.s32 v7  }
0xd6: {  	s17 =	simm.s32 $0x280;
	v4 =	vmul.f32 $5.120000000e+02, v4;
	v6 =	vmul.f32 $5.120000000e+02, v6  }
0xd7: {  	v9 =	vld [tilespmem:s17+$0xFFFFFF80];
	v12 =	vcvt.s32.f32 v8;
	v10 =	vcvt.s32.f32 v7;
	v7 =	vmul.u32 $0x201, v7  }
0xd8: {  	v11 =	vld [tilespmem:s17+$0x0];
	v8 =	vadd.s32 v8, v1;
	v4 =	vadd.f32 $5.000000000e-01, v4  }
0xd9: {  	v6 =	vadd.f32 $5.000000000e-01, v6;
	v5 =	vsub.f32 v5, v12;
	v7 =	vadd.s32 v7, v8  }
0xda: {  	v3 =	vsub.f32 v3, v10;
	v8 =	vtrunc.f32 v4;
	[tilespmem:s25+$0x4040] =	vst v7  }
0xdb: {  	v7 =	vtrunc.f32 v6;
	v8 =	vcvt.f32.s32 v8;
	[tilespmem:s25+$0x3040] =	vst v5  }
0xdc: {  	[tilespmem:s25+$0x2040] =	vst v3;
	v3 =	vmul.f32 $5.120000000e+02, v9;
	v7 =	vcvt.f32.s32 v7  }
0xdd: {  	v5 =	vmul.f32 $5.120000000e+02, v11;
	v9 =	vcvt.s32.f32 v8;
	v10 =	vld [tilespmem:s19+$0xFFFFFFD0];
	v8 =	vmul.u32 $0x201, v8  }
0xde: {  	v3 =	vadd.f32 $5.000000000e-01, v3;
	v11 =	vcvt.s32.f32 v7;
	v7 =	vadd.s32 v7, v1  }
0xdf: {  	v5 =	vadd.f32 $5.000000000e-01, v5;
	v45 =	vld [tilespmem:s19+$0x50];
	v4 =	vsub.f32 v4, v9;
	v7 =	vadd.s32 v8, v7  }
0xe0: {  	v8 =	vtrunc.f32 v3;
	v6 =	vsub.f32 v6, v11;
	[tilespmem:s10+$0x4020] =	vst v7  }
0xe1: {  	v7 =	vtrunc.f32 v5;
	v8 =	vcvt.f32.s32 v8;
	[tilespmem:s10+$0x2020] =	vst v4  }
0xe2: {  	v4 =	vcvt.f32.s32 v7;
	v7 =	vmul.f32 $5.120000000e+02, v10;
	[tilespmem:s10+$0x3020] =	vst v6  }
0xe3: {  	v6 =	vcvt.s32.f32 v8;
	v8 =	vmul.u32 $0x201, v8;
	v9 =	vld [tilespmem:s21+$0xFFFFFFB0]  }
0xe4: {  	v11 =	vmul.f32 $5.120000000e+02, v45;
	v10 =	vadd.s32 v4, v1;
	v46 =	vld [tilespmem:s21+$0x30];
	v7 =	vadd.f32 $5.000000000e-01, v7  }
0xe5: {  	v4 =	vcvt.s32.f32 v4;
	v8 =	vadd.s32 v8, v10  }
0xe6: {  	s12 =	simm.s32 $0x100;
	v3 =	vsub.f32 v3, v6;
	v6 =	vadd.f32 $5.000000000e-01, v11;
	v10 =	vtrunc.f32 v7  }
0xe7: {  	v4 =	vsub.f32 v5, v4;
	[tilespmem:s12+$0x4000] =	vst v8;
	v5 =	vcvt.f32.s32 v10  }
0xe8: {  	[tilespmem:s12+$0x2000] =	vst v3;
	v3 =	vtrunc.f32 v6;
	v8 =	vmul.f32 $5.120000000e+02, v9  }
0xe9: {  	[tilespmem:s12+$0x3000] =	vst v4;
	v3 =	vcvt.f32.s32 v3;
	v4 =	vmul.f32 $5.120000000e+02, v46  }
0xea: {  	v9 =	vld [tilespmem:s17+$0xFFFFFF90];
	v10 =	vcvt.s32.f32 v5;
	v5 =	vmul.u32 $0x201, v5;
	v8 =	vadd.f32 $5.000000000e-01, v8  }
0xeb: {  	v11 =	vld [tilespmem:s17+$0x10];
	v47 =	vcvt.s32.f32 v3;
	v3 =	vadd.s32 v3, v1;
	v4 =	vadd.f32 $5.000000000e-01, v4  }
0xec: {  	v7 =	vsub.f32 v7, v10;
	v3 =	vadd.s32 v5, v3;
	v5 =	vtrunc.f32 v8  }
0xed: {  	s18 =	simm.s32 $0x380;
	v6 =	vsub.f32 v6, v47;
	[tilespmem:s25+$0x4050] =	vst v3;
	v3 =	vcvt.f32.s32 v5;
	v5 =	vtrunc.f32 v4  }
0xee: {  	v10 =	vld [tilespmem:s18+$0xFFFFFF80];
	[tilespmem:s25+$0x2050] =	vst v7;
	v5 =	vcvt.f32.s32 v5  }
0xef: {  	v7 =	vld [tilespmem:s18+$0x0];
	v9 =	vmul.f32 $5.120000000e+02, v9;
	[tilespmem:s25+$0x3050] =	vst v6;
	v6 =	vcvt.s32.f32 v3;
	v3 =	vmul.u32 $0x201, v3  }
0xf0: {  	v11 =	vmul.f32 $5.120000000e+02, v11;
	v48 =	vld [tilespmem:s19+$0xFFFFFFE0];
	v13 =	vcvt.s32.f32 v5;
	v5 =	vadd.s32 v5, v1  }
0xf1: {  	v9 =	vadd.f32 $5.000000000e-01, v9;
	v6 =	vsub.f32 v8, v6;
	v3 =	vadd.s32 v3, v5  }
0xf2: {  	v5 =	vld [tilespmem:s19+$0x60];
	v4 =	vsub.f32 v4, v13;
	[tilespmem:s10+$0x4030] =	vst v3  }
0xf3: {  	v8 =	vadd.f32 $5.000000000e-01, v11;
	v3 =	vmul.f32 $5.120000000e+02, v10;
	v10 =	vtrunc.f32 v9;
	[tilespmem:s10+$0x2030] =	vst v6  }
0xf4: {  	v6 =	vmul.f32 $5.120000000e+02, v7;
	v7 =	vcvt.f32.s32 v10;
	[tilespmem:s10+$0x3030] =	vst v4  }
0xf5: {  	v4 =	vtrunc.f32 v8;
	v10 =	vmul.f32 $5.120000000e+02, v48;
	v11 =	vld [tilespmem:s21+$0xFFFFFFC0]  }
0xf6: {  	v4 =	vcvt.f32.s32 v4;
	v49 =	vcvt.s32.f32 v7;
	v50 =	vld [tilespmem:s21+$0x40]  }
0xf7: {  	v7 =	vmul.u32 $0x201, v7;
	v5 =	vmul.f32 $5.120000000e+02, v5;
	v10 =	vadd.f32 $5.000000000e-01, v10  }
0xf8: {  	v14 =	vcvt.s32.f32 v4;
	v4 =	vadd.s32 v4, v1;
	v9 =	vsub.f32 v9, v49  }
0xf9: {  	v4 =	vadd.s32 v7, v4;
	v5 =	vadd.f32 $5.000000000e-01, v5;
	v7 =	vtrunc.f32 v10  }
0xfa: {  	v8 =	vsub.f32 v8, v14;
	[tilespmem:s12+$0x4010] =	vst v4;
	v4 =	vcvt.f32.s32 v7;
	v7 =	vmul.f32 $5.120000000e+02, v11  }
0xfb: {  	[tilespmem:s12+$0x2010] =	vst v9;
	v9 =	vtrunc.f32 v5;
	v11 =	vmul.f32 $5.120000000e+02, v50  }
0xfc: {  	v3 =	vadd.f32 $5.000000000e-01, v3;
	[tilespmem:s12+$0x3010] =	vst v8;
	v8 =	vcvt.f32.s32 v9;
	v7 =	vadd.f32 $5.000000000e-01, v7  }
0xfd: {  	v6 =	vadd.f32 $5.000000000e-01, v6;
	v51 =	vcvt.s32.f32 v4;
	v9 =	vld [tilespmem:s17+$0xFFFFFFA0];
	v11 =	vadd.f32 $5.000000000e-01, v11  }
0xfe: {  	v4 =	vmul.u32 $0x201, v4;
	v53 =	vld [tilespmem:s17+$0x20];
	v52 =	vcvt.s32.f32 v8;
	v15 =	vtrunc.f32 v7  }
0xff: {  	v8 =	vadd.s32 v8, v1;
	v16 =	vtrunc.f32 v11;
	v15 =	vcvt.f32.s32 v15  }
0x100: {  	v10 =	vsub.f32 v10, v51;
	v4 =	vadd.s32 v4, v8;
	v8 =	vcvt.f32.s32 v16  }
0x101: {  	v5 =	vsub.f32 v5, v52;
	[tilespmem:s25+$0x4060] =	vst v4;
	v4 =	vcvt.s32.f32 v15;
	v54 =	vmul.u32 $0x201, v15  }
0x102: {  	[tilespmem:s25+$0x2060] =	vst v10;
	v9 =	vmul.f32 $5.120000000e+02, v9;
	v10 =	vcvt.s32.f32 v8;
	v8 =	vadd.s32 v8, v1  }
0x103: {  	[tilespmem:s25+$0x3060] =	vst v5;
	v5 =	vmul.f32 $5.120000000e+02, v53;
	v4 =	vsub.f32 v7, v4;
	v7 =	vadd.s32 v54, v8  }
0x104: {  	v8 =	vtrunc.f32 v3;
	v9 =	vadd.f32 $5.000000000e-01, v9;
	v10 =	vsub.f32 v11, v10  }
0x105: {  	v5 =	vadd.f32 $5.000000000e-01, v5;
	[tilespmem:s10+$0x4040] =	vst v7;
	v7 =	vtrunc.f32 v6;
	v8 =	vcvt.f32.s32 v8  }
0x106: {  	v11 =	vld [tilespmem:s19+$0xFFFFFFF0];
	[tilespmem:s10+$0x2040] =	vst v4;
	v4 =	vcvt.f32.s32 v7;
	v55 =	vtrunc.f32 v9  }
0x107: {  	v7 =	vld [tilespmem:s19+$0x70];
	[tilespmem:s10+$0x3040] =	vst v10;
	v10 =	vtrunc.f32 v5;
	v12 =	vcvt.f32.s32 v55  }
0x108: {  	v56 =	vld [tilespmem:s21+$0xFFFFFFD0];
	v57 =	vcvt.s32.f32 v8;
	v10 =	vcvt.f32.s32 v10;
	v8 =	vmul.u32 $0x201, v8  }
0x109: {  	v58 =	vld [tilespmem:s21+$0x50];
	v59 =	vcvt.s32.f32 v4;
	v17 =	vcvt.s32.f32 v12;
	v12 =	vmul.u32 $0x201, v12  }
0x10a: {  	v4 =	vadd.s32 v4, v1;
	v18 =	vcvt.s32.f32 v10;
	v10 =	vadd.s32 v10, v1  }
0x10b: {  	v11 =	vmul.f32 $5.120000000e+02, v11;
	v9 =	vsub.f32 v9, v17;
	v10 =	vadd.s32 v12, v10  }
0x10c: {  	v4 =	vadd.s32 v8, v4;
	v5 =	vsub.f32 v5, v18;
	[tilespmem:s12+$0x4020] =	vst v10  }
0x10d: {  	v7 =	vmul.f32 $5.120000000e+02, v7;
	v11 =	vadd.f32 $5.000000000e-01, v11;
	v10 =	vmul.f32 $5.120000000e+02, v56;
	[tilespmem:s12+$0x2020] =	vst v9  }
0x10e: {  	s19 =	simm.s32 $0x180;
	v3 =	vsub.f32 v3, v57;
	v6 =	vsub.f32 v6, v59;
	v9 =	vmul.f32 $5.120000000e+02, v58;
	[tilespmem:s12+$0x3020] =	vst v5  }
0x10f: {  	[tilespmem:s19+$0x4000] =	vst v4;
	v7 =	vadd.f32 $5.000000000e-01, v7;
	v8 =	vtrunc.f32 v11;
	v5 =	vadd.f32 $5.000000000e-01, v10;
	v10 =	vld [tilespmem:s17+$0xFFFFFFB0]  }
0x110: {  	[tilespmem:s19+$0x2000] =	vst v3;
	v4 =	vcvt.f32.s32 v8;
	v3 =	vld [tilespmem:s17+$0x30];
	v9 =	vadd.f32 $5.000000000e-01, v9  }
0x111: {  	[tilespmem:s19+$0x3000] =	vst v6;
	v61 =	vtrunc.f32 v7;
	v8 =	vtrunc.f32 v5  }
0x112: {  	v19 =	vld [tilespmem:s18+$0x10];
	v8 =	vcvt.f32.s32 v8;
	v60 =	vtrunc.f32 v9  }
0x113: {  	v22 =	vld [tilespmem:s18+$0xFFFFFF90];
	v63 =	vcvt.f32.s32 v61;
	v6 =	vcvt.f32.s32 v60  }
0x114: {  	v23 =	vcvt.s32.f32 v8;
	v8 =	vmul.u32 $0x201, v8;
	v10 =	vmul.f32 $5.120000000e+02, v10  }
0x115: {  	v3 =	vmul.f32 $5.120000000e+02, v3;
	v25 =	vcvt.s32.f32 v6;
	v6 =	vadd.s32 v6, v1  }
0x116: {  	v5 =	vsub.f32 v5, v23;
	v6 =	vadd.s32 v8, v6;
	v8 =	vadd.f32 $5.000000000e-01, v10  }
0x117: {  	v29 =	vmul.f32 $5.120000000e+02, v19;
	v3 =	vadd.f32 $5.000000000e-01, v3;
	v9 =	vsub.f32 v9, v25;
	[tilespmem:s10+$0x4050] =	vst v6  }
0x118: {  	s16 =	simm.s32 $0x480;
	[tilespmem:s10+$0x2050] =	vst v5;
	v5 =	vmul.f32 $5.120000000e+02, v22;
	v27 =	vtrunc.f32 v8  }
0x119: {  	v62 =	vld [tilespmem:s16+$0xFFFFFF80];
	v15 =	vadd.f32 $5.000000000e-01, v29;
	v30 =	vtrunc.f32 v3;
	[tilespmem:s10+$0x3050] =	vst v9;
	v13 =	vcvt.f32.s32 v27  }
0x11a: {  	v26 =	vcvt.s32.f32 v4;
	v16 =	vcvt.f32.s32 v30;
	v28 =	vld [tilespmem:s21+$0xFFFFFFE0];
	v5 =	vadd.f32 $5.000000000e-01, v5  }
0x11b: {  	v24 =	vld [tilespmem:s16+$0x0];
	v34 =	vtrunc.f32 v15;
	v32 =	vcvt.s32.f32 v13;
	v13 =	vmul.u32 $0x201, v13  }
0x11c: {  	v31 =	vld [tilespmem:s21+$0x60];
	v33 =	vcvt.s32.f32 v16;
	v16 =	vadd.s32 v16, v1;
	v20 =	vtrunc.f32 v5  }
0x11d: {  	v8 =	vsub.f32 v8, v32;
	v13 =	vadd.s32 v13, v16;
	v20 =	vcvt.f32.s32 v20  }
0x11e: {  	v6 =	vmul.f32 $5.120000000e+02, v62;
	v16 =	vcvt.f32.s32 v34;
	v3 =	vsub.f32 v3, v33;
	[tilespmem:s12+$0x4030] =	vst v13  }
0x11f: {  	v10 =	vcvt.s32.f32 v63;
	v14 =	vmul.f32 $5.120000000e+02, v28;
	[tilespmem:s12+$0x2030] =	vst v8;
	v37 =	vmul.u32 $0x201, v20  }
0x120: {  	v9 =	vmul.f32 $5.120000000e+02, v24;
	v35 =	vadd.f32 $5.000000000e-01, v6;
	[tilespmem:s12+$0x3030] =	vst v3;
	v3 =	vadd.s32 v16, v1  }
0x121: {  	v6 =	vmul.f32 $5.120000000e+02, v31;
	v39 =	vld [tilespmem:s17+$0xFFFFFFC0];
	v8 =	vadd.f32 $5.000000000e-01, v14;
	v3 =	vadd.s32 v37, v3  }
0x122: {  	v4 =	vmul.u32 $0x201, v4;
	v44 =	vtrunc.f32 v35;
	v36 =	vcvt.s32.f32 v20;
	[tilespmem:s19+$0x4010] =	vst v3;
	v3 =	vld [tilespmem:s17+$0x40]  }
0x123: {  	v38 =	vcvt.s32.f32 v16;
	v40 =	vadd.f32 $5.000000000e-01, v6;
	v6 =	vtrunc.f32 v8  }
0x124: {  	v17 =	vcvt.f32.s32 v44;
	v5 =	vsub.f32 v5, v36;
	v41 =	vcvt.f32.s32 v6  }
0x125: {  	v42 =	vtrunc.f32 v40;
	v6 =	vadd.f32 $5.000000000e-01, v9;
	v9 =	vsub.f32 v15, v38  }
0x126: {  	v12 =	vadd.s32 v63, v1;
	[tilespmem:s19+$0x2010] =	vst v5;
	v5 =	vcvt.f32.s32 v42;
	v43 =	vcvt.s32.f32 v41  }
0x127: {  	v16 =	vmul.f32 $5.120000000e+02, v39;
	[tilespmem:s19+$0x3010] =	vst v9;
	v9 =	vmul.u32 $0x201, v41;
	v3 =	vmul.f32 $5.120000000e+02, v3  }
0x128: {  	v46 =	vld [tilespmem:s18+$0xFFFFFFA0];
	v15 =	vsub.f32 v8, v43;
	v8 =	vadd.s32 v5, v1;
	v5 =	vcvt.s32.f32 v5  }
0x129: {  	v45 =	vtrunc.f32 v6;
	v16 =	vadd.f32 $5.000000000e-01, v16;
	v8 =	vadd.s32 v9, v8;
	v9 =	vld [tilespmem:s18+$0x20]  }
0x12a: {  	v19 =	vcvt.f32.s32 v45;
	v3 =	vadd.f32 $5.000000000e-01, v3;
	v5 =	vsub.f32 v40, v5;
	[tilespmem:s10+$0x4060] =	vst v8  }
0x12b: {  	v11 =	vsub.f32 v11, v26;
	v47 =	vcvt.s32.f32 v17;
	v48 =	vtrunc.f32 v16;
	[tilespmem:s10+$0x2060] =	vst v15  }
0x12c: {  	v4 =	vadd.s32 v4, v12;
	v8 =	vcvt.s32.f32 v19;
	v49 =	vtrunc.f32 v3;
	[tilespmem:s10+$0x3060] =	vst v5  }
0x12d: {  	v7 =	vsub.f32 v7, v10;
	v14 =	vmul.f32 $5.120000000e+02, v46;
	v5 =	vcvt.f32.s32 v48;
	v50 =	vld [tilespmem:s21+$0xFFFFFFF0]  }
0x12e: {  	[tilespmem:s25+$0x4070] =	vst v4;
	v4 =	vmul.u32 $0x201, v17;
	v10 =	vcvt.f32.s32 v49;
	v51 =	vld [tilespmem:s21+$0x70];
	v9 =	vmul.f32 $5.120000000e+02, v9  }
0x12f: {  	v52 =	vcvt.s32.f32 v5;
	v14 =	vadd.f32 $5.000000000e-01, v14;
	v5 =	vmul.u32 $0x201, v5  }
0x130: {  	v53 =	vcvt.s32.f32 v10;
	v10 =	vadd.s32 v10, v1;
	v9 =	vadd.f32 $5.000000000e-01, v9  }
0x131: {  	v16 =	vsub.f32 v16, v52;
	v5 =	vadd.s32 v5, v10;
	v10 =	vtrunc.f32 v14  }
0x132: {  	v3 =	vsub.f32 v3, v53;
	[tilespmem:s12+$0x4040] =	vst v5;
	v10 =	vcvt.f32.s32 v10;
	v5 =	vmul.f32 $5.120000000e+02, v50  }
0x133: {  	v55 =	vadd.s32 v19, v1;
	v54 =	vtrunc.f32 v9;
	[tilespmem:s12+$0x2040] =	vst v16;
	v12 =	vmul.f32 $5.120000000e+02, v51  }
0x134: {  	v4 =	vadd.s32 v4, v55;
	[tilespmem:s12+$0x3040] =	vst v3;
	v56 =	vcvt.f32.s32 v54;
	v57 =	vadd.f32 $5.000000000e-01, v5  }
0x135: {  	[tilespmem:s25+$0x2070] =	vst v11;
	v11 =	vcvt.s32.f32 v10;
	v58 =	vld [tilespmem:s17+$0xFFFFFFD0];
	v10 =	vmul.u32 $0x201, v10;
	v3 =	vadd.f32 $5.000000000e-01, v12  }
0x136: {  	s0 =	simm.s32 $0x200;
	[tilespmem:s25+$0x3070] =	vst v7;
	v59 =	vld [tilespmem:s17+$0x50];
	v5 =	vsub.f32 v35, v47;
	v7 =	vcvt.s32.f32 v56;
	v60 =	vtrunc.f32 v57  }
0x137: {  	[tilespmem:s0+$0x4000] =	vst v4;
	v4 =	vadd.s32 v56, v1;
	v62 =	vtrunc.f32 v3;
	v61 =	vcvt.f32.s32 v60  }
0x138: {  	[tilespmem:s0+$0x2000] =	vst v5;
	v5 =	vsub.f32 v14, v11;
	v4 =	vadd.s32 v10, v4;
	v10 =	vcvt.f32.s32 v62  }
0x139: {  	s31 =	simm.s32 $0x4000;
	v7 =	vsub.f32 v9, v7;
	[tilespmem:s19+$0x4020] =	vst v4;
	v4 =	vcvt.s32.f32 v61;
	v11 =	vmul.u32 $0x201, v61  }
0x13a: {  	s15 =	simm.s32 $0xA00;
	s2 =	simm.s32 $0x580;
	s21 =	simm.s32 $0x5000;
	[tilespmem:s19+$0x2020] =	vst v5;
	v9 =	vmul.f32 $5.120000000e+02, v58;
	v5 =	vcvt.s32.f32 v10;
	v63 =	vadd.s32 v10, v1  }
0x13b: {  	[tilespmem:s21], [sflag:$0x1] =	stream.indirect.gather [hbm4b:s4+s28], $0x10, s31, s28, $0xb8;
	[tilespmem:s19+$0x3020] =	vst v7;
	v10 =	vmul.f32 $5.120000000e+02, v59;
	v4 =	vsub.f32 v57, v4;
	v7 =	vadd.s32 v11, v63  }
.LBB2_19:
0x13c: {  	v11 =	vld [tilespmem:s2+$0xFFFFFF80];
	p1 =	sne.s32 s15, $0x1E00;
	v9 =	vadd.f32 $5.000000000e-01, v9;
	v3 =	vsub.f32 v3, v5;
	[tilespmem:s10+$0x4070] =	vst v7  }
0x13d: {  	v5 =	vsub.f32 v6, v8;
	s11 =	sadd.s32 $0x4000, s10;
	s21 =	sadd.s32 $0x800, s21;
	v6 =	vld [tilespmem:s18+$0xFFFFFFB0];
	v7 =	vadd.f32 $5.000000000e-01, v10;
	[tilespmem:s10+$0x2070] =	vst v4  }
0x13e: {  	v4 =	vld [tilespmem:s18+$0x30];
	v8 =	vtrunc.f32 v9;
	[tilespmem:s10+$0x3070] =	vst v3;
	[tilespmem:s21], [sflag:$0x1] =	stream.indirect.gather [hbm4b:s4+s28], $0x10, s11, s28, $0xb8  }
0x13f: {  	s10 =	smov.u32 s12;
	s12 =	smov.u32 s19;
	s19 =	smov.u32 s0;
	v3 =	vld [tilespmem:s2+$0x0];
	[tilespmem:s0+$0x3000] =	vst v5;
	v5 =	vcvt.f32.s32 v8;
	v8 =	vtrunc.f32 v7  }
0x140: {  	v10 =	vld [tilespmem:s16+$0xFFFFFF90];
	v8 =	vcvt.f32.s32 v8  }
0x141: {  	v11 =	vmul.f32 $5.120000000e+02, v11;
	v12 =	vld [tilespmem:s16+$0x10];
	v13 =	vcvt.s32.f32 v5;
	v5 =	vmul.u32 $0x201, v5  }
0x142: {  	v6 =	vmul.f32 $5.120000000e+02, v6;
	v14 =	vcvt.s32.f32 v8;
	v8 =	vadd.s32 v8, v1  }
0x143: {  	v4 =	vmul.f32 $5.120000000e+02, v4;
	v9 =	vsub.f32 v9, v13;
	v5 =	vadd.s32 v5, v8  }
0x144: {  	v8 =	vmul.f32 $5.120000000e+02, v3;
	v13 =	vadd.f32 $5.000000000e-01, v6;
	v7 =	vsub.f32 v7, v14;
	[tilespmem:s10+$0x4050] =	vst v5  }
0x145: {  	v3 =	vadd.f32 $5.000000000e-01, v11;
	v5 =	vmul.f32 $5.120000000e+02, v10;
	v4 =	vadd.f32 $5.000000000e-01, v4;
	[tilespmem:s10+$0x2050] =	vst v9  }
0x146: {  	v6 =	vadd.f32 $5.000000000e-01, v8;
	v8 =	vmul.f32 $5.120000000e+02, v12;
	v9 =	vtrunc.f32 v13;
	[tilespmem:s10+$0x3050] =	vst v7  }
0x147: {  	v5 =	vadd.f32 $5.000000000e-01, v5;
	v7 =	vcvt.f32.s32 v9;
	v9 =	vtrunc.f32 v4;
	v10 =	vld [tilespmem:s17+$0xFFFFFFE0]  }
0x148: {  	v11 =	vtrunc.f32 v3;
	v8 =	vadd.f32 $5.000000000e-01, v8;
	v9 =	vcvt.f32.s32 v9;
	v12 =	vld [tilespmem:s17+$0x60]  }
0x149: {  	v14 =	vtrunc.f32 v5;
	v15 =	vcvt.s32.f32 v7;
	v7 =	vmul.u32 $0x201, v7  }
0x14a: {  	v16 =	vtrunc.f32 v8;
	v17 =	vcvt.s32.f32 v9;
	v9 =	vadd.s32 v9, v1  }
0x14b: {  	v14 =	vcvt.f32.s32 v14;
	v13 =	vsub.f32 v13, v15;
	v7 =	vadd.s32 v7, v9  }
0x14c: {  	v9 =	vcvt.f32.s32 v16;
	v4 =	vsub.f32 v4, v17;
	[tilespmem:s12+$0x4030] =	vst v7;
	v7 =	vmul.f32 $5.120000000e+02, v10  }
0x14d: {  	v10 =	vcvt.s32.f32 v14;
	v14 =	vmul.u32 $0x201, v14;
	[tilespmem:s12+$0x2030] =	vst v13;
	v12 =	vmul.f32 $5.120000000e+02, v12  }
0x14e: {  	v13 =	vcvt.s32.f32 v9;
	v9 =	vadd.s32 v9, v1;
	[tilespmem:s12+$0x3030] =	vst v4;
	v4 =	vadd.f32 $5.000000000e-01, v7  }
0x14f: {  	v5 =	vsub.f32 v5, v10;
	v7 =	vadd.s32 v14, v9;
	v9 =	vld [tilespmem:s18+$0xFFFFFFC0];
	v10 =	vadd.f32 $5.000000000e-01, v12  }
0x150: {  	v12 =	vtrunc.f32 v6;
	v8 =	vsub.f32 v8, v13;
	[tilespmem:s19+$0x4010] =	vst v7;
	v7 =	vld [tilespmem:s18+$0x40];
	v13 =	vtrunc.f32 v4  }
0x151: {  	[tilespmem:s19+$0x2010] =	vst v5;
	v5 =	vcvt.f32.s32 v13;
	v13 =	vtrunc.f32 v10  }
0x152: {  	v11 =	vcvt.f32.s32 v11;
	[tilespmem:s19+$0x3010] =	vst v8;
	v8 =	vcvt.f32.s32 v13  }
0x153: {  	v12 =	vcvt.f32.s32 v12;
	v13 =	vld [tilespmem:s16+$0xFFFFFFA0];
	v14 =	vcvt.s32.f32 v5;
	v5 =	vmul.u32 $0x201, v5  }
0x154: {  	v9 =	vmul.f32 $5.120000000e+02, v9;
	v15 =	vcvt.s32.f32 v8;
	v8 =	vadd.s32 v8, v1  }
0x155: {  	v16 =	vld [tilespmem:s16+$0x20];
	v7 =	vmul.f32 $5.120000000e+02, v7;
	v4 =	vsub.f32 v4, v14;
	v5 =	vadd.s32 v5, v8  }
0x156: {  	v9 =	vadd.f32 $5.000000000e-01, v9;
	v10 =	vsub.f32 v10, v15;
	[tilespmem:s10+$0x4060] =	vst v5  }
0x157: {  	v8 =	vcvt.s32.f32 v12;
	v5 =	vcvt.s32.f32 v11;
	v7 =	vadd.f32 $5.000000000e-01, v7;
	[tilespmem:s10+$0x2060] =	vst v4  }
0x158: {  	v4 =	vmul.f32 $5.120000000e+02, v13;
	v13 =	vtrunc.f32 v9;
	[tilespmem:s10+$0x3060] =	vst v10  }
0x159: {  	v10 =	vcvt.f32.s32 v13;
	v13 =	vtrunc.f32 v7;
	v14 =	vld [tilespmem:s17+$0xFFFFFFF0]  }
0x15a: {  	v11 =	vmul.u32 $0x201, v11;
	v15 =	vmul.f32 $5.120000000e+02, v16;
	v13 =	vcvt.f32.s32 v13;
	v16 =	vld [tilespmem:s17+$0x70];
	s17 =	smov.u32 s18;
	s18 =	smov.u32 s16;
	s16 =	smov.u32 s2  }
0x15b: {  	v4 =	vadd.f32 $5.000000000e-01, v4;
	v17 =	vcvt.s32.f32 v10;
	v10 =	vmul.u32 $0x201, v10  }
0x15c: {  	v15 =	vadd.f32 $5.000000000e-01, v15;
	v18 =	vcvt.s32.f32 v13;
	v13 =	vadd.s32 v13, v1  }
0x15d: {  	v19 =	vtrunc.f32 v4;
	v9 =	vsub.f32 v9, v17;
	v10 =	vadd.s32 v10, v13  }
0x15e: {  	v13 =	vtrunc.f32 v15;
	v7 =	vsub.f32 v7, v18;
	[tilespmem:s12+$0x4040] =	vst v10;
	v10 =	vmul.f32 $5.120000000e+02, v14  }
0x15f: {  	v12 =	vadd.s32 v12, v1;
	v14 =	vcvt.f32.s32 v19;
	[tilespmem:s12+$0x2040] =	vst v9;
	v9 =	vmul.f32 $5.120000000e+02, v16  }
0x160: {  	v11 =	vadd.s32 v11, v12;
	v12 =	vcvt.f32.s32 v13;
	[tilespmem:s12+$0x3040] =	vst v7;
	v7 =	vadd.f32 $5.000000000e-01, v10  }
0x161: {  	v5 =	vsub.f32 v3, v5;
	v10 =	vcvt.s32.f32 v14;
	v13 =	vld [tilespmem:s17+$0xFFFFFFD0];
	v3 =	vadd.f32 $5.000000000e-01, v9  }
0x162: {  	s0 =	sshra.s32 s15, $0x2;
	v14 =	vmul.u32 $0x201, v14;
	v9 =	vcvt.s32.f32 v12;
	v16 =	vld [tilespmem:s17+$0x50];
	v17 =	vtrunc.f32 v7  }
.Ltmp8:
0x163: {  	[tilespmem:s0+$0x4000] =	vst v11;
	v11 =	vadd.s32 v12, v1;
	v12 =	vcvt.f32.s32 v17;
	v17 =	vtrunc.f32 v3;
	(pc) =	sbr.rel @p1 .LBB2_19-.Ltmp8, $4  }
0x164: {  	v4 =	vsub.f32 v4, v10;
	[tilespmem:s0+$0x2000] =	vst v5;
	v5 =	vadd.s32 v14, v11;
	v10 =	vcvt.f32.s32 v17  }
0x165: {  	v11 =	vsub.f32 v15, v9;
	[tilespmem:s19+$0x4020] =	vst v5;
	v14 =	vcvt.s32.f32 v12;
	v12 =	vmul.u32 $0x201, v12  }
0x166: {  	[tilespmem:s19+$0x2020] =	vst v4;
	v9 =	vmul.f32 $5.120000000e+02, v13;
	v5 =	vcvt.s32.f32 v10;
	v13 =	vadd.s32 v10, v1  }
0x167: {  	s15 =	sadd.s32 $0x200, s15;
	s2 =	sadd.s32 $0x100, s2;
	[tilespmem:s19+$0x3020] =	vst v11;
	v10 =	vmul.f32 $5.120000000e+02, v16;
	v4 =	vsub.f32 v7, v14;
	v7 =	vadd.s32 v12, v13  }
0x168: {  	v6 =	vsub.f32 v6, v8;
	_ =	sdelay $0x1  }
0x169: {  	[tilespmem:s0+$0x3000] =	vst v6  }
0x16a: {  	v6 =	vld [tilespmem:s16+$0xFFFFFF90]  }
0x16b: {  	v36 =	vld [tilespmem:s16+$0x10];
	_ =	sdelay $0x3  }
0x16c: {  	v6 =	vmul.f32 $5.120000000e+02, v6  }
0x16d: {  	v8 =	vmul.f32 $5.120000000e+02, v36  }
0x16e: {  	v6 =	vadd.f32 $5.000000000e-01, v6  }
0x16f: {  	v8 =	vadd.f32 $5.000000000e-01, v8  }
0x170: {  	v11 =	vtrunc.f32 v6  }
0x171: {  	v12 =	vtrunc.f32 v8;
	v11 =	vcvt.f32.s32 v11  }
0x172: {  	v12 =	vcvt.f32.s32 v12  }
0x173: {  	v13 =	vcvt.s32.f32 v11;
	v11 =	vmul.u32 $0x201, v11  }
0x174: {  	v14 =	vcvt.s32.f32 v12;
	v12 =	vadd.s32 v12, v1  }
0x175: {  	v6 =	vsub.f32 v6, v13;
	v11 =	vadd.s32 v11, v12  }
0x176: {  	v8 =	vsub.f32 v8, v14;
	[tilespmem:s0+$0x4010] =	vst v11  }
0x177: {  	[tilespmem:s0+$0x2010] =	vst v6  }
0x178: {  	[tilespmem:s0+$0x3010] =	vst v8  }
0x179: {  	v6 =	vld [tilespmem:s16+$0xFFFFFFA0]  }
0x17a: {  	v8 =	vld [tilespmem:s16+$0x20];
	_ =	sdelay $0x3  }
0x17b: {  	v6 =	vmul.f32 $5.120000000e+02, v6  }
0x17c: {  	v8 =	vmul.f32 $5.120000000e+02, v8  }
0x17d: {  	v6 =	vadd.f32 $5.000000000e-01, v6  }
0x17e: {  	v8 =	vadd.f32 $5.000000000e-01, v8  }
0x17f: {  	v37 =	vtrunc.f32 v6  }
0x180: {  	v38 =	vtrunc.f32 v8;
	v11 =	vcvt.f32.s32 v37  }
0x181: {  	v12 =	vcvt.f32.s32 v38  }
0x182: {  	v39 =	vld [tilespmem:s18+$0xFFFFFFB0];
	v40 =	vcvt.s32.f32 v11;
	v11 =	vmul.u32 $0x201, v11  }
0x183: {  	v15 =	vld [tilespmem:s18+$0x30];
	v16 =	vcvt.s32.f32 v12;
	v12 =	vadd.s32 v12, v1  }
0x184: {  	v6 =	vsub.f32 v6, v40;
	v11 =	vadd.s32 v11, v12  }
0x185: {  	v8 =	vsub.f32 v8, v16;
	[tilespmem:s0+$0x4020] =	vst v11  }
0x186: {  	[tilespmem:s0+$0x2020] =	vst v6  }
0x187: {  	v41 =	vmul.f32 $5.120000000e+02, v39;
	[tilespmem:s0+$0x3020] =	vst v8  }
0x188: {  	v42 =	vmul.f32 $5.120000000e+02, v15;
	v11 =	vld [tilespmem:s16+$0xFFFFFFB0]  }
0x189: {  	v6 =	vadd.f32 $5.000000000e-01, v41;
	v43 =	vld [tilespmem:s16+$0x30]  }
0x18a: {  	v8 =	vadd.f32 $5.000000000e-01, v42  }
0x18b: {  	v44 =	vtrunc.f32 v6  }
0x18c: {  	v45 =	vtrunc.f32 v8;
	v13 =	vcvt.f32.s32 v44  }
0x18d: {  	v14 =	vcvt.f32.s32 v45;
	v11 =	vmul.f32 $5.120000000e+02, v11  }
0x18e: {  	v46 =	vcvt.s32.f32 v13;
	v13 =	vmul.u32 $0x201, v13;
	v12 =	vmul.f32 $5.120000000e+02, v43  }
0x18f: {  	v47 =	vcvt.s32.f32 v14;
	v14 =	vadd.s32 v14, v1;
	v11 =	vadd.f32 $5.000000000e-01, v11  }
0x190: {  	v6 =	vsub.f32 v6, v46;
	v13 =	vadd.s32 v13, v14;
	v12 =	vadd.f32 $5.000000000e-01, v12  }
0x191: {  	v8 =	vsub.f32 v8, v47;
	[tilespmem:s19+$0x4030] =	vst v13;
	v48 =	vtrunc.f32 v11  }
0x192: {  	[tilespmem:s19+$0x2030] =	vst v6;
	v50 =	vtrunc.f32 v12;
	v49 =	vcvt.f32.s32 v48  }
0x193: {  	[tilespmem:s19+$0x3030] =	vst v8;
	v51 =	vcvt.f32.s32 v50  }
0x194: {  	v52 =	vld [tilespmem:s18+$0xFFFFFFC0];
	v53 =	vcvt.s32.f32 v49;
	v6 =	vmul.u32 $0x201, v49  }
0x195: {  	v54 =	vld [tilespmem:s18+$0x40];
	v55 =	vcvt.s32.f32 v51;
	v8 =	vadd.s32 v51, v1  }
0x196: {  	v11 =	vsub.f32 v11, v53;
	v6 =	vadd.s32 v6, v8  }
0x197: {  	v56 =	vsub.f32 v12, v55;
	[tilespmem:s0+$0x4030] =	vst v6  }
0x198: {  	[tilespmem:s0+$0x2030] =	vst v11  }
0x199: {  	v57 =	vmul.f32 $5.120000000e+02, v52;
	[tilespmem:s0+$0x3030] =	vst v56  }
0x19a: {  	v58 =	vmul.f32 $5.120000000e+02, v54;
	v11 =	vld [tilespmem:s16+$0xFFFFFFC0]  }
0x19b: {  	v6 =	vadd.f32 $5.000000000e-01, v57;
	v59 =	vld [tilespmem:s16+$0x40]  }
0x19c: {  	v8 =	vadd.f32 $5.000000000e-01, v58  }
0x19d: {  	v60 =	vtrunc.f32 v6  }
0x19e: {  	v61 =	vtrunc.f32 v8;
	v13 =	vcvt.f32.s32 v60  }
0x19f: {  	v14 =	vcvt.f32.s32 v61;
	v11 =	vmul.f32 $5.120000000e+02, v11  }
0x1a0: {  	v62 =	vcvt.s32.f32 v13;
	v13 =	vmul.u32 $0x201, v13;
	v12 =	vmul.f32 $5.120000000e+02, v59  }
0x1a1: {  	v63 =	vcvt.s32.f32 v14;
	v14 =	vadd.s32 v14, v1;
	v11 =	vadd.f32 $5.000000000e-01, v11  }
0x1a2: {  	v6 =	vsub.f32 v6, v62;
	v13 =	vadd.s32 v13, v14;
	v12 =	vadd.f32 $5.000000000e-01, v12  }
0x1a3: {  	v8 =	vsub.f32 v8, v63;
	[tilespmem:s19+$0x4040] =	vst v13;
	v20 =	vtrunc.f32 v11  }
0x1a4: {  	[tilespmem:s19+$0x2040] =	vst v6;
	v22 =	vtrunc.f32 v12;
	v21 =	vcvt.f32.s32 v20  }
0x1a5: {  	[tilespmem:s19+$0x3040] =	vst v8;
	v23 =	vcvt.f32.s32 v22  }
0x1a6: {  	v24 =	vld [tilespmem:s18+$0xFFFFFFD0];
	v25 =	vcvt.s32.f32 v21;
	v6 =	vmul.u32 $0x201, v21  }
0x1a7: {  	v9 =	vadd.f32 $5.000000000e-01, v9;
	v26 =	vld [tilespmem:s18+$0x50];
	v27 =	vcvt.s32.f32 v23;
	v8 =	vadd.s32 v23, v1  }
0x1a8: {  	v28 =	vadd.f32 $5.000000000e-01, v10;
	v11 =	vsub.f32 v11, v25;
	v6 =	vadd.s32 v6, v8  }
0x1a9: {  	v29 =	vtrunc.f32 v9;
	v12 =	vsub.f32 v12, v27;
	[tilespmem:s0+$0x4040] =	vst v6  }
0x1aa: {  	v30 =	vcvt.f32.s32 v29;
	v31 =	vtrunc.f32 v28;
	[tilespmem:s0+$0x2040] =	vst v11  }
0x1ab: {  	v10 =	vcvt.f32.s32 v31;
	v32 =	vmul.f32 $5.120000000e+02, v24;
	[tilespmem:s0+$0x3040] =	vst v12  }
0x1ac: {  	v35 =	vcvt.s32.f32 v30;
	v33 =	vmul.f32 $5.120000000e+02, v26;
	v34 =	vld [tilespmem:s16+$0xFFFFFFD0]  }
0x1ad: {  	v37 =	vcvt.s32.f32 v10;
	v11 =	vadd.f32 $5.000000000e-01, v32;
	v36 =	vld [tilespmem:s16+$0x50]  }
0x1ae: {  	v9 =	vsub.f32 v9, v35;
	v12 =	vadd.f32 $5.000000000e-01, v33  }
0x1af: {  	v8 =	vsub.f32 v28, v37;
	v6 =	vmul.u32 $0x201, v30;
	v38 =	vtrunc.f32 v11  }
0x1b0: {  	[tilespmem:s12+$0x2050] =	vst v9;
	v10 =	vadd.s32 v10, v1;
	v40 =	vtrunc.f32 v12;
	v39 =	vcvt.f32.s32 v38  }
0x1b1: {  	[tilespmem:s12+$0x3050] =	vst v8;
	v6 =	vadd.s32 v6, v10;
	v41 =	vcvt.f32.s32 v40;
	v42 =	vmul.f32 $5.120000000e+02, v34  }
0x1b2: {  	[tilespmem:s12+$0x4050] =	vst v6;
	v43 =	vcvt.s32.f32 v39;
	v6 =	vmul.u32 $0x201, v39;
	v44 =	vmul.f32 $5.120000000e+02, v36  }
0x1b3: {  	v45 =	vld [tilespmem:s17+$0xFFFFFFE0];
	v46 =	vcvt.s32.f32 v41;
	v9 =	vadd.s32 v41, v1;
	v10 =	vadd.f32 $5.000000000e-01, v42  }
0x1b4: {  	v47 =	vld [tilespmem:s17+$0x60];
	v8 =	vsub.f32 v11, v43;
	v6 =	vadd.s32 v6, v9;
	v48 =	vadd.f32 $5.000000000e-01, v44  }
0x1b5: {  	v49 =	vsub.f32 v12, v46;
	[tilespmem:s19+$0x4050] =	vst v6;
	v50 =	vtrunc.f32 v10  }
0x1b6: {  	[tilespmem:s19+$0x2050] =	vst v8;
	v51 =	vtrunc.f32 v48;
	v6 =	vcvt.f32.s32 v50  }
0x1b7: {  	[tilespmem:s19+$0x3050] =	vst v49;
	v8 =	vcvt.f32.s32 v51  }
0x1b8: {  	v52 =	vmul.f32 $5.120000000e+02, v45;
	v53 =	vld [tilespmem:s18+$0xFFFFFFE0];
	v54 =	vcvt.s32.f32 v6;
	v6 =	vmul.u32 $0x201, v6  }
0x1b9: {  	v55 =	vmul.f32 $5.120000000e+02, v47;
	v57 =	vld [tilespmem:s18+$0x60];
	v56 =	vcvt.s32.f32 v8;
	v8 =	vadd.s32 v8, v1  }
0x1ba: {  	v11 =	vadd.f32 $5.000000000e-01, v52;
	v10 =	vsub.f32 v10, v54;
	v6 =	vadd.s32 v6, v8  }
0x1bb: {  	v59 =	vadd.f32 $5.000000000e-01, v55;
	v58 =	vsub.f32 v48, v56;
	[tilespmem:s0+$0x4050] =	vst v6  }
0x1bc: {  	v60 =	vtrunc.f32 v11;
	[tilespmem:s0+$0x2050] =	vst v10  }
0x1bd: {  	v62 =	vtrunc.f32 v59;
	v9 =	vcvt.f32.s32 v60;
	[tilespmem:s0+$0x3050] =	vst v58  }
0x1be: {  	v61 =	vmul.f32 $5.120000000e+02, v53;
	v19 =	vmul.f32 $5.120000000e+02, v57;
	v63 =	vld [tilespmem:s16+$0xFFFFFFE0]  }
0x1bf: {  	v18 =	vcvt.s32.f32 v9;
	v8 =	vcvt.f32.s32 v62;
	v20 =	vld [tilespmem:s16+$0x60]  }
0x1c0: {  	v9 =	vmul.u32 $0x201, v9;
	v10 =	vadd.f32 $5.000000000e-01, v61;
	v21 =	vadd.f32 $5.000000000e-01, v19  }
0x1c1: {  	v11 =	vsub.f32 v11, v18;
	v23 =	vcvt.s32.f32 v8;
	v8 =	vadd.s32 v8, v1  }
0x1c2: {  	v8 =	vadd.s32 v9, v8;
	v22 =	vtrunc.f32 v10;
	v24 =	vtrunc.f32 v21  }
0x1c3: {  	v6 =	vsub.f32 v59, v23;
	[tilespmem:s12+$0x4060] =	vst v8;
	v14 =	vcvt.f32.s32 v22;
	v12 =	vmul.f32 $5.120000000e+02, v63  }
0x1c4: {  	[tilespmem:s12+$0x2060] =	vst v11;
	v25 =	vcvt.f32.s32 v24;
	v26 =	vmul.f32 $5.120000000e+02, v20  }
0x1c5: {  	[tilespmem:s12+$0x3060] =	vst v6;
	v27 =	vcvt.s32.f32 v14;
	v14 =	vmul.u32 $0x201, v14;
	v12 =	vadd.f32 $5.000000000e-01, v12  }
0x1c6: {  	v28 =	vcvt.s32.f32 v25;
	v8 =	vadd.s32 v25, v1;
	v29 =	vld [tilespmem:s17+$0xFFFFFFF0];
	v9 =	vadd.f32 $5.000000000e-01, v26  }
0x1c7: {  	v31 =	vld [tilespmem:s17+$0x70];
	v10 =	vsub.f32 v10, v27;
	v8 =	vadd.s32 v14, v8;
	v30 =	vtrunc.f32 v12  }
0x1c8: {  	v6 =	vsub.f32 v21, v28;
	[tilespmem:s19+$0x4060] =	vst v8;
	v33 =	vtrunc.f32 v9;
	v32 =	vcvt.f32.s32 v30  }
0x1c9: {  	[tilespmem:s19+$0x2060] =	vst v10;
	v34 =	vcvt.f32.s32 v33  }
0x1ca: {  	[tilespmem:s19+$0x3060] =	vst v6;
	v35 =	vcvt.s32.f32 v32;
	v8 =	vmul.u32 $0x201, v32  }
0x1cb: {  	v36 =	vld [tilespmem:s18+$0xFFFFFFF0];
	v15 =	vmul.f32 $5.120000000e+02, v29;
	v37 =	vcvt.s32.f32 v34;
	v10 =	vadd.s32 v34, v1  }
0x1cc: {  	v38 =	vmul.f32 $5.120000000e+02, v31;
	v39 =	vld [tilespmem:s18+$0x70];
	v6 =	vsub.f32 v12, v35;
	v8 =	vadd.s32 v8, v10  }
0x1cd: {  	v40 =	vadd.f32 $5.000000000e-01, v15;
	v9 =	vsub.f32 v9, v37;
	[tilespmem:s0+$0x4060] =	vst v8  }
0x1ce: {  	v41 =	vadd.f32 $5.000000000e-01, v38;
	[tilespmem:s0+$0x2060] =	vst v6  }
0x1cf: {  	v42 =	vtrunc.f32 v40;
	[tilespmem:s0+$0x3060] =	vst v9  }
0x1d0: {  	v45 =	vtrunc.f32 v41;
	v43 =	vmul.f32 $5.120000000e+02, v36;
	v44 =	vld [tilespmem:s16+$0xFFFFFFF0]  }
0x1d1: {  	v13 =	vcvt.f32.s32 v45;
	v12 =	vmul.f32 $5.120000000e+02, v39;
	v46 =	vld [tilespmem:s16+$0x70]  }
0x1d2: {  	v9 =	vcvt.f32.s32 v42;
	v10 =	vadd.f32 $5.000000000e-01, v43  }
0x1d3: {  	v3 =	vsub.f32 v3, v5;
	v48 =	vcvt.s32.f32 v13;
	v12 =	vadd.f32 $5.000000000e-01, v12  }
0x1d4: {  	v13 =	vadd.s32 v13, v1;
	v47 =	vcvt.s32.f32 v9;
	v49 =	vtrunc.f32 v10  }
0x1d5: {  	v9 =	vmul.u32 $0x201, v9;
	v50 =	vtrunc.f32 v12;
	v11 =	vmul.f32 $5.120000000e+02, v44  }
0x1d6: {  	[tilespmem:s10+$0x3070] =	vst v3;
	v3 =	vsub.f32 v41, v48;
	v16 =	vcvt.f32.s32 v49;
	v51 =	vmul.f32 $5.120000000e+02, v46  }
0x1d7: {  	[tilespmem:s10+$0x4070] =	vst v7;
	v7 =	vcvt.f32.s32 v50;
	v5 =	vsub.f32 v40, v47;
	v53 =	vadd.f32 $5.000000000e-01, v11  }
0x1d8: {  	[tilespmem:s10+$0x2070] =	vst v4;
	v52 =	vadd.s32 v9, v13;
	v54 =	vcvt.s32.f32 v16;
	v8 =	vadd.f32 $5.000000000e-01, v51  }
0x1d9: {  	[tilespmem:s12+$0x3070] =	vst v3;
	v55 =	vmul.u32 $0x201, v16;
	v56 =	vcvt.s32.f32 v7;
	v57 =	vtrunc.f32 v53  }
0x1da: {  	[tilespmem:s12+$0x4070] =	vst v52;
	v58 =	vadd.s32 v7, v1;
	v60 =	vtrunc.f32 v8;
	v59 =	vcvt.f32.s32 v57  }
0x1db: {  	s2 =	sadd.s32 $0x4000, s10;
	s18 =	sadd.s32 $0x800, s21;
	[tilespmem:s12+$0x2070] =	vst v5;
	v3 =	vsub.f32 v10, v54;
	v4 =	vadd.s32 v55, v58;
	v61 =	vcvt.f32.s32 v60  }
0x1dc: {  	[tilespmem:s18], [sflag:$0x1] =	stream.indirect.gather [hbm4b:s4+s28], $0x10, s2, s28, $0xb8;
	v62 =	vsub.f32 v12, v56;
	[tilespmem:s19+$0x4070] =	vst v4;
	v63 =	vcvt.s32.f32 v59;
	v7 =	vmul.u32 $0x201, v59  }
0x1dd: {  	s21 =	sadd.s32 $0x4000, s12;
	s10 =	sadd.s32 $0x800, s18;
	[tilespmem:s19+$0x2070] =	vst v3;
	v3 =	vcvt.s32.f32 v61;
	v5 =	vadd.s32 v61, v1  }
0x1de: {  	[tilespmem:s10], [sflag:$0x1] =	stream.indirect.gather [hbm4b:s4+s28], $0x10, s21, s28, $0xb8;
	[tilespmem:s19+$0x3070] =	vst v62;
	v4 =	vsub.f32 v53, v63;
	v5 =	vadd.s32 v7, v5  }
0x1df: {  	s25 =	sadd.s32 $0x4000, s19;
	s10 =	sadd.s32 $0x800, s10;
	v3 =	vsub.f32 v8, v3;
	[tilespmem:s0+$0x4070] =	vst v5  }
0x1e0: {  	[tilespmem:s10], [sflag:$0x1] =	stream.indirect.gather [hbm4b:s4+s28], $0x10, s25, s28, $0xb8;
	[tilespmem:s0+$0x2070] =	vst v4  }
0x1e1: {  	s31 =	sadd.s32 $0x4000, s0;
	s10 =	sadd.s32 $0x800, s10;
	[tilespmem:s0+$0x3070] =	vst v3  }
0x1e2: {  	[tilespmem:s10], [sflag:$0x1] =	stream.indirect.gather [hbm4b:s4+s28], $0x10, s31, s28, $0xb8;
	[tilespmem:$0x19D10] =	vst v63  }
0x1e3: {  	p1 =	por $0x0, $0x0;
	s25 =	simm.s32 $0x0;
	s0 =	rddreg [dreg:$0xd]  }
0x1e4: {  	[tilespmem:s25], [sflag:$0x5] =	stream.linear.gather [hbm4b:s0+s25], $0x1000, $0x38;
	[tilespmem:$0x19D10] =	vst v63  }
.LBB2_21:
0x1e5: {  	s17 =	sand.u32 $0x1, s25  }
0x1e6: {  	p3 =	seq.s32 s25, $0x3F;
	p2 =	seq.s32 s17, $0x1  }
0x1e7: {  	p3 =	por p3, !p2  }
.Ltmp9:
0x1e8: {  	_ = 	snop;
	(pc) =	sbr.rel @p3 .LBB2_25-.Ltmp9, $1  }
0x1e9: {  	_ =	sdelay $0x3  }
0x1ea: {  	_ =	swait.ge [sflag:s26], $0x1000  }
0x1eb: {  	[sflag:s26] =	ssyncset.done $0x0  }
0x1ec: {  	s2 =	simm.s32 $0x80;
	[sflag:s26] =	ssyncadd.s32 $0xFFFFF000  }
0x1ed: {  	v3 =	vld [tilespmem:s2+$0xFFFFFF80]  }
0x1ee: {  	v4 =	vld [tilespmem:s2+$0x0];
	_ =	sdelay $0x3  }
0x1ef: {  	v3 =	vmul.f32 $5.120000000e+02, v3  }
0x1f0: {  	v4 =	vmul.f32 $5.120000000e+02, v4  }
0x1f1: {  	v3 =	vadd.f32 $5.000000000e-01, v3  }
0x1f2: {  	v4 =	vadd.f32 $5.000000000e-01, v4  }
0x1f3: {  	v5 =	vtrunc.f32 v3  }
0x1f4: {  	v6 =	vtrunc.f32 v4;
	v5 =	vcvt.f32.s32 v5  }
0x1f5: {  	v6 =	vcvt.f32.s32 v6  }
0x1f6: {  	v7 =	vcvt.s32.f32 v5;
	v5 =	vmul.u32 $0x201, v5  }
0x1f7: {  	v8 =	vcvt.s32.f32 v6;
	v6 =	vadd.s32 v6, v1  }
0x1f8: {  	s0 =	simm.s32 $0x0;
	v5 =	vadd.s32 v5, v6;
	v3 =	vsub.f32 v3, v7  }
0x1f9: {  	v4 =	vsub.f32 v4, v8;
	[tilespmem:s0+$0x4000] =	vst v5  }
0x1fa: {  	[tilespmem:s0+$0x2000] =	vst v3  }
0x1fb: {  	[tilespmem:s0+$0x3000] =	vst v4  }
0x1fc: {  	v3 =	vld [tilespmem:s2+$0xFFFFFF90]  }
0x1fd: {  	v4 =	vld [tilespmem:s2+$0x10];
	_ =	sdelay $0x3  }
0x1fe: {  	v3 =	vmul.f32 $5.120000000e+02, v3  }
0x1ff: {  	v4 =	vmul.f32 $5.120000000e+02, v4  }
0x200: {  	v3 =	vadd.f32 $5.000000000e-01, v3  }
0x201: {  	v4 =	vadd.f32 $5.000000000e-01, v4  }
0x202: {  	v5 =	vtrunc.f32 v3  }
0x203: {  	v6 =	vtrunc.f32 v4;
	v5 =	vcvt.f32.s32 v5  }
0x204: {  	v6 =	vcvt.f32.s32 v6  }
0x205: {  	v7 =	vcvt.s32.f32 v5;
	v5 =	vmul.u32 $0x201, v5  }
0x206: {  	v8 =	vcvt.s32.f32 v6;
	v6 =	vadd.s32 v6, v1  }
0x207: {  	v3 =	vsub.f32 v3, v7;
	v5 =	vadd.s32 v5, v6  }
0x208: {  	v4 =	vsub.f32 v4, v8;
	[tilespmem:s0+$0x4010] =	vst v5  }
0x209: {  	[tilespmem:s0+$0x2010] =	vst v3  }
0x20a: {  	[tilespmem:s0+$0x3010] =	vst v4  }
0x20b: {  	v3 =	vld [tilespmem:s2+$0xFFFFFFA0]  }
0x20c: {  	v4 =	vld [tilespmem:s2+$0x20];
	_ =	sdelay $0x3  }
0x20d: {  	s31 =	simm.s32 $0x180;
	v3 =	vmul.f32 $5.120000000e+02, v3  }
0x20e: {  	v5 =	vld [tilespmem:s31+$0xFFFFFF80];
	v4 =	vmul.f32 $5.120000000e+02, v4  }
0x20f: {  	v6 =	vld [tilespmem:s31+$0x0];
	v3 =	vadd.f32 $5.000000000e-01, v3  }
0x210: {  	v4 =	vadd.f32 $5.000000000e-01, v4  }
0x211: {  	v7 =	vtrunc.f32 v3  }
0x212: {  	v8 =	vtrunc.f32 v4;
	v7 =	vcvt.f32.s32 v7  }
0x213: {  	v5 =	vmul.f32 $5.120000000e+02, v5;
	v8 =	vcvt.f32.s32 v8  }
0x214: {  	v6 =	vmul.f32 $5.120000000e+02, v6;
	v9 =	vcvt.s32.f32 v7;
	v7 =	vmul.u32 $0x201, v7  }
0x215: {  	v5 =	vadd.f32 $5.000000000e-01, v5;
	v10 =	vcvt.s32.f32 v8;
	v8 =	vadd.s32 v8, v1  }
0x216: {  	v6 =	vadd.f32 $5.000000000e-01, v6;
	v3 =	vsub.f32 v3, v9;
	v7 =	vadd.s32 v7, v8  }
0x217: {  	v8 =	vtrunc.f32 v5;
	v4 =	vsub.f32 v4, v10;
	[tilespmem:s0+$0x4020] =	vst v7  }
0x218: {  	v7 =	vtrunc.f32 v6;
	v8 =	vcvt.f32.s32 v8;
	[tilespmem:s0+$0x2020] =	vst v3  }
0x219: {  	v3 =	vcvt.f32.s32 v7;
	[tilespmem:s0+$0x3020] =	vst v4  }
0x21a: {  	v4 =	vcvt.s32.f32 v8;
	v7 =	vmul.u32 $0x201, v8;
	v8 =	vld [tilespmem:s2+$0xFFFFFFB0]  }
0x21b: {  	v10 =	vld [tilespmem:s2+$0x30];
	v9 =	vcvt.s32.f32 v3;
	v3 =	vadd.s32 v3, v1  }
0x21c: {  	s10 =	simm.s32 $0x80;
	v3 =	vadd.s32 v7, v3;
	v4 =	vsub.f32 v5, v4  }
0x21d: {  	[tilespmem:s10+$0x4000] =	vst v3;
	v3 =	vsub.f32 v6, v9  }
0x21e: {  	[tilespmem:s10+$0x2000] =	vst v4  }
0x21f: {  	[tilespmem:s10+$0x3000] =	vst v3;
	v3 =	vmul.f32 $5.120000000e+02, v8  }
0x220: {  	v5 =	vmul.f32 $5.120000000e+02, v10;
	v4 =	vld [tilespmem:s31+$0xFFFFFF90]  }
0x221: {  	v6 =	vld [tilespmem:s31+$0x10];
	v3 =	vadd.f32 $5.000000000e-01, v3  }
0x222: {  	v5 =	vadd.f32 $5.000000000e-01, v5  }
0x223: {  	v7 =	vtrunc.f32 v3  }
0x224: {  	v8 =	vtrunc.f32 v5;
	v7 =	vcvt.f32.s32 v7  }
0x225: {  	v8 =	vcvt.f32.s32 v8;
	v4 =	vmul.f32 $5.120000000e+02, v4  }
0x226: {  	v6 =	vmul.f32 $5.120000000e+02, v6;
	v9 =	vcvt.s32.f32 v7;
	v7 =	vmul.u32 $0x201, v7  }
0x227: {  	v10 =	vcvt.s32.f32 v8;
	v8 =	vadd.s32 v8, v1;
	v4 =	vadd.f32 $5.000000000e-01, v4  }
0x228: {  	v6 =	vadd.f32 $5.000000000e-01, v6;
	v3 =	vsub.f32 v3, v9;
	v7 =	vadd.s32 v7, v8  }
0x229: {  	v5 =	vsub.f32 v5, v10;
	v8 =	vtrunc.f32 v4;
	[tilespmem:s0+$0x4030] =	vst v7  }
0x22a: {  	v7 =	vtrunc.f32 v6;
	v8 =	vcvt.f32.s32 v8;
	[tilespmem:s0+$0x2030] =	vst v3  }
0x22b: {  	v3 =	vcvt.f32.s32 v7;
	[tilespmem:s0+$0x3030] =	vst v5  }
0x22c: {  	v10 =	vld [tilespmem:s2+$0x40];
	v5 =	vcvt.s32.f32 v8;
	v7 =	vmul.u32 $0x201, v8  }
0x22d: {  	v8 =	vld [tilespmem:s2+$0xFFFFFFC0];
	v9 =	vcvt.s32.f32 v3;
	v3 =	vadd.s32 v3, v1  }
0x22e: {  	v4 =	vsub.f32 v4, v5;
	v3 =	vadd.s32 v7, v3  }
0x22f: {  	v5 =	vsub.f32 v6, v9;
	[tilespmem:s10+$0x4010] =	vst v3  }
0x230: {  	[tilespmem:s10+$0x2010] =	vst v4  }
0x231: {  	[tilespmem:s10+$0x3010] =	vst v5  }
0x232: {  	v5 =	vmul.f32 $5.120000000e+02, v10;
	v3 =	vmul.f32 $5.120000000e+02, v8;
	v4 =	vld [tilespmem:s31+$0xFFFFFFA0]  }
0x233: {  	v6 =	vld [tilespmem:s31+$0x20]  }
0x234: {  	v5 =	vadd.f32 $5.000000000e-01, v5;
	v3 =	vadd.f32 $5.000000000e-01, v3;
	_ =	sdelay $0x1  }
0x235: {  	v8 =	vtrunc.f32 v5;
	v7 =	vtrunc.f32 v3  }
0x236: {  	v8 =	vcvt.f32.s32 v8;
	v7 =	vcvt.f32.s32 v7  }
0x237: {  	s18 =	simm.s32 $0x280;
	v4 =	vmul.f32 $5.120000000e+02, v4;
	v6 =	vmul.f32 $5.120000000e+02, v6  }
0x238: {  	v9 =	vld [tilespmem:s18+$0xFFFFFF80];
	v12 =	vcvt.s32.f32 v8;
	v10 =	vcvt.s32.f32 v7;
	v7 =	vmul.u32 $0x201, v7  }
0x239: {  	v11 =	vld [tilespmem:s18+$0x0];
	v8 =	vadd.s32 v8, v1;
	v4 =	vadd.f32 $5.000000000e-01, v4  }
0x23a: {  	v6 =	vadd.f32 $5.000000000e-01, v6;
	v5 =	vsub.f32 v5, v12;
	v7 =	vadd.s32 v7, v8  }
0x23b: {  	v3 =	vsub.f32 v3, v10;
	v8 =	vtrunc.f32 v4;
	[tilespmem:s0+$0x4040] =	vst v7  }
0x23c: {  	v7 =	vtrunc.f32 v6;
	v8 =	vcvt.f32.s32 v8;
	[tilespmem:s0+$0x3040] =	vst v5  }
0x23d: {  	[tilespmem:s0+$0x2040] =	vst v3;
	v3 =	vmul.f32 $5.120000000e+02, v9;
	v7 =	vcvt.f32.s32 v7  }
0x23e: {  	v5 =	vmul.f32 $5.120000000e+02, v11;
	v9 =	vcvt.s32.f32 v8;
	v10 =	vld [tilespmem:s2+$0xFFFFFFD0];
	v8 =	vmul.u32 $0x201, v8  }
0x23f: {  	v3 =	vadd.f32 $5.000000000e-01, v3;
	v11 =	vcvt.s32.f32 v7;
	v7 =	vadd.s32 v7, v1  }
0x240: {  	v5 =	vadd.f32 $5.000000000e-01, v5;
	v45 =	vld [tilespmem:s2+$0x50];
	v4 =	vsub.f32 v4, v9;
	v7 =	vadd.s32 v8, v7  }
0x241: {  	v8 =	vtrunc.f32 v3;
	v6 =	vsub.f32 v6, v11;
	[tilespmem:s10+$0x4020] =	vst v7  }
0x242: {  	v7 =	vtrunc.f32 v5;
	v8 =	vcvt.f32.s32 v8;
	[tilespmem:s10+$0x2020] =	vst v4  }
0x243: {  	v4 =	vcvt.f32.s32 v7;
	v7 =	vmul.f32 $5.120000000e+02, v10;
	[tilespmem:s10+$0x3020] =	vst v6  }
0x244: {  	v6 =	vcvt.s32.f32 v8;
	v8 =	vmul.u32 $0x201, v8;
	v9 =	vld [tilespmem:s31+$0xFFFFFFB0]  }
0x245: {  	v11 =	vmul.f32 $5.120000000e+02, v45;
	v10 =	vadd.s32 v4, v1;
	v46 =	vld [tilespmem:s31+$0x30];
	v7 =	vadd.f32 $5.000000000e-01, v7  }
0x246: {  	v4 =	vcvt.s32.f32 v4;
	v8 =	vadd.s32 v8, v10  }
0x247: {  	s12 =	simm.s32 $0x100;
	v3 =	vsub.f32 v3, v6;
	v6 =	vadd.f32 $5.000000000e-01, v11;
	v10 =	vtrunc.f32 v7  }
0x248: {  	v4 =	vsub.f32 v5, v4;
	[tilespmem:s12+$0x4000] =	vst v8;
	v5 =	vcvt.f32.s32 v10  }
0x249: {  	[tilespmem:s12+$0x2000] =	vst v3;
	v3 =	vtrunc.f32 v6;
	v8 =	vmul.f32 $5.120000000e+02, v9  }
0x24a: {  	[tilespmem:s12+$0x3000] =	vst v4;
	v3 =	vcvt.f32.s32 v3;
	v4 =	vmul.f32 $5.120000000e+02, v46  }
0x24b: {  	v9 =	vld [tilespmem:s18+$0xFFFFFF90];
	v10 =	vcvt.s32.f32 v5;
	v5 =	vmul.u32 $0x201, v5;
	v8 =	vadd.f32 $5.000000000e-01, v8  }
0x24c: {  	v11 =	vld [tilespmem:s18+$0x10];
	v47 =	vcvt.s32.f32 v3;
	v3 =	vadd.s32 v3, v1;
	v4 =	vadd.f32 $5.000000000e-01, v4  }
0x24d: {  	v7 =	vsub.f32 v7, v10;
	v3 =	vadd.s32 v5, v3;
	v5 =	vtrunc.f32 v8  }
0x24e: {  	s19 =	simm.s32 $0x380;
	v6 =	vsub.f32 v6, v47;
	[tilespmem:s0+$0x4050] =	vst v3;
	v3 =	vcvt.f32.s32 v5;
	v5 =	vtrunc.f32 v4  }
0x24f: {  	v10 =	vld [tilespmem:s19+$0xFFFFFF80];
	[tilespmem:s0+$0x2050] =	vst v7;
	v5 =	vcvt.f32.s32 v5  }
0x250: {  	v7 =	vld [tilespmem:s19+$0x0];
	v9 =	vmul.f32 $5.120000000e+02, v9;
	[tilespmem:s0+$0x3050] =	vst v6;
	v6 =	vcvt.s32.f32 v3;
	v3 =	vmul.u32 $0x201, v3  }
0x251: {  	v11 =	vmul.f32 $5.120000000e+02, v11;
	v48 =	vld [tilespmem:s2+$0xFFFFFFE0];
	v13 =	vcvt.s32.f32 v5;
	v5 =	vadd.s32 v5, v1  }
0x252: {  	v9 =	vadd.f32 $5.000000000e-01, v9;
	v6 =	vsub.f32 v8, v6;
	v3 =	vadd.s32 v3, v5  }
0x253: {  	v5 =	vld [tilespmem:s2+$0x60];
	v4 =	vsub.f32 v4, v13;
	[tilespmem:s10+$0x4030] =	vst v3  }
0x254: {  	v8 =	vadd.f32 $5.000000000e-01, v11;
	v3 =	vmul.f32 $5.120000000e+02, v10;
	v10 =	vtrunc.f32 v9;
	[tilespmem:s10+$0x2030] =	vst v6  }
0x255: {  	v6 =	vmul.f32 $5.120000000e+02, v7;
	v7 =	vcvt.f32.s32 v10;
	[tilespmem:s10+$0x3030] =	vst v4  }
0x256: {  	v4 =	vtrunc.f32 v8;
	v10 =	vmul.f32 $5.120000000e+02, v48;
	v11 =	vld [tilespmem:s31+$0xFFFFFFC0]  }
0x257: {  	v4 =	vcvt.f32.s32 v4;
	v49 =	vcvt.s32.f32 v7;
	v50 =	vld [tilespmem:s31+$0x40]  }
0x258: {  	v7 =	vmul.u32 $0x201, v7;
	v5 =	vmul.f32 $5.120000000e+02, v5;
	v10 =	vadd.f32 $5.000000000e-01, v10  }
0x259: {  	v14 =	vcvt.s32.f32 v4;
	v4 =	vadd.s32 v4, v1;
	v9 =	vsub.f32 v9, v49  }
0x25a: {  	v4 =	vadd.s32 v7, v4;
	v5 =	vadd.f32 $5.000000000e-01, v5;
	v7 =	vtrunc.f32 v10  }
0x25b: {  	v8 =	vsub.f32 v8, v14;
	[tilespmem:s12+$0x4010] =	vst v4;
	v4 =	vcvt.f32.s32 v7;
	v7 =	vmul.f32 $5.120000000e+02, v11  }
0x25c: {  	[tilespmem:s12+$0x2010] =	vst v9;
	v9 =	vtrunc.f32 v5;
	v11 =	vmul.f32 $5.120000000e+02, v50  }
0x25d: {  	v3 =	vadd.f32 $5.000000000e-01, v3;
	[tilespmem:s12+$0x3010] =	vst v8;
	v8 =	vcvt.f32.s32 v9;
	v7 =	vadd.f32 $5.000000000e-01, v7  }
0x25e: {  	v6 =	vadd.f32 $5.000000000e-01, v6;
	v51 =	vcvt.s32.f32 v4;
	v9 =	vld [tilespmem:s18+$0xFFFFFFA0];
	v11 =	vadd.f32 $5.000000000e-01, v11  }
0x25f: {  	v4 =	vmul.u32 $0x201, v4;
	v53 =	vld [tilespmem:s18+$0x20];
	v52 =	vcvt.s32.f32 v8;
	v15 =	vtrunc.f32 v7  }
0x260: {  	v8 =	vadd.s32 v8, v1;
	v16 =	vtrunc.f32 v11;
	v15 =	vcvt.f32.s32 v15  }
0x261: {  	v10 =	vsub.f32 v10, v51;
	v4 =	vadd.s32 v4, v8;
	v8 =	vcvt.f32.s32 v16  }
0x262: {  	v5 =	vsub.f32 v5, v52;
	[tilespmem:s0+$0x4060] =	vst v4;
	v4 =	vcvt.s32.f32 v15;
	v54 =	vmul.u32 $0x201, v15  }
0x263: {  	[tilespmem:s0+$0x2060] =	vst v10;
	v9 =	vmul.f32 $5.120000000e+02, v9;
	v10 =	vcvt.s32.f32 v8;
	v8 =	vadd.s32 v8, v1  }
0x264: {  	[tilespmem:s0+$0x3060] =	vst v5;
	v5 =	vmul.f32 $5.120000000e+02, v53;
	v4 =	vsub.f32 v7, v4;
	v7 =	vadd.s32 v54, v8  }
0x265: {  	v8 =	vtrunc.f32 v3;
	v9 =	vadd.f32 $5.000000000e-01, v9;
	v10 =	vsub.f32 v11, v10  }
0x266: {  	v5 =	vadd.f32 $5.000000000e-01, v5;
	[tilespmem:s10+$0x4040] =	vst v7;
	v7 =	vtrunc.f32 v6;
	v8 =	vcvt.f32.s32 v8  }
0x267: {  	v11 =	vld [tilespmem:s2+$0xFFFFFFF0];
	[tilespmem:s10+$0x2040] =	vst v4;
	v4 =	vcvt.f32.s32 v7;
	v55 =	vtrunc.f32 v9  }
0x268: {  	v7 =	vld [tilespmem:s2+$0x70];
	[tilespmem:s10+$0x3040] =	vst v10;
	v10 =	vtrunc.f32 v5;
	v12 =	vcvt.f32.s32 v55  }
0x269: {  	v56 =	vld [tilespmem:s31+$0xFFFFFFD0];
	v57 =	vcvt.s32.f32 v8;
	v10 =	vcvt.f32.s32 v10;
	v8 =	vmul.u32 $0x201, v8  }
0x26a: {  	v58 =	vld [tilespmem:s31+$0x50];
	v59 =	vcvt.s32.f32 v4;
	v17 =	vcvt.s32.f32 v12;
	v12 =	vmul.u32 $0x201, v12  }
0x26b: {  	v4 =	vadd.s32 v4, v1;
	v18 =	vcvt.s32.f32 v10;
	v10 =	vadd.s32 v10, v1  }
0x26c: {  	v11 =	vmul.f32 $5.120000000e+02, v11;
	v9 =	vsub.f32 v9, v17;
	v10 =	vadd.s32 v12, v10  }
0x26d: {  	v4 =	vadd.s32 v8, v4;
	v5 =	vsub.f32 v5, v18;
	[tilespmem:s12+$0x4020] =	vst v10  }
0x26e: {  	v7 =	vmul.f32 $5.120000000e+02, v7;
	v11 =	vadd.f32 $5.000000000e-01, v11;
	v10 =	vmul.f32 $5.120000000e+02, v56;
	[tilespmem:s12+$0x2020] =	vst v9  }
0x26f: {  	s21 =	simm.s32 $0x180;
	v3 =	vsub.f32 v3, v57;
	v6 =	vsub.f32 v6, v59;
	v9 =	vmul.f32 $5.120000000e+02, v58;
	[tilespmem:s12+$0x3020] =	vst v5  }
0x270: {  	[tilespmem:s21+$0x4000] =	vst v4;
	v7 =	vadd.f32 $5.000000000e-01, v7;
	v8 =	vtrunc.f32 v11;
	v5 =	vadd.f32 $5.000000000e-01, v10;
	v10 =	vld [tilespmem:s18+$0xFFFFFFB0]  }
0x271: {  	[tilespmem:s21+$0x2000] =	vst v3;
	v4 =	vcvt.f32.s32 v8;
	v3 =	vld [tilespmem:s18+$0x30];
	v9 =	vadd.f32 $5.000000000e-01, v9  }
0x272: {  	[tilespmem:s21+$0x3000] =	vst v6;
	v61 =	vtrunc.f32 v7;
	v8 =	vtrunc.f32 v5  }
0x273: {  	v19 =	vld [tilespmem:s19+$0x10];
	v8 =	vcvt.f32.s32 v8;
	v60 =	vtrunc.f32 v9  }
0x274: {  	v22 =	vld [tilespmem:s19+$0xFFFFFF90];
	v63 =	vcvt.f32.s32 v61;
	v6 =	vcvt.f32.s32 v60  }
0x275: {  	v23 =	vcvt.s32.f32 v8;
	v8 =	vmul.u32 $0x201, v8;
	v10 =	vmul.f32 $5.120000000e+02, v10  }
0x276: {  	v3 =	vmul.f32 $5.120000000e+02, v3;
	v25 =	vcvt.s32.f32 v6;
	v6 =	vadd.s32 v6, v1  }
0x277: {  	v5 =	vsub.f32 v5, v23;
	v6 =	vadd.s32 v8, v6;
	v8 =	vadd.f32 $5.000000000e-01, v10  }
0x278: {  	v29 =	vmul.f32 $5.120000000e+02, v19;
	v3 =	vadd.f32 $5.000000000e-01, v3;
	v9 =	vsub.f32 v9, v25;
	[tilespmem:s10+$0x4050] =	vst v6  }
0x279: {  	s16 =	simm.s32 $0x480;
	[tilespmem:s10+$0x2050] =	vst v5;
	v5 =	vmul.f32 $5.120000000e+02, v22;
	v27 =	vtrunc.f32 v8  }
0x27a: {  	v62 =	vld [tilespmem:s16+$0xFFFFFF80];
	v15 =	vadd.f32 $5.000000000e-01, v29;
	v30 =	vtrunc.f32 v3;
	[tilespmem:s10+$0x3050] =	vst v9;
	v13 =	vcvt.f32.s32 v27  }
0x27b: {  	v26 =	vcvt.s32.f32 v4;
	v16 =	vcvt.f32.s32 v30;
	v28 =	vld [tilespmem:s31+$0xFFFFFFE0];
	v5 =	vadd.f32 $5.000000000e-01, v5  }
0x27c: {  	v24 =	vld [tilespmem:s16+$0x0];
	v34 =	vtrunc.f32 v15;
	v32 =	vcvt.s32.f32 v13;
	v13 =	vmul.u32 $0x201, v13  }
0x27d: {  	v31 =	vld [tilespmem:s31+$0x60];
	v33 =	vcvt.s32.f32 v16;
	v16 =	vadd.s32 v16, v1;
	v20 =	vtrunc.f32 v5  }
0x27e: {  	v8 =	vsub.f32 v8, v32;
	v13 =	vadd.s32 v13, v16;
	v20 =	vcvt.f32.s32 v20  }
0x27f: {  	v6 =	vmul.f32 $5.120000000e+02, v62;
	v16 =	vcvt.f32.s32 v34;
	v3 =	vsub.f32 v3, v33;
	[tilespmem:s12+$0x4030] =	vst v13  }
0x280: {  	v10 =	vcvt.s32.f32 v63;
	v14 =	vmul.f32 $5.120000000e+02, v28;
	[tilespmem:s12+$0x2030] =	vst v8;
	v37 =	vmul.u32 $0x201, v20  }
0x281: {  	v9 =	vmul.f32 $5.120000000e+02, v24;
	v35 =	vadd.f32 $5.000000000e-01, v6;
	[tilespmem:s12+$0x3030] =	vst v3;
	v3 =	vadd.s32 v16, v1  }
0x282: {  	v6 =	vmul.f32 $5.120000000e+02, v31;
	v39 =	vld [tilespmem:s18+$0xFFFFFFC0];
	v8 =	vadd.f32 $5.000000000e-01, v14;
	v3 =	vadd.s32 v37, v3  }
0x283: {  	v4 =	vmul.u32 $0x201, v4;
	v44 =	vtrunc.f32 v35;
	v36 =	vcvt.s32.f32 v20;
	[tilespmem:s21+$0x4010] =	vst v3;
	v3 =	vld [tilespmem:s18+$0x40]  }
0x284: {  	v38 =	vcvt.s32.f32 v16;
	v40 =	vadd.f32 $5.000000000e-01, v6;
	v6 =	vtrunc.f32 v8  }
0x285: {  	v17 =	vcvt.f32.s32 v44;
	v5 =	vsub.f32 v5, v36;
	v41 =	vcvt.f32.s32 v6  }
0x286: {  	v42 =	vtrunc.f32 v40;
	v6 =	vadd.f32 $5.000000000e-01, v9;
	v9 =	vsub.f32 v15, v38  }
0x287: {  	v12 =	vadd.s32 v63, v1;
	[tilespmem:s21+$0x2010] =	vst v5;
	v5 =	vcvt.f32.s32 v42;
	v43 =	vcvt.s32.f32 v41  }
0x288: {  	v16 =	vmul.f32 $5.120000000e+02, v39;
	[tilespmem:s21+$0x3010] =	vst v9;
	v9 =	vmul.u32 $0x201, v41;
	v3 =	vmul.f32 $5.120000000e+02, v3  }
0x289: {  	v46 =	vld [tilespmem:s19+$0xFFFFFFA0];
	v15 =	vsub.f32 v8, v43;
	v8 =	vadd.s32 v5, v1;
	v5 =	vcvt.s32.f32 v5  }
0x28a: {  	v45 =	vtrunc.f32 v6;
	v16 =	vadd.f32 $5.000000000e-01, v16;
	v8 =	vadd.s32 v9, v8;
	v9 =	vld [tilespmem:s19+$0x20]  }
0x28b: {  	v19 =	vcvt.f32.s32 v45;
	v3 =	vadd.f32 $5.000000000e-01, v3;
	v5 =	vsub.f32 v40, v5;
	[tilespmem:s10+$0x4060] =	vst v8  }
0x28c: {  	v11 =	vsub.f32 v11, v26;
	v47 =	vcvt.s32.f32 v17;
	v48 =	vtrunc.f32 v16;
	[tilespmem:s10+$0x2060] =	vst v15  }
0x28d: {  	v4 =	vadd.s32 v4, v12;
	v8 =	vcvt.s32.f32 v19;
	v49 =	vtrunc.f32 v3;
	[tilespmem:s10+$0x3060] =	vst v5  }
0x28e: {  	v7 =	vsub.f32 v7, v10;
	v14 =	vmul.f32 $5.120000000e+02, v46;
	v5 =	vcvt.f32.s32 v48;
	v50 =	vld [tilespmem:s31+$0xFFFFFFF0]  }
0x28f: {  	[tilespmem:s0+$0x4070] =	vst v4;
	v4 =	vmul.u32 $0x201, v17;
	v10 =	vcvt.f32.s32 v49;
	v51 =	vld [tilespmem:s31+$0x70];
	v9 =	vmul.f32 $5.120000000e+02, v9  }
0x290: {  	v52 =	vcvt.s32.f32 v5;
	v14 =	vadd.f32 $5.000000000e-01, v14;
	v5 =	vmul.u32 $0x201, v5  }
0x291: {  	v53 =	vcvt.s32.f32 v10;
	v10 =	vadd.s32 v10, v1;
	v9 =	vadd.f32 $5.000000000e-01, v9  }
0x292: {  	v16 =	vsub.f32 v16, v52;
	v5 =	vadd.s32 v5, v10;
	v10 =	vtrunc.f32 v14  }
0x293: {  	v3 =	vsub.f32 v3, v53;
	[tilespmem:s12+$0x4040] =	vst v5;
	v10 =	vcvt.f32.s32 v10;
	v5 =	vmul.f32 $5.120000000e+02, v50  }
0x294: {  	v55 =	vadd.s32 v19, v1;
	v54 =	vtrunc.f32 v9;
	[tilespmem:s12+$0x2040] =	vst v16;
	v12 =	vmul.f32 $5.120000000e+02, v51  }
0x295: {  	v4 =	vadd.s32 v4, v55;
	[tilespmem:s12+$0x3040] =	vst v3;
	v56 =	vcvt.f32.s32 v54;
	v57 =	vadd.f32 $5.000000000e-01, v5  }
0x296: {  	[tilespmem:s0+$0x2070] =	vst v11;
	v11 =	vcvt.s32.f32 v10;
	v58 =	vld [tilespmem:s18+$0xFFFFFFD0];
	v10 =	vmul.u32 $0x201, v10;
	v3 =	vadd.f32 $5.000000000e-01, v12  }
0x297: {  	[tilespmem:s0+$0x3070] =	vst v7;
	s0 =	simm.s32 $0x200;
	v59 =	vld [tilespmem:s18+$0x50];
	v5 =	vsub.f32 v35, v47;
	v7 =	vcvt.s32.f32 v56;
	v60 =	vtrunc.f32 v57  }
0x298: {  	[tilespmem:s0+$0x4000] =	vst v4;
	v4 =	vadd.s32 v56, v1;
	v62 =	vtrunc.f32 v3;
	v61 =	vcvt.f32.s32 v60  }
0x299: {  	[tilespmem:s0+$0x2000] =	vst v5;
	v5 =	vsub.f32 v14, v11;
	v4 =	vadd.s32 v10, v4;
	v10 =	vcvt.f32.s32 v62  }
0x29a: {  	s15 =	simm.s32 $0x4000;
	s31 =	simm.s32 $0x5000;
	v7 =	vsub.f32 v9, v7;
	[tilespmem:s21+$0x4020] =	vst v4;
	v4 =	vcvt.s32.f32 v61;
	v11 =	vmul.u32 $0x201, v61  }
0x29b: {  	[tilespmem:s31], [sflag:$0x1] =	stream.indirect.gather [hbm4b:s4+s28], $0x10, s15, s28, $0xb8;
	[tilespmem:s21+$0x2020] =	vst v5;
	v9 =	vmul.f32 $5.120000000e+02, v58;
	v5 =	vcvt.s32.f32 v10;
	v63 =	vadd.s32 v10, v1  }
0x29c: {  	s2 =	simm.s32 $0x580;
	s15 =	simm.s32 $0xA00;
	[tilespmem:s21+$0x3020] =	vst v7;
	v10 =	vmul.f32 $5.120000000e+02, v59;
	v4 =	vsub.f32 v57, v4;
	v7 =	vadd.s32 v11, v63  }
.LBB2_23:
0x29d: {  	v11 =	vld [tilespmem:s2+$0xFFFFFF80];
	p3 =	sne.s32 s15, $0x1E00;
	v9 =	vadd.f32 $5.000000000e-01, v9;
	v3 =	vsub.f32 v3, v5;
	[tilespmem:s10+$0x4070] =	vst v7  }
0x29e: {  	v5 =	vsub.f32 v6, v8;
	s11 =	sadd.s32 $0x4000, s10;
	s31 =	sadd.s32 $0x800, s31;
	v6 =	vld [tilespmem:s19+$0xFFFFFFB0];
	v7 =	vadd.f32 $5.000000000e-01, v10;
	[tilespmem:s10+$0x2070] =	vst v4  }
0x29f: {  	v4 =	vld [tilespmem:s19+$0x30];
	v8 =	vtrunc.f32 v9;
	[tilespmem:s10+$0x3070] =	vst v3;
	[tilespmem:s31], [sflag:$0x1] =	stream.indirect.gather [hbm4b:s4+s28], $0x10, s11, s28, $0xb8  }
0x2a0: {  	s10 =	smov.u32 s12;
	s12 =	smov.u32 s21;
	s21 =	smov.u32 s0;
	v3 =	vld [tilespmem:s2+$0x0];
	[tilespmem:s0+$0x3000] =	vst v5;
	v5 =	vcvt.f32.s32 v8;
	v8 =	vtrunc.f32 v7  }
0x2a1: {  	v10 =	vld [tilespmem:s16+$0xFFFFFF90];
	v8 =	vcvt.f32.s32 v8  }
0x2a2: {  	v11 =	vmul.f32 $5.120000000e+02, v11;
	v12 =	vld [tilespmem:s16+$0x10];
	v13 =	vcvt.s32.f32 v5;
	v5 =	vmul.u32 $0x201, v5  }
0x2a3: {  	v6 =	vmul.f32 $5.120000000e+02, v6;
	v14 =	vcvt.s32.f32 v8;
	v8 =	vadd.s32 v8, v1  }
0x2a4: {  	v4 =	vmul.f32 $5.120000000e+02, v4;
	v9 =	vsub.f32 v9, v13;
	v5 =	vadd.s32 v5, v8  }
0x2a5: {  	v8 =	vmul.f32 $5.120000000e+02, v3;
	v13 =	vadd.f32 $5.000000000e-01, v6;
	v7 =	vsub.f32 v7, v14;
	[tilespmem:s10+$0x4050] =	vst v5  }
0x2a6: {  	v3 =	vadd.f32 $5.000000000e-01, v11;
	v5 =	vmul.f32 $5.120000000e+02, v10;
	v4 =	vadd.f32 $5.000000000e-01, v4;
	[tilespmem:s10+$0x2050] =	vst v9  }
0x2a7: {  	v6 =	vadd.f32 $5.000000000e-01, v8;
	v8 =	vmul.f32 $5.120000000e+02, v12;
	v9 =	vtrunc.f32 v13;
	[tilespmem:s10+$0x3050] =	vst v7  }
0x2a8: {  	v5 =	vadd.f32 $5.000000000e-01, v5;
	v7 =	vcvt.f32.s32 v9;
	v9 =	vtrunc.f32 v4;
	v10 =	vld [tilespmem:s18+$0xFFFFFFE0]  }
0x2a9: {  	v11 =	vtrunc.f32 v3;
	v8 =	vadd.f32 $5.000000000e-01, v8;
	v9 =	vcvt.f32.s32 v9;
	v12 =	vld [tilespmem:s18+$0x60]  }
0x2aa: {  	v14 =	vtrunc.f32 v5;
	v15 =	vcvt.s32.f32 v7;
	v7 =	vmul.u32 $0x201, v7  }
0x2ab: {  	v16 =	vtrunc.f32 v8;
	v17 =	vcvt.s32.f32 v9;
	v9 =	vadd.s32 v9, v1  }
0x2ac: {  	v14 =	vcvt.f32.s32 v14;
	v13 =	vsub.f32 v13, v15;
	v7 =	vadd.s32 v7, v9  }
0x2ad: {  	v9 =	vcvt.f32.s32 v16;
	v4 =	vsub.f32 v4, v17;
	[tilespmem:s12+$0x4030] =	vst v7;
	v7 =	vmul.f32 $5.120000000e+02, v10  }
0x2ae: {  	v10 =	vcvt.s32.f32 v14;
	v14 =	vmul.u32 $0x201, v14;
	[tilespmem:s12+$0x2030] =	vst v13;
	v12 =	vmul.f32 $5.120000000e+02, v12  }
0x2af: {  	v13 =	vcvt.s32.f32 v9;
	v9 =	vadd.s32 v9, v1;
	[tilespmem:s12+$0x3030] =	vst v4;
	v4 =	vadd.f32 $5.000000000e-01, v7  }
0x2b0: {  	v5 =	vsub.f32 v5, v10;
	v7 =	vadd.s32 v14, v9;
	v9 =	vld [tilespmem:s19+$0xFFFFFFC0];
	v10 =	vadd.f32 $5.000000000e-01, v12  }
0x2b1: {  	v12 =	vtrunc.f32 v6;
	v8 =	vsub.f32 v8, v13;
	[tilespmem:s21+$0x4010] =	vst v7;
	v7 =	vld [tilespmem:s19+$0x40];
	v13 =	vtrunc.f32 v4  }
0x2b2: {  	[tilespmem:s21+$0x2010] =	vst v5;
	v5 =	vcvt.f32.s32 v13;
	v13 =	vtrunc.f32 v10  }
0x2b3: {  	v11 =	vcvt.f32.s32 v11;
	[tilespmem:s21+$0x3010] =	vst v8;
	v8 =	vcvt.f32.s32 v13  }
0x2b4: {  	v12 =	vcvt.f32.s32 v12;
	v13 =	vld [tilespmem:s16+$0xFFFFFFA0];
	v14 =	vcvt.s32.f32 v5;
	v5 =	vmul.u32 $0x201, v5  }
0x2b5: {  	v9 =	vmul.f32 $5.120000000e+02, v9;
	v15 =	vcvt.s32.f32 v8;
	v8 =	vadd.s32 v8, v1  }
0x2b6: {  	v16 =	vld [tilespmem:s16+$0x20];
	v7 =	vmul.f32 $5.120000000e+02, v7;
	v4 =	vsub.f32 v4, v14;
	v5 =	vadd.s32 v5, v8  }
0x2b7: {  	v9 =	vadd.f32 $5.000000000e-01, v9;
	v10 =	vsub.f32 v10, v15;
	[tilespmem:s10+$0x4060] =	vst v5  }
0x2b8: {  	v8 =	vcvt.s32.f32 v12;
	v5 =	vcvt.s32.f32 v11;
	v7 =	vadd.f32 $5.000000000e-01, v7;
	[tilespmem:s10+$0x2060] =	vst v4  }
0x2b9: {  	v4 =	vmul.f32 $5.120000000e+02, v13;
	v13 =	vtrunc.f32 v9;
	[tilespmem:s10+$0x3060] =	vst v10  }
0x2ba: {  	v10 =	vcvt.f32.s32 v13;
	v13 =	vtrunc.f32 v7;
	v14 =	vld [tilespmem:s18+$0xFFFFFFF0]  }
0x2bb: {  	v11 =	vmul.u32 $0x201, v11;
	v15 =	vmul.f32 $5.120000000e+02, v16;
	v13 =	vcvt.f32.s32 v13;
	v16 =	vld [tilespmem:s18+$0x70];
	s18 =	smov.u32 s19;
	s19 =	smov.u32 s16;
	s16 =	smov.u32 s2  }
0x2bc: {  	v4 =	vadd.f32 $5.000000000e-01, v4;
	v17 =	vcvt.s32.f32 v10;
	v10 =	vmul.u32 $0x201, v10  }
0x2bd: {  	v15 =	vadd.f32 $5.000000000e-01, v15;
	v18 =	vcvt.s32.f32 v13;
	v13 =	vadd.s32 v13, v1  }
0x2be: {  	v19 =	vtrunc.f32 v4;
	v9 =	vsub.f32 v9, v17;
	v10 =	vadd.s32 v10, v13  }
0x2bf: {  	v13 =	vtrunc.f32 v15;
	v7 =	vsub.f32 v7, v18;
	[tilespmem:s12+$0x4040] =	vst v10;
	v10 =	vmul.f32 $5.120000000e+02, v14  }
0x2c0: {  	v12 =	vadd.s32 v12, v1;
	v14 =	vcvt.f32.s32 v19;
	[tilespmem:s12+$0x2040] =	vst v9;
	v9 =	vmul.f32 $5.120000000e+02, v16  }
0x2c1: {  	v11 =	vadd.s32 v11, v12;
	v12 =	vcvt.f32.s32 v13;
	[tilespmem:s12+$0x3040] =	vst v7;
	v7 =	vadd.f32 $5.000000000e-01, v10  }
0x2c2: {  	v5 =	vsub.f32 v3, v5;
	v10 =	vcvt.s32.f32 v14;
	v13 =	vld [tilespmem:s18+$0xFFFFFFD0];
	v3 =	vadd.f32 $5.000000000e-01, v9  }
0x2c3: {  	s0 =	sshra.s32 s15, $0x2;
	v14 =	vmul.u32 $0x201, v14;
	v9 =	vcvt.s32.f32 v12;
	v16 =	vld [tilespmem:s18+$0x50];
	v17 =	vtrunc.f32 v7  }
.Ltmp10:
0x2c4: {  	[tilespmem:s0+$0x4000] =	vst v11;
	v11 =	vadd.s32 v12, v1;
	v12 =	vcvt.f32.s32 v17;
	v17 =	vtrunc.f32 v3;
	(pc) =	sbr.rel @p3 .LBB2_23-.Ltmp10, $4  }
0x2c5: {  	v4 =	vsub.f32 v4, v10;
	[tilespmem:s0+$0x2000] =	vst v5;
	v5 =	vadd.s32 v14, v11;
	v10 =	vcvt.f32.s32 v17  }
0x2c6: {  	v11 =	vsub.f32 v15, v9;
	[tilespmem:s21+$0x4020] =	vst v5;
	v14 =	vcvt.s32.f32 v12;
	v12 =	vmul.u32 $0x201, v12  }
0x2c7: {  	[tilespmem:s21+$0x2020] =	vst v4;
	v9 =	vmul.f32 $5.120000000e+02, v13;
	v5 =	vcvt.s32.f32 v10;
	v13 =	vadd.s32 v10, v1  }
0x2c8: {  	s15 =	sadd.s32 $0x200, s15;
	s2 =	sadd.s32 $0x100, s2;
	[tilespmem:s21+$0x3020] =	vst v11;
	v10 =	vmul.f32 $5.120000000e+02, v16;
	v4 =	vsub.f32 v7, v14;
	v7 =	vadd.s32 v12, v13  }
0x2c9: {  	v6 =	vsub.f32 v6, v8;
	_ =	sdelay $0x1  }
0x2ca: {  	[tilespmem:s0+$0x3000] =	vst v6  }
0x2cb: {  	v6 =	vld [tilespmem:s16+$0xFFFFFF90]  }
0x2cc: {  	v36 =	vld [tilespmem:s16+$0x10];
	_ =	sdelay $0x3  }
0x2cd: {  	v6 =	vmul.f32 $5.120000000e+02, v6  }
0x2ce: {  	v8 =	vmul.f32 $5.120000000e+02, v36  }
0x2cf: {  	v6 =	vadd.f32 $5.000000000e-01, v6  }
0x2d0: {  	v8 =	vadd.f32 $5.000000000e-01, v8  }
0x2d1: {  	v11 =	vtrunc.f32 v6  }
0x2d2: {  	v12 =	vtrunc.f32 v8;
	v11 =	vcvt.f32.s32 v11  }
0x2d3: {  	v12 =	vcvt.f32.s32 v12  }
0x2d4: {  	v13 =	vcvt.s32.f32 v11;
	v11 =	vmul.u32 $0x201, v11  }
0x2d5: {  	v14 =	vcvt.s32.f32 v12;
	v12 =	vadd.s32 v12, v1  }
0x2d6: {  	v6 =	vsub.f32 v6, v13;
	v11 =	vadd.s32 v11, v12  }
0x2d7: {  	v8 =	vsub.f32 v8, v14;
	[tilespmem:s0+$0x4010] =	vst v11  }
0x2d8: {  	[tilespmem:s0+$0x2010] =	vst v6  }
0x2d9: {  	[tilespmem:s0+$0x3010] =	vst v8  }
0x2da: {  	v6 =	vld [tilespmem:s16+$0xFFFFFFA0]  }
0x2db: {  	v8 =	vld [tilespmem:s16+$0x20];
	_ =	sdelay $0x3  }
0x2dc: {  	v6 =	vmul.f32 $5.120000000e+02, v6  }
0x2dd: {  	v8 =	vmul.f32 $5.120000000e+02, v8  }
0x2de: {  	v6 =	vadd.f32 $5.000000000e-01, v6  }
0x2df: {  	v8 =	vadd.f32 $5.000000000e-01, v8  }
0x2e0: {  	v37 =	vtrunc.f32 v6  }
0x2e1: {  	v38 =	vtrunc.f32 v8;
	v11 =	vcvt.f32.s32 v37  }
0x2e2: {  	v12 =	vcvt.f32.s32 v38  }
0x2e3: {  	v39 =	vld [tilespmem:s19+$0xFFFFFFB0];
	v40 =	vcvt.s32.f32 v11;
	v11 =	vmul.u32 $0x201, v11  }
0x2e4: {  	v15 =	vld [tilespmem:s19+$0x30];
	v16 =	vcvt.s32.f32 v12;
	v12 =	vadd.s32 v12, v1  }
0x2e5: {  	v6 =	vsub.f32 v6, v40;
	v11 =	vadd.s32 v11, v12  }
0x2e6: {  	v8 =	vsub.f32 v8, v16;
	[tilespmem:s0+$0x4020] =	vst v11  }
0x2e7: {  	[tilespmem:s0+$0x2020] =	vst v6  }
0x2e8: {  	v41 =	vmul.f32 $5.120000000e+02, v39;
	[tilespmem:s0+$0x3020] =	vst v8  }
0x2e9: {  	v42 =	vmul.f32 $5.120000000e+02, v15;
	v11 =	vld [tilespmem:s16+$0xFFFFFFB0]  }
0x2ea: {  	v6 =	vadd.f32 $5.000000000e-01, v41;
	v43 =	vld [tilespmem:s16+$0x30]  }
0x2eb: {  	v8 =	vadd.f32 $5.000000000e-01, v42  }
0x2ec: {  	v44 =	vtrunc.f32 v6  }
0x2ed: {  	v45 =	vtrunc.f32 v8;
	v13 =	vcvt.f32.s32 v44  }
0x2ee: {  	v14 =	vcvt.f32.s32 v45;
	v11 =	vmul.f32 $5.120000000e+02, v11  }
0x2ef: {  	v46 =	vcvt.s32.f32 v13;
	v13 =	vmul.u32 $0x201, v13;
	v12 =	vmul.f32 $5.120000000e+02, v43  }
0x2f0: {  	v47 =	vcvt.s32.f32 v14;
	v14 =	vadd.s32 v14, v1;
	v11 =	vadd.f32 $5.000000000e-01, v11  }
0x2f1: {  	v6 =	vsub.f32 v6, v46;
	v13 =	vadd.s32 v13, v14;
	v12 =	vadd.f32 $5.000000000e-01, v12  }
0x2f2: {  	v8 =	vsub.f32 v8, v47;
	[tilespmem:s21+$0x4030] =	vst v13;
	v48 =	vtrunc.f32 v11  }
0x2f3: {  	[tilespmem:s21+$0x2030] =	vst v6;
	v50 =	vtrunc.f32 v12;
	v49 =	vcvt.f32.s32 v48  }
0x2f4: {  	[tilespmem:s21+$0x3030] =	vst v8;
	v51 =	vcvt.f32.s32 v50  }
0x2f5: {  	v52 =	vld [tilespmem:s19+$0xFFFFFFC0];
	v53 =	vcvt.s32.f32 v49;
	v6 =	vmul.u32 $0x201, v49  }
0x2f6: {  	v54 =	vld [tilespmem:s19+$0x40];
	v55 =	vcvt.s32.f32 v51;
	v8 =	vadd.s32 v51, v1  }
0x2f7: {  	v11 =	vsub.f32 v11, v53;
	v6 =	vadd.s32 v6, v8  }
0x2f8: {  	v56 =	vsub.f32 v12, v55;
	[tilespmem:s0+$0x4030] =	vst v6  }
0x2f9: {  	[tilespmem:s0+$0x2030] =	vst v11  }
0x2fa: {  	v57 =	vmul.f32 $5.120000000e+02, v52;
	[tilespmem:s0+$0x3030] =	vst v56  }
0x2fb: {  	v58 =	vmul.f32 $5.120000000e+02, v54;
	v11 =	vld [tilespmem:s16+$0xFFFFFFC0]  }
0x2fc: {  	v6 =	vadd.f32 $5.000000000e-01, v57;
	v59 =	vld [tilespmem:s16+$0x40]  }
0x2fd: {  	v8 =	vadd.f32 $5.000000000e-01, v58  }
0x2fe: {  	v60 =	vtrunc.f32 v6  }
0x2ff: {  	v61 =	vtrunc.f32 v8;
	v13 =	vcvt.f32.s32 v60  }
0x300: {  	v14 =	vcvt.f32.s32 v61;
	v11 =	vmul.f32 $5.120000000e+02, v11  }
0x301: {  	v62 =	vcvt.s32.f32 v13;
	v13 =	vmul.u32 $0x201, v13;
	v12 =	vmul.f32 $5.120000000e+02, v59  }
0x302: {  	v63 =	vcvt.s32.f32 v14;
	v14 =	vadd.s32 v14, v1;
	v11 =	vadd.f32 $5.000000000e-01, v11  }
0x303: {  	v6 =	vsub.f32 v6, v62;
	v13 =	vadd.s32 v13, v14;
	v12 =	vadd.f32 $5.000000000e-01, v12  }
0x304: {  	v8 =	vsub.f32 v8, v63;
	[tilespmem:s21+$0x4040] =	vst v13;
	v20 =	vtrunc.f32 v11  }
0x305: {  	[tilespmem:s21+$0x2040] =	vst v6;
	v22 =	vtrunc.f32 v12;
	v21 =	vcvt.f32.s32 v20  }
0x306: {  	[tilespmem:s21+$0x3040] =	vst v8;
	v23 =	vcvt.f32.s32 v22  }
0x307: {  	v24 =	vld [tilespmem:s19+$0xFFFFFFD0];
	v25 =	vcvt.s32.f32 v21;
	v6 =	vmul.u32 $0x201, v21  }
0x308: {  	v9 =	vadd.f32 $5.000000000e-01, v9;
	v26 =	vld [tilespmem:s19+$0x50];
	v27 =	vcvt.s32.f32 v23;
	v8 =	vadd.s32 v23, v1  }
0x309: {  	v28 =	vadd.f32 $5.000000000e-01, v10;
	v11 =	vsub.f32 v11, v25;
	v6 =	vadd.s32 v6, v8  }
0x30a: {  	v29 =	vtrunc.f32 v9;
	v12 =	vsub.f32 v12, v27;
	[tilespmem:s0+$0x4040] =	vst v6  }
0x30b: {  	v30 =	vcvt.f32.s32 v29;
	v31 =	vtrunc.f32 v28;
	[tilespmem:s0+$0x2040] =	vst v11  }
0x30c: {  	v10 =	vcvt.f32.s32 v31;
	v32 =	vmul.f32 $5.120000000e+02, v24;
	[tilespmem:s0+$0x3040] =	vst v12  }
0x30d: {  	v35 =	vcvt.s32.f32 v30;
	v33 =	vmul.f32 $5.120000000e+02, v26;
	v34 =	vld [tilespmem:s16+$0xFFFFFFD0]  }
0x30e: {  	v37 =	vcvt.s32.f32 v10;
	v11 =	vadd.f32 $5.000000000e-01, v32;
	v36 =	vld [tilespmem:s16+$0x50]  }
0x30f: {  	v9 =	vsub.f32 v9, v35;
	v12 =	vadd.f32 $5.000000000e-01, v33  }
0x310: {  	v8 =	vsub.f32 v28, v37;
	v6 =	vmul.u32 $0x201, v30;
	v38 =	vtrunc.f32 v11  }
0x311: {  	[tilespmem:s12+$0x2050] =	vst v9;
	v10 =	vadd.s32 v10, v1;
	v40 =	vtrunc.f32 v12;
	v39 =	vcvt.f32.s32 v38  }
0x312: {  	[tilespmem:s12+$0x3050] =	vst v8;
	v6 =	vadd.s32 v6, v10;
	v41 =	vcvt.f32.s32 v40;
	v42 =	vmul.f32 $5.120000000e+02, v34  }
0x313: {  	[tilespmem:s12+$0x4050] =	vst v6;
	v43 =	vcvt.s32.f32 v39;
	v6 =	vmul.u32 $0x201, v39;
	v44 =	vmul.f32 $5.120000000e+02, v36  }
0x314: {  	v45 =	vld [tilespmem:s18+$0xFFFFFFE0];
	v46 =	vcvt.s32.f32 v41;
	v9 =	vadd.s32 v41, v1;
	v10 =	vadd.f32 $5.000000000e-01, v42  }
0x315: {  	v47 =	vld [tilespmem:s18+$0x60];
	v8 =	vsub.f32 v11, v43;
	v6 =	vadd.s32 v6, v9;
	v48 =	vadd.f32 $5.000000000e-01, v44  }
0x316: {  	v49 =	vsub.f32 v12, v46;
	[tilespmem:s21+$0x4050] =	vst v6;
	v50 =	vtrunc.f32 v10  }
0x317: {  	[tilespmem:s21+$0x2050] =	vst v8;
	v51 =	vtrunc.f32 v48;
	v6 =	vcvt.f32.s32 v50  }
0x318: {  	[tilespmem:s21+$0x3050] =	vst v49;
	v8 =	vcvt.f32.s32 v51  }
0x319: {  	v52 =	vmul.f32 $5.120000000e+02, v45;
	v53 =	vld [tilespmem:s19+$0xFFFFFFE0];
	v54 =	vcvt.s32.f32 v6;
	v6 =	vmul.u32 $0x201, v6  }
0x31a: {  	v55 =	vmul.f32 $5.120000000e+02, v47;
	v57 =	vld [tilespmem:s19+$0x60];
	v56 =	vcvt.s32.f32 v8;
	v8 =	vadd.s32 v8, v1  }
0x31b: {  	v11 =	vadd.f32 $5.000000000e-01, v52;
	v10 =	vsub.f32 v10, v54;
	v6 =	vadd.s32 v6, v8  }
0x31c: {  	v59 =	vadd.f32 $5.000000000e-01, v55;
	v58 =	vsub.f32 v48, v56;
	[tilespmem:s0+$0x4050] =	vst v6  }
0x31d: {  	v60 =	vtrunc.f32 v11;
	[tilespmem:s0+$0x2050] =	vst v10  }
0x31e: {  	v62 =	vtrunc.f32 v59;
	v9 =	vcvt.f32.s32 v60;
	[tilespmem:s0+$0x3050] =	vst v58  }
0x31f: {  	v61 =	vmul.f32 $5.120000000e+02, v53;
	v19 =	vmul.f32 $5.120000000e+02, v57;
	v63 =	vld [tilespmem:s16+$0xFFFFFFE0]  }
0x320: {  	v18 =	vcvt.s32.f32 v9;
	v8 =	vcvt.f32.s32 v62;
	v20 =	vld [tilespmem:s16+$0x60]  }
0x321: {  	v9 =	vmul.u32 $0x201, v9;
	v10 =	vadd.f32 $5.000000000e-01, v61;
	v21 =	vadd.f32 $5.000000000e-01, v19  }
0x322: {  	v11 =	vsub.f32 v11, v18;
	v23 =	vcvt.s32.f32 v8;
	v8 =	vadd.s32 v8, v1  }
0x323: {  	v8 =	vadd.s32 v9, v8;
	v22 =	vtrunc.f32 v10;
	v24 =	vtrunc.f32 v21  }
0x324: {  	v6 =	vsub.f32 v59, v23;
	[tilespmem:s12+$0x4060] =	vst v8;
	v14 =	vcvt.f32.s32 v22;
	v12 =	vmul.f32 $5.120000000e+02, v63  }
0x325: {  	[tilespmem:s12+$0x2060] =	vst v11;
	v25 =	vcvt.f32.s32 v24;
	v26 =	vmul.f32 $5.120000000e+02, v20  }
0x326: {  	[tilespmem:s12+$0x3060] =	vst v6;
	v27 =	vcvt.s32.f32 v14;
	v14 =	vmul.u32 $0x201, v14;
	v12 =	vadd.f32 $5.000000000e-01, v12  }
0x327: {  	v28 =	vcvt.s32.f32 v25;
	v8 =	vadd.s32 v25, v1;
	v29 =	vld [tilespmem:s18+$0xFFFFFFF0];
	v9 =	vadd.f32 $5.000000000e-01, v26  }
0x328: {  	v31 =	vld [tilespmem:s18+$0x70];
	v10 =	vsub.f32 v10, v27;
	v8 =	vadd.s32 v14, v8;
	v30 =	vtrunc.f32 v12  }
0x329: {  	v6 =	vsub.f32 v21, v28;
	[tilespmem:s21+$0x4060] =	vst v8;
	v33 =	vtrunc.f32 v9;
	v32 =	vcvt.f32.s32 v30  }
0x32a: {  	[tilespmem:s21+$0x2060] =	vst v10;
	v34 =	vcvt.f32.s32 v33  }
0x32b: {  	[tilespmem:s21+$0x3060] =	vst v6;
	v35 =	vcvt.s32.f32 v32;
	v8 =	vmul.u32 $0x201, v32  }
0x32c: {  	v36 =	vld [tilespmem:s19+$0xFFFFFFF0];
	v15 =	vmul.f32 $5.120000000e+02, v29;
	v37 =	vcvt.s32.f32 v34;
	v10 =	vadd.s32 v34, v1  }
0x32d: {  	v38 =	vmul.f32 $5.120000000e+02, v31;
	v39 =	vld [tilespmem:s19+$0x70];
	v6 =	vsub.f32 v12, v35;
	v8 =	vadd.s32 v8, v10  }
0x32e: {  	v40 =	vadd.f32 $5.000000000e-01, v15;
	v9 =	vsub.f32 v9, v37;
	[tilespmem:s0+$0x4060] =	vst v8  }
0x32f: {  	v41 =	vadd.f32 $5.000000000e-01, v38;
	[tilespmem:s0+$0x2060] =	vst v6  }
0x330: {  	v42 =	vtrunc.f32 v40;
	[tilespmem:s0+$0x3060] =	vst v9  }
0x331: {  	v45 =	vtrunc.f32 v41;
	v43 =	vmul.f32 $5.120000000e+02, v36;
	v44 =	vld [tilespmem:s16+$0xFFFFFFF0]  }
0x332: {  	v13 =	vcvt.f32.s32 v45;
	v12 =	vmul.f32 $5.120000000e+02, v39;
	v46 =	vld [tilespmem:s16+$0x70]  }
0x333: {  	v9 =	vcvt.f32.s32 v42;
	v10 =	vadd.f32 $5.000000000e-01, v43  }
0x334: {  	v3 =	vsub.f32 v3, v5;
	v48 =	vcvt.s32.f32 v13;
	v12 =	vadd.f32 $5.000000000e-01, v12  }
0x335: {  	v13 =	vadd.s32 v13, v1;
	v47 =	vcvt.s32.f32 v9;
	v49 =	vtrunc.f32 v10  }
0x336: {  	v9 =	vmul.u32 $0x201, v9;
	v50 =	vtrunc.f32 v12;
	v11 =	vmul.f32 $5.120000000e+02, v44  }
0x337: {  	[tilespmem:s10+$0x3070] =	vst v3;
	v3 =	vsub.f32 v41, v48;
	v16 =	vcvt.f32.s32 v49;
	v51 =	vmul.f32 $5.120000000e+02, v46  }
0x338: {  	[tilespmem:s10+$0x4070] =	vst v7;
	v7 =	vcvt.f32.s32 v50;
	v5 =	vsub.f32 v40, v47;
	v53 =	vadd.f32 $5.000000000e-01, v11  }
0x339: {  	[tilespmem:s10+$0x2070] =	vst v4;
	v52 =	vadd.s32 v9, v13;
	v54 =	vcvt.s32.f32 v16;
	v8 =	vadd.f32 $5.000000000e-01, v51  }
0x33a: {  	[tilespmem:s12+$0x3070] =	vst v3;
	v55 =	vmul.u32 $0x201, v16;
	v56 =	vcvt.s32.f32 v7;
	v57 =	vtrunc.f32 v53  }
0x33b: {  	[tilespmem:s12+$0x4070] =	vst v52;
	v58 =	vadd.s32 v7, v1;
	v60 =	vtrunc.f32 v8;
	v59 =	vcvt.f32.s32 v57  }
0x33c: {  	s2 =	sadd.s32 $0x4000, s10;
	s18 =	sadd.s32 $0x800, s31;
	[tilespmem:s12+$0x2070] =	vst v5;
	v3 =	vsub.f32 v10, v54;
	v4 =	vadd.s32 v55, v58;
	v61 =	vcvt.f32.s32 v60  }
0x33d: {  	[tilespmem:s18], [sflag:$0x1] =	stream.indirect.gather [hbm4b:s4+s28], $0x10, s2, s28, $0xb8;
	v62 =	vsub.f32 v12, v56;
	[tilespmem:s21+$0x4070] =	vst v4;
	v63 =	vcvt.s32.f32 v59;
	v7 =	vmul.u32 $0x201, v59  }
0x33e: {  	s10 =	sadd.s32 $0x800, s18;
	s19 =	sadd.s32 $0x4000, s12;
	[tilespmem:s21+$0x2070] =	vst v3;
	v3 =	vcvt.s32.f32 v61;
	v5 =	vadd.s32 v61, v1  }
0x33f: {  	[tilespmem:s10], [sflag:$0x1] =	stream.indirect.gather [hbm4b:s4+s28], $0x10, s19, s28, $0xb8;
	[tilespmem:s21+$0x3070] =	vst v62;
	v4 =	vsub.f32 v53, v63;
	v5 =	vadd.s32 v7, v5  }
0x340: {  	p3 =	sgt.u32 s25, $0x3C;
	s10 =	sadd.s32 $0x800, s10;
	s21 =	sadd.s32 $0x4000, s21;
	v3 =	vsub.f32 v8, v3;
	[tilespmem:s0+$0x4070] =	vst v5  }
0x341: {  	[tilespmem:s10], [sflag:$0x1] =	stream.indirect.gather [hbm4b:s4+s28], $0x10, s21, s28, $0xb8;
	[tilespmem:s0+$0x2070] =	vst v4  }
0x342: {  	s31 =	sadd.s32 $0x4000, s0;
	s10 =	sadd.s32 $0x800, s10;
	[tilespmem:s0+$0x3070] =	vst v3;
	s0 =	sshll.u32 @!p3 s25, $0xC  }
0x343: {  	[tilespmem:s10], [sflag:$0x1] =	stream.indirect.gather [hbm4b:s4+s28], $0x10, s31, s28, $0xb8;
	[tilespmem:$0x19D10] =	vst v63  }
0x344: {  	s0 =	sadd.s32 @!p3 s0, s20  }
0x345: {  	s0 =	sshrl.u32 @!p3 s0, $0x3  }
0x346: {  	s2 =	simm.s32 @!p3 $0x0;
	s0 =	sadd.s32 @!p3 s1, s0  }
0x347: {  	[tilespmem:s2], [sflag:$0x5] =	stream.linear.gather @!p3 [hbm4b:s0+s2], $0x1000, $0x38;
	[tilespmem:$0x19D10] =	vst v63  }
.LBB2_25:
0x348: {  	s10 =	sadd.s32 $0x1, s25  }
0x349: {  	s0 =	sand.u32 $0x1, s10  }
0x34a: {  	p3 =	seq.s32 s0, $0x1  }
.Ltmp11:
0x34b: {  	_ = 	snop;
	(pc) =	sbr.rel @!p3 .LBB2_29-.Ltmp11, $1  }
0x34c: {  	_ =	sdelay $0x3  }
0x34d: {  	_ =	swait.ge [sflag:s29], $0x1000  }
0x34e: {  	[sflag:s29] =	ssyncset.done $0x0  }
0x34f: {  	s16 =	simm.s32 $0x10F0;
	[sflag:s29] =	ssyncadd.s32 $0xFFFFF000  }
0x350: {  	v3 =	vld [tilespmem:s16+$0xFFFFFF10]  }
0x351: {  	v4 =	vld [tilespmem:s16+$0xFFFFFF90];
	_ =	sdelay $0x3  }
0x352: {  	v3 =	vmul.f32 $5.120000000e+02, v3  }
0x353: {  	v4 =	vmul.f32 $5.120000000e+02, v4  }
0x354: {  	v3 =	vadd.f32 $5.000000000e-01, v3  }
0x355: {  	v4 =	vadd.f32 $5.000000000e-01, v4  }
0x356: {  	v5 =	vtrunc.f32 v3  }
0x357: {  	v6 =	vtrunc.f32 v4;
	v5 =	vcvt.f32.s32 v5  }
0x358: {  	v6 =	vcvt.f32.s32 v6  }
0x359: {  	v7 =	vcvt.s32.f32 v5;
	v5 =	vmul.u32 $0x201, v5  }
0x35a: {  	v8 =	vcvt.s32.f32 v6;
	v6 =	vadd.s32 v6, v1  }
0x35b: {  	s0 =	simm.s32 $0x0;
	v5 =	vadd.s32 v5, v6;
	v3 =	vsub.f32 v3, v7  }
0x35c: {  	v4 =	vsub.f32 v4, v8;
	[tilespmem:s0+$0x4800] =	vst v5  }
0x35d: {  	[tilespmem:s0+$0x2800] =	vst v3  }
0x35e: {  	[tilespmem:s0+$0x3800] =	vst v4  }
0x35f: {  	v3 =	vld [tilespmem:s16+$0xFFFFFF20]  }
0x360: {  	v4 =	vld [tilespmem:s16+$0xFFFFFFA0];
	_ =	sdelay $0x3  }
0x361: {  	v3 =	vmul.f32 $5.120000000e+02, v3  }
0x362: {  	v4 =	vmul.f32 $5.120000000e+02, v4  }
0x363: {  	v3 =	vadd.f32 $5.000000000e-01, v3  }
0x364: {  	v4 =	vadd.f32 $5.000000000e-01, v4  }
0x365: {  	v5 =	vtrunc.f32 v3  }
0x366: {  	v6 =	vtrunc.f32 v4;
	v5 =	vcvt.f32.s32 v5  }
0x367: {  	v6 =	vcvt.f32.s32 v6  }
0x368: {  	v7 =	vcvt.s32.f32 v5;
	v5 =	vmul.u32 $0x201, v5  }
0x369: {  	v8 =	vcvt.s32.f32 v6;
	v6 =	vadd.s32 v6, v1  }
0x36a: {  	v3 =	vsub.f32 v3, v7;
	v5 =	vadd.s32 v5, v6  }
0x36b: {  	v4 =	vsub.f32 v4, v8;
	[tilespmem:s0+$0x4810] =	vst v5  }
0x36c: {  	[tilespmem:s0+$0x2810] =	vst v3  }
0x36d: {  	[tilespmem:s0+$0x3810] =	vst v4  }
0x36e: {  	v3 =	vld [tilespmem:s16+$0xFFFFFF30]  }
0x36f: {  	v4 =	vld [tilespmem:s16+$0xFFFFFFB0];
	_ =	sdelay $0x3  }
0x370: {  	s2 =	simm.s32 $0x11F0;
	v3 =	vmul.f32 $5.120000000e+02, v3  }
0x371: {  	v5 =	vld [tilespmem:s2+$0xFFFFFF10];
	v4 =	vmul.f32 $5.120000000e+02, v4  }
0x372: {  	v6 =	vld [tilespmem:s2+$0xFFFFFF90];
	v3 =	vadd.f32 $5.000000000e-01, v3  }
0x373: {  	v4 =	vadd.f32 $5.000000000e-01, v4  }
0x374: {  	v7 =	vtrunc.f32 v3  }
0x375: {  	v8 =	vtrunc.f32 v4;
	v7 =	vcvt.f32.s32 v7  }
0x376: {  	v5 =	vmul.f32 $5.120000000e+02, v5;
	v8 =	vcvt.f32.s32 v8  }
0x377: {  	v6 =	vmul.f32 $5.120000000e+02, v6;
	v9 =	vcvt.s32.f32 v7;
	v7 =	vmul.u32 $0x201, v7  }
0x378: {  	v5 =	vadd.f32 $5.000000000e-01, v5;
	v10 =	vcvt.s32.f32 v8;
	v8 =	vadd.s32 v8, v1  }
0x379: {  	v6 =	vadd.f32 $5.000000000e-01, v6;
	v3 =	vsub.f32 v3, v9;
	v7 =	vadd.s32 v7, v8  }
0x37a: {  	v8 =	vtrunc.f32 v5;
	v4 =	vsub.f32 v4, v10;
	[tilespmem:s0+$0x4820] =	vst v7  }
0x37b: {  	v7 =	vtrunc.f32 v6;
	v8 =	vcvt.f32.s32 v8;
	[tilespmem:s0+$0x2820] =	vst v3  }
0x37c: {  	v3 =	vcvt.f32.s32 v7;
	[tilespmem:s0+$0x3820] =	vst v4  }
0x37d: {  	v4 =	vcvt.s32.f32 v8;
	v7 =	vmul.u32 $0x201, v8;
	v8 =	vld [tilespmem:s16+$0xFFFFFF40]  }
0x37e: {  	v10 =	vld [tilespmem:s16+$0xFFFFFFC0];
	v9 =	vcvt.s32.f32 v3;
	v3 =	vadd.s32 v3, v1  }
0x37f: {  	s12 =	simm.s32 $0x80;
	v3 =	vadd.s32 v7, v3;
	v4 =	vsub.f32 v5, v4  }
0x380: {  	[tilespmem:s12+$0x4800] =	vst v3;
	v3 =	vsub.f32 v6, v9  }
0x381: {  	[tilespmem:s12+$0x2800] =	vst v4  }
0x382: {  	[tilespmem:s12+$0x3800] =	vst v3;
	v3 =	vmul.f32 $5.120000000e+02, v8  }
0x383: {  	v5 =	vmul.f32 $5.120000000e+02, v10;
	v4 =	vld [tilespmem:s2+$0xFFFFFF20]  }
0x384: {  	v6 =	vld [tilespmem:s2+$0xFFFFFFA0];
	v3 =	vadd.f32 $5.000000000e-01, v3  }
0x385: {  	v5 =	vadd.f32 $5.000000000e-01, v5  }
0x386: {  	v7 =	vtrunc.f32 v3  }
0x387: {  	v8 =	vtrunc.f32 v5;
	v7 =	vcvt.f32.s32 v7  }
0x388: {  	v8 =	vcvt.f32.s32 v8;
	v4 =	vmul.f32 $5.120000000e+02, v4  }
0x389: {  	v6 =	vmul.f32 $5.120000000e+02, v6;
	v9 =	vcvt.s32.f32 v7;
	v7 =	vmul.u32 $0x201, v7  }
0x38a: {  	v10 =	vcvt.s32.f32 v8;
	v8 =	vadd.s32 v8, v1;
	v4 =	vadd.f32 $5.000000000e-01, v4  }
0x38b: {  	v6 =	vadd.f32 $5.000000000e-01, v6;
	v3 =	vsub.f32 v3, v9;
	v7 =	vadd.s32 v7, v8  }
0x38c: {  	v5 =	vsub.f32 v5, v10;
	v8 =	vtrunc.f32 v4;
	[tilespmem:s0+$0x4830] =	vst v7  }
0x38d: {  	v7 =	vtrunc.f32 v6;
	v8 =	vcvt.f32.s32 v8;
	[tilespmem:s0+$0x2830] =	vst v3  }
0x38e: {  	v3 =	vcvt.f32.s32 v7;
	[tilespmem:s0+$0x3830] =	vst v5  }
0x38f: {  	v10 =	vld [tilespmem:s16+$0xFFFFFFD0];
	v5 =	vcvt.s32.f32 v8;
	v7 =	vmul.u32 $0x201, v8  }
0x390: {  	v8 =	vld [tilespmem:s16+$0xFFFFFF50];
	v9 =	vcvt.s32.f32 v3;
	v3 =	vadd.s32 v3, v1  }
0x391: {  	v4 =	vsub.f32 v4, v5;
	v3 =	vadd.s32 v7, v3  }
0x392: {  	v5 =	vsub.f32 v6, v9;
	[tilespmem:s12+$0x4810] =	vst v3  }
0x393: {  	[tilespmem:s12+$0x2810] =	vst v4  }
0x394: {  	[tilespmem:s12+$0x3810] =	vst v5  }
0x395: {  	v5 =	vmul.f32 $5.120000000e+02, v10;
	v3 =	vmul.f32 $5.120000000e+02, v8;
	v4 =	vld [tilespmem:s2+$0xFFFFFF30]  }
0x396: {  	v6 =	vld [tilespmem:s2+$0xFFFFFFB0]  }
0x397: {  	v5 =	vadd.f32 $5.000000000e-01, v5;
	v3 =	vadd.f32 $5.000000000e-01, v3;
	_ =	sdelay $0x1  }
0x398: {  	v8 =	vtrunc.f32 v5;
	v7 =	vtrunc.f32 v3  }
0x399: {  	v8 =	vcvt.f32.s32 v8;
	v7 =	vcvt.f32.s32 v7  }
0x39a: {  	s19 =	simm.s32 $0x12F0;
	v4 =	vmul.f32 $5.120000000e+02, v4;
	v6 =	vmul.f32 $5.120000000e+02, v6  }
0x39b: {  	v9 =	vld [tilespmem:s19+$0xFFFFFF10];
	v12 =	vcvt.s32.f32 v8;
	v10 =	vcvt.s32.f32 v7;
	v7 =	vmul.u32 $0x201, v7  }
0x39c: {  	v11 =	vld [tilespmem:s19+$0xFFFFFF90];
	v8 =	vadd.s32 v8, v1;
	v4 =	vadd.f32 $5.000000000e-01, v4  }
0x39d: {  	v6 =	vadd.f32 $5.000000000e-01, v6;
	v5 =	vsub.f32 v5, v12;
	v7 =	vadd.s32 v7, v8  }
0x39e: {  	v3 =	vsub.f32 v3, v10;
	v8 =	vtrunc.f32 v4;
	[tilespmem:s0+$0x4840] =	vst v7  }
0x39f: {  	v7 =	vtrunc.f32 v6;
	v8 =	vcvt.f32.s32 v8;
	[tilespmem:s0+$0x3840] =	vst v5  }
0x3a0: {  	[tilespmem:s0+$0x2840] =	vst v3;
	v3 =	vmul.f32 $5.120000000e+02, v9;
	v7 =	vcvt.f32.s32 v7  }
0x3a1: {  	v5 =	vmul.f32 $5.120000000e+02, v11;
	v9 =	vcvt.s32.f32 v8;
	v10 =	vld [tilespmem:s16+$0xFFFFFF60];
	v8 =	vmul.u32 $0x201, v8  }
0x3a2: {  	v3 =	vadd.f32 $5.000000000e-01, v3;
	v11 =	vcvt.s32.f32 v7;
	v7 =	vadd.s32 v7, v1  }
0x3a3: {  	v5 =	vadd.f32 $5.000000000e-01, v5;
	v45 =	vld [tilespmem:s16+$0xFFFFFFE0];
	v4 =	vsub.f32 v4, v9;
	v7 =	vadd.s32 v8, v7  }
0x3a4: {  	v8 =	vtrunc.f32 v3;
	v6 =	vsub.f32 v6, v11;
	[tilespmem:s12+$0x4820] =	vst v7  }
0x3a5: {  	v7 =	vtrunc.f32 v5;
	v8 =	vcvt.f32.s32 v8;
	[tilespmem:s12+$0x2820] =	vst v4  }
0x3a6: {  	v4 =	vcvt.f32.s32 v7;
	v7 =	vmul.f32 $5.120000000e+02, v10;
	[tilespmem:s12+$0x3820] =	vst v6  }
0x3a7: {  	v6 =	vcvt.s32.f32 v8;
	v8 =	vmul.u32 $0x201, v8;
	v9 =	vld [tilespmem:s2+$0xFFFFFF40]  }
0x3a8: {  	v11 =	vmul.f32 $5.120000000e+02, v45;
	v10 =	vadd.s32 v4, v1;
	v46 =	vld [tilespmem:s2+$0xFFFFFFC0];
	v7 =	vadd.f32 $5.000000000e-01, v7  }
0x3a9: {  	v4 =	vcvt.s32.f32 v4;
	v8 =	vadd.s32 v8, v10  }
0x3aa: {  	s18 =	simm.s32 $0x100;
	v3 =	vsub.f32 v3, v6;
	v6 =	vadd.f32 $5.000000000e-01, v11;
	v10 =	vtrunc.f32 v7  }
0x3ab: {  	v4 =	vsub.f32 v5, v4;
	[tilespmem:s18+$0x4800] =	vst v8;
	v5 =	vcvt.f32.s32 v10  }
0x3ac: {  	[tilespmem:s18+$0x2800] =	vst v3;
	v3 =	vtrunc.f32 v6;
	v8 =	vmul.f32 $5.120000000e+02, v9  }
0x3ad: {  	[tilespmem:s18+$0x3800] =	vst v4;
	v3 =	vcvt.f32.s32 v3;
	v4 =	vmul.f32 $5.120000000e+02, v46  }
0x3ae: {  	v9 =	vld [tilespmem:s19+$0xFFFFFF20];
	v10 =	vcvt.s32.f32 v5;
	v5 =	vmul.u32 $0x201, v5;
	v8 =	vadd.f32 $5.000000000e-01, v8  }
0x3af: {  	v11 =	vld [tilespmem:s19+$0xFFFFFFA0];
	v47 =	vcvt.s32.f32 v3;
	v3 =	vadd.s32 v3, v1;
	v4 =	vadd.f32 $5.000000000e-01, v4  }
0x3b0: {  	v7 =	vsub.f32 v7, v10;
	v3 =	vadd.s32 v5, v3;
	v5 =	vtrunc.f32 v8  }
0x3b1: {  	s21 =	simm.s32 $0x13F0;
	v6 =	vsub.f32 v6, v47;
	[tilespmem:s0+$0x4850] =	vst v3;
	v3 =	vcvt.f32.s32 v5;
	v5 =	vtrunc.f32 v4  }
0x3b2: {  	v10 =	vld [tilespmem:s21+$0xFFFFFF10];
	[tilespmem:s0+$0x2850] =	vst v7;
	v5 =	vcvt.f32.s32 v5  }
0x3b3: {  	v7 =	vld [tilespmem:s21+$0xFFFFFF90];
	v9 =	vmul.f32 $5.120000000e+02, v9;
	[tilespmem:s0+$0x3850] =	vst v6;
	v6 =	vcvt.s32.f32 v3;
	v3 =	vmul.u32 $0x201, v3  }
0x3b4: {  	v11 =	vmul.f32 $5.120000000e+02, v11;
	v48 =	vld [tilespmem:s16+$0xFFFFFF70];
	v13 =	vcvt.s32.f32 v5;
	v5 =	vadd.s32 v5, v1  }
0x3b5: {  	v9 =	vadd.f32 $5.000000000e-01, v9;
	v6 =	vsub.f32 v8, v6;
	v3 =	vadd.s32 v3, v5  }
0x3b6: {  	v5 =	vld [tilespmem:s16+$0xFFFFFFF0];
	v4 =	vsub.f32 v4, v13;
	[tilespmem:s12+$0x4830] =	vst v3  }
0x3b7: {  	v8 =	vadd.f32 $5.000000000e-01, v11;
	v3 =	vmul.f32 $5.120000000e+02, v10;
	v10 =	vtrunc.f32 v9;
	[tilespmem:s12+$0x2830] =	vst v6  }
0x3b8: {  	v6 =	vmul.f32 $5.120000000e+02, v7;
	v7 =	vcvt.f32.s32 v10;
	[tilespmem:s12+$0x3830] =	vst v4  }
0x3b9: {  	v4 =	vtrunc.f32 v8;
	v10 =	vmul.f32 $5.120000000e+02, v48;
	v11 =	vld [tilespmem:s2+$0xFFFFFF50]  }
0x3ba: {  	v4 =	vcvt.f32.s32 v4;
	v49 =	vcvt.s32.f32 v7;
	v50 =	vld [tilespmem:s2+$0xFFFFFFD0]  }
0x3bb: {  	v7 =	vmul.u32 $0x201, v7;
	v5 =	vmul.f32 $5.120000000e+02, v5;
	v10 =	vadd.f32 $5.000000000e-01, v10  }
0x3bc: {  	v14 =	vcvt.s32.f32 v4;
	v4 =	vadd.s32 v4, v1;
	v9 =	vsub.f32 v9, v49  }
0x3bd: {  	v4 =	vadd.s32 v7, v4;
	v5 =	vadd.f32 $5.000000000e-01, v5;
	v7 =	vtrunc.f32 v10  }
0x3be: {  	v8 =	vsub.f32 v8, v14;
	[tilespmem:s18+$0x4810] =	vst v4;
	v4 =	vcvt.f32.s32 v7;
	v7 =	vmul.f32 $5.120000000e+02, v11  }
0x3bf: {  	[tilespmem:s18+$0x2810] =	vst v9;
	v9 =	vtrunc.f32 v5;
	v11 =	vmul.f32 $5.120000000e+02, v50  }
0x3c0: {  	v3 =	vadd.f32 $5.000000000e-01, v3;
	[tilespmem:s18+$0x3810] =	vst v8;
	v8 =	vcvt.f32.s32 v9;
	v7 =	vadd.f32 $5.000000000e-01, v7  }
0x3c1: {  	v6 =	vadd.f32 $5.000000000e-01, v6;
	v51 =	vcvt.s32.f32 v4;
	v9 =	vld [tilespmem:s19+$0xFFFFFF30];
	v11 =	vadd.f32 $5.000000000e-01, v11  }
0x3c2: {  	v4 =	vmul.u32 $0x201, v4;
	v53 =	vld [tilespmem:s19+$0xFFFFFFB0];
	v52 =	vcvt.s32.f32 v8;
	v15 =	vtrunc.f32 v7  }
0x3c3: {  	v8 =	vadd.s32 v8, v1;
	v16 =	vtrunc.f32 v11;
	v15 =	vcvt.f32.s32 v15  }
0x3c4: {  	v10 =	vsub.f32 v10, v51;
	v4 =	vadd.s32 v4, v8;
	v8 =	vcvt.f32.s32 v16  }
0x3c5: {  	v5 =	vsub.f32 v5, v52;
	[tilespmem:s0+$0x4860] =	vst v4;
	v4 =	vcvt.s32.f32 v15;
	v54 =	vmul.u32 $0x201, v15  }
0x3c6: {  	[tilespmem:s0+$0x2860] =	vst v10;
	v9 =	vmul.f32 $5.120000000e+02, v9;
	v10 =	vcvt.s32.f32 v8;
	v8 =	vadd.s32 v8, v1  }
0x3c7: {  	[tilespmem:s0+$0x3860] =	vst v5;
	v5 =	vmul.f32 $5.120000000e+02, v53;
	v4 =	vsub.f32 v7, v4;
	v7 =	vadd.s32 v54, v8  }
0x3c8: {  	v8 =	vtrunc.f32 v3;
	v9 =	vadd.f32 $5.000000000e-01, v9;
	v10 =	vsub.f32 v11, v10  }
0x3c9: {  	v5 =	vadd.f32 $5.000000000e-01, v5;
	[tilespmem:s12+$0x4840] =	vst v7;
	v7 =	vtrunc.f32 v6;
	v8 =	vcvt.f32.s32 v8  }
0x3ca: {  	v11 =	vld [tilespmem:s16+$0xFFFFFF80];
	[tilespmem:s12+$0x2840] =	vst v4;
	v4 =	vcvt.f32.s32 v7;
	v55 =	vtrunc.f32 v9  }
0x3cb: {  	v7 =	vld [tilespmem:s16+$0x0];
	[tilespmem:s12+$0x3840] =	vst v10;
	v10 =	vtrunc.f32 v5;
	v12 =	vcvt.f32.s32 v55  }
0x3cc: {  	v56 =	vld [tilespmem:s2+$0xFFFFFF60];
	v57 =	vcvt.s32.f32 v8;
	v10 =	vcvt.f32.s32 v10;
	v8 =	vmul.u32 $0x201, v8  }
0x3cd: {  	v58 =	vld [tilespmem:s2+$0xFFFFFFE0];
	v59 =	vcvt.s32.f32 v4;
	v17 =	vcvt.s32.f32 v12;
	v12 =	vmul.u32 $0x201, v12  }
0x3ce: {  	v4 =	vadd.s32 v4, v1;
	v18 =	vcvt.s32.f32 v10;
	v10 =	vadd.s32 v10, v1  }
0x3cf: {  	v11 =	vmul.f32 $5.120000000e+02, v11;
	v9 =	vsub.f32 v9, v17;
	v10 =	vadd.s32 v12, v10  }
0x3d0: {  	v4 =	vadd.s32 v8, v4;
	v5 =	vsub.f32 v5, v18;
	[tilespmem:s18+$0x4820] =	vst v10  }
0x3d1: {  	v7 =	vmul.f32 $5.120000000e+02, v7;
	v11 =	vadd.f32 $5.000000000e-01, v11;
	v10 =	vmul.f32 $5.120000000e+02, v56;
	[tilespmem:s18+$0x2820] =	vst v9  }
0x3d2: {  	s16 =	simm.s32 $0x180;
	v3 =	vsub.f32 v3, v57;
	v6 =	vsub.f32 v6, v59;
	v9 =	vmul.f32 $5.120000000e+02, v58;
	[tilespmem:s18+$0x3820] =	vst v5  }
0x3d3: {  	[tilespmem:s16+$0x4800] =	vst v4;
	v7 =	vadd.f32 $5.000000000e-01, v7;
	v8 =	vtrunc.f32 v11;
	v5 =	vadd.f32 $5.000000000e-01, v10;
	v10 =	vld [tilespmem:s19+$0xFFFFFF40]  }
0x3d4: {  	[tilespmem:s16+$0x2800] =	vst v3;
	v4 =	vcvt.f32.s32 v8;
	v3 =	vld [tilespmem:s19+$0xFFFFFFC0];
	v9 =	vadd.f32 $5.000000000e-01, v9  }
0x3d5: {  	[tilespmem:s16+$0x3800] =	vst v6;
	v61 =	vtrunc.f32 v7;
	v8 =	vtrunc.f32 v5  }
0x3d6: {  	v19 =	vld [tilespmem:s21+$0xFFFFFFA0];
	v8 =	vcvt.f32.s32 v8;
	v60 =	vtrunc.f32 v9  }
0x3d7: {  	v22 =	vld [tilespmem:s21+$0xFFFFFF20];
	v63 =	vcvt.f32.s32 v61;
	v6 =	vcvt.f32.s32 v60  }
0x3d8: {  	v23 =	vcvt.s32.f32 v8;
	v8 =	vmul.u32 $0x201, v8;
	v10 =	vmul.f32 $5.120000000e+02, v10  }
0x3d9: {  	v3 =	vmul.f32 $5.120000000e+02, v3;
	v25 =	vcvt.s32.f32 v6;
	v6 =	vadd.s32 v6, v1  }
0x3da: {  	v5 =	vsub.f32 v5, v23;
	v6 =	vadd.s32 v8, v6;
	v8 =	vadd.f32 $5.000000000e-01, v10  }
0x3db: {  	v29 =	vmul.f32 $5.120000000e+02, v19;
	v3 =	vadd.f32 $5.000000000e-01, v3;
	v9 =	vsub.f32 v9, v25;
	[tilespmem:s12+$0x4850] =	vst v6  }
0x3dc: {  	s31 =	simm.s32 $0x14F0;
	[tilespmem:s12+$0x2850] =	vst v5;
	v5 =	vmul.f32 $5.120000000e+02, v22;
	v27 =	vtrunc.f32 v8  }
0x3dd: {  	v62 =	vld [tilespmem:s31+$0xFFFFFF10];
	v15 =	vadd.f32 $5.000000000e-01, v29;
	v30 =	vtrunc.f32 v3;
	[tilespmem:s12+$0x3850] =	vst v9;
	v13 =	vcvt.f32.s32 v27  }
0x3de: {  	v26 =	vcvt.s32.f32 v4;
	v16 =	vcvt.f32.s32 v30;
	v28 =	vld [tilespmem:s2+$0xFFFFFF70];
	v5 =	vadd.f32 $5.000000000e-01, v5  }
0x3df: {  	v24 =	vld [tilespmem:s31+$0xFFFFFF90];
	v34 =	vtrunc.f32 v15;
	v32 =	vcvt.s32.f32 v13;
	v13 =	vmul.u32 $0x201, v13  }
0x3e0: {  	v31 =	vld [tilespmem:s2+$0xFFFFFFF0];
	v33 =	vcvt.s32.f32 v16;
	v16 =	vadd.s32 v16, v1;
	v20 =	vtrunc.f32 v5  }
0x3e1: {  	v8 =	vsub.f32 v8, v32;
	v13 =	vadd.s32 v13, v16;
	v20 =	vcvt.f32.s32 v20  }
0x3e2: {  	v6 =	vmul.f32 $5.120000000e+02, v62;
	v16 =	vcvt.f32.s32 v34;
	v3 =	vsub.f32 v3, v33;
	[tilespmem:s18+$0x4830] =	vst v13  }
0x3e3: {  	v10 =	vcvt.s32.f32 v63;
	v14 =	vmul.f32 $5.120000000e+02, v28;
	[tilespmem:s18+$0x2830] =	vst v8;
	v37 =	vmul.u32 $0x201, v20  }
0x3e4: {  	v9 =	vmul.f32 $5.120000000e+02, v24;
	v35 =	vadd.f32 $5.000000000e-01, v6;
	[tilespmem:s18+$0x3830] =	vst v3;
	v3 =	vadd.s32 v16, v1  }
0x3e5: {  	v6 =	vmul.f32 $5.120000000e+02, v31;
	v39 =	vld [tilespmem:s19+$0xFFFFFF50];
	v8 =	vadd.f32 $5.000000000e-01, v14;
	v3 =	vadd.s32 v37, v3  }
0x3e6: {  	v4 =	vmul.u32 $0x201, v4;
	v44 =	vtrunc.f32 v35;
	v36 =	vcvt.s32.f32 v20;
	[tilespmem:s16+$0x4810] =	vst v3;
	v3 =	vld [tilespmem:s19+$0xFFFFFFD0]  }
0x3e7: {  	v38 =	vcvt.s32.f32 v16;
	v40 =	vadd.f32 $5.000000000e-01, v6;
	v6 =	vtrunc.f32 v8  }
0x3e8: {  	v17 =	vcvt.f32.s32 v44;
	v5 =	vsub.f32 v5, v36;
	v41 =	vcvt.f32.s32 v6  }
0x3e9: {  	v42 =	vtrunc.f32 v40;
	v6 =	vadd.f32 $5.000000000e-01, v9;
	v9 =	vsub.f32 v15, v38  }
0x3ea: {  	v12 =	vadd.s32 v63, v1;
	[tilespmem:s16+$0x2810] =	vst v5;
	v5 =	vcvt.f32.s32 v42;
	v43 =	vcvt.s32.f32 v41  }
0x3eb: {  	v16 =	vmul.f32 $5.120000000e+02, v39;
	[tilespmem:s16+$0x3810] =	vst v9;
	v9 =	vmul.u32 $0x201, v41;
	v3 =	vmul.f32 $5.120000000e+02, v3  }
0x3ec: {  	v46 =	vld [tilespmem:s21+$0xFFFFFF30];
	v15 =	vsub.f32 v8, v43;
	v8 =	vadd.s32 v5, v1;
	v5 =	vcvt.s32.f32 v5  }
0x3ed: {  	v45 =	vtrunc.f32 v6;
	v16 =	vadd.f32 $5.000000000e-01, v16;
	v8 =	vadd.s32 v9, v8;
	v9 =	vld [tilespmem:s21+$0xFFFFFFB0]  }
0x3ee: {  	v19 =	vcvt.f32.s32 v45;
	v3 =	vadd.f32 $5.000000000e-01, v3;
	v5 =	vsub.f32 v40, v5;
	[tilespmem:s12+$0x4860] =	vst v8  }
0x3ef: {  	v11 =	vsub.f32 v11, v26;
	v47 =	vcvt.s32.f32 v17;
	v48 =	vtrunc.f32 v16;
	[tilespmem:s12+$0x2860] =	vst v15  }
0x3f0: {  	v4 =	vadd.s32 v4, v12;
	v8 =	vcvt.s32.f32 v19;
	v49 =	vtrunc.f32 v3;
	[tilespmem:s12+$0x3860] =	vst v5  }
0x3f1: {  	v7 =	vsub.f32 v7, v10;
	v14 =	vmul.f32 $5.120000000e+02, v46;
	v5 =	vcvt.f32.s32 v48;
	v50 =	vld [tilespmem:s2+$0xFFFFFF80]  }
0x3f2: {  	[tilespmem:s0+$0x4870] =	vst v4;
	v4 =	vmul.u32 $0x201, v17;
	v10 =	vcvt.f32.s32 v49;
	v51 =	vld [tilespmem:s2+$0x0];
	v9 =	vmul.f32 $5.120000000e+02, v9  }
0x3f3: {  	v52 =	vcvt.s32.f32 v5;
	v14 =	vadd.f32 $5.000000000e-01, v14;
	v5 =	vmul.u32 $0x201, v5  }
0x3f4: {  	v53 =	vcvt.s32.f32 v10;
	v10 =	vadd.s32 v10, v1;
	v9 =	vadd.f32 $5.000000000e-01, v9  }
0x3f5: {  	v16 =	vsub.f32 v16, v52;
	v5 =	vadd.s32 v5, v10;
	v10 =	vtrunc.f32 v14  }
0x3f6: {  	v3 =	vsub.f32 v3, v53;
	[tilespmem:s18+$0x4840] =	vst v5;
	v10 =	vcvt.f32.s32 v10;
	v5 =	vmul.f32 $5.120000000e+02, v50  }
0x3f7: {  	v55 =	vadd.s32 v19, v1;
	v54 =	vtrunc.f32 v9;
	[tilespmem:s18+$0x2840] =	vst v16;
	v12 =	vmul.f32 $5.120000000e+02, v51  }
0x3f8: {  	v4 =	vadd.s32 v4, v55;
	[tilespmem:s18+$0x3840] =	vst v3;
	v56 =	vcvt.f32.s32 v54;
	v57 =	vadd.f32 $5.000000000e-01, v5  }
0x3f9: {  	[tilespmem:s0+$0x2870] =	vst v11;
	v11 =	vcvt.s32.f32 v10;
	v58 =	vld [tilespmem:s19+$0xFFFFFF60];
	v10 =	vmul.u32 $0x201, v10;
	v3 =	vadd.f32 $5.000000000e-01, v12  }
0x3fa: {  	[tilespmem:s0+$0x3870] =	vst v7;
	s2 =	simm.s32 $0x200;
	v59 =	vld [tilespmem:s19+$0xFFFFFFE0];
	v5 =	vsub.f32 v35, v47;
	v7 =	vcvt.s32.f32 v56;
	v60 =	vtrunc.f32 v57  }
0x3fb: {  	[tilespmem:s2+$0x4800] =	vst v4;
	v4 =	vadd.s32 v56, v1;
	v62 =	vtrunc.f32 v3;
	v61 =	vcvt.f32.s32 v60  }
0x3fc: {  	[tilespmem:s2+$0x2800] =	vst v5;
	v5 =	vsub.f32 v14, v11;
	v4 =	vadd.s32 v10, v4;
	v10 =	vcvt.f32.s32 v62  }
0x3fd: {  	s11 =	simm.s32 $0x4800;
	s0 =	simm.s32 $0xD000;
	v7 =	vsub.f32 v9, v7;
	[tilespmem:s16+$0x4820] =	vst v4;
	v4 =	vcvt.s32.f32 v61;
	v11 =	vmul.u32 $0x201, v61  }
0x3fe: {  	[tilespmem:s0], [sflag:$0x2] =	stream.indirect.gather [hbm4b:s4+s28], $0x10, s11, s28, $0xb8;
	[tilespmem:s16+$0x2820] =	vst v5;
	v9 =	vmul.f32 $5.120000000e+02, v58;
	v5 =	vcvt.s32.f32 v10;
	v63 =	vadd.s32 v10, v1  }
0x3ff: {  	s15 =	simm.s32 $0x15F0;
	s11 =	simm.s32 $0xA00;
	[tilespmem:s16+$0x3820] =	vst v7;
	v10 =	vmul.f32 $5.120000000e+02, v59;
	v4 =	vsub.f32 v57, v4;
	v7 =	vadd.s32 v11, v63  }
.LBB2_27:
0x400: {  	v11 =	vld [tilespmem:s15+$0xFFFFFF10];
	p3 =	sne.s32 s11, $0x1E00;
	v9 =	vadd.f32 $5.000000000e-01, v9;
	v3 =	vsub.f32 v3, v5;
	[tilespmem:s12+$0x4870] =	vst v7  }
0x401: {  	v5 =	vsub.f32 v6, v8;
	s14 =	sadd.s32 $0x4800, s12;
	s0 =	sadd.s32 $0x800, s0;
	v6 =	vld [tilespmem:s21+$0xFFFFFF40];
	v7 =	vadd.f32 $5.000000000e-01, v10;
	[tilespmem:s12+$0x2870] =	vst v4  }
0x402: {  	v4 =	vld [tilespmem:s21+$0xFFFFFFC0];
	v8 =	vtrunc.f32 v9;
	[tilespmem:s12+$0x3870] =	vst v3;
	[tilespmem:s0], [sflag:$0x2] =	stream.indirect.gather [hbm4b:s4+s28], $0x10, s14, s28, $0xb8  }
0x403: {  	s12 =	smov.u32 s18;
	s18 =	smov.u32 s16;
	s16 =	smov.u32 s2;
	v3 =	vld [tilespmem:s15+$0xFFFFFF90];
	[tilespmem:s2+$0x3800] =	vst v5;
	v5 =	vcvt.f32.s32 v8;
	v8 =	vtrunc.f32 v7  }
0x404: {  	v10 =	vld [tilespmem:s31+$0xFFFFFF20];
	v8 =	vcvt.f32.s32 v8  }
0x405: {  	v11 =	vmul.f32 $5.120000000e+02, v11;
	v12 =	vld [tilespmem:s31+$0xFFFFFFA0];
	v13 =	vcvt.s32.f32 v5;
	v5 =	vmul.u32 $0x201, v5  }
0x406: {  	v6 =	vmul.f32 $5.120000000e+02, v6;
	v14 =	vcvt.s32.f32 v8;
	v8 =	vadd.s32 v8, v1  }
0x407: {  	v4 =	vmul.f32 $5.120000000e+02, v4;
	v9 =	vsub.f32 v9, v13;
	v5 =	vadd.s32 v5, v8  }
0x408: {  	v8 =	vmul.f32 $5.120000000e+02, v3;
	v13 =	vadd.f32 $5.000000000e-01, v6;
	v7 =	vsub.f32 v7, v14;
	[tilespmem:s12+$0x4850] =	vst v5  }
0x409: {  	v3 =	vadd.f32 $5.000000000e-01, v11;
	v5 =	vmul.f32 $5.120000000e+02, v10;
	v4 =	vadd.f32 $5.000000000e-01, v4;
	[tilespmem:s12+$0x2850] =	vst v9  }
0x40a: {  	v6 =	vadd.f32 $5.000000000e-01, v8;
	v8 =	vmul.f32 $5.120000000e+02, v12;
	v9 =	vtrunc.f32 v13;
	[tilespmem:s12+$0x3850] =	vst v7  }
0x40b: {  	v5 =	vadd.f32 $5.000000000e-01, v5;
	v7 =	vcvt.f32.s32 v9;
	v9 =	vtrunc.f32 v4;
	v10 =	vld [tilespmem:s19+$0xFFFFFF70]  }
0x40c: {  	v11 =	vtrunc.f32 v3;
	v8 =	vadd.f32 $5.000000000e-01, v8;
	v9 =	vcvt.f32.s32 v9;
	v12 =	vld [tilespmem:s19+$0xFFFFFFF0]  }
0x40d: {  	v14 =	vtrunc.f32 v5;
	v15 =	vcvt.s32.f32 v7;
	v7 =	vmul.u32 $0x201, v7  }
0x40e: {  	v16 =	vtrunc.f32 v8;
	v17 =	vcvt.s32.f32 v9;
	v9 =	vadd.s32 v9, v1  }
0x40f: {  	v14 =	vcvt.f32.s32 v14;
	v13 =	vsub.f32 v13, v15;
	v7 =	vadd.s32 v7, v9  }
0x410: {  	v9 =	vcvt.f32.s32 v16;
	v4 =	vsub.f32 v4, v17;
	[tilespmem:s18+$0x4830] =	vst v7;
	v7 =	vmul.f32 $5.120000000e+02, v10  }
0x411: {  	v10 =	vcvt.s32.f32 v14;
	v14 =	vmul.u32 $0x201, v14;
	[tilespmem:s18+$0x2830] =	vst v13;
	v12 =	vmul.f32 $5.120000000e+02, v12  }
0x412: {  	v13 =	vcvt.s32.f32 v9;
	v9 =	vadd.s32 v9, v1;
	[tilespmem:s18+$0x3830] =	vst v4;
	v4 =	vadd.f32 $5.000000000e-01, v7  }
0x413: {  	v5 =	vsub.f32 v5, v10;
	v7 =	vadd.s32 v14, v9;
	v9 =	vld [tilespmem:s21+$0xFFFFFF50];
	v10 =	vadd.f32 $5.000000000e-01, v12  }
0x414: {  	v12 =	vtrunc.f32 v6;
	v8 =	vsub.f32 v8, v13;
	[tilespmem:s16+$0x4810] =	vst v7;
	v7 =	vld [tilespmem:s21+$0xFFFFFFD0];
	v13 =	vtrunc.f32 v4  }
0x415: {  	[tilespmem:s16+$0x2810] =	vst v5;
	v5 =	vcvt.f32.s32 v13;
	v13 =	vtrunc.f32 v10  }
0x416: {  	v11 =	vcvt.f32.s32 v11;
	[tilespmem:s16+$0x3810] =	vst v8;
	v8 =	vcvt.f32.s32 v13  }
0x417: {  	v12 =	vcvt.f32.s32 v12;
	v13 =	vld [tilespmem:s31+$0xFFFFFF30];
	v14 =	vcvt.s32.f32 v5;
	v5 =	vmul.u32 $0x201, v5  }
0x418: {  	v9 =	vmul.f32 $5.120000000e+02, v9;
	v15 =	vcvt.s32.f32 v8;
	v8 =	vadd.s32 v8, v1  }
0x419: {  	v16 =	vld [tilespmem:s31+$0xFFFFFFB0];
	v7 =	vmul.f32 $5.120000000e+02, v7;
	v4 =	vsub.f32 v4, v14;
	v5 =	vadd.s32 v5, v8  }
0x41a: {  	v9 =	vadd.f32 $5.000000000e-01, v9;
	v10 =	vsub.f32 v10, v15;
	[tilespmem:s12+$0x4860] =	vst v5  }
0x41b: {  	v8 =	vcvt.s32.f32 v12;
	v5 =	vcvt.s32.f32 v11;
	v7 =	vadd.f32 $5.000000000e-01, v7;
	[tilespmem:s12+$0x2860] =	vst v4  }
0x41c: {  	v4 =	vmul.f32 $5.120000000e+02, v13;
	v13 =	vtrunc.f32 v9;
	[tilespmem:s12+$0x3860] =	vst v10  }
0x41d: {  	v10 =	vcvt.f32.s32 v13;
	v13 =	vtrunc.f32 v7;
	v14 =	vld [tilespmem:s19+$0xFFFFFF80]  }
0x41e: {  	v11 =	vmul.u32 $0x201, v11;
	v15 =	vmul.f32 $5.120000000e+02, v16;
	v13 =	vcvt.f32.s32 v13;
	v16 =	vld [tilespmem:s19+$0x0];
	s19 =	smov.u32 s21;
	s21 =	smov.u32 s31;
	s31 =	smov.u32 s15  }
0x41f: {  	v4 =	vadd.f32 $5.000000000e-01, v4;
	v17 =	vcvt.s32.f32 v10;
	v10 =	vmul.u32 $0x201, v10  }
0x420: {  	v15 =	vadd.f32 $5.000000000e-01, v15;
	v18 =	vcvt.s32.f32 v13;
	v13 =	vadd.s32 v13, v1  }
0x421: {  	v19 =	vtrunc.f32 v4;
	v9 =	vsub.f32 v9, v17;
	v10 =	vadd.s32 v10, v13  }
0x422: {  	v13 =	vtrunc.f32 v15;
	v7 =	vsub.f32 v7, v18;
	[tilespmem:s18+$0x4840] =	vst v10;
	v10 =	vmul.f32 $5.120000000e+02, v14  }
0x423: {  	v12 =	vadd.s32 v12, v1;
	v14 =	vcvt.f32.s32 v19;
	[tilespmem:s18+$0x2840] =	vst v9;
	v9 =	vmul.f32 $5.120000000e+02, v16  }
0x424: {  	v11 =	vadd.s32 v11, v12;
	v12 =	vcvt.f32.s32 v13;
	[tilespmem:s18+$0x3840] =	vst v7;
	v7 =	vadd.f32 $5.000000000e-01, v10  }
0x425: {  	v5 =	vsub.f32 v3, v5;
	v10 =	vcvt.s32.f32 v14;
	v13 =	vld [tilespmem:s19+$0xFFFFFF60];
	v3 =	vadd.f32 $5.000000000e-01, v9  }
0x426: {  	s2 =	sshra.s32 s11, $0x2;
	v14 =	vmul.u32 $0x201, v14;
	v9 =	vcvt.s32.f32 v12;
	v16 =	vld [tilespmem:s19+$0xFFFFFFE0];
	v17 =	vtrunc.f32 v7  }
.Ltmp12:
0x427: {  	[tilespmem:s2+$0x4800] =	vst v11;
	v11 =	vadd.s32 v12, v1;
	v12 =	vcvt.f32.s32 v17;
	v17 =	vtrunc.f32 v3;
	(pc) =	sbr.rel @p3 .LBB2_27-.Ltmp12, $4  }
0x428: {  	v4 =	vsub.f32 v4, v10;
	[tilespmem:s2+$0x2800] =	vst v5;
	v5 =	vadd.s32 v14, v11;
	v10 =	vcvt.f32.s32 v17  }
0x429: {  	v11 =	vsub.f32 v15, v9;
	[tilespmem:s16+$0x4820] =	vst v5;
	v14 =	vcvt.s32.f32 v12;
	v12 =	vmul.u32 $0x201, v12  }
0x42a: {  	[tilespmem:s16+$0x2820] =	vst v4;
	v9 =	vmul.f32 $5.120000000e+02, v13;
	v5 =	vcvt.s32.f32 v10;
	v13 =	vadd.s32 v10, v1  }
0x42b: {  	s11 =	sadd.s32 $0x200, s11;
	s15 =	sadd.s32 $0x100, s15;
	[tilespmem:s16+$0x3820] =	vst v11;
	v10 =	vmul.f32 $5.120000000e+02, v16;
	v4 =	vsub.f32 v7, v14;
	v7 =	vadd.s32 v12, v13  }
0x42c: {  	v6 =	vsub.f32 v6, v8;
	_ =	sdelay $0x1  }
0x42d: {  	[tilespmem:s2+$0x3800] =	vst v6  }
0x42e: {  	v6 =	vld [tilespmem:s31+$0xFFFFFF20]  }
0x42f: {  	v36 =	vld [tilespmem:s31+$0xFFFFFFA0];
	_ =	sdelay $0x3  }
0x430: {  	v6 =	vmul.f32 $5.120000000e+02, v6  }
0x431: {  	v8 =	vmul.f32 $5.120000000e+02, v36  }
0x432: {  	v6 =	vadd.f32 $5.000000000e-01, v6  }
0x433: {  	v8 =	vadd.f32 $5.000000000e-01, v8  }
0x434: {  	v11 =	vtrunc.f32 v6  }
0x435: {  	v12 =	vtrunc.f32 v8;
	v11 =	vcvt.f32.s32 v11  }
0x436: {  	v12 =	vcvt.f32.s32 v12  }
0x437: {  	v13 =	vcvt.s32.f32 v11;
	v11 =	vmul.u32 $0x201, v11  }
0x438: {  	v14 =	vcvt.s32.f32 v12;
	v12 =	vadd.s32 v12, v1  }
0x439: {  	v6 =	vsub.f32 v6, v13;
	v11 =	vadd.s32 v11, v12  }
0x43a: {  	v8 =	vsub.f32 v8, v14;
	[tilespmem:s2+$0x4810] =	vst v11  }
0x43b: {  	[tilespmem:s2+$0x2810] =	vst v6  }
0x43c: {  	[tilespmem:s2+$0x3810] =	vst v8  }
0x43d: {  	v6 =	vld [tilespmem:s31+$0xFFFFFF30]  }
0x43e: {  	v8 =	vld [tilespmem:s31+$0xFFFFFFB0];
	_ =	sdelay $0x3  }
0x43f: {  	v6 =	vmul.f32 $5.120000000e+02, v6  }
0x440: {  	v8 =	vmul.f32 $5.120000000e+02, v8  }
0x441: {  	v6 =	vadd.f32 $5.000000000e-01, v6  }
0x442: {  	v8 =	vadd.f32 $5.000000000e-01, v8  }
0x443: {  	v37 =	vtrunc.f32 v6  }
0x444: {  	v38 =	vtrunc.f32 v8;
	v11 =	vcvt.f32.s32 v37  }
0x445: {  	v12 =	vcvt.f32.s32 v38  }
0x446: {  	v39 =	vld [tilespmem:s21+$0xFFFFFF40];
	v40 =	vcvt.s32.f32 v11;
	v11 =	vmul.u32 $0x201, v11  }
0x447: {  	v15 =	vld [tilespmem:s21+$0xFFFFFFC0];
	v16 =	vcvt.s32.f32 v12;
	v12 =	vadd.s32 v12, v1  }
0x448: {  	v6 =	vsub.f32 v6, v40;
	v11 =	vadd.s32 v11, v12  }
0x449: {  	v8 =	vsub.f32 v8, v16;
	[tilespmem:s2+$0x4820] =	vst v11  }
0x44a: {  	[tilespmem:s2+$0x2820] =	vst v6  }
0x44b: {  	v41 =	vmul.f32 $5.120000000e+02, v39;
	[tilespmem:s2+$0x3820] =	vst v8  }
0x44c: {  	v42 =	vmul.f32 $5.120000000e+02, v15;
	v11 =	vld [tilespmem:s31+$0xFFFFFF40]  }
0x44d: {  	v6 =	vadd.f32 $5.000000000e-01, v41;
	v43 =	vld [tilespmem:s31+$0xFFFFFFC0]  }
0x44e: {  	v8 =	vadd.f32 $5.000000000e-01, v42  }
0x44f: {  	v44 =	vtrunc.f32 v6  }
0x450: {  	v45 =	vtrunc.f32 v8;
	v13 =	vcvt.f32.s32 v44  }
0x451: {  	v14 =	vcvt.f32.s32 v45;
	v11 =	vmul.f32 $5.120000000e+02, v11  }
0x452: {  	v46 =	vcvt.s32.f32 v13;
	v13 =	vmul.u32 $0x201, v13;
	v12 =	vmul.f32 $5.120000000e+02, v43  }
0x453: {  	v47 =	vcvt.s32.f32 v14;
	v14 =	vadd.s32 v14, v1;
	v11 =	vadd.f32 $5.000000000e-01, v11  }
0x454: {  	v6 =	vsub.f32 v6, v46;
	v13 =	vadd.s32 v13, v14;
	v12 =	vadd.f32 $5.000000000e-01, v12  }
0x455: {  	v8 =	vsub.f32 v8, v47;
	[tilespmem:s16+$0x4830] =	vst v13;
	v48 =	vtrunc.f32 v11  }
0x456: {  	[tilespmem:s16+$0x2830] =	vst v6;
	v50 =	vtrunc.f32 v12;
	v49 =	vcvt.f32.s32 v48  }
0x457: {  	[tilespmem:s16+$0x3830] =	vst v8;
	v51 =	vcvt.f32.s32 v50  }
0x458: {  	v52 =	vld [tilespmem:s21+$0xFFFFFF50];
	v53 =	vcvt.s32.f32 v49;
	v6 =	vmul.u32 $0x201, v49  }
0x459: {  	v54 =	vld [tilespmem:s21+$0xFFFFFFD0];
	v55 =	vcvt.s32.f32 v51;
	v8 =	vadd.s32 v51, v1  }
0x45a: {  	v11 =	vsub.f32 v11, v53;
	v6 =	vadd.s32 v6, v8  }
0x45b: {  	v56 =	vsub.f32 v12, v55;
	[tilespmem:s2+$0x4830] =	vst v6  }
0x45c: {  	[tilespmem:s2+$0x2830] =	vst v11  }
0x45d: {  	v57 =	vmul.f32 $5.120000000e+02, v52;
	[tilespmem:s2+$0x3830] =	vst v56  }
0x45e: {  	v58 =	vmul.f32 $5.120000000e+02, v54;
	v11 =	vld [tilespmem:s31+$0xFFFFFF50]  }
0x45f: {  	v6 =	vadd.f32 $5.000000000e-01, v57;
	v59 =	vld [tilespmem:s31+$0xFFFFFFD0]  }
0x460: {  	v8 =	vadd.f32 $5.000000000e-01, v58  }
0x461: {  	v60 =	vtrunc.f32 v6  }
0x462: {  	v61 =	vtrunc.f32 v8;
	v13 =	vcvt.f32.s32 v60  }
0x463: {  	v14 =	vcvt.f32.s32 v61;
	v11 =	vmul.f32 $5.120000000e+02, v11  }
0x464: {  	v62 =	vcvt.s32.f32 v13;
	v13 =	vmul.u32 $0x201, v13;
	v12 =	vmul.f32 $5.120000000e+02, v59  }
0x465: {  	v63 =	vcvt.s32.f32 v14;
	v14 =	vadd.s32 v14, v1;
	v11 =	vadd.f32 $5.000000000e-01, v11  }
0x466: {  	v6 =	vsub.f32 v6, v62;
	v13 =	vadd.s32 v13, v14;
	v12 =	vadd.f32 $5.000000000e-01, v12  }
0x467: {  	v8 =	vsub.f32 v8, v63;
	[tilespmem:s16+$0x4840] =	vst v13;
	v20 =	vtrunc.f32 v11  }
0x468: {  	[tilespmem:s16+$0x2840] =	vst v6;
	v22 =	vtrunc.f32 v12;
	v21 =	vcvt.f32.s32 v20  }
0x469: {  	[tilespmem:s16+$0x3840] =	vst v8;
	v23 =	vcvt.f32.s32 v22  }
0x46a: {  	v24 =	vld [tilespmem:s21+$0xFFFFFF60];
	v25 =	vcvt.s32.f32 v21;
	v6 =	vmul.u32 $0x201, v21  }
0x46b: {  	v9 =	vadd.f32 $5.000000000e-01, v9;
	v26 =	vld [tilespmem:s21+$0xFFFFFFE0];
	v27 =	vcvt.s32.f32 v23;
	v8 =	vadd.s32 v23, v1  }
0x46c: {  	v28 =	vadd.f32 $5.000000000e-01, v10;
	v11 =	vsub.f32 v11, v25;
	v6 =	vadd.s32 v6, v8  }
0x46d: {  	v29 =	vtrunc.f32 v9;
	v12 =	vsub.f32 v12, v27;
	[tilespmem:s2+$0x4840] =	vst v6  }
0x46e: {  	v30 =	vcvt.f32.s32 v29;
	v31 =	vtrunc.f32 v28;
	[tilespmem:s2+$0x2840] =	vst v11  }
0x46f: {  	v10 =	vcvt.f32.s32 v31;
	v32 =	vmul.f32 $5.120000000e+02, v24;
	[tilespmem:s2+$0x3840] =	vst v12  }
0x470: {  	v35 =	vcvt.s32.f32 v30;
	v33 =	vmul.f32 $5.120000000e+02, v26;
	v34 =	vld [tilespmem:s31+$0xFFFFFF60]  }
0x471: {  	v37 =	vcvt.s32.f32 v10;
	v11 =	vadd.f32 $5.000000000e-01, v32;
	v36 =	vld [tilespmem:s31+$0xFFFFFFE0]  }
0x472: {  	v9 =	vsub.f32 v9, v35;
	v12 =	vadd.f32 $5.000000000e-01, v33  }
0x473: {  	v8 =	vsub.f32 v28, v37;
	v6 =	vmul.u32 $0x201, v30;
	v38 =	vtrunc.f32 v11  }
0x474: {  	[tilespmem:s18+$0x2850] =	vst v9;
	v10 =	vadd.s32 v10, v1;
	v40 =	vtrunc.f32 v12;
	v39 =	vcvt.f32.s32 v38  }
0x475: {  	[tilespmem:s18+$0x3850] =	vst v8;
	v6 =	vadd.s32 v6, v10;
	v41 =	vcvt.f32.s32 v40;
	v42 =	vmul.f32 $5.120000000e+02, v34  }
0x476: {  	[tilespmem:s18+$0x4850] =	vst v6;
	v43 =	vcvt.s32.f32 v39;
	v6 =	vmul.u32 $0x201, v39;
	v44 =	vmul.f32 $5.120000000e+02, v36  }
0x477: {  	v45 =	vld [tilespmem:s19+$0xFFFFFF70];
	v46 =	vcvt.s32.f32 v41;
	v9 =	vadd.s32 v41, v1;
	v10 =	vadd.f32 $5.000000000e-01, v42  }
0x478: {  	v47 =	vld [tilespmem:s19+$0xFFFFFFF0];
	v8 =	vsub.f32 v11, v43;
	v6 =	vadd.s32 v6, v9;
	v48 =	vadd.f32 $5.000000000e-01, v44  }
0x479: {  	v49 =	vsub.f32 v12, v46;
	[tilespmem:s16+$0x4850] =	vst v6;
	v50 =	vtrunc.f32 v10  }
0x47a: {  	[tilespmem:s16+$0x2850] =	vst v8;
	v51 =	vtrunc.f32 v48;
	v6 =	vcvt.f32.s32 v50  }
0x47b: {  	[tilespmem:s16+$0x3850] =	vst v49;
	v8 =	vcvt.f32.s32 v51  }
0x47c: {  	v52 =	vmul.f32 $5.120000000e+02, v45;
	v53 =	vld [tilespmem:s21+$0xFFFFFF70];
	v54 =	vcvt.s32.f32 v6;
	v6 =	vmul.u32 $0x201, v6  }
0x47d: {  	v55 =	vmul.f32 $5.120000000e+02, v47;
	v57 =	vld [tilespmem:s21+$0xFFFFFFF0];
	v56 =	vcvt.s32.f32 v8;
	v8 =	vadd.s32 v8, v1  }
0x47e: {  	v11 =	vadd.f32 $5.000000000e-01, v52;
	v10 =	vsub.f32 v10, v54;
	v6 =	vadd.s32 v6, v8  }
0x47f: {  	v59 =	vadd.f32 $5.000000000e-01, v55;
	v58 =	vsub.f32 v48, v56;
	[tilespmem:s2+$0x4850] =	vst v6  }
0x480: {  	v60 =	vtrunc.f32 v11;
	[tilespmem:s2+$0x2850] =	vst v10  }
0x481: {  	v62 =	vtrunc.f32 v59;
	v9 =	vcvt.f32.s32 v60;
	[tilespmem:s2+$0x3850] =	vst v58  }
0x482: {  	v61 =	vmul.f32 $5.120000000e+02, v53;
	v19 =	vmul.f32 $5.120000000e+02, v57;
	v63 =	vld [tilespmem:s31+$0xFFFFFF70]  }
0x483: {  	v18 =	vcvt.s32.f32 v9;
	v8 =	vcvt.f32.s32 v62;
	v20 =	vld [tilespmem:s31+$0xFFFFFFF0]  }
0x484: {  	v9 =	vmul.u32 $0x201, v9;
	v10 =	vadd.f32 $5.000000000e-01, v61;
	v21 =	vadd.f32 $5.000000000e-01, v19  }
0x485: {  	v11 =	vsub.f32 v11, v18;
	v23 =	vcvt.s32.f32 v8;
	v8 =	vadd.s32 v8, v1  }
0x486: {  	v8 =	vadd.s32 v9, v8;
	v22 =	vtrunc.f32 v10;
	v24 =	vtrunc.f32 v21  }
0x487: {  	v6 =	vsub.f32 v59, v23;
	[tilespmem:s18+$0x4860] =	vst v8;
	v14 =	vcvt.f32.s32 v22;
	v12 =	vmul.f32 $5.120000000e+02, v63  }
0x488: {  	[tilespmem:s18+$0x2860] =	vst v11;
	v25 =	vcvt.f32.s32 v24;
	v26 =	vmul.f32 $5.120000000e+02, v20  }
0x489: {  	[tilespmem:s18+$0x3860] =	vst v6;
	v27 =	vcvt.s32.f32 v14;
	v14 =	vmul.u32 $0x201, v14;
	v12 =	vadd.f32 $5.000000000e-01, v12  }
0x48a: {  	v28 =	vcvt.s32.f32 v25;
	v8 =	vadd.s32 v25, v1;
	v29 =	vld [tilespmem:s19+$0xFFFFFF80];
	v9 =	vadd.f32 $5.000000000e-01, v26  }
0x48b: {  	v31 =	vld [tilespmem:s19+$0x0];
	v10 =	vsub.f32 v10, v27;
	v8 =	vadd.s32 v14, v8;
	v30 =	vtrunc.f32 v12  }
0x48c: {  	v6 =	vsub.f32 v21, v28;
	[tilespmem:s16+$0x4860] =	vst v8;
	v33 =	vtrunc.f32 v9;
	v32 =	vcvt.f32.s32 v30  }
0x48d: {  	[tilespmem:s16+$0x2860] =	vst v10;
	v34 =	vcvt.f32.s32 v33  }
0x48e: {  	[tilespmem:s16+$0x3860] =	vst v6;
	v35 =	vcvt.s32.f32 v32;
	v8 =	vmul.u32 $0x201, v32  }
0x48f: {  	v36 =	vld [tilespmem:s21+$0xFFFFFF80];
	v15 =	vmul.f32 $5.120000000e+02, v29;
	v37 =	vcvt.s32.f32 v34;
	v10 =	vadd.s32 v34, v1  }
0x490: {  	v38 =	vmul.f32 $5.120000000e+02, v31;
	v39 =	vld [tilespmem:s21+$0x0];
	v6 =	vsub.f32 v12, v35;
	v8 =	vadd.s32 v8, v10  }
0x491: {  	v40 =	vadd.f32 $5.000000000e-01, v15;
	v9 =	vsub.f32 v9, v37;
	[tilespmem:s2+$0x4860] =	vst v8  }
0x492: {  	v41 =	vadd.f32 $5.000000000e-01, v38;
	[tilespmem:s2+$0x2860] =	vst v6  }
0x493: {  	v42 =	vtrunc.f32 v40;
	[tilespmem:s2+$0x3860] =	vst v9  }
0x494: {  	v45 =	vtrunc.f32 v41;
	v43 =	vmul.f32 $5.120000000e+02, v36;
	v44 =	vld [tilespmem:s31+$0xFFFFFF80]  }
0x495: {  	v13 =	vcvt.f32.s32 v45;
	v12 =	vmul.f32 $5.120000000e+02, v39;
	v46 =	vld [tilespmem:s31+$0x0]  }
0x496: {  	v9 =	vcvt.f32.s32 v42;
	v10 =	vadd.f32 $5.000000000e-01, v43  }
0x497: {  	v3 =	vsub.f32 v3, v5;
	v48 =	vcvt.s32.f32 v13;
	v12 =	vadd.f32 $5.000000000e-01, v12  }
0x498: {  	v13 =	vadd.s32 v13, v1;
	v47 =	vcvt.s32.f32 v9;
	v49 =	vtrunc.f32 v10  }
0x499: {  	v9 =	vmul.u32 $0x201, v9;
	v50 =	vtrunc.f32 v12;
	v11 =	vmul.f32 $5.120000000e+02, v44  }
0x49a: {  	[tilespmem:s12+$0x3870] =	vst v3;
	v3 =	vsub.f32 v41, v48;
	v16 =	vcvt.f32.s32 v49;
	v51 =	vmul.f32 $5.120000000e+02, v46  }
0x49b: {  	[tilespmem:s12+$0x4870] =	vst v7;
	v7 =	vcvt.f32.s32 v50;
	v5 =	vsub.f32 v40, v47;
	v53 =	vadd.f32 $5.000000000e-01, v11  }
0x49c: {  	[tilespmem:s12+$0x2870] =	vst v4;
	v52 =	vadd.s32 v9, v13;
	v54 =	vcvt.s32.f32 v16;
	v8 =	vadd.f32 $5.000000000e-01, v51  }
0x49d: {  	[tilespmem:s18+$0x3870] =	vst v3;
	v55 =	vmul.u32 $0x201, v16;
	v56 =	vcvt.s32.f32 v7;
	v57 =	vtrunc.f32 v53  }
0x49e: {  	[tilespmem:s18+$0x4870] =	vst v52;
	v58 =	vadd.s32 v7, v1;
	v60 =	vtrunc.f32 v8;
	v59 =	vcvt.f32.s32 v57  }
0x49f: {  	s11 =	sadd.s32 $0x4800, s12;
	s0 =	sadd.s32 $0x800, s0;
	[tilespmem:s18+$0x2870] =	vst v5;
	v3 =	vsub.f32 v10, v54;
	v4 =	vadd.s32 v55, v58;
	v61 =	vcvt.f32.s32 v60  }
0x4a0: {  	[tilespmem:s0], [sflag:$0x2] =	stream.indirect.gather [hbm4b:s4+s28], $0x10, s11, s28, $0xb8;
	v62 =	vsub.f32 v12, v56;
	[tilespmem:s16+$0x4870] =	vst v4;
	v63 =	vcvt.s32.f32 v59;
	v7 =	vmul.u32 $0x201, v59  }
0x4a1: {  	s0 =	sadd.s32 $0x800, s0;
	s19 =	sadd.s32 $0x4800, s18;
	[tilespmem:s16+$0x2870] =	vst v3;
	v3 =	vcvt.s32.f32 v61;
	v5 =	vadd.s32 v61, v1  }
0x4a2: {  	[tilespmem:s0], [sflag:$0x2] =	stream.indirect.gather [hbm4b:s4+s28], $0x10, s19, s28, $0xb8;
	[tilespmem:s16+$0x3870] =	vst v62;
	v4 =	vsub.f32 v53, v63;
	v5 =	vadd.s32 v7, v5  }
0x4a3: {  	s21 =	sadd.s32 $0x4800, s16;
	s0 =	sadd.s32 $0x800, s0;
	v3 =	vsub.f32 v8, v3;
	[tilespmem:s2+$0x4870] =	vst v5  }
0x4a4: {  	[tilespmem:s0], [sflag:$0x2] =	stream.indirect.gather [hbm4b:s4+s28], $0x10, s21, s28, $0xb8;
	[tilespmem:s2+$0x2870] =	vst v4  }
0x4a5: {  	p3 =	sgt.u32 s25, $0x3C;
	s31 =	sadd.s32 $0x4800, s2;
	s0 =	sadd.s32 $0x800, s0;
	[tilespmem:s2+$0x3870] =	vst v3  }
0x4a6: {  	[tilespmem:s0], [sflag:$0x2] =	stream.indirect.gather [hbm4b:s4+s28], $0x10, s31, s28, $0xb8;
	[tilespmem:$0x19D10] =	vst v63  }
0x4a7: {  	s0 =	sshll.u32 @!p3 s25, $0xC  }
0x4a8: {  	s0 =	sadd.s32 @!p3 s0, s20  }
0x4a9: {  	s0 =	sshrl.u32 @!p3 s0, $0x3  }
0x4aa: {  	s11 =	simm.s32 @!p3 $0x1000;
	s2 =	simm.s32 @!p3 $0x0;
	s0 =	sadd.s32 @!p3 s1, s0  }
0x4ab: {  	[tilespmem:s11], [sflag:$0x6] =	stream.linear.gather @!p3 [hbm4b:s0+s2], $0x1000, $0x38;
	[tilespmem:$0x19D10] =	vst v63  }
.LBB2_29:
0x4ac: {  	p3 =	sne.s32 s17, $0x0  }
0x4ad: {  	s0 =	simm.s32 @!p3 $0x1  }
0x4ae: {  	_ =	swait.ge @!p3 [sflag:s0], $0x8000  }
0x4af: {  	s2 =	simm.s32 $0x1;
	s11 =	simm.s32 @p2 $0x2;
	[sflag:s0] =	ssyncset.done @!p3 $0x0  }
0x4b0: {  	p4 =	slt.u32 s25, $0x2;
	p6 =	por !p2, !p2;
	[sflag:s0] =	ssyncadd.s32 @!p3 $0xFFFF8000  }
0x4b1: {  	s2 =	simm.s32 @!p1 $0x0;
	p5 =	sne.s32 @!p4 s17, $0x0;
	_ =	swait.ge @p2 [sflag:s11], $0x8000  }
0x4b2: {  	p5 =	por p5, p4;
	s0 =	sshll.u32 s2, $0xB;
	[sflag:s11] =	ssyncset.done @p2 $0x0  }
0x4b3: {  	s12 =	sadd.s32 $0x0, s0;
	[sflag:s11] =	ssyncadd.s32 @p2 $0xFFFF8000;
	s11 =	simm.s32 @!p5 $0x3  }
0x4b4: {  	s2 =	sor.u32 $0x2000, s0;
	v4 =	vmov s12;
	s12 =	sadd.s32 $0x10, s12;
	_ =	swait.ge @!p5 [sflag:s11], $0x800  }
0x4b5: {  	p4 =	por p4, p6;
	s14 =	sor.u32 $0x3000, s0;
	v3 =	vmov s2;
	v5 =	vshll.u32 v4, $0x4;
	v6 =	vmov s12;
	[sflag:s11] =	ssyncset.done @!p5 $0x0  }
0x4b6: {  	s2 =	simm.s32 @!p4 $0x4;
	v4 =	vmov s14;
	v7 =	vor.u32 v2, v5;
	v5 =	vshll.u32 v6, $0x4;
	[sflag:s11] =	ssyncadd.s32 @!p5 $0xFFFFF800  }
0x4b7: {  	v6 =	vor.u32 $0x1, v7;
	v8 =	vor.u32 $0x2, v7;
	v9 =	vor.u32 v2, v5;
	_ =	swait.ge @!p4 [sflag:s2], $0x800  }
0x4b8: {  	v10 =	vor.u32 $0x4, v7;
	v11 =	vor.u32 $0x5, v7;
	v13 =	vor.u32 $0x3, v7;
	[sflag:s2] =	ssyncset.done @!p4 $0x0  }
0x4b9: {  	s16 =	simm.s32 $0x0;
	v14 =	vor.u32 $0x6, v7;
	v16 =	vor.u32 $0x8, v7;
	v19 =	vor.u32 $0xC, v9;
	[sflag:s2] =	ssyncadd.s32 @!p4 $0xFFFFF800  }
0x4ba: {  	v17 =	vor.u32 $0x9, v7;
	v12 =	vor.u32 $0xB, v9;
	v23 =	vor.u32 $0x3, v9;
	v18 =	vld.idx.msk [tilespmem:v3+s16+$0x10 ss:$0x1], $0xffff  }
0x4bb: {  	v15 =	vor.u32 $0x7, v9;
	v26 =	vor.u32 $0x8, v9;
	v27 =	vor.u32 $0x2, v9;
	v22 =	vld.idx.msk [tilespmem:v4+s16+$0x10 ss:$0x1], $0xffff  }
0x4bc: {  	v28 =	vor.u32 $0x1, v9;
	v30 =	vor.u32 $0xE, v9;
	v31 =	vor.u32 $0x4, v9;
	v29 =	vld.idx.msk [tilespmem:v9+s30+$0x0], $0xffff  }
0x4bd: {  	v32 =	vor.u32 $0xA, v9;
	v34 =	vor.u32 $0x5, v9;
	v35 =	vor.u32 $0x9, v9;
	v62 =	vld.idx.msk [tilespmem:v4+s16+$0x0 ss:$0x1], $0xffff  }
0x4be: {  	v41 =	vor.u32 $0x6, v9;
	v44 =	vor.u32 $0xD, v9;
	v9 =	vor.u32 $0xF, v9;
	v19 =	vld.idx.msk [tilespmem:v19+s30+$0x0], $0xffff  }
0x4bf: {  	v20 =	vor.u32 $0x7, v7;
	v21 =	vor.u32 $0xA, v7;
	v23 =	vld.idx.msk [tilespmem:v23+s30+$0x0], $0xffff;
	v33 =	vmul.f32 v18, v18  }
0x4c0: {  	v26 =	vld.idx.msk [tilespmem:v26+s30+$0x0], $0xffff;
	v36 =	vsub.f32 $1.000000000e+00, v18;
	v37 =	vsub.f32 $1.000000000e+00, v22;
	v38 =	vmul.f32 $3.000000000e+00, v22  }
0x4c1: {  	v24 =	vor.u32 $0xC, v7;
	v15 =	vld.idx.msk [tilespmem:v15+s30+$0x0], $0xffff;
	v39 =	vmul.f32 v22, v22;
	v40 =	vmul.f32 $3.000000000e+00, v18  }
0x4c2: {  	v25 =	vor.u32 $0xD, v7;
	v12 =	vld.idx.msk [tilespmem:v12+s30+$0x0], $0xffff;
	v42 =	vmul.f32 v36, v36;
	v43 =	vmul.f32 $3.000000000e+00, v37  }
0x4c3: {  	v9 =	vld.idx.msk [tilespmem:v9+s30+$0x0], $0xffff;
	v38 =	vadd.f32 $-6.000000000e+00, v38;
	v45 =	vmul.f32 v37, v37;
	v46 =	vmul.f32 $3.000000000e+00, v36  }
0x4c4: {  	v27 =	vld.idx.msk [tilespmem:v27+s30+$0x0], $0xffff;
	v40 =	vadd.f32 $-6.000000000e+00, v40;
	v22 =	vmul.f32 v39, v22;
	v18 =	vmul.f32 v33, v18  }
0x4c5: {  	v5 =	vor.u32 $0xB, v7;
	v31 =	vld.idx.msk [tilespmem:v31+s30+$0x0], $0xffff;
	v38 =	vmul.f32 v38, v39;
	v36 =	vmul.f32 v42, v36  }
0x4c6: {  	v28 =	vld.idx.msk [tilespmem:v28+s30+$0x0], $0xffff;
	v43 =	vadd.f32 $-6.000000000e+00, v43;
	v37 =	vmul.f32 v45, v37;
	v40 =	vmul.f32 v40, v33  }
0x4c7: {  	v34 =	vld.idx.msk [tilespmem:v34+s30+$0x0], $0xffff;
	v53 =	vadd.f32 $-6.000000000e+00, v46;
	v23 =	vmul.f32 v23, v22;
	v15 =	vmul.f32 v15, v22  }
0x4c8: {  	v55 =	vor.u32 $0xE, v7;
	v35 =	vld.idx.msk [tilespmem:v35+s30+$0x0], $0xffff;
	v12 =	vmul.f32 v12, v22;
	v9 =	vmul.f32 v9, v22  }
0x4c9: {  	v57 =	vor.u32 $0xF, v7;
	v54 =	vld.idx.msk [tilespmem:v44+s30+$0x0], $0xffff;
	v43 =	vmul.f32 v43, v45;
	v39 =	vmul.f32 v53, v42  }
0x4ca: {  	v41 =	vld.idx.msk [tilespmem:v41+s30+$0x0], $0xffff;
	v38 =	vadd.f32 $4.000000000e+00, v38;
	v29 =	vmul.f32 v37, v29;
	v31 =	vmul.f32 v31, v37  }
0x4cb: {  	v32 =	vld.idx.msk [tilespmem:v32+s30+$0x0], $0xffff;
	v26 =	vmul.f32 v26, v37;
	v60 =	vadd.f32 $4.000000000e+00, v40;
	v19 =	vmul.f32 v19, v37  }
0x4cc: {  	v30 =	vld.idx.msk [tilespmem:v30+s30+$0x0], $0xffff;
	v42 =	vsub.f32 $1.000000000e+00, v62;
	v45 =	vmul.f32 v62, v62;
	v28 =	vmul.f32 v38, v28  }
0x4cd: {  	v43 =	vadd.f32 $4.000000000e+00, v43;
	v56 =	vmul.f32 v34, v38;
	v35 =	vmul.f32 v35, v38  }
0x4ce: {  	v7 =	vld.idx.msk [tilespmem:v7+s30+$0x0], $0xffff;
	v61 =	vmul.f32 v54, v38;
	v40 =	vadd.f32 $4.000000000e+00, v39;
	v47 =	vmul.f32 $3.000000000e+00, v42  }
0x4cf: {  	v10 =	vld.idx.msk [tilespmem:v10+s30+$0x0], $0xffff;
	v48 =	vmul.f32 v42, v42;
	v28 =	vadd.f32 v28, v29;
	v27 =	vmul.f32 v43, v27  }
0x4d0: {  	v16 =	vld.idx.msk [tilespmem:v16+s30+$0x0], $0xffff;
	v58 =	vadd.f32 v56, v31;
	v59 =	vmul.f32 v41, v43;
	v26 =	vadd.f32 v35, v26  }
0x4d1: {  	v37 =	vld.idx.msk [tilespmem:v6+s30+$0x0], $0xffff;
	v35 =	vmul.f32 v32, v43;
	v19 =	vadd.f32 v61, v19;
	v6 =	vmul.f32 v30, v43  }
0x4d2: {  	v43 =	vmul.f32 $3.000000000e+00, v62;
	v50 =	vadd.f32 $-6.000000000e+00, v47;
	v27 =	vadd.f32 v27, v28  }
0x4d3: {  	v8 =	vld.idx.msk [tilespmem:v8+s30+$0x0], $0xffff;
	v51 =	vmul.f32 v48, v42;
	v63 =	vadd.f32 v59, v58;
	v26 =	vadd.f32 v35, v26  }
0x4d4: {  	v24 =	vld.idx.msk [tilespmem:v24+s30+$0x0], $0xffff;
	v19 =	vadd.f32 v6, v19;
	v46 =	vadd.f32 $-6.000000000e+00, v43;
	v22 =	vmul.f32 v50, v48  }
0x4d5: {  	v6 =	vld.idx.msk [tilespmem:v3+s16+$0x0 ss:$0x1], $0xffff;
	v7 =	vmul.f32 v51, v7;
	v10 =	vmul.f32 v10, v51;
	v23 =	vadd.f32 v27, v23  }
0x4d6: {  	v11 =	vld.idx.msk [tilespmem:v11+s30+$0x0], $0xffff;
	v16 =	vmul.f32 v16, v51;
	v9 =	vadd.f32 v9, v19;
	v49 =	vmul.f32 v46, v45  }
0x4d7: {  	v13 =	vld.idx.msk [tilespmem:v13+s30+$0x0], $0xffff;
	v15 =	vadd.f32 v15, v63;
	v12 =	vadd.f32 v12, v26;
	v23 =	vmul.f32 v23, v36  }
0x4d8: {  	v14 =	vld.idx.msk [tilespmem:v14+s30+$0x0], $0xffff;
	v22 =	vadd.f32 $4.000000000e+00, v22;
	v9 =	vmul.f32 v9, v18;
	v18 =	vadd.f32 $4.000000000e+00, v49  }
0x4d9: {  	v17 =	vld.idx.msk [tilespmem:v17+s30+$0x0], $0xffff;
	v19 =	vmul.f32 v24, v51;
	v15 =	vmul.f32 v15, v60;
	v41 =	vadd.f32 $0.0e+00, v23  }
0x4da: {  	v20 =	vld.idx.msk [tilespmem:v20+s30+$0x0], $0xffff;
	v12 =	vmul.f32 v12, v40;
	v52 =	vsub.f32 $1.000000000e+00, v6;
	v53 =	vmul.f32 v18, v37  }
0x4db: {  	v21 =	vld.idx.msk [tilespmem:v21+s30+$0x0], $0xffff;
	v8 =	vmul.f32 v22, v8;
	v11 =	vmul.f32 v11, v18;
	v15 =	vadd.f32 v15, v41  }
0x4dc: {  	v54 =	vld.idx.msk [tilespmem:v55+s30+$0x0], $0xffff;
	v55 =	vmul.f32 v52, v52;
	v56 =	vmul.f32 $3.000000000e+00, v52;
	v7 =	vadd.f32 v53, v7  }
0x4dd: {  	v25 =	vld.idx.msk [tilespmem:v25+s30+$0x0], $0xffff;
	v10 =	vadd.f32 v11, v10;
	v12 =	vadd.f32 v12, v15;
	v15 =	vmul.f32 v45, v62  }
0x4de: {  	v11 =	vmul.f32 v14, v22;
	v14 =	vmul.f32 v17, v18;
	v7 =	vadd.f32 v8, v7  }
0x4df: {  	v12 =	vadd.f32 v9, v12;
	v9 =	vmul.f32 $3.000000000e+00, v6;
	v13 =	vmul.f32 v13, v15  }
0x4e0: {  	v8 =	vld.idx.msk [tilespmem:v5+s30+$0x0], $0xffff;
	v5 =	vmul.f32 v6, v6;
	v10 =	vadd.f32 v11, v10;
	v11 =	vadd.f32 v14, v16  }
0x4e1: {  	v14 =	vld.idx.msk [tilespmem:v57+s30+$0x0], $0xffff;
	v9 =	vadd.f32 $-6.000000000e+00, v9;
	v7 =	vadd.f32 v7, v13;
	v13 =	vmul.f32 v20, v15  }
0x4e2: {  	s2 =	simm.s32 $0x0;
	v18 =	vmul.f32 v25, v18;
	v58 =	vadd.f32 $-6.000000000e+00, v56;
	v57 =	vmul.f32 v21, v22  }
0x4e3: {  	s18 =	sshll.u32 s17, $0xB;
	s19 =	sand.u32 $0x1E00, s2;
	v59 =	vmul.f32 v55, v52;
	v9 =	vmul.f32 v9, v5;
	v10 =	vadd.f32 v13, v10  }
0x4e4: {  	s31 =	simm.s32 $0x10;
	s12 =	sor.u32 $0x15000, s18;
	s21 =	sshrl.u32 s19, $0x2;
	v60 =	vmul.f32 v54, v22;
	v13 =	vadd.f32 v57, v11;
	v11 =	vadd.f32 v18, v19  }
0x4e5: {  	s14 =	sand.u32 $0x70, s31;
	s11 =	sadd.s32 s21, s12;
	v63 =	vmul.f32 v8, v15;
	v62 =	vmul.f32 v7, v59;
	v61 =	vadd.f32 $4.000000000e+00, v9  }
0x4e6: {  	s15 =	sand.u32 $0x60, s2;
	s14 =	sadd.s32 s14, s11;
	v8 =	vmul.f32 v58, v55;
	v7 =	vadd.f32 v60, v11;
	v9 =	vmul.f32 v14, v15  }
0x4e7: {  	s17 =	simm.s32 $0x0;
	s18 =	simm.s32 $0x20;
	s16 =	sadd.s32 s15, s11;
	[tilespmem:s14+$0x0] =	vst v12;
	v11 =	vadd.f32 $0.0e+00, v62;
	v12 =	vmul.f32 v10, v61;
	v10 =	vadd.f32 v63, v13  }
.LBB2_30:
0x4e8: {  	s14 =	sadd.s32 s18, s0;
	s11 =	sand.u32 $0x60, s18;
	v8 =	vadd.f32 $4.000000000e+00, v8;
	v5 =	vmul.f32 v5, v6;
	v6 =	vadd.f32 v9, v7  }
0x4e9: {  	v7 =	vmov s14;
	s14 =	sadd.s32 $0x10, s14;
	v18 =	vadd.f32 v12, v11  }
0x4ea: {  	v7 =	vshll.u32 v7, $0x4;
	v9 =	vmov s14;
	v19 =	vmul.f32 v10, v8  }
0x4eb: {  	v5 =	vmul.f32 v6, v5;
	v20 =	vor.u32 v2, v7;
	v7 =	vshll.u32 v9, $0x4  }
0x4ec: {  	v6 =	vor.u32 $0x1, v20;
	v21 =	vor.u32 $0x2, v20;
	v22 =	vor.u32 v2, v7  }
0x4ed: {  	s2 =	sadd.s32 $0x80, s2;
	v23 =	vor.u32 $0x4, v20;
	v24 =	vor.u32 $0x5, v20;
	v25 =	vor.u32 $0xB, v22  }
0x4ee: {  	s17 =	sadd.s32 $0x2, s17;
	s15 =	sshra.s32 s2, $0x2;
	v17 =	vor.u32 $0x3, v20;
	v14 =	vor.u32 $0x6, v20;
	v26 =	vor.u32 $0x7, v22  }
0x4ef: {  	p4 =	slt.u32 s17, $0x7E;
	v15 =	vor.u32 $0x8, v20;
	v12 =	vor.u32 $0x9, v20;
	v27 =	vor.u32 $0xC, v22;
	v16 =	vld.idx.msk [tilespmem:v3+s15+$0x10 ss:$0x1], $0xffff  }
0x4f0: {  	v13 =	vor.u32 $0x7, v20;
	v11 =	vor.u32 $0xA, v20;
	v29 =	vor.u32 $0x3, v22;
	v28 =	vld.idx.msk [tilespmem:v4+s15+$0x10 ss:$0x1], $0xffff  }
0x4f1: {  	v10 =	vor.u32 $0xC, v20;
	v9 =	vor.u32 $0xD, v20;
	v31 =	vor.u32 $0x8, v22;
	v30 =	vld.idx.msk [tilespmem:v22+s30+$0x0], $0xffff  }
0x4f2: {  	v8 =	vor.u32 $0xB, v20;
	v7 =	vor.u32 $0xE, v20;
	v32 =	vor.u32 $0x2, v22;
	v25 =	vld.idx.msk [tilespmem:v25+s30+$0x0], $0xffff  }
0x4f3: {  	v33 =	vor.u32 $0x1, v22;
	v34 =	vor.u32 $0xE, v22;
	v35 =	vor.u32 $0xF, v22;
	v26 =	vld.idx.msk [tilespmem:v26+s30+$0x0], $0xffff  }
0x4f4: {  	v36 =	vor.u32 $0x4, v22;
	v37 =	vor.u32 $0xA, v22;
	v38 =	vor.u32 $0xD, v22;
	v27 =	vld.idx.msk [tilespmem:v27+s30+$0x0], $0xffff  }
0x4f5: {  	v40 =	vor.u32 $0x5, v22;
	v41 =	vor.u32 $0x9, v22;
	v39 =	vmul.f32 v16, v16;
	v29 =	vld.idx.msk [tilespmem:v29+s30+$0x0], $0xffff  }
0x4f6: {  	v42 =	vsub.f32 $1.000000000e+00, v16;
	v43 =	vsub.f32 $1.000000000e+00, v28;
	v44 =	vmul.f32 $3.000000000e+00, v28;
	v31 =	vld.idx.msk [tilespmem:v31+s30+$0x0], $0xffff  }
0x4f7: {  	v22 =	vor.u32 $0x6, v22;
	v46 =	vmul.f32 $3.000000000e+00, v16;
	v45 =	vmul.f32 v28, v28;
	v32 =	vld.idx.msk [tilespmem:v32+s30+$0x0], $0xffff  }
0x4f8: {  	v47 =	vmul.f32 v42, v42;
	v44 =	vadd.f32 $-6.000000000e+00, v44;
	v48 =	vmul.f32 $3.000000000e+00, v43;
	v33 =	vld.idx.msk [tilespmem:v33+s30+$0x0], $0xffff  }
0x4f9: {  	v46 =	vadd.f32 $-6.000000000e+00, v46;
	v50 =	vmul.f32 $3.000000000e+00, v42;
	v49 =	vmul.f32 v43, v43;
	v36 =	vld.idx.msk [tilespmem:v36+s30+$0x0], $0xffff  }
0x4fa: {  	v28 =	vmul.f32 v45, v28;
	v44 =	vmul.f32 v44, v45;
	v48 =	vadd.f32 $-6.000000000e+00, v48;
	v40 =	vld.idx.msk [tilespmem:v40+s30+$0x0], $0xffff  }
0x4fb: {  	v42 =	vmul.f32 v47, v42;
	v45 =	vadd.f32 $-6.000000000e+00, v50;
	v43 =	vmul.f32 v49, v43;
	v41 =	vld.idx.msk [tilespmem:v41+s30+$0x0], $0xffff  }
0x4fc: {  	v46 =	vmul.f32 v46, v39;
	v44 =	vadd.f32 $4.000000000e+00, v44;
	v48 =	vmul.f32 v48, v49;
	v22 =	vld.idx.msk [tilespmem:v22+s30+$0x0], $0xffff  }
0x4fd: {  	v49 =	vor.u32 $0xF, v20;
	v45 =	vmul.f32 v45, v47;
	v30 =	vmul.f32 v43, v30;
	v38 =	vld.idx.msk [tilespmem:v38+s30+$0x0], $0xffff  }
0x4fe: {  	v26 =	vmul.f32 v26, v28;
	v47 =	vadd.f32 $4.000000000e+00, v48;
	v33 =	vmul.f32 v44, v33;
	v37 =	vld.idx.msk [tilespmem:v37+s30+$0x0], $0xffff  }
0x4ff: {  	v18 =	vadd.f32 v19, v18;
	v29 =	vmul.f32 v29, v28;
	v36 =	vmul.f32 v36, v43;
	v34 =	vld.idx.msk [tilespmem:v34+s30+$0x0], $0xffff  }
0x500: {  	v30 =	vadd.f32 v33, v30;
	v32 =	vmul.f32 v47, v32;
	v33 =	vmul.f32 v40, v44;
	v19 =	vld.idx.msk [tilespmem:v4+s15+$0x0 ss:$0x1], $0xffff  }
0x501: {  	v31 =	vmul.f32 v31, v43;
	v40 =	vadd.f32 $4.000000000e+00, v46;
	v41 =	vmul.f32 v41, v44;
	v35 =	vld.idx.msk [tilespmem:v35+s30+$0x0], $0xffff  }
0x502: {  	v22 =	vmul.f32 v22, v47;
	v46 =	vld.idx.msk [tilespmem:v6+s30+$0x0], $0xffff;
	v6 =	vadd.f32 v32, v30;
	v30 =	vadd.f32 v33, v36  }
0x503: {  	v27 =	vmul.f32 v27, v43;
	v31 =	vadd.f32 v41, v31;
	v32 =	vmul.f32 v38, v44;
	v20 =	vld.idx.msk [tilespmem:v20+s30+$0x0], $0xffff  }
0x504: {  	v21 =	vld.idx.msk [tilespmem:v21+s30+$0x0], $0xffff;
	v6 =	vadd.f32 v6, v29;
	v22 =	vadd.f32 v22, v30;
	v29 =	vmul.f32 v37, v47  }
0x505: {  	v25 =	vmul.f32 v25, v28;
	v27 =	vadd.f32 v32, v27;
	v30 =	vmul.f32 v34, v47;
	v23 =	vld.idx.msk [tilespmem:v23+s30+$0x0], $0xffff  }
0x506: {  	v24 =	vld.idx.msk [tilespmem:v24+s30+$0x0], $0xffff;
	v32 =	vmul.f32 v6, v42;
	v22 =	vadd.f32 v26, v22;
	v26 =	vadd.f32 v29, v31  }
0x507: {  	v29 =	vadd.f32 $4.000000000e+00, v45;
	v27 =	vadd.f32 v30, v27;
	v28 =	vmul.f32 v35, v28;
	v6 =	vld.idx.msk [tilespmem:v3+s15+$0x0 ss:$0x1], $0xffff  }
0x508: {  	v17 =	vld.idx.msk [tilespmem:v17+s30+$0x0], $0xffff;
	v30 =	vadd.f32 $0.0e+00, v32;
	v22 =	vmul.f32 v22, v40;
	v25 =	vadd.f32 v25, v26  }
0x509: {  	v16 =	vmul.f32 v39, v16;
	v31 =	vmul.f32 $3.000000000e+00, v19;
	v26 =	vsub.f32 $1.000000000e+00, v19;
	v14 =	vld.idx.msk [tilespmem:v14+s30+$0x0], $0xffff  }
0x50a: {  	v27 =	vadd.f32 v28, v27;
	v15 =	vld.idx.msk [tilespmem:v15+s30+$0x0], $0xffff;
	v22 =	vadd.f32 v22, v30;
	v25 =	vmul.f32 v25, v29  }
0x50b: {  	v28 =	vmul.f32 v19, v19;
	v29 =	vadd.f32 $-6.000000000e+00, v31;
	v30 =	vmul.f32 $3.000000000e+00, v26;
	v12 =	vld.idx.msk [tilespmem:v12+s30+$0x0], $0xffff  }
0x50c: {  	s14 =	sand.u32 $0x1E00, s2;
	v31 =	vmul.f32 v26, v26;
	v16 =	vmul.f32 v27, v16;
	v13 =	vld.idx.msk [tilespmem:v13+s30+$0x0], $0xffff;
	v22 =	vadd.f32 v25, v22  }
0x50d: {  	s14 =	sshrl.u32 s14, $0x2;
	s15 =	sadd.s32 $0x10, s18;
	v19 =	vmul.f32 v28, v19;
	v25 =	vmul.f32 v29, v28;
	v27 =	vadd.f32 $-6.000000000e+00, v30;
	v11 =	vld.idx.msk [tilespmem:v11+s30+$0x0], $0xffff  }
0x50e: {  	s14 =	sadd.s32 s14, s12;
	s15 =	sand.u32 $0x70, s15;
	v28 =	vsub.f32 $1.000000000e+00, v6;
	v26 =	vmul.f32 v31, v26;
	v10 =	vld.idx.msk [tilespmem:v10+s30+$0x0], $0xffff;
	v16 =	vadd.f32 v16, v22  }
0x50f: {  	s11 =	sadd.s32 s11, s14;
	s14 =	sadd.s32 s15, s14;
	v22 =	vmul.f32 $3.000000000e+00, v6;
	v25 =	vadd.f32 $4.000000000e+00, v25;
	v27 =	vmul.f32 v27, v31;
	v9 =	vld.idx.msk [tilespmem:v9+s30+$0x0], $0xffff  }
0x510: {  	v20 =	vmul.f32 v26, v20;
	v23 =	vmul.f32 v23, v26;
	v8 =	vld.idx.msk [tilespmem:v8+s30+$0x0], $0xffff;
	[tilespmem:s14+$0x0] =	vst v16  }
0x511: {  	v16 =	vadd.f32 $4.000000000e+00, v27;
	v27 =	vmul.f32 v25, v46;
	v24 =	vmul.f32 v24, v25;
	v7 =	vld.idx.msk [tilespmem:v7+s30+$0x0], $0xffff  }
0x512: {  	v17 =	vmul.f32 v17, v19;
	v15 =	vmul.f32 v15, v26;
	v22 =	vadd.f32 $-6.000000000e+00, v22;
	v29 =	vld.idx.msk [tilespmem:v49+s30+$0x0], $0xffff  }
0x513: {  	v20 =	vadd.f32 v27, v20;
	v21 =	vmul.f32 v16, v21;
	v23 =	vadd.f32 v24, v23  }
0x514: {  	v18 =	vadd.f32 v5, v18;
	v12 =	vmul.f32 v12, v25;
	v14 =	vmul.f32 v14, v16  }
0x515: {  	v24 =	vmul.f32 v28, v28;
	v27 =	vmul.f32 $3.000000000e+00, v28;
	v20 =	vadd.f32 v21, v20  }
0x516: {  	v5 =	vmul.f32 v6, v6;
	v12 =	vadd.f32 v12, v15;
	v14 =	vadd.f32 v14, v23;
	[tilespmem:s16+$0x0] =	vst v18;
	s16 =	smov.u32 s11  }
0x517: {  	v13 =	vmul.f32 v13, v19;
	v11 =	vmul.f32 v11, v16;
	v15 =	vadd.f32 v20, v17  }
0x518: {  	v10 =	vmul.f32 v10, v26;
	v9 =	vmul.f32 v9, v25;
	v17 =	vadd.f32 $-6.000000000e+00, v27  }
.Ltmp13:
0x519: {  	v18 =	vmul.f32 v24, v28;
	v20 =	vmul.f32 v22, v5;
	v13 =	vadd.f32 v13, v14;
	(pc) =	sbr.rel @p4 .LBB2_30-.Ltmp13, $4  }
0x51a: {  	v14 =	vadd.f32 v11, v12;
	v9 =	vadd.f32 v9, v10;
	v7 =	vmul.f32 v7, v16  }
0x51b: {  	v10 =	vadd.f32 $4.000000000e+00, v20;
	v11 =	vmul.f32 v15, v18;
	v15 =	vmul.f32 v8, v19  }
0x51c: {  	v8 =	vmul.f32 v17, v24;
	v7 =	vadd.f32 v7, v9;
	v9 =	vmul.f32 v29, v19  }
0x51d: {  	s18 =	sadd.s32 $0x20, s18;
	v11 =	vadd.f32 $0.0e+00, v11;
	v12 =	vmul.f32 v13, v10;
	v10 =	vadd.f32 v15, v14  }
0x51e: {  	v3 =	vadd.f32 $4.000000000e+00, v8  }
0x51f: {  	v4 =	vmul.f32 v5, v6  }
0x520: {  	v62 =	vadd.f32 v9, v7;
	v63 =	vadd.f32 v12, v11;
	v3 =	vmul.f32 v10, v3;
	_ =	sdelay $0x1  }
0x521: {  	v4 =	vmul.f32 v62, v4;
	v3 =	vadd.f32 v3, v63  }
0x522: {  	s0 =	sshll.u32 s25, $0xB  }
0x523: {  	s0 =	sadd.s32 s13, s0;
	v3 =	vadd.f32 v4, v3  }
0x524: {  	s11 =	simm.s32 @!p3 $0x0;
	s2 =	sshrl.u32 @!p3 s0, $0x3  }
0x525: {  	s12 =	simm.s32 @!p3 $0x15000;
	s0 =	sshrl.u32 @p2 s0, $0x3;
	s2 =	sadd.s32 @!p3 s3, s2;
	[tilespmem:s16+$0x0] =	vst v3  }
0x526: {  	[hbm4b:s2+s11] =	stream.linear.scatter @!p3 [tilespmem:s12], [sflag:$0x3], $0x800, $0x38;
	[tilespmem:$0x19D10] =	vst v63  }
0x527: {  	s0 =	sadd.s32 @p2 s3, s0;
	s2 =	simm.s32 @p2 $0x0;
	s11 =	simm.s32 @p2 $0x15800  }
0x528: {  	[hbm4b:s0+s2] =	stream.linear.scatter @p2 [tilespmem:s11], [sflag:$0x4], $0x800, $0x38;
	[tilespmem:$0x19D10] =	vst v63  }
0x529: {  	p2 =	sne.s32 s10, $0x40  }
.Ltmp14:
0x52a: {  	_ = 	snop;
	(pc) =	sbr.rel @p2 .LBB2_21-.Ltmp14, $2  }
0x52b: {  	_ =	sdelay $0x2  }
0x52c: {  	p1 =	por !p1, !p1;
	s25 =	smov.u32 s10  }
0x52d: {  	s0 =	simm.s32 $0x3  }
0x52e: {  	_ =	swait.ge [sflag:s0], $0x800  }
0x52f: {  	[sflag:s0] =	ssyncset.done $0x0  }
0x530: {  	s2 =	simm.s32 $0x4;
	[sflag:s0] =	ssyncadd.s32 $0xFFFFF800  }
0x531: {  	_ =	swait.ge [sflag:s2], $0x800  }
0x532: {  	s10 =	rddreg [dreg:$0xf]  }
0x533: {  	s31 =	rddreg [dreg:$0xe];
	s10 =	sadd.s32 $0x1, s10  }
0x534: {  	p1 =	sne.s32 s10, s31  }
.Ltmp15:
0x535: {  	_ = 	snop;
	(pc) =	sbr.rel @p1 .LBB2_1-.Ltmp15, $4  }
.Ltmp16:
0x536: {  	_ = 	snop;
	(pc) =	sbr.rel @!p1 .LBB2_33-.Ltmp16, $4  }
0x537: {  	_ = 	snop  }
0x538: {  	[sflag:s2] =	ssyncset.done $0x0  }
0x539: {  	[sflag:s2] =	ssyncadd.s32 $0xFFFFF800  }
0x53a: {  	_ = 	snop  }
.LBB2_12:
.Ltmp17:
0x53b: {  	s0 =	simm.s32 $0x0;
	s2 =	rddreg [dreg:$0xb];
	(pc) =	sbr.rel .LBB2_13-.Ltmp17, $4  }
0x53c: {  	[tilespmem:s22], [sflag:$0x7] =	stream.linear.gather [hbm4b:s2+s0], $0x1D00, $0x38;
	[tilespmem:$0x19D10] =	vst v63  }
0x53d: {  	_ =	swait.ge [sflag:s23], $0x1D00  }
0x53e: {  	[sflag:s23] =	ssyncset.done $0x0  }
0x53f: {  	s2 =	rddreg [dreg:$0x9];
	[sflag:s23] =	ssyncadd.s32 $0xFFFFE300  }
.LBB2_17:
0x540: {  	s0 =	sadd.s32 $0x1, s0  }
0x541: {  	p1 =	sne.s32 s0, $0xB  }
.Ltmp18:
0x542: {  	_ = 	snop;
	(pc) =	sbr.rel @!p1 .LBB2_18-.Ltmp18, $2  }
0x543: {  	_ =	sdelay $0x2  }
0x544: {  	s2 =	sadd.s32 $0x204, s2  }
.LBB2_13:
0x545: {  	s10 =	rddreg [dreg:$0x8]  }
0x546: {  	s10 =	sadd.s32 s10, s0  }
0x547: {  	p1 =	sgt.u32 s10, $0x200  }
.Ltmp19:
0x548: {  	_ = 	snop;
	(pc) =	sbr.rel @p1 .LBB2_17-.Ltmp19, $1  }
0x549: {  	_ =	sdelay $0x3  }
0x54a: {  	s11 =	sadd.s32 $0xFFFFFFFC, s2  }
0x54b: {  	s12 =	sadd.s32 $0x4, s11  }
0x54c: {  	s15 =	sadd.s32 $0x6, s11;
	v3 =	vadd.s32 s12, v0  }
0x54d: {  	s19 =	sadd.s32 $0x5, s11;
	v4 =	vadd.s32 s15, v0  }
0x54e: {  	s11 =	sadd.s32 $0x7, s11;
	v5 =	vadd.s32 s19, v0  }
0x54f: {  	s25 =	sadd.s32 $0x0, s2;
	v8 =	vadd.s32 s11, v0  }
0x550: {  	s16 =	sadd.s32 $0x4, s25  }
0x551: {  	s21 =	smul.u32 $0x204, s0;
	v10 =	vadd.s32 s16, v0;
	v3 =	vld.idx.msk [tilespmem:v3+s22+$0x0], $0xffff  }
0x552: {  	s31 =	rddreg [dreg:$0x9];
	s17 =	sadd.s32 $0x5, s25;
	s18 =	sadd.s32 $0x6, s25;
	v4 =	vld.idx.msk [tilespmem:v4+s22+$0x0], $0xffff  }
0x553: {  	s11 =	sadd.s32 s31, s21;
	s12 =	simm.s32 $0x17D20;
	s15 =	sadd.s32 $0x7, s25;
	v9 =	vadd.s32 s18, v0;
	v5 =	vld.idx.msk [tilespmem:v5+s22+$0x0], $0xffff  }
0x554: {  	s16 =	simm.s32 $0x8;
	v6 =	vadd.s32 s17, v0;
	s17 =	sadd.s32 $0x4, s2;
	v7 =	vadd.s32 s15, v0;
	s15 =	simm.s32 $0x17D60;
	v8 =	vld.idx.msk [tilespmem:v8+s22+$0x0], $0xffff  }
.LBB2_15:
0x555: {  	s18 =	sadd.s32 $0x4, s17;
	s25 =	smov.u32 s16;
	s16 =	sadd.s32 $0x4, s16  }
0x556: {  	s19 =	sadd.s32 $0x5, s17;
	s21 =	sadd.s32 $0x6, s17;
	v11 =	vmov v3;
	v3 =	vld.idx.msk [tilespmem:v10+s22+$0x0], $0xffff;
	p1 =	slt.u32 s16, $0x1FC  }
.Ltmp20:
0x557: {  	s17 =	sadd.s32 $0x7, s17;
	v10 =	vadd.s32 s18, v0;
	v12 =	vadd.s32 s19, v0;
	v13 =	vadd.s32 s21, v0;
	[tilespmem:s12+$0xFFFFFFE0] =	vst v11;
	(pc) =	sbr.rel @p1 .LBB2_15-.Ltmp20, $4  }
0x558: {  	v11 =	vadd.s32 s17, v0;
	[tilespmem:s12+$0x0] =	vst v4;
	v4 =	vld.idx.msk [tilespmem:v9+s22+$0x0], $0xffff;
	v9 =	vmov v13  }
0x559: {  	[tilespmem:s12+$0xFFFFFFF0] =	vst v5;
	v5 =	vld.idx.msk [tilespmem:v6+s22+$0x0], $0xffff;
	v6 =	vmov v12  }
0x55a: {  	[tilespmem:s12+$0x10] =	vst v8;
	v8 =	vld.idx.msk [tilespmem:v7+s22+$0x0], $0xffff;
	v7 =	vmov v11;
	s12 =	smov.u32 s15  }
0x55b: {  	s17 =	sadd.s32 s25, s2;
	s15 =	sadd.s32 $0x40, s15  }
0x55c: {  	_ =	sdelay $0x1  }
0x55d: {  	s16 =	sadd.s32 $0x4, s17  }
0x55e: {  	s18 =	sadd.s32 $0x6, s17;
	v11 =	vadd.s32 s16, v0  }
0x55f: {  	s21 =	sadd.s32 $0x5, s17;
	v10 =	vld.idx.msk [tilespmem:v10+s22+$0x0], $0xffff;
	v12 =	vadd.s32 s18, v0  }
0x560: {  	s25 =	sadd.s32 $0x7, s17;
	[tilespmem:s12+$0xFFFFFFE0] =	vst v3;
	v3 =	vld.idx.msk [tilespmem:v9+s22+$0x0], $0xffff;
	v13 =	vadd.s32 s21, v0  }
0x561: {  	v58 =	vld.idx.msk [tilespmem:v6+s22+$0x0], $0xffff;
	v57 =	vadd.s32 s25, v0;
	[tilespmem:s12+$0x0] =	vst v4  }
0x562: {  	v59 =	vld.idx.msk [tilespmem:v7+s22+$0x0], $0xffff;
	[tilespmem:s12+$0xFFFFFFF0] =	vst v5  }
0x563: {  	[tilespmem:s12+$0x10] =	vst v8;
	v60 =	vld.idx.msk [tilespmem:v11+s22+$0x0], $0xffff  }
0x564: {  	[tilespmem:s15+$0xFFFFFFE0] =	vst v10;
	v61 =	vld.idx.msk [tilespmem:v12+s22+$0x0], $0xffff  }
0x565: {  	[tilespmem:s15+$0x0] =	vst v3;
	v3 =	vld.idx.msk [tilespmem:v13+s22+$0x0], $0xffff  }
0x566: {  	s11 =	sadd.s32 $0x200, s11;
	[tilespmem:s15+$0xFFFFFFF0] =	vst v58;
	v62 =	vld.idx.msk [tilespmem:v57+s22+$0x0], $0xffff  }
0x567: {  	s31 =	sadd.s32 $0x40, s15;
	v63 =	vadd.s32 s11, v0;
	[tilespmem:s15+$0x10] =	vst v59  }
0x568: {  	[tilespmem:s31+$0xFFFFFFE0] =	vst v60  }
0x569: {  	[tilespmem:s31+$0x0] =	vst v61  }
0x56a: {  	[tilespmem:s31+$0xFFFFFFF0] =	vst v3  }
0x56b: {  	[tilespmem:s31+$0x10] =	vst v62  }
0x56c: {  	v3 =	vld.idx.msk [tilespmem:v63+s22+$0x0], $0xffff  }
0x56d: {  	s10 =	smul.u32 $0x201, s10;
	_ =	sdelay $0x1  }
0x56e: {  	s10 =	sadd.s32 s8, s10  }
0x56f: {  	s10 =	sshll.u32 s10, $0x1  }
.Ltmp21:
0x570: {  	s10 =	sadd.s32 s10, s4;
	[tilespmem:$0x19D00] =	vst v3;
	(pc) =	sbr.rel .LBB2_17-.Ltmp21, $4  }
0x571: {  	[hbm4b:s10+s5] =	stream.linear.scatter [tilespmem:s24], [sflag:$0x7], $0x2010, $0x38;
	[tilespmem:$0x19D10] =	vst v63  }
0x572: {  	_ =	swait.ge [sflag:s23], $0x2010  }
0x573: {  	[sflag:s23] =	ssyncset.done $0x0  }
0x574: {  	[sflag:s23] =	ssyncadd.s32 $0xFFFFDFF0  }
.LBB2_33:
0x575: {  	_ =	sfence.sel $0x180000  }
0x576: {  	[bflag:$0x0] =	sbarrier.arrive $0xFFFF  }
0x577: {  	_ =	strace $0x90000047  }
0x578: {  	s0 =	stileid.u32;
	[bflag:$0x2] =	sbarrier.arrive $0xFFFF  }
0x579: {  	p0 =	sne.s32 s0, $0x0;
	s0 =	rddreg [dreg:$0x4]  }
0x57a: {  	s0 =	sadd.s32 @!p0 $0x100000, s0  }
0x57b: {  	[sflag:s0] =	ssyncadd.tile.s32 @!p0 $0x1;
	_ =	shalt  }
.Lfunc_end2:
_tile_overlayer_lowered:
.L_overlay_start_2:
0x57c: {  	(tag) =	ssettag $0x2  }
0x57d: {  	s0 =	rddreg [dreg:$0x0];
	s2 =	stileid.u32  }
0x57e: {  	s1 =	rddreg [dreg:$0x1];
	p0 =	sne.s32 s2, $0x0  }
0x57f: {  	s3 =	rddreg [dreg:$0x2];
	[bflag:$0x3] =	sbarrier.arrive $0xFFFF;
	s2 =	simm.s32 @!p0 $0x1C07  }
0x580: {  	[timem:s3], [sflag:s2] =	dma.local @!p0 [hbm:s0], s1  }
0x581: {  	s0 =	simm.s32 @!p0 $0x7  }
0x582: {  	_ =	swait.ge @!p0 [sflag:s0], s1  }
0x583: {  	s1 =	ssub.s32 @!p0 $0x0, s1;
	[sflag:s0] =	ssyncset.done @!p0 $0x0  }
0x584: {  	[sflag:s0] =	ssyncadd.s32 @!p0 s1  }
0x585: {  	[bflag:$0x3] =	sbarrier.arrive $0xFFFF  }
0x586: {  	_ =	shalt  }

</sc_bundles>
